<compile_context>
chip_gen: v7x
topology: tpu7x:2x2x1
jax: 0.10.2.dev20260603
libtpu: 0.0.44.dev20260713+nightly
codegen_flags: <defaults>
</compile_context>

<pallas_src>
import functools

import jax
import jax.numpy as jnp
from jax import lax
from jax.experimental import pallas as pl
from jax.experimental.pallas import tpu as pltpu
from jax.experimental.pallas import tpu_sc as plsc

N = 10000
D = 128
G = 64
T = 11
NP = N + 8

NC = 2
NS = 16
NW = NC * NS
K = 128
NCHUNK = 80
EPW = NCHUNK * K
RPT = 624

_mesh = plsc.VectorSubcoreMesh(core_axis_name="c", subcore_axis_name="s")



@functools.partial(
    pl.kernel,
    out_type=(jax.ShapeDtypeStruct((N,), jnp.float32),
              jax.ShapeDtypeStruct((N,), jnp.float32)),
    mesh=_mesh,
    scratch_types=[
        pltpu.VMEM((NCHUNK, 2, K), jnp.int32),
        pltpu.VMEM((K,), jnp.float32),
        pltpu.VMEM((1024,), jnp.float32),
        pltpu.VMEM_SHARED((NP,), jnp.float32),
    ],
)
def _deg_sc(idx_hbm, out0_hbm, out1_hbm, idx_v, ones_v, zb_v, acc_s):
    cid = lax.axis_index("c")
    sid = lax.axis_index("s")
    wid = sid * NC + cid

    for j in range(K // 16):
        ones_v[pl.ds(j * 16, 16)] = jnp.ones((16,), jnp.float32)

    def zfill(i, c):
        zb_v[pl.ds(i * 16, 16)] = jnp.zeros((16,), jnp.float32)
        return c
    lax.fori_loop(0, 64, zfill, 0)

    @pl.when(sid < 10)
    def _():
        pltpu.sync_copy(zb_v.at[pl.ds(0, 1000)],
                        acc_s.at[pl.ds(sid * 1000, 1000)])

    pltpu.sync_copy(idx_hbm.at[wid], idx_v)
    plsc.subcore_barrier()

    def body(j, c):
        pltpu.sync_copy(ones_v, acc_s.at[idx_v.at[j, 1]], add=True)
        return c
    lax.fori_loop(0, NCHUNK, body, 0)

    plsc.subcore_barrier()

    @pl.when(sid < 10)
    def _():
        pltpu.sync_copy(acc_s.at[pl.ds(sid * 1000, 1000)],
                        zb_v.at[pl.ds(0, 1000)])

        @pl.when(cid == 0)
        def _():
            pltpu.sync_copy(zb_v.at[pl.ds(0, 1000)],
                            out0_hbm.at[pl.ds(sid * 1000, 1000)])

        @pl.when(cid == 1)
        def _():
            pltpu.sync_copy(zb_v.at[pl.ds(0, 1000)],
                            out1_hbm.at[pl.ds(sid * 1000, 1000)])



@functools.partial(
    pl.kernel,
    out_type=jax.ShapeDtypeStruct((NC, N, D), jnp.float32),
    mesh=_mesh,
    scratch_types=[
        pltpu.VMEM((2, 2, K), jnp.int32),
        pltpu.VMEM((2, K, D), jnp.float32),
        pltpu.VMEM((8, D), jnp.float32),
        pltpu.VMEM_SHARED((NP, D), jnp.float32),
        pltpu.SemaphoreType.DMA,
        pltpu.SemaphoreType.DMA,
        pltpu.SemaphoreType.DMA,
        pltpu.SemaphoreType.DMA,
    ],
)
def _agg_sc(idx_hbm, g_hbm, out_hbm,
            idx_v, rows_v, zer_v, acc_s, si0, si1, sg0, sg1):
    cid = lax.axis_index("c")
    sid = lax.axis_index("s")
    wid = sid * NC + cid
    base = sid * RPT

    def zf(i, c):
        for j in range(D // 16):
            zer_v[i, pl.ds(j * 16, 16)] = jnp.zeros((16,), jnp.float32)
        return c
    lax.fori_loop(0, 8, zf, 0)

    def zc(t, c):
        pltpu.sync_copy(zer_v, acc_s.at[pl.ds(base + t * 8, 8)])
        return c
    lax.fori_loop(0, RPT // 8, zc, 0)

    @pl.when(sid == NS - 1)
    def _():
        pltpu.sync_copy(zer_v, acc_s.at[pl.ds(NS * RPT, 8)])
        pltpu.sync_copy(zer_v, acc_s.at[pl.ds(NS * RPT + 8, 8)])

    plsc.subcore_barrier()

    pltpu.async_copy(idx_hbm.at[wid, 0], idx_v.at[0], si0)
    pltpu.async_copy(idx_hbm.at[wid, 1], idx_v.at[1], si1)
    pltpu.make_async_copy(idx_hbm.at[wid, 0], idx_v.at[0], si0).wait()
    pltpu.async_copy(g_hbm.at[idx_v.at[0, 0]], rows_v.at[0], sg0)

    def body(t, c):
        c0 = 2 * t
        pltpu.make_async_copy(idx_hbm.at[wid, c0 + 1], idx_v.at[1],
                              si1).wait()
        pltpu.async_copy(g_hbm.at[idx_v.at[1, 0]], rows_v.at[1], sg1)

        pltpu.make_async_copy(g_hbm.at[idx_v.at[0, 0]], rows_v.at[0],
                              sg0).wait()
        pltpu.sync_copy(rows_v.at[0], acc_s.at[idx_v.at[0, 1]], add=True)

        @pl.when(c0 + 2 < NCHUNK)
        def _():
            pltpu.async_copy(idx_hbm.at[wid, c0 + 2], idx_v.at[0], si0)

        pltpu.make_async_copy(g_hbm.at[idx_v.at[1, 0]], rows_v.at[1],
                              sg1).wait()
        pltpu.sync_copy(rows_v.at[1], acc_s.at[idx_v.at[1, 1]], add=True)

        @pl.when(c0 + 2 < NCHUNK)
        def _():
            pltpu.async_copy(idx_hbm.at[wid, c0 + 3], idx_v.at[1], si1)
            pltpu.make_async_copy(idx_hbm.at[wid, c0 + 2], idx_v.at[0],
                                  si0).wait()
            pltpu.async_copy(g_hbm.at[idx_v.at[0, 0]], rows_v.at[0], sg0)
        return c
    lax.fori_loop(0, NCHUNK // 2, body, 0)

    plsc.subcore_barrier()

    def wo(t, c):
        r0 = base + t * 48
        pltpu.sync_copy(acc_s.at[pl.ds(r0, 48)],
                        rows_v.at[0, pl.ds(0, 48)])
        pltpu.sync_copy(rows_v.at[0, pl.ds(0, 48)],
                        out_hbm.at[cid, pl.ds(r0, 48)])
        return c
    lax.fori_loop(0, RPT // 48, wo, 0)

    @pl.when(sid == NS - 1)
    def _():
        pltpu.sync_copy(acc_s.at[pl.ds(NS * RPT, 16)],
                        rows_v.at[0, pl.ds(0, 16)])
        pltpu.sync_copy(rows_v.at[0, pl.ds(0, 16)],
                        out_hbm.at[cid, pl.ds(NS * RPT, 16)])



def _prep_body(x_ref, emb_ref, w1_ref, d0_ref, d1_ref, g1_ref, dinv_ref):
    deg = d0_ref[...] + d1_ref[...] + 1.0
    dinv = lax.rsqrt(deg)
    dinv_ref[...] = dinv
    t1 = jnp.dot(emb_ref[...], w1_ref[...], preferred_element_type=jnp.float32)
    ids = lax.broadcasted_iota(jnp.int32, (N, 16), 1)
    oh = (x_ref[...] == ids).astype(jnp.float32)
    g1_ref[0:N, :] = dinv * jnp.dot(oh, t1, preferred_element_type=jnp.float32)
    g1_ref[N:NP, :] = jnp.zeros((NP - N, D), jnp.float32)


_prep_tc = pl.pallas_call(
    _prep_body,
    out_shape=(jax.ShapeDtypeStruct((NP, D), jnp.float32),
               jax.ShapeDtypeStruct((N, 1), jnp.float32)),
)


def _layer_body(a_ref, g_ref, dinv_ref, b_ref, w_ref, gn_ref):
    dinv = dinv_ref[...]
    h = jnp.maximum(
        dinv * (a_ref[0] + a_ref[1] + g_ref[0:N, :]) + b_ref[...], 0.0)
    gn_ref[0:N, :] = dinv * jnp.dot(h, w_ref[...],
                                    preferred_element_type=jnp.float32)
    gn_ref[N:NP, :] = jnp.zeros((NP - N, D), jnp.float32)


_layer_tc = pl.pallas_call(
    _layer_body,
    out_shape=jax.ShapeDtypeStruct((NP, D), jnp.float32),
)


def _final_body(a_ref, g_ref, dinv_ref, b_ref, batch_ref,
                wfc_ref, bfc_ref, out_ref):
    dinv = dinv_ref[...]
    h = jnp.maximum(
        dinv * (a_ref[0] + a_ref[1] + g_ref[0:N, :]) + b_ref[...], 0.0)
    gids = lax.broadcasted_iota(jnp.int32, (N, G), 1)
    pt = (batch_ref[...] == gids).astype(jnp.float32)
    ones = jnp.ones((N, 1), jnp.float32)
    cnt = lax.dot_general(pt, ones, (((0,), (0,)), ((), ())),
                          preferred_element_type=jnp.float32)
    ps = lax.dot_general(pt, h, (((0,), (0,)), ((), ())),
                         preferred_element_type=jnp.float32)
    pooled = ps / jnp.maximum(cnt, 1.0)
    out_ref[...] = jnp.dot(pooled, wfc_ref[...],
                           preferred_element_type=jnp.float32) + bfc_ref[...]


_final_tc = pl.pallas_call(
    _final_body,
    out_shape=jax.ShapeDtypeStruct((G, D), jnp.float32),
)



def kernel(x, edge_index, batch, emb, W1, b1, W2, b2, W3, b3, Wfc, bfc):
    npad = NW * EPW - edge_index.shape[1]
    pad = jnp.full((2, npad), N, jnp.int32)
    eidx = jnp.concatenate([edge_index.astype(jnp.int32), pad], axis=1)
    e2 = jnp.stack([eidx[0].reshape(NW, NCHUNK, K),
                    eidx[1].reshape(NW, NCHUNK, K)], axis=2)
    x2 = x.astype(jnp.int32).reshape(N, 1)
    bat2 = batch.astype(jnp.int32).reshape(N, 1)
    emb16 = jnp.zeros((16, D), jnp.float32).at[:T].set(emb)

    deg0, deg1 = _deg_sc(e2)
    g1, dinv = _prep_tc(x2, emb16, W1,
                        deg0.reshape(N, 1), deg1.reshape(N, 1))

    a = _agg_sc(e2, g1)
    g2 = _layer_tc(a, g1, dinv, b1.reshape(1, D), W2)
    a = _agg_sc(e2, g2)
    g3 = _layer_tc(a, g2, dinv, b2.reshape(1, D), W3)
    a = _agg_sc(e2, g3)
    return _final_tc(a, g3, dinv, b3.reshape(1, D), bat2,
                     Wfc, bfc.reshape(1, D))

# --- scband reference (transcript-rebuilt; emitter-appended) ---
"""Pipeline reference for scband-basic-gcn-18313740550827 (READ-ONLY COPY).

The authoritative reference and input builder live on the scoring server;
editing this copy changes nothing except your own understanding.
"""

import jax, jax.numpy as jnp
import numpy as np

N = 10000
E = 320000
D = 128
G = 64
NUM_ATOM_TYPES = 11


def setup_inputs(seed: int = 0) -> dict:
    key = jax.random.key(seed)
    ks = jax.random.split(key, 12)
    x = jax.random.randint(ks[0], (N,), 0, NUM_ATOM_TYPES, dtype=jnp.int64 if jax.config.jax_enable_x64 else jnp.int32)
    edge_index = jax.random.randint(ks[1], (2, E), 0, N, dtype=jnp.int64 if jax.config.jax_enable_x64 else jnp.int32)
    batch = jnp.sort(jax.random.randint(ks[2], (N,), 0, G, dtype=jnp.int64 if jax.config.jax_enable_x64 else jnp.int32))
    s = 1.0 / np.sqrt(D)
    emb = jax.random.normal(ks[3], (NUM_ATOM_TYPES, D), jnp.float32)
    W1 = jax.random.normal(ks[4], (D, D), jnp.float32) * s
    b1 = jnp.zeros((D,), jnp.float32)
    W2 = jax.random.normal(ks[5], (D, D), jnp.float32) * s
    b2 = jnp.zeros((D,), jnp.float32)
    W3 = jax.random.normal(ks[6], (D, D), jnp.float32) * s
    b3 = jnp.zeros((D,), jnp.float32)
    Wfc = jax.random.normal(ks[7], (D, D), jnp.float32) * s
    bfc = jnp.zeros((D,), jnp.float32)
    return {"x": x, "edge_index": edge_index, "batch": batch, "emb": emb,
            "W1": W1, "b1": b1, "W2": W2, "b2": b2, "W3": W3, "b3": b3,
            "Wfc": Wfc, "bfc": bfc}


def _gcn_conv(h, src, dst, W, b, n):
    # PyG GCNConv: linear transform, add self-loops (done by caller via src/dst),
    # symmetric normalization D^{-1/2} (A+I) D^{-1/2}, scatter-add aggregation.
    h = h @ W
    ones = jnp.ones(src.shape[0], dtype=h.dtype)
    deg = jax.ops.segment_sum(ones, dst, num_segments=n)
    dinv = jnp.where(deg > 0, jax.lax.rsqrt(jnp.maximum(deg, 1e-12)), 0.0)
    norm = dinv[src] * dinv[dst]
    msgs = h[src] * norm[:, None]
    out = jax.ops.segment_sum(msgs, dst, num_segments=n)
    return out + b


def reference(x, edge_index, batch, emb, W1, b1, W2, b2, W3, b3, Wfc, bfc):
    loops = jnp.arange(N, dtype=edge_index.dtype)
    src = jnp.concatenate([edge_index[0], loops])
    dst = jnp.concatenate([edge_index[1], loops])
    h = emb[x]  # atom_encoder embedding lookup
    for (W, b) in ((W1, b1), (W2, b2), (W3, b3)):
        h = _gcn_conv(h, src, dst, W, b, N)
        h = jax.nn.relu(h)
        # dropout is identity in eval mode
    counts = jax.ops.segment_sum(jnp.ones((N,), h.dtype), batch, num_segments=G)
    pooled = jax.ops.segment_sum(h, batch, num_segments=G) / jnp.maximum(counts, 1.0)[:, None]
    return pooled @ Wfc + bfc

if __name__ == "__main__":
    import jax
    _d = setup_inputs()
    print(jax.jit(kernel)(*tuple(_d.values())))

</pallas_src>

<mosaic_0001>
#map = affine_map<(d0, d1) -> (0, 0, 0, 0)>
#map1 = affine_map<(d0, d1) -> (0, 0)>
#map2 = affine_map<(d0, d1) -> (0, 0, 0)>
module attributes {stable_mosaic.version = 14 : i64} {
  func.func @_agg_sc(%arg0: i32, %arg1: i32, %arg2: memref<32x80x2x128xi32, #tpu.memory_space<hbm>>, %arg3: memref<10008x128xf32, #tpu.memory_space<hbm>>, %arg4: memref<2x10000x128xf32, #tpu.memory_space<hbm>>, %arg5: memref<2x2x128xi32, #tpu.memory_space<vmem>>, %arg6: memref<2x128x128xf32, #tpu.memory_space<vmem>>, %arg7: memref<8x128xf32, #tpu.memory_space<vmem>>, %arg8: memref<10008x128xf32, #tpu.memory_space<vmem_shared>>, %arg9: memref<!tpu.dma_semaphore, #tpu.memory_space<semaphore_mem>>, %arg10: memref<!tpu.dma_semaphore, #tpu.memory_space<semaphore_mem>>, %arg11: memref<!tpu.dma_semaphore, #tpu.memory_space<semaphore_mem>>, %arg12: memref<!tpu.dma_semaphore, #tpu.memory_space<semaphore_mem>>) attributes {dimension_semantics = [#tpu.dimension_semantics<core_parallel>, #tpu.dimension_semantics<subcore_parallel>], iteration_bounds = array<i64: 2, 16>, scalar_prefetch = 0 : i64, scratch_operands = 8 : i64, tpu.core_type = #tpu.core_type<sc_vector_subcore>, window_params = [{transform_indices = #map}, {transform_indices = #map1}, {transform_indices = #map2}]} {
    %mul3A = arith.constant 2 : i32
    %mul3A_0 = arith.muli %arg1, %mul3A : i32
    %add3A = arith.addi %mul3A_0, %arg0 : i32
    %mul3A_1 = arith.constant 624 : i32
    %mul3A_2 = arith.muli %arg1, %mul3A_1 : i32
    %scan3A = arith.constant 0 : i32
    %scan3A_3 = arith.constant 0 : i32
    %scan3A_4 = arith.constant 8 : i32
    %scan3A_5 = arith.addi %scan3A_3, %scan3A_4 : i32
    %scan3A_6 = arith.constant 1 : i32
    scf.for %scan3A_99 = %scan3A_3 to %scan3A_5 step %scan3A_6  : i32 {
      %broadcast_in_dim3A = arith.constant 0.000000e+00 : f32
      %broadcast_in_dim3A_100 = vector.broadcast %broadcast_in_dim3A : f32 to vector<16xf32>
      %swap3A = arith.index_cast %scan3A_99 : i32 to index
      %swap3A_101 = arith.constant 0 : index
      %swap3A_102 = tpu.vector_load %arg7[%swap3A, %swap3A_101] {strides = array<i32>} : memref<8x128xf32, #tpu.memory_space<vmem>>, vector<1x16xf32>,
      %swap3A_103 = vector.shape_cast %swap3A_102 : vector<1x16xf32> to vector<16xf32>
      %swap3A_104 = vector.shape_cast %broadcast_in_dim3A_100 : vector<16xf32> to vector<1x16xf32>
      tpu.vector_store %arg7[%swap3A, %swap3A_101], %swap3A_104 {strides = array<i32>} : memref<8x128xf32, #tpu.memory_space<vmem>>, vector<1x16xf32>,
      %broadcast_in_dim3A_105 = arith.constant 0.000000e+00 : f32
      %broadcast_in_dim3A_106 = vector.broadcast %broadcast_in_dim3A_105 : f32 to vector<16xf32>
      %swap3A_107 = arith.index_cast %scan3A_99 : i32 to index
      %swap3A_108 = arith.constant 16 : index
      %swap3A_109 = tpu.vector_load %arg7[%swap3A_107, %swap3A_108] {strides = array<i32>} : memref<8x128xf32, #tpu.memory_space<vmem>>, vector<1x16xf32>,
      %swap3A_110 = vector.shape_cast %swap3A_109 : vector<1x16xf32> to vector<16xf32>
      %swap3A_111 = vector.shape_cast %broadcast_in_dim3A_106 : vector<16xf32> to vector<1x16xf32>
      tpu.vector_store %arg7[%swap3A_107, %swap3A_108], %swap3A_111 {strides = array<i32>} : memref<8x128xf32, #tpu.memory_space<vmem>>, vector<1x16xf32>,
      %broadcast_in_dim3A_112 = arith.constant 0.000000e+00 : f32
      %broadcast_in_dim3A_113 = vector.broadcast %broadcast_in_dim3A_112 : f32 to vector<16xf32>
      %swap3A_114 = arith.index_cast %scan3A_99 : i32 to index
      %swap3A_115 = arith.constant 32 : index
      %swap3A_116 = tpu.vector_load %arg7[%swap3A_114, %swap3A_115] {strides = array<i32>} : memref<8x128xf32, #tpu.memory_space<vmem>>, vector<1x16xf32>,
      %swap3A_117 = vector.shape_cast %swap3A_116 : vector<1x16xf32> to vector<16xf32>
      %swap3A_118 = vector.shape_cast %broadcast_in_dim3A_113 : vector<16xf32> to vector<1x16xf32>
      tpu.vector_store %arg7[%swap3A_114, %swap3A_115], %swap3A_118 {strides = array<i32>} : memref<8x128xf32, #tpu.memory_space<vmem>>, vector<1x16xf32>,
      %broadcast_in_dim3A_119 = arith.constant 0.000000e+00 : f32
      %broadcast_in_dim3A_120 = vector.broadcast %broadcast_in_dim3A_119 : f32 to vector<16xf32>
      %swap3A_121 = arith.index_cast %scan3A_99 : i32 to index
      %swap3A_122 = arith.constant 48 : index
      %swap3A_123 = tpu.vector_load %arg7[%swap3A_121, %swap3A_122] {strides = array<i32>} : memref<8x128xf32, #tpu.memory_space<vmem>>, vector<1x16xf32>,
      %swap3A_124 = vector.shape_cast %swap3A_123 : vector<1x16xf32> to vector<16xf32>
      %swap3A_125 = vector.shape_cast %broadcast_in_dim3A_120 : vector<16xf32> to vector<1x16xf32>
      tpu.vector_store %arg7[%swap3A_121, %swap3A_122], %swap3A_125 {strides = array<i32>} : memref<8x128xf32, #tpu.memory_space<vmem>>, vector<1x16xf32>,
      %broadcast_in_dim3A_126 = arith.constant 0.000000e+00 : f32
      %broadcast_in_dim3A_127 = vector.broadcast %broadcast_in_dim3A_126 : f32 to vector<16xf32>
      %swap3A_128 = arith.index_cast %scan3A_99 : i32 to index
      %swap3A_129 = arith.constant 64 : index
      %swap3A_130 = tpu.vector_load %arg7[%swap3A_128, %swap3A_129] {strides = array<i32>} : memref<8x128xf32, #tpu.memory_space<vmem>>, vector<1x16xf32>,
      %swap3A_131 = vector.shape_cast %swap3A_130 : vector<1x16xf32> to vector<16xf32>
      %swap3A_132 = vector.shape_cast %broadcast_in_dim3A_127 : vector<16xf32> to vector<1x16xf32>
      tpu.vector_store %arg7[%swap3A_128, %swap3A_129], %swap3A_132 {strides = array<i32>} : memref<8x128xf32, #tpu.memory_space<vmem>>, vector<1x16xf32>,
      %broadcast_in_dim3A_133 = arith.constant 0.000000e+00 : f32
      %broadcast_in_dim3A_134 = vector.broadcast %broadcast_in_dim3A_133 : f32 to vector<16xf32>
      %swap3A_135 = arith.index_cast %scan3A_99 : i32 to index
      %swap3A_136 = arith.constant 80 : index
      %swap3A_137 = tpu.vector_load %arg7[%swap3A_135, %swap3A_136] {strides = array<i32>} : memref<8x128xf32, #tpu.memory_space<vmem>>, vector<1x16xf32>,
      %swap3A_138 = vector.shape_cast %swap3A_137 : vector<1x16xf32> to vector<16xf32>
      %swap3A_139 = vector.shape_cast %broadcast_in_dim3A_134 : vector<16xf32> to vector<1x16xf32>
      tpu.vector_store %arg7[%swap3A_135, %swap3A_136], %swap3A_139 {strides = array<i32>} : memref<8x128xf32, #tpu.memory_space<vmem>>, vector<1x16xf32>,
      %broadcast_in_dim3A_140 = arith.constant 0.000000e+00 : f32
      %broadcast_in_dim3A_141 = vector.broadcast %broadcast_in_dim3A_140 : f32 to vector<16xf32>
      %swap3A_142 = arith.index_cast %scan3A_99 : i32 to index
      %swap3A_143 = arith.constant 96 : index
      %swap3A_144 = tpu.vector_load %arg7[%swap3A_142, %swap3A_143] {strides = array<i32>} : memref<8x128xf32, #tpu.memory_space<vmem>>, vector<1x16xf32>,
      %swap3A_145 = vector.shape_cast %swap3A_144 : vector<1x16xf32> to vector<16xf32>
      %swap3A_146 = vector.shape_cast %broadcast_in_dim3A_141 : vector<16xf32> to vector<1x16xf32>
      tpu.vector_store %arg7[%swap3A_142, %swap3A_143], %swap3A_146 {strides = array<i32>} : memref<8x128xf32, #tpu.memory_space<vmem>>, vector<1x16xf32>,
      %broadcast_in_dim3A_147 = arith.constant 0.000000e+00 : f32
      %broadcast_in_dim3A_148 = vector.broadcast %broadcast_in_dim3A_147 : f32 to vector<16xf32>
      %swap3A_149 = arith.index_cast %scan3A_99 : i32 to index
      %swap3A_150 = arith.constant 112 : index
      %swap3A_151 = tpu.vector_load %arg7[%swap3A_149, %swap3A_150] {strides = array<i32>} : memref<8x128xf32, #tpu.memory_space<vmem>>, vector<1x16xf32>,
      %swap3A_152 = vector.shape_cast %swap3A_151 : vector<1x16xf32> to vector<16xf32>
      %swap3A_153 = vector.shape_cast %broadcast_in_dim3A_148 : vector<16xf32> to vector<1x16xf32>
      tpu.vector_store %arg7[%swap3A_149, %swap3A_150], %swap3A_153 {strides = array<i32>} : memref<8x128xf32, #tpu.memory_space<vmem>>, vector<1x16xf32>,
    }
    %scan3A_7 = arith.constant 8 : i32
    %scan3A_8 = arith.constant 0 : i32
    %scan3A_9 = arith.constant 0 : i32
    %scan3A_10 = arith.constant 78 : i32
    %scan3A_11 = arith.addi %scan3A_9, %scan3A_10 : i32
    %scan3A_12 = arith.constant 1 : i32
    scf.for %scan3A_99 = %scan3A_9 to %scan3A_11 step %scan3A_12  : i32 {
      %mul3A_100 = arith.constant 8 : i32
      %mul3A_101 = arith.muli %scan3A_99, %mul3A_100 : i32
      %add3A_102 = arith.addi %mul3A_2, %mul3A_101 : i32
      "tpu.region"() ({
        %run_scoped3A = tpu.sem_alloc : memref<!tpu.dma_semaphore, #tpu.memory_space<semaphore_mem>>
        %dma_start3A_103 = arith.constant 0 : i32
        %dma_start3A_104 = tpu.memref_slice %arg8[%add3A_102, %dma_start3A_103] : memref<10008x128xf32, #tpu.memory_space<vmem_shared>> -> memref<8x128xf32, #tpu.memory_space<vmem_shared>>
        %dma_start3A_105 = arith.constant 0 : i32
        %dma_start3A_106 = tpu.memref_slice %arg8[%add3A_102, %dma_start3A_105] : memref<10008x128xf32, #tpu.memory_space<vmem_shared>> -> memref<8x128xf32, #tpu.memory_space<vmem_shared>>
        tpu.enqueue_dma source(%arg7 : memref<8x128xf32, #tpu.memory_space<vmem>>) target(%dma_start3A_106 : memref<8x128xf32, #tpu.memory_space<vmem_shared>>) target_semaphore(%run_scoped3A : memref<!tpu.dma_semaphore, #tpu.memory_space<semaphore_mem>>)
        %dma_wait3A_107 = arith.constant 0 : i32
        %dma_wait3A_108 = tpu.memref_slice %arg8[%add3A_102, %dma_wait3A_107] : memref<10008x128xf32, #tpu.memory_space<vmem_shared>> -> memref<8x128xf32, #tpu.memory_space<vmem_shared>>
        %dma_wait3A_109 = arith.constant 0 : i32
        %dma_wait3A_110 = tpu.memref_slice %arg8[%add3A_102, %dma_wait3A_109] : memref<10008x128xf32, #tpu.memory_space<vmem_shared>> -> memref<8x128xf32, #tpu.memory_space<vmem_shared>>
        tpu.wait_dma2 semaphore(%run_scoped3A : memref<!tpu.dma_semaphore, #tpu.memory_space<semaphore_mem>>) src(%arg7 : memref<8x128xf32, #tpu.memory_space<vmem>>) dst(%dma_wait3A_110 : memref<8x128xf32, #tpu.memory_space<vmem_shared>>)
        tpu.yield
      }) : () -> ()
    }
    %scan3A_13 = arith.constant 78 : i32
    %eq3A = arith.constant 15 : i32
    %eq3A_14 = arith.cmpi eq, %arg1, %eq3A : i32
    %convert_element_type3A = arith.extui %eq3A_14 : i1 to i32
    %cond3A = arith.constant 0 : i32
    %cond3A_15 = arith.cmpi ne, %convert_element_type3A, %cond3A : i32
    scf.if %cond3A_15 {
      "tpu.region"() ({
        %run_scoped3A = tpu.sem_alloc : memref<!tpu.dma_semaphore, #tpu.memory_space<semaphore_mem>>
        %dma_start3A_99 = arith.constant 9984 : i32
        %dma_start3A_100 = arith.constant 0 : i32
        %dma_start3A_101 = tpu.memref_slice %arg8[%dma_start3A_99, %dma_start3A_100] : memref<10008x128xf32, #tpu.memory_space<vmem_shared>> -> memref<8x128xf32, #tpu.memory_space<vmem_shared>>
        %dma_start3A_102 = arith.constant 9984 : i32
        %dma_start3A_103 = arith.constant 0 : i32
        %dma_start3A_104 = tpu.memref_slice %arg8[%dma_start3A_102, %dma_start3A_103] : memref<10008x128xf32, #tpu.memory_space<vmem_shared>> -> memref<8x128xf32, #tpu.memory_space<vmem_shared>>
        tpu.enqueue_dma source(%arg7 : memref<8x128xf32, #tpu.memory_space<vmem>>) target(%dma_start3A_104 : memref<8x128xf32, #tpu.memory_space<vmem_shared>>) target_semaphore(%run_scoped3A : memref<!tpu.dma_semaphore, #tpu.memory_space<semaphore_mem>>)
        %dma_wait3A_105 = arith.constant 9984 : i32
        %dma_wait3A_106 = arith.constant 0 : i32
        %dma_wait3A_107 = tpu.memref_slice %arg8[%dma_wait3A_105, %dma_wait3A_106] : memref<10008x128xf32, #tpu.memory_space<vmem_shared>> -> memref<8x128xf32, #tpu.memory_space<vmem_shared>>
        %dma_wait3A_108 = arith.constant 9984 : i32
        %dma_wait3A_109 = arith.constant 0 : i32
        %dma_wait3A_110 = tpu.memref_slice %arg8[%dma_wait3A_108, %dma_wait3A_109] : memref<10008x128xf32, #tpu.memory_space<vmem_shared>> -> memref<8x128xf32, #tpu.memory_space<vmem_shared>>
        tpu.wait_dma2 semaphore(%run_scoped3A : memref<!tpu.dma_semaphore, #tpu.memory_space<semaphore_mem>>) src(%arg7 : memref<8x128xf32, #tpu.memory_space<vmem>>) dst(%dma_wait3A_110 : memref<8x128xf32, #tpu.memory_space<vmem_shared>>)
        tpu.yield
      }) : () -> ()
      "tpu.region"() ({
        %run_scoped3A = tpu.sem_alloc : memref<!tpu.dma_semaphore, #tpu.memory_space<semaphore_mem>>
        %dma_start3A_99 = arith.constant 9992 : i32
        %dma_start3A_100 = arith.constant 0 : i32
        %dma_start3A_101 = tpu.memref_slice %arg8[%dma_start3A_99, %dma_start3A_100] : memref<10008x128xf32, #tpu.memory_space<vmem_shared>> -> memref<8x128xf32, #tpu.memory_space<vmem_shared>>
        %dma_start3A_102 = arith.constant 9992 : i32
        %dma_start3A_103 = arith.constant 0 : i32
        %dma_start3A_104 = tpu.memref_slice %arg8[%dma_start3A_102, %dma_start3A_103] : memref<10008x128xf32, #tpu.memory_space<vmem_shared>> -> memref<8x128xf32, #tpu.memory_space<vmem_shared>>
        tpu.enqueue_dma source(%arg7 : memref<8x128xf32, #tpu.memory_space<vmem>>) target(%dma_start3A_104 : memref<8x128xf32, #tpu.memory_space<vmem_shared>>) target_semaphore(%run_scoped3A : memref<!tpu.dma_semaphore, #tpu.memory_space<semaphore_mem>>)
        %dma_wait3A_105 = arith.constant 9992 : i32
        %dma_wait3A_106 = arith.constant 0 : i32
        %dma_wait3A_107 = tpu.memref_slice %arg8[%dma_wait3A_105, %dma_wait3A_106] : memref<10008x128xf32, #tpu.memory_space<vmem_shared>> -> memref<8x128xf32, #tpu.memory_space<vmem_shared>>
        %dma_wait3A_108 = arith.constant 9992 : i32
        %dma_wait3A_109 = arith.constant 0 : i32
        %dma_wait3A_110 = tpu.memref_slice %arg8[%dma_wait3A_108, %dma_wait3A_109] : memref<10008x128xf32, #tpu.memory_space<vmem_shared>> -> memref<8x128xf32, #tpu.memory_space<vmem_shared>>
        tpu.wait_dma2 semaphore(%run_scoped3A : memref<!tpu.dma_semaphore, #tpu.memory_space<semaphore_mem>>) src(%arg7 : memref<8x128xf32, #tpu.memory_space<vmem>>) dst(%dma_wait3A_110 : memref<8x128xf32, #tpu.memory_space<vmem_shared>>)
        tpu.yield
      }) : () -> ()
    } else {
    }
    %barrier3A = arith.constant 0 : index
    tpu.barrier barrier_id(%barrier3A)
    %dma_start3A = arith.constant 0 : i32
    %dma_start3A_16 = arith.constant 0 : i32
    %dma_start3A_17 = arith.constant 0 : i32
    %dma_start3A_18 = arith.constant 0 : i32
    %dma_start3A_19 = tpu.memref_slice %arg5[%dma_start3A_16, %dma_start3A_17, %dma_start3A_18] : memref<2x2x128xi32, #tpu.memory_space<vmem>> -> memref<1x2x128xi32, #tpu.memory_space<vmem>>
    %dma_start3A_20 = tpu.memref_squeeze %dma_start3A_19 : memref<1x2x128xi32, #tpu.memory_space<vmem>> -> memref<2x128xi32, #tpu.memory_space<vmem>>
    %dma_start3A_21 = arith.constant 0 : i32
    %dma_start3A_22 = arith.constant 0 : i32
    %dma_start3A_23 = tpu.memref_slice %arg2[%add3A, %dma_start3A, %dma_start3A_21, %dma_start3A_22] : memref<32x80x2x128xi32, #tpu.memory_space<hbm>> -> memref<1x1x2x128xi32, #tpu.memory_space<hbm>>
    %dma_start3A_24 = tpu.memref_squeeze %dma_start3A_23 : memref<1x1x2x128xi32, #tpu.memory_space<hbm>> -> memref<2x128xi32, #tpu.memory_space<hbm>>
    %dma_start3A_25 = arith.constant 0 : i32
    %dma_start3A_26 = arith.constant 0 : i32
    %dma_start3A_27 = tpu.memref_slice %arg5[%dma_start3A_16, %dma_start3A_25, %dma_start3A_26] : memref<2x2x128xi32, #tpu.memory_space<vmem>> -> memref<1x2x128xi32, #tpu.memory_space<vmem>>
    %dma_start3A_28 = tpu.memref_squeeze %dma_start3A_27 : memref<1x2x128xi32, #tpu.memory_space<vmem>> -> memref<2x128xi32, #tpu.memory_space<vmem>>
    %dma_start3A_29 = arith.constant 0 : i32
    %dma_start3A_30 = arith.constant 0 : i32
    %dma_start3A_31 = tpu.memref_slice %arg2[%add3A, %dma_start3A, %dma_start3A_29, %dma_start3A_30] : memref<32x80x2x128xi32, #tpu.memory_space<hbm>> -> memref<1x1x2x128xi32, #tpu.memory_space<hbm>>
    %dma_start3A_32 = tpu.memref_squeeze %dma_start3A_31 : memref<1x1x2x128xi32, #tpu.memory_space<hbm>> -> memref<2x128xi32, #tpu.memory_space<hbm>>
    tpu.enqueue_dma source(%dma_start3A_32 : memref<2x128xi32, #tpu.memory_space<hbm>>) target(%dma_start3A_28 : memref<2x128xi32, #tpu.memory_space<vmem>>) target_semaphore(%arg9 : memref<!tpu.dma_semaphore, #tpu.memory_space<semaphore_mem>>)
    %dma_start3A_33 = arith.constant 1 : i32
    %dma_start3A_34 = arith.constant 1 : i32
    %dma_start3A_35 = arith.constant 0 : i32
    %dma_start3A_36 = arith.constant 0 : i32
    %dma_start3A_37 = tpu.memref_slice %arg5[%dma_start3A_34, %dma_start3A_35, %dma_start3A_36] : memref<2x2x128xi32, #tpu.memory_space<vmem>> -> memref<1x2x128xi32, #tpu.memory_space<vmem>>
    %dma_start3A_38 = tpu.memref_squeeze %dma_start3A_37 : memref<1x2x128xi32, #tpu.memory_space<vmem>> -> memref<2x128xi32, #tpu.memory_space<vmem>>
    %dma_start3A_39 = arith.constant 0 : i32
    %dma_start3A_40 = arith.constant 0 : i32
    %dma_start3A_41 = tpu.memref_slice %arg2[%add3A, %dma_start3A_33, %dma_start3A_39, %dma_start3A_40] : memref<32x80x2x128xi32, #tpu.memory_space<hbm>> -> memref<1x1x2x128xi32, #tpu.memory_space<hbm>>
    %dma_start3A_42 = tpu.memref_squeeze %dma_start3A_41 : memref<1x1x2x128xi32, #tpu.memory_space<hbm>> -> memref<2x128xi32, #tpu.memory_space<hbm>>
    %dma_start3A_43 = arith.constant 0 : i32
    %dma_start3A_44 = arith.constant 0 : i32
    %dma_start3A_45 = tpu.memref_slice %arg5[%dma_start3A_34, %dma_start3A_43, %dma_start3A_44] : memref<2x2x128xi32, #tpu.memory_space<vmem>> -> memref<1x2x128xi32, #tpu.memory_space<vmem>>
    %dma_start3A_46 = tpu.memref_squeeze %dma_start3A_45 : memref<1x2x128xi32, #tpu.memory_space<vmem>> -> memref<2x128xi32, #tpu.memory_space<vmem>>
    %dma_start3A_47 = arith.constant 0 : i32
    %dma_start3A_48 = arith.constant 0 : i32
    %dma_start3A_49 = tpu.memref_slice %arg2[%add3A, %dma_start3A_33, %dma_start3A_47, %dma_start3A_48] : memref<32x80x2x128xi32, #tpu.memory_space<hbm>> -> memref<1x1x2x128xi32, #tpu.memory_space<hbm>>
    %dma_start3A_50 = tpu.memref_squeeze %dma_start3A_49 : memref<1x1x2x128xi32, #tpu.memory_space<hbm>> -> memref<2x128xi32, #tpu.memory_space<hbm>>
    tpu.enqueue_dma source(%dma_start3A_50 : memref<2x128xi32, #tpu.memory_space<hbm>>) target(%dma_start3A_46 : memref<2x128xi32, #tpu.memory_space<vmem>>) target_semaphore(%arg10 : memref<!tpu.dma_semaphore, #tpu.memory_space<semaphore_mem>>)
    %dma_wait3A = arith.constant 0 : i32
    %dma_wait3A_51 = arith.constant 0 : i32
    %dma_wait3A_52 = arith.constant 0 : i32
    %dma_wait3A_53 = arith.constant 0 : i32
    %dma_wait3A_54 = tpu.memref_slice %arg5[%dma_wait3A_51, %dma_wait3A_52, %dma_wait3A_53] : memref<2x2x128xi32, #tpu.memory_space<vmem>> -> memref<1x2x128xi32, #tpu.memory_space<vmem>>
    %dma_wait3A_55 = tpu.memref_squeeze %dma_wait3A_54 : memref<1x2x128xi32, #tpu.memory_space<vmem>> -> memref<2x128xi32, #tpu.memory_space<vmem>>
    %dma_wait3A_56 = arith.constant 0 : i32
    %dma_wait3A_57 = arith.constant 0 : i32
    %dma_wait3A_58 = tpu.memref_slice %arg2[%add3A, %dma_wait3A, %dma_wait3A_56, %dma_wait3A_57] : memref<32x80x2x128xi32, #tpu.memory_space<hbm>> -> memref<1x1x2x128xi32, #tpu.memory_space<hbm>>
    %dma_wait3A_59 = tpu.memref_squeeze %dma_wait3A_58 : memref<1x1x2x128xi32, #tpu.memory_space<hbm>> -> memref<2x128xi32, #tpu.memory_space<hbm>>
    %dma_wait3A_60 = arith.constant 0 : i32
    %dma_wait3A_61 = arith.constant 0 : i32
    %dma_wait3A_62 = tpu.memref_slice %arg5[%dma_wait3A_51, %dma_wait3A_60, %dma_wait3A_61] : memref<2x2x128xi32, #tpu.memory_space<vmem>> -> memref<1x2x128xi32, #tpu.memory_space<vmem>>
    %dma_wait3A_63 = tpu.memref_squeeze %dma_wait3A_62 : memref<1x2x128xi32, #tpu.memory_space<vmem>> -> memref<2x128xi32, #tpu.memory_space<vmem>>
    %dma_wait3A_64 = arith.constant 0 : i32
    %dma_wait3A_65 = arith.constant 0 : i32
    %dma_wait3A_66 = tpu.memref_slice %arg2[%add3A, %dma_wait3A, %dma_wait3A_64, %dma_wait3A_65] : memref<32x80x2x128xi32, #tpu.memory_space<hbm>> -> memref<1x1x2x128xi32, #tpu.memory_space<hbm>>
    %dma_wait3A_67 = tpu.memref_squeeze %dma_wait3A_66 : memref<1x1x2x128xi32, #tpu.memory_space<hbm>> -> memref<2x128xi32, #tpu.memory_space<hbm>>
    tpu.wait_dma2 semaphore(%arg9 : memref<!tpu.dma_semaphore, #tpu.memory_space<semaphore_mem>>) src(%dma_wait3A_67 : memref<2x128xi32, #tpu.memory_space<hbm>>) dst(%dma_wait3A_63 : memref<2x128xi32, #tpu.memory_space<vmem>>)
    %dma_start3A_68 = arith.constant 0 : i32
    %dma_start3A_69 = arith.constant 0 : i32
    %dma_start3A_70 = arith.constant 0 : i32
    %dma_start3A_71 = arith.constant 0 : i32
    %dma_start3A_72 = arith.constant 0 : i32
    %dma_start3A_73 = tpu.memref_slice %arg6[%dma_start3A_70, %dma_start3A_71, %dma_start3A_72] : memref<2x128x128xf32, #tpu.memory_space<vmem>> -> memref<1x128x128xf32, #tpu.memory_space<vmem>>
    %dma_start3A_74 = tpu.memref_squeeze %dma_start3A_73 : memref<1x128x128xf32, #tpu.memory_space<vmem>> -> memref<128x128xf32, #tpu.memory_space<vmem>>
    %dma_start3A_75 = arith.constant 0 : i32
    %dma_start3A_76 = tpu.memref_slice %arg5[%dma_start3A_68, %dma_start3A_69, %dma_start3A_75] : memref<2x2x128xi32, #tpu.memory_space<vmem>> -> memref<1x1x128xi32, #tpu.memory_space<vmem>>
    %dma_start3A_77 = tpu.memref_squeeze %dma_start3A_76 : memref<1x1x128xi32, #tpu.memory_space<vmem>> -> memref<128xi32, #tpu.memory_space<vmem>>
    %dma_start3A_78 = arith.constant 0 : i32
    %dma_start3A_79 = arith.constant 0 : i32
    %dma_start3A_80 = tpu.memref_slice %arg3[%dma_start3A_78, %dma_start3A_79] : memref<10008x128xf32, #tpu.memory_space<hbm>> -> memref<10008x128xf32, #tpu.memory_space<hbm>>
    tpu.enqueue_indirect_dma source(%dma_start3A_80 : memref<10008x128xf32, #tpu.memory_space<hbm>>) target(%dma_start3A_74 : memref<128x128xf32, #tpu.memory_space<vmem>>) offsets(%dma_start3A_77 : memref<128xi32, #tpu.memory_space<vmem>>) semaphore(%arg11 : memref<!tpu.dma_semaphore, #tpu.memory_space<semaphore_mem>>)
    %scan3A_81 = arith.constant 0 : i32
    %scan3A_82 = arith.constant 0 : i32
    %scan3A_83 = arith.constant 40 : i32
    %scan3A_84 = arith.addi %scan3A_82, %scan3A_83 : i32
    %scan3A_85 = arith.constant 1 : i32
    scf.for %scan3A_99 = %scan3A_82 to %scan3A_84 step %scan3A_85  : i32 {
      %mul3A_100 = arith.constant 2 : i32
      %mul3A_101 = arith.muli %mul3A_100, %scan3A_99 : i32
      %add3A_102 = arith.constant 1 : i32
      %add3A_103 = arith.addi %mul3A_101, %add3A_102 : i32
      %dma_wait3A_104 = arith.constant 1 : i32
      %dma_wait3A_105 = arith.constant 0 : i32
      %dma_wait3A_106 = arith.constant 0 : i32
      %dma_wait3A_107 = tpu.memref_slice %arg5[%dma_wait3A_104, %dma_wait3A_105, %dma_wait3A_106] : memref<2x2x128xi32, #tpu.memory_space<vmem>> -> memref<1x2x128xi32, #tpu.memory_space<vmem>>
      %dma_wait3A_108 = tpu.memref_squeeze %dma_wait3A_107 : memref<1x2x128xi32, #tpu.memory_space<vmem>> -> memref<2x128xi32, #tpu.memory_space<vmem>>
      %dma_wait3A_109 = arith.constant 0 : i32
      %dma_wait3A_110 = arith.constant 0 : i32
      %dma_wait3A_111 = tpu.memref_slice %arg2[%add3A, %add3A_103, %dma_wait3A_109, %dma_wait3A_110] : memref<32x80x2x128xi32, #tpu.memory_space<hbm>> -> memref<1x1x2x128xi32, #tpu.memory_space<hbm>>
      %dma_wait3A_112 = tpu.memref_squeeze %dma_wait3A_111 : memref<1x1x2x128xi32, #tpu.memory_space<hbm>> -> memref<2x128xi32, #tpu.memory_space<hbm>>
      %dma_wait3A_113 = arith.constant 0 : i32
      %dma_wait3A_114 = arith.constant 0 : i32
      %dma_wait3A_115 = tpu.memref_slice %arg5[%dma_wait3A_104, %dma_wait3A_113, %dma_wait3A_114] : memref<2x2x128xi32, #tpu.memory_space<vmem>> -> memref<1x2x128xi32, #tpu.memory_space<vmem>>
      %dma_wait3A_116 = tpu.memref_squeeze %dma_wait3A_115 : memref<1x2x128xi32, #tpu.memory_space<vmem>> -> memref<2x128xi32, #tpu.memory_space<vmem>>
      %dma_wait3A_117 = arith.constant 0 : i32
      %dma_wait3A_118 = arith.constant 0 : i32
      %dma_wait3A_119 = tpu.memref_slice %arg2[%add3A, %add3A_103, %dma_wait3A_117, %dma_wait3A_118] : memref<32x80x2x128xi32, #tpu.memory_space<hbm>> -> memref<1x1x2x128xi32, #tpu.memory_space<hbm>>
      %dma_wait3A_120 = tpu.memref_squeeze %dma_wait3A_119 : memref<1x1x2x128xi32, #tpu.memory_space<hbm>> -> memref<2x128xi32, #tpu.memory_space<hbm>>
      tpu.wait_dma2 semaphore(%arg10 : memref<!tpu.dma_semaphore, #tpu.memory_space<semaphore_mem>>) src(%dma_wait3A_120 : memref<2x128xi32, #tpu.memory_space<hbm>>) dst(%dma_wait3A_116 : memref<2x128xi32, #tpu.memory_space<vmem>>)
      %dma_start3A_121 = arith.constant 1 : i32
      %dma_start3A_122 = arith.constant 0 : i32
      %dma_start3A_123 = arith.constant 1 : i32
      %dma_start3A_124 = arith.constant 0 : i32
      %dma_start3A_125 = arith.constant 0 : i32
      %dma_start3A_126 = tpu.memref_slice %arg6[%dma_start3A_123, %dma_start3A_124, %dma_start3A_125] : memref<2x128x128xf32, #tpu.memory_space<vmem>> -> memref<1x128x128xf32, #tpu.memory_space<vmem>>
      %dma_start3A_127 = tpu.memref_squeeze %dma_start3A_126 : memref<1x128x128xf32, #tpu.memory_space<vmem>> -> memref<128x128xf32, #tpu.memory_space<vmem>>
      %dma_start3A_128 = arith.constant 0 : i32
      %dma_start3A_129 = tpu.memref_slice %arg5[%dma_start3A_121, %dma_start3A_122, %dma_start3A_128] : memref<2x2x128xi32, #tpu.memory_space<vmem>> -> memref<1x1x128xi32, #tpu.memory_space<vmem>>
      %dma_start3A_130 = tpu.memref_squeeze %dma_start3A_129 : memref<1x1x128xi32, #tpu.memory_space<vmem>> -> memref<128xi32, #tpu.memory_space<vmem>>
      %dma_start3A_131 = arith.constant 0 : i32
      %dma_start3A_132 = arith.constant 0 : i32
      %dma_start3A_133 = tpu.memref_slice %arg3[%dma_start3A_131, %dma_start3A_132] : memref<10008x128xf32, #tpu.memory_space<hbm>> -> memref<10008x128xf32, #tpu.memory_space<hbm>>
      tpu.enqueue_indirect_dma source(%dma_start3A_133 : memref<10008x128xf32, #tpu.memory_space<hbm>>) target(%dma_start3A_127 : memref<128x128xf32, #tpu.memory_space<vmem>>) offsets(%dma_start3A_130 : memref<128xi32, #tpu.memory_space<vmem>>) semaphore(%arg12 : memref<!tpu.dma_semaphore, #tpu.memory_space<semaphore_mem>>)
      %dma_wait3A_134 = arith.constant 0 : i32
      %dma_wait3A_135 = arith.constant 0 : i32
      %dma_wait3A_136 = arith.constant 0 : i32
      %dma_wait3A_137 = arith.constant 0 : i32
      %dma_wait3A_138 = arith.constant 0 : i32
      %dma_wait3A_139 = tpu.memref_slice %arg6[%dma_wait3A_136, %dma_wait3A_137, %dma_wait3A_138] : memref<2x128x128xf32, #tpu.memory_space<vmem>> -> memref<1x128x128xf32, #tpu.memory_space<vmem>>
      %dma_wait3A_140 = tpu.memref_squeeze %dma_wait3A_139 : memref<1x128x128xf32, #tpu.memory_space<vmem>> -> memref<128x128xf32, #tpu.memory_space<vmem>>
      %dma_wait3A_141 = arith.constant 0 : i32
      %dma_wait3A_142 = tpu.memref_slice %arg5[%dma_wait3A_134, %dma_wait3A_135, %dma_wait3A_141] : memref<2x2x128xi32, #tpu.memory_space<vmem>> -> memref<1x1x128xi32, #tpu.memory_space<vmem>>
      %dma_wait3A_143 = tpu.memref_squeeze %dma_wait3A_142 : memref<1x1x128xi32, #tpu.memory_space<vmem>> -> memref<128xi32, #tpu.memory_space<vmem>>
      %dma_wait3A_144 = arith.constant 0 : i32
      %dma_wait3A_145 = arith.constant 0 : i32
      %dma_wait3A_146 = tpu.memref_slice %arg3[%dma_wait3A_144, %dma_wait3A_145] : memref<10008x128xf32, #tpu.memory_space<hbm>> -> memref<10008x128xf32, #tpu.memory_space<hbm>>
      tpu.wait_indirect_dma semaphore(%arg11 : memref<!tpu.dma_semaphore, #tpu.memory_space<semaphore_mem>>) src(%dma_wait3A_146 : memref<10008x128xf32, #tpu.memory_space<hbm>>) dst(%dma_wait3A_140 : memref<128x128xf32, #tpu.memory_space<vmem>>)
      %run_scoped3A = arith.constant 0 : i32
      %run_scoped3A_147 = arith.constant 0 : i32
      %run_scoped3A_148 = arith.constant 1 : i32
      "tpu.region"() ({
        %run_scoped3A_178 = tpu.sem_alloc : memref<!tpu.dma_semaphore, #tpu.memory_space<semaphore_mem>>
        %dma_start3A_179 = arith.constant 0 : i32
        %dma_start3A_180 = arith.constant 0 : i32
        %dma_start3A_181 = tpu.memref_slice %arg6[%run_scoped3A, %dma_start3A_179, %dma_start3A_180] : memref<2x128x128xf32, #tpu.memory_space<vmem>> -> memref<1x128x128xf32, #tpu.memory_space<vmem>>
        %dma_start3A_182 = tpu.memref_squeeze %dma_start3A_181 : memref<1x128x128xf32, #tpu.memory_space<vmem>> -> memref<128x128xf32, #tpu.memory_space<vmem>>
        %dma_start3A_183 = arith.constant 0 : i32
        %dma_start3A_184 = tpu.memref_slice %arg5[%run_scoped3A_147, %run_scoped3A_148, %dma_start3A_183] : memref<2x2x128xi32, #tpu.memory_space<vmem>> -> memref<1x1x128xi32, #tpu.memory_space<vmem>>
        %dma_start3A_185 = tpu.memref_squeeze %dma_start3A_184 : memref<1x1x128xi32, #tpu.memory_space<vmem>> -> memref<128xi32, #tpu.memory_space<vmem>>
        %dma_start3A_186 = arith.constant 0 : i32
        %dma_start3A_187 = arith.constant 0 : i32
        %dma_start3A_188 = tpu.memref_slice %arg8[%dma_start3A_186, %dma_start3A_187] : memref<10008x128xf32, #tpu.memory_space<vmem_shared>> -> memref<10008x128xf32, #tpu.memory_space<vmem_shared>>
        tpu.enqueue_indirect_dma source(%dma_start3A_182 : memref<128x128xf32, #tpu.memory_space<vmem>>) target(%dma_start3A_188 : memref<10008x128xf32, #tpu.memory_space<vmem_shared>>) offsets(%dma_start3A_185 : memref<128xi32, #tpu.memory_space<vmem>>) semaphore(%run_scoped3A_178 : memref<!tpu.dma_semaphore, #tpu.memory_space<semaphore_mem>>) {add = true}
        %dma_wait3A_189 = arith.constant 0 : i32
        %dma_wait3A_190 = arith.constant 0 : i32
        %dma_wait3A_191 = tpu.memref_slice %arg6[%run_scoped3A, %dma_wait3A_189, %dma_wait3A_190] : memref<2x128x128xf32, #tpu.memory_space<vmem>> -> memref<1x128x128xf32, #tpu.memory_space<vmem>>
        %dma_wait3A_192 = tpu.memref_squeeze %dma_wait3A_191 : memref<1x128x128xf32, #tpu.memory_space<vmem>> -> memref<128x128xf32, #tpu.memory_space<vmem>>
        %dma_wait3A_193 = arith.constant 0 : i32
        %dma_wait3A_194 = tpu.memref_slice %arg5[%run_scoped3A_147, %run_scoped3A_148, %dma_wait3A_193] : memref<2x2x128xi32, #tpu.memory_space<vmem>> -> memref<1x1x128xi32, #tpu.memory_space<vmem>>
        %dma_wait3A_195 = tpu.memref_squeeze %dma_wait3A_194 : memref<1x1x128xi32, #tpu.memory_space<vmem>> -> memref<128xi32, #tpu.memory_space<vmem>>
        %dma_wait3A_196 = arith.constant 0 : i32
        %dma_wait3A_197 = arith.constant 0 : i32
        %dma_wait3A_198 = tpu.memref_slice %arg8[%dma_wait3A_196, %dma_wait3A_197] : memref<10008x128xf32, #tpu.memory_space<vmem_shared>> -> memref<10008x128xf32, #tpu.memory_space<vmem_shared>>
        tpu.wait_indirect_dma semaphore(%run_scoped3A_178 : memref<!tpu.dma_semaphore, #tpu.memory_space<semaphore_mem>>) src(%dma_wait3A_192 : memref<128x128xf32, #tpu.memory_space<vmem>>) dst(%dma_wait3A_198 : memref<10008x128xf32, #tpu.memory_space<vmem_shared>>)
        tpu.yield
      }) : () -> ()
      %add3A_149 = arith.constant 2 : i32
      %add3A_150 = arith.addi %mul3A_101, %add3A_149 : i32
      %lt3A = arith.constant 80 : i32
      %lt3A_151 = arith.cmpi slt, %add3A_150, %lt3A : i32
      %convert_element_type3A_152 = arith.extui %lt3A_151 : i1 to i32
      %cond3A_153 = arith.constant 0 : i32
      %cond3A_154 = arith.cmpi ne, %convert_element_type3A_152, %cond3A_153 : i32
      scf.if %cond3A_154 {
        %add3A_178 = arith.constant 2 : i32
        %add3A_179 = arith.addi %mul3A_101, %add3A_178 : i32
        %dma_start3A_180 = arith.constant 0 : i32
        %dma_start3A_181 = arith.constant 0 : i32
        %dma_start3A_182 = arith.constant 0 : i32
        %dma_start3A_183 = tpu.memref_slice %arg5[%dma_start3A_180, %dma_start3A_181, %dma_start3A_182] : memref<2x2x128xi32, #tpu.memory_space<vmem>> -> memref<1x2x128xi32, #tpu.memory_space<vmem>>
        %dma_start3A_184 = tpu.memref_squeeze %dma_start3A_183 : memref<1x2x128xi32, #tpu.memory_space<vmem>> -> memref<2x128xi32, #tpu.memory_space<vmem>>
        %dma_start3A_185 = arith.constant 0 : i32
        %dma_start3A_186 = arith.constant 0 : i32
        %dma_start3A_187 = tpu.memref_slice %arg2[%add3A, %add3A_179, %dma_start3A_185, %dma_start3A_186] : memref<32x80x2x128xi32, #tpu.memory_space<hbm>> -> memref<1x1x2x128xi32, #tpu.memory_space<hbm>>
        %dma_start3A_188 = tpu.memref_squeeze %dma_start3A_187 : memref<1x1x2x128xi32, #tpu.memory_space<hbm>> -> memref<2x128xi32, #tpu.memory_space<hbm>>
        %dma_start3A_189 = arith.constant 0 : i32
        %dma_start3A_190 = arith.constant 0 : i32
        %dma_start3A_191 = tpu.memref_slice %arg5[%dma_start3A_180, %dma_start3A_189, %dma_start3A_190] : memref<2x2x128xi32, #tpu.memory_space<vmem>> -> memref<1x2x128xi32, #tpu.memory_space<vmem>>
        %dma_start3A_192 = tpu.memref_squeeze %dma_start3A_191 : memref<1x2x128xi32, #tpu.memory_space<vmem>> -> memref<2x128xi32, #tpu.memory_space<vmem>>
        %dma_start3A_193 = arith.constant 0 : i32
        %dma_start3A_194 = arith.constant 0 : i32
        %dma_start3A_195 = tpu.memref_slice %arg2[%add3A, %add3A_179, %dma_start3A_193, %dma_start3A_194] : memref<32x80x2x128xi32, #tpu.memory_space<hbm>> -> memref<1x1x2x128xi32, #tpu.memory_space<hbm>>
        %dma_start3A_196 = tpu.memref_squeeze %dma_start3A_195 : memref<1x1x2x128xi32, #tpu.memory_space<hbm>> -> memref<2x128xi32, #tpu.memory_space<hbm>>
        tpu.enqueue_dma source(%dma_start3A_196 : memref<2x128xi32, #tpu.memory_space<hbm>>) target(%dma_start3A_192 : memref<2x128xi32, #tpu.memory_space<vmem>>) target_semaphore(%arg9 : memref<!tpu.dma_semaphore, #tpu.memory_space<semaphore_mem>>)
      } else {
      }
      %dma_wait3A_155 = arith.constant 1 : i32
      %dma_wait3A_156 = arith.constant 0 : i32
      %dma_wait3A_157 = arith.constant 1 : i32
      %dma_wait3A_158 = arith.constant 0 : i32
      %dma_wait3A_159 = arith.constant 0 : i32
      %dma_wait3A_160 = tpu.memref_slice %arg6[%dma_wait3A_157, %dma_wait3A_158, %dma_wait3A_159] : memref<2x128x128xf32, #tpu.memory_space<vmem>> -> memref<1x128x128xf32, #tpu.memory_space<vmem>>
      %dma_wait3A_161 = tpu.memref_squeeze %dma_wait3A_160 : memref<1x128x128xf32, #tpu.memory_space<vmem>> -> memref<128x128xf32, #tpu.memory_space<vmem>>
      %dma_wait3A_162 = arith.constant 0 : i32
      %dma_wait3A_163 = tpu.memref_slice %arg5[%dma_wait3A_155, %dma_wait3A_156, %dma_wait3A_162] : memref<2x2x128xi32, #tpu.memory_space<vmem>> -> memref<1x1x128xi32, #tpu.memory_space<vmem>>
      %dma_wait3A_164 = tpu.memref_squeeze %dma_wait3A_163 : memref<1x1x128xi32, #tpu.memory_space<vmem>> -> memref<128xi32, #tpu.memory_space<vmem>>
      %dma_wait3A_165 = arith.constant 0 : i32
      %dma_wait3A_166 = arith.constant 0 : i32
      %dma_wait3A_167 = tpu.memref_slice %arg3[%dma_wait3A_165, %dma_wait3A_166] : memref<10008x128xf32, #tpu.memory_space<hbm>> -> memref<10008x128xf32, #tpu.memory_space<hbm>>
      tpu.wait_indirect_dma semaphore(%arg12 : memref<!tpu.dma_semaphore, #tpu.memory_space<semaphore_mem>>) src(%dma_wait3A_167 : memref<10008x128xf32, #tpu.memory_space<hbm>>) dst(%dma_wait3A_161 : memref<128x128xf32, #tpu.memory_space<vmem>>)
      %run_scoped3A_168 = arith.constant 1 : i32
      %run_scoped3A_169 = arith.constant 1 : i32
      %run_scoped3A_170 = arith.constant 1 : i32
      "tpu.region"() ({
        %run_scoped3A_178 = tpu.sem_alloc : memref<!tpu.dma_semaphore, #tpu.memory_space<semaphore_mem>>
        %dma_start3A_179 = arith.constant 0 : i32
        %dma_start3A_180 = arith.constant 0 : i32
        %dma_start3A_181 = tpu.memref_slice %arg6[%run_scoped3A_168, %dma_start3A_179, %dma_start3A_180] : memref<2x128x128xf32, #tpu.memory_space<vmem>> -> memref<1x128x128xf32, #tpu.memory_space<vmem>>
        %dma_start3A_182 = tpu.memref_squeeze %dma_start3A_181 : memref<1x128x128xf32, #tpu.memory_space<vmem>> -> memref<128x128xf32, #tpu.memory_space<vmem>>
        %dma_start3A_183 = arith.constant 0 : i32
        %dma_start3A_184 = tpu.memref_slice %arg5[%run_scoped3A_169, %run_scoped3A_170, %dma_start3A_183] : memref<2x2x128xi32, #tpu.memory_space<vmem>> -> memref<1x1x128xi32, #tpu.memory_space<vmem>>
        %dma_start3A_185 = tpu.memref_squeeze %dma_start3A_184 : memref<1x1x128xi32, #tpu.memory_space<vmem>> -> memref<128xi32, #tpu.memory_space<vmem>>
        %dma_start3A_186 = arith.constant 0 : i32
        %dma_start3A_187 = arith.constant 0 : i32
        %dma_start3A_188 = tpu.memref_slice %arg8[%dma_start3A_186, %dma_start3A_187] : memref<10008x128xf32, #tpu.memory_space<vmem_shared>> -> memref<10008x128xf32, #tpu.memory_space<vmem_shared>>
        tpu.enqueue_indirect_dma source(%dma_start3A_182 : memref<128x128xf32, #tpu.memory_space<vmem>>) target(%dma_start3A_188 : memref<10008x128xf32, #tpu.memory_space<vmem_shared>>) offsets(%dma_start3A_185 : memref<128xi32, #tpu.memory_space<vmem>>) semaphore(%run_scoped3A_178 : memref<!tpu.dma_semaphore, #tpu.memory_space<semaphore_mem>>) {add = true}
        %dma_wait3A_189 = arith.constant 0 : i32
        %dma_wait3A_190 = arith.constant 0 : i32
        %dma_wait3A_191 = tpu.memref_slice %arg6[%run_scoped3A_168, %dma_wait3A_189, %dma_wait3A_190] : memref<2x128x128xf32, #tpu.memory_space<vmem>> -> memref<1x128x128xf32, #tpu.memory_space<vmem>>
        %dma_wait3A_192 = tpu.memref_squeeze %dma_wait3A_191 : memref<1x128x128xf32, #tpu.memory_space<vmem>> -> memref<128x128xf32, #tpu.memory_space<vmem>>
        %dma_wait3A_193 = arith.constant 0 : i32
        %dma_wait3A_194 = tpu.memref_slice %arg5[%run_scoped3A_169, %run_scoped3A_170, %dma_wait3A_193] : memref<2x2x128xi32, #tpu.memory_space<vmem>> -> memref<1x1x128xi32, #tpu.memory_space<vmem>>
        %dma_wait3A_195 = tpu.memref_squeeze %dma_wait3A_194 : memref<1x1x128xi32, #tpu.memory_space<vmem>> -> memref<128xi32, #tpu.memory_space<vmem>>
        %dma_wait3A_196 = arith.constant 0 : i32
        %dma_wait3A_197 = arith.constant 0 : i32
        %dma_wait3A_198 = tpu.memref_slice %arg8[%dma_wait3A_196, %dma_wait3A_197] : memref<10008x128xf32, #tpu.memory_space<vmem_shared>> -> memref<10008x128xf32, #tpu.memory_space<vmem_shared>>
        tpu.wait_indirect_dma semaphore(%run_scoped3A_178 : memref<!tpu.dma_semaphore, #tpu.memory_space<semaphore_mem>>) src(%dma_wait3A_192 : memref<128x128xf32, #tpu.memory_space<vmem>>) dst(%dma_wait3A_198 : memref<10008x128xf32, #tpu.memory_space<vmem_shared>>)
        tpu.yield
      }) : () -> ()
      %add3A_171 = arith.constant 2 : i32
      %add3A_172 = arith.addi %mul3A_101, %add3A_171 : i32
      %lt3A_173 = arith.constant 80 : i32
      %lt3A_174 = arith.cmpi slt, %add3A_172, %lt3A_173 : i32
      %convert_element_type3A_175 = arith.extui %lt3A_174 : i1 to i32
      %cond3A_176 = arith.constant 0 : i32
      %cond3A_177 = arith.cmpi ne, %convert_element_type3A_175, %cond3A_176 : i32
      scf.if %cond3A_177 {
        %add3A_178 = arith.constant 3 : i32
        %add3A_179 = arith.addi %mul3A_101, %add3A_178 : i32
        %dma_start3A_180 = arith.constant 1 : i32
        %dma_start3A_181 = arith.constant 0 : i32
        %dma_start3A_182 = arith.constant 0 : i32
        %dma_start3A_183 = tpu.memref_slice %arg5[%dma_start3A_180, %dma_start3A_181, %dma_start3A_182] : memref<2x2x128xi32, #tpu.memory_space<vmem>> -> memref<1x2x128xi32, #tpu.memory_space<vmem>>
        %dma_start3A_184 = tpu.memref_squeeze %dma_start3A_183 : memref<1x2x128xi32, #tpu.memory_space<vmem>> -> memref<2x128xi32, #tpu.memory_space<vmem>>
        %dma_start3A_185 = arith.constant 0 : i32
        %dma_start3A_186 = arith.constant 0 : i32
        %dma_start3A_187 = tpu.memref_slice %arg2[%add3A, %add3A_179, %dma_start3A_185, %dma_start3A_186] : memref<32x80x2x128xi32, #tpu.memory_space<hbm>> -> memref<1x1x2x128xi32, #tpu.memory_space<hbm>>
        %dma_start3A_188 = tpu.memref_squeeze %dma_start3A_187 : memref<1x1x2x128xi32, #tpu.memory_space<hbm>> -> memref<2x128xi32, #tpu.memory_space<hbm>>
        %dma_start3A_189 = arith.constant 0 : i32
        %dma_start3A_190 = arith.constant 0 : i32
        %dma_start3A_191 = tpu.memref_slice %arg5[%dma_start3A_180, %dma_start3A_189, %dma_start3A_190] : memref<2x2x128xi32, #tpu.memory_space<vmem>> -> memref<1x2x128xi32, #tpu.memory_space<vmem>>
        %dma_start3A_192 = tpu.memref_squeeze %dma_start3A_191 : memref<1x2x128xi32, #tpu.memory_space<vmem>> -> memref<2x128xi32, #tpu.memory_space<vmem>>
        %dma_start3A_193 = arith.constant 0 : i32
        %dma_start3A_194 = arith.constant 0 : i32
        %dma_start3A_195 = tpu.memref_slice %arg2[%add3A, %add3A_179, %dma_start3A_193, %dma_start3A_194] : memref<32x80x2x128xi32, #tpu.memory_space<hbm>> -> memref<1x1x2x128xi32, #tpu.memory_space<hbm>>
        %dma_start3A_196 = tpu.memref_squeeze %dma_start3A_195 : memref<1x1x2x128xi32, #tpu.memory_space<hbm>> -> memref<2x128xi32, #tpu.memory_space<hbm>>
        tpu.enqueue_dma source(%dma_start3A_196 : memref<2x128xi32, #tpu.memory_space<hbm>>) target(%dma_start3A_192 : memref<2x128xi32, #tpu.memory_space<vmem>>) target_semaphore(%arg10 : memref<!tpu.dma_semaphore, #tpu.memory_space<semaphore_mem>>)
        %add3A_197 = arith.constant 2 : i32
        %add3A_198 = arith.addi %mul3A_101, %add3A_197 : i32
        %dma_wait3A_199 = arith.constant 0 : i32
        %dma_wait3A_200 = arith.constant 0 : i32
        %dma_wait3A_201 = arith.constant 0 : i32
        %dma_wait3A_202 = tpu.memref_slice %arg5[%dma_wait3A_199, %dma_wait3A_200, %dma_wait3A_201] : memref<2x2x128xi32, #tpu.memory_space<vmem>> -> memref<1x2x128xi32, #tpu.memory_space<vmem>>
        %dma_wait3A_203 = tpu.memref_squeeze %dma_wait3A_202 : memref<1x2x128xi32, #tpu.memory_space<vmem>> -> memref<2x128xi32, #tpu.memory_space<vmem>>
        %dma_wait3A_204 = arith.constant 0 : i32
        %dma_wait3A_205 = arith.constant 0 : i32
        %dma_wait3A_206 = tpu.memref_slice %arg2[%add3A, %add3A_198, %dma_wait3A_204, %dma_wait3A_205] : memref<32x80x2x128xi32, #tpu.memory_space<hbm>> -> memref<1x1x2x128xi32, #tpu.memory_space<hbm>>
        %dma_wait3A_207 = tpu.memref_squeeze %dma_wait3A_206 : memref<1x1x2x128xi32, #tpu.memory_space<hbm>> -> memref<2x128xi32, #tpu.memory_space<hbm>>
        %dma_wait3A_208 = arith.constant 0 : i32
        %dma_wait3A_209 = arith.constant 0 : i32
        %dma_wait3A_210 = tpu.memref_slice %arg5[%dma_wait3A_199, %dma_wait3A_208, %dma_wait3A_209] : memref<2x2x128xi32, #tpu.memory_space<vmem>> -> memref<1x2x128xi32, #tpu.memory_space<vmem>>
        %dma_wait3A_211 = tpu.memref_squeeze %dma_wait3A_210 : memref<1x2x128xi32, #tpu.memory_space<vmem>> -> memref<2x128xi32, #tpu.memory_space<vmem>>
        %dma_wait3A_212 = arith.constant 0 : i32
        %dma_wait3A_213 = arith.constant 0 : i32
        %dma_wait3A_214 = tpu.memref_slice %arg2[%add3A, %add3A_198, %dma_wait3A_212, %dma_wait3A_213] : memref<32x80x2x128xi32, #tpu.memory_space<hbm>> -> memref<1x1x2x128xi32, #tpu.memory_space<hbm>>
        %dma_wait3A_215 = tpu.memref_squeeze %dma_wait3A_214 : memref<1x1x2x128xi32, #tpu.memory_space<hbm>> -> memref<2x128xi32, #tpu.memory_space<hbm>>
        tpu.wait_dma2 semaphore(%arg9 : memref<!tpu.dma_semaphore, #tpu.memory_space<semaphore_mem>>) src(%dma_wait3A_215 : memref<2x128xi32, #tpu.memory_space<hbm>>) dst(%dma_wait3A_211 : memref<2x128xi32, #tpu.memory_space<vmem>>)
        %dma_start3A_216 = arith.constant 0 : i32
        %dma_start3A_217 = arith.constant 0 : i32
        %dma_start3A_218 = arith.constant 0 : i32
        %dma_start3A_219 = arith.constant 0 : i32
        %dma_start3A_220 = arith.constant 0 : i32
        %dma_start3A_221 = tpu.memref_slice %arg6[%dma_start3A_218, %dma_start3A_219, %dma_start3A_220] : memref<2x128x128xf32, #tpu.memory_space<vmem>> -> memref<1x128x128xf32, #tpu.memory_space<vmem>>
        %dma_start3A_222 = tpu.memref_squeeze %dma_start3A_221 : memref<1x128x128xf32, #tpu.memory_space<vmem>> -> memref<128x128xf32, #tpu.memory_space<vmem>>
        %dma_start3A_223 = arith.constant 0 : i32
        %dma_start3A_224 = tpu.memref_slice %arg5[%dma_start3A_216, %dma_start3A_217, %dma_start3A_223] : memref<2x2x128xi32, #tpu.memory_space<vmem>> -> memref<1x1x128xi32, #tpu.memory_space<vmem>>
        %dma_start3A_225 = tpu.memref_squeeze %dma_start3A_224 : memref<1x1x128xi32, #tpu.memory_space<vmem>> -> memref<128xi32, #tpu.memory_space<vmem>>
        %dma_start3A_226 = arith.constant 0 : i32
        %dma_start3A_227 = arith.constant 0 : i32
        %dma_start3A_228 = tpu.memref_slice %arg3[%dma_start3A_226, %dma_start3A_227] : memref<10008x128xf32, #tpu.memory_space<hbm>> -> memref<10008x128xf32, #tpu.memory_space<hbm>>
        tpu.enqueue_indirect_dma source(%dma_start3A_228 : memref<10008x128xf32, #tpu.memory_space<hbm>>) target(%dma_start3A_222 : memref<128x128xf32, #tpu.memory_space<vmem>>) offsets(%dma_start3A_225 : memref<128xi32, #tpu.memory_space<vmem>>) semaphore(%arg11 : memref<!tpu.dma_semaphore, #tpu.memory_space<semaphore_mem>>)
      } else {
      }
    }
    %scan3A_86 = arith.constant 40 : i32
    %barrier3A_87 = arith.constant 0 : index
    tpu.barrier barrier_id(%barrier3A_87)
    %scan3A_88 = arith.constant 0 : i32
    %scan3A_89 = arith.constant 0 : i32
    %scan3A_90 = arith.constant 13 : i32
    %scan3A_91 = arith.addi %scan3A_89, %scan3A_90 : i32
    %scan3A_92 = arith.constant 1 : i32
    scf.for %scan3A_99 = %scan3A_89 to %scan3A_91 step %scan3A_92  : i32 {
      %mul3A_100 = arith.constant 48 : i32
      %mul3A_101 = arith.muli %scan3A_99, %mul3A_100 : i32
      %add3A_102 = arith.addi %mul3A_2, %mul3A_101 : i32
      %run_scoped3A = arith.constant 0 : i32
      "tpu.region"() ({
        %run_scoped3A_104 = tpu.sem_alloc : memref<!tpu.dma_semaphore, #tpu.memory_space<semaphore_mem>>
        %dma_start3A_105 = arith.constant 0 : i32
        %dma_start3A_106 = arith.constant 0 : i32
        %dma_start3A_107 = tpu.memref_slice %arg6[%run_scoped3A, %dma_start3A_105, %dma_start3A_106] : memref<2x128x128xf32, #tpu.memory_space<vmem>> -> memref<1x48x128xf32, #tpu.memory_space<vmem>>
        %dma_start3A_108 = tpu.memref_squeeze %dma_start3A_107 : memref<1x48x128xf32, #tpu.memory_space<vmem>> -> memref<48x128xf32, #tpu.memory_space<vmem>>
        %dma_start3A_109 = arith.constant 0 : i32
        %dma_start3A_110 = tpu.memref_slice %arg8[%add3A_102, %dma_start3A_109] : memref<10008x128xf32, #tpu.memory_space<vmem_shared>> -> memref<48x128xf32, #tpu.memory_space<vmem_shared>>
        %dma_start3A_111 = arith.constant 0 : i32
        %dma_start3A_112 = arith.constant 0 : i32
        %dma_start3A_113 = tpu.memref_slice %arg6[%run_scoped3A, %dma_start3A_111, %dma_start3A_112] : memref<2x128x128xf32, #tpu.memory_space<vmem>> -> memref<1x48x128xf32, #tpu.memory_space<vmem>>
        %dma_start3A_114 = tpu.memref_squeeze %dma_start3A_113 : memref<1x48x128xf32, #tpu.memory_space<vmem>> -> memref<48x128xf32, #tpu.memory_space<vmem>>
        %dma_start3A_115 = arith.constant 0 : i32
        %dma_start3A_116 = tpu.memref_slice %arg8[%add3A_102, %dma_start3A_115] : memref<10008x128xf32, #tpu.memory_space<vmem_shared>> -> memref<48x128xf32, #tpu.memory_space<vmem_shared>>
        tpu.enqueue_dma source(%dma_start3A_116 : memref<48x128xf32, #tpu.memory_space<vmem_shared>>) target(%dma_start3A_114 : memref<48x128xf32, #tpu.memory_space<vmem>>) target_semaphore(%run_scoped3A_104 : memref<!tpu.dma_semaphore, #tpu.memory_space<semaphore_mem>>)
        %dma_wait3A_117 = arith.constant 0 : i32
        %dma_wait3A_118 = arith.constant 0 : i32
        %dma_wait3A_119 = tpu.memref_slice %arg6[%run_scoped3A, %dma_wait3A_117, %dma_wait3A_118] : memref<2x128x128xf32, #tpu.memory_space<vmem>> -> memref<1x48x128xf32, #tpu.memory_space<vmem>>
        %dma_wait3A_120 = tpu.memref_squeeze %dma_wait3A_119 : memref<1x48x128xf32, #tpu.memory_space<vmem>> -> memref<48x128xf32, #tpu.memory_space<vmem>>
        %dma_wait3A_121 = arith.constant 0 : i32
        %dma_wait3A_122 = tpu.memref_slice %arg8[%add3A_102, %dma_wait3A_121] : memref<10008x128xf32, #tpu.memory_space<vmem_shared>> -> memref<48x128xf32, #tpu.memory_space<vmem_shared>>
        %dma_wait3A_123 = arith.constant 0 : i32
        %dma_wait3A_124 = arith.constant 0 : i32
        %dma_wait3A_125 = tpu.memref_slice %arg6[%run_scoped3A, %dma_wait3A_123, %dma_wait3A_124] : memref<2x128x128xf32, #tpu.memory_space<vmem>> -> memref<1x48x128xf32, #tpu.memory_space<vmem>>
        %dma_wait3A_126 = tpu.memref_squeeze %dma_wait3A_125 : memref<1x48x128xf32, #tpu.memory_space<vmem>> -> memref<48x128xf32, #tpu.memory_space<vmem>>
        %dma_wait3A_127 = arith.constant 0 : i32
        %dma_wait3A_128 = tpu.memref_slice %arg8[%add3A_102, %dma_wait3A_127] : memref<10008x128xf32, #tpu.memory_space<vmem_shared>> -> memref<48x128xf32, #tpu.memory_space<vmem_shared>>
        tpu.wait_dma2 semaphore(%run_scoped3A_104 : memref<!tpu.dma_semaphore, #tpu.memory_space<semaphore_mem>>) src(%dma_wait3A_128 : memref<48x128xf32, #tpu.memory_space<vmem_shared>>) dst(%dma_wait3A_126 : memref<48x128xf32, #tpu.memory_space<vmem>>)
        tpu.yield
      }) : () -> ()
      %run_scoped3A_103 = arith.constant 0 : i32
      "tpu.region"() ({
        %run_scoped3A_104 = tpu.sem_alloc : memref<!tpu.dma_semaphore, #tpu.memory_space<semaphore_mem>>
        %dma_start3A_105 = arith.constant 0 : i32
        %dma_start3A_106 = arith.constant 0 : i32
        %dma_start3A_107 = tpu.memref_slice %arg6[%run_scoped3A_103, %dma_start3A_105, %dma_start3A_106] : memref<2x128x128xf32, #tpu.memory_space<vmem>> -> memref<1x48x128xf32, #tpu.memory_space<vmem>>
        %dma_start3A_108 = tpu.memref_squeeze %dma_start3A_107 : memref<1x48x128xf32, #tpu.memory_space<vmem>> -> memref<48x128xf32, #tpu.memory_space<vmem>>
        %dma_start3A_109 = arith.constant 0 : i32
        %dma_start3A_110 = tpu.memref_slice %arg4[%arg0, %add3A_102, %dma_start3A_109] : memref<2x10000x128xf32, #tpu.memory_space<hbm>> -> memref<1x48x128xf32, #tpu.memory_space<hbm>>
        %dma_start3A_111 = tpu.memref_squeeze %dma_start3A_110 : memref<1x48x128xf32, #tpu.memory_space<hbm>> -> memref<48x128xf32, #tpu.memory_space<hbm>>
        %dma_start3A_112 = arith.constant 0 : i32
        %dma_start3A_113 = tpu.memref_slice %arg4[%arg0, %add3A_102, %dma_start3A_112] : memref<2x10000x128xf32, #tpu.memory_space<hbm>> -> memref<1x48x128xf32, #tpu.memory_space<hbm>>
        %dma_start3A_114 = tpu.memref_squeeze %dma_start3A_113 : memref<1x48x128xf32, #tpu.memory_space<hbm>> -> memref<48x128xf32, #tpu.memory_space<hbm>>
        %dma_start3A_115 = arith.constant 0 : i32
        %dma_start3A_116 = arith.constant 0 : i32
        %dma_start3A_117 = tpu.memref_slice %arg6[%run_scoped3A_103, %dma_start3A_115, %dma_start3A_116] : memref<2x128x128xf32, #tpu.memory_space<vmem>> -> memref<1x48x128xf32, #tpu.memory_space<vmem>>
        %dma_start3A_118 = tpu.memref_squeeze %dma_start3A_117 : memref<1x48x128xf32, #tpu.memory_space<vmem>> -> memref<48x128xf32, #tpu.memory_space<vmem>>
        tpu.enqueue_dma source(%dma_start3A_118 : memref<48x128xf32, #tpu.memory_space<vmem>>) target(%dma_start3A_114 : memref<48x128xf32, #tpu.memory_space<hbm>>) target_semaphore(%run_scoped3A_104 : memref<!tpu.dma_semaphore, #tpu.memory_space<semaphore_mem>>)
        %dma_wait3A_119 = arith.constant 0 : i32
        %dma_wait3A_120 = arith.constant 0 : i32
        %dma_wait3A_121 = tpu.memref_slice %arg6[%run_scoped3A_103, %dma_wait3A_119, %dma_wait3A_120] : memref<2x128x128xf32, #tpu.memory_space<vmem>> -> memref<1x48x128xf32, #tpu.memory_space<vmem>>
        %dma_wait3A_122 = tpu.memref_squeeze %dma_wait3A_121 : memref<1x48x128xf32, #tpu.memory_space<vmem>> -> memref<48x128xf32, #tpu.memory_space<vmem>>
        %dma_wait3A_123 = arith.constant 0 : i32
        %dma_wait3A_124 = tpu.memref_slice %arg4[%arg0, %add3A_102, %dma_wait3A_123] : memref<2x10000x128xf32, #tpu.memory_space<hbm>> -> memref<1x48x128xf32, #tpu.memory_space<hbm>>
        %dma_wait3A_125 = tpu.memref_squeeze %dma_wait3A_124 : memref<1x48x128xf32, #tpu.memory_space<hbm>> -> memref<48x128xf32, #tpu.memory_space<hbm>>
        %dma_wait3A_126 = arith.constant 0 : i32
        %dma_wait3A_127 = tpu.memref_slice %arg4[%arg0, %add3A_102, %dma_wait3A_126] : memref<2x10000x128xf32, #tpu.memory_space<hbm>> -> memref<1x48x128xf32, #tpu.memory_space<hbm>>
        %dma_wait3A_128 = tpu.memref_squeeze %dma_wait3A_127 : memref<1x48x128xf32, #tpu.memory_space<hbm>> -> memref<48x128xf32, #tpu.memory_space<hbm>>
        %dma_wait3A_129 = arith.constant 0 : i32
        %dma_wait3A_130 = arith.constant 0 : i32
        %dma_wait3A_131 = tpu.memref_slice %arg6[%run_scoped3A_103, %dma_wait3A_129, %dma_wait3A_130] : memref<2x128x128xf32, #tpu.memory_space<vmem>> -> memref<1x48x128xf32, #tpu.memory_space<vmem>>
        %dma_wait3A_132 = tpu.memref_squeeze %dma_wait3A_131 : memref<1x48x128xf32, #tpu.memory_space<vmem>> -> memref<48x128xf32, #tpu.memory_space<vmem>>
        tpu.wait_dma2 semaphore(%run_scoped3A_104 : memref<!tpu.dma_semaphore, #tpu.memory_space<semaphore_mem>>) src(%dma_wait3A_132 : memref<48x128xf32, #tpu.memory_space<vmem>>) dst(%dma_wait3A_128 : memref<48x128xf32, #tpu.memory_space<hbm>>)
        tpu.yield
      }) : () -> ()
    }
    %scan3A_93 = arith.constant 13 : i32
    %eq3A_94 = arith.constant 15 : i32
    %eq3A_95 = arith.cmpi eq, %arg1, %eq3A_94 : i32
    %convert_element_type3A_96 = arith.extui %eq3A_95 : i1 to i32
    %cond3A_97 = arith.constant 0 : i32
    %cond3A_98 = arith.cmpi ne, %convert_element_type3A_96, %cond3A_97 : i32
    scf.if %cond3A_98 {
      %run_scoped3A = arith.constant 0 : i32
      "tpu.region"() ({
        %run_scoped3A_100 = tpu.sem_alloc : memref<!tpu.dma_semaphore, #tpu.memory_space<semaphore_mem>>
        %dma_start3A_101 = arith.constant 0 : i32
        %dma_start3A_102 = arith.constant 0 : i32
        %dma_start3A_103 = tpu.memref_slice %arg6[%run_scoped3A, %dma_start3A_101, %dma_start3A_102] : memref<2x128x128xf32, #tpu.memory_space<vmem>> -> memref<1x16x128xf32, #tpu.memory_space<vmem>>
        %dma_start3A_104 = tpu.memref_squeeze %dma_start3A_103 : memref<1x16x128xf32, #tpu.memory_space<vmem>> -> memref<16x128xf32, #tpu.memory_space<vmem>>
        %dma_start3A_105 = arith.constant 9984 : i32
        %dma_start3A_106 = arith.constant 0 : i32
        %dma_start3A_107 = tpu.memref_slice %arg8[%dma_start3A_105, %dma_start3A_106] : memref<10008x128xf32, #tpu.memory_space<vmem_shared>> -> memref<16x128xf32, #tpu.memory_space<vmem_shared>>
        %dma_start3A_108 = arith.constant 0 : i32
        %dma_start3A_109 = arith.constant 0 : i32
        %dma_start3A_110 = tpu.memref_slice %arg6[%run_scoped3A, %dma_start3A_108, %dma_start3A_109] : memref<2x128x128xf32, #tpu.memory_space<vmem>> -> memref<1x16x128xf32, #tpu.memory_space<vmem>>
        %dma_start3A_111 = tpu.memref_squeeze %dma_start3A_110 : memref<1x16x128xf32, #tpu.memory_space<vmem>> -> memref<16x128xf32, #tpu.memory_space<vmem>>
        %dma_start3A_112 = arith.constant 9984 : i32
        %dma_start3A_113 = arith.constant 0 : i32
        %dma_start3A_114 = tpu.memref_slice %arg8[%dma_start3A_112, %dma_start3A_113] : memref<10008x128xf32, #tpu.memory_space<vmem_shared>> -> memref<16x128xf32, #tpu.memory_space<vmem_shared>>
        tpu.enqueue_dma source(%dma_start3A_114 : memref<16x128xf32, #tpu.memory_space<vmem_shared>>) target(%dma_start3A_111 : memref<16x128xf32, #tpu.memory_space<vmem>>) target_semaphore(%run_scoped3A_100 : memref<!tpu.dma_semaphore, #tpu.memory_space<semaphore_mem>>)
        %dma_wait3A_115 = arith.constant 0 : i32
        %dma_wait3A_116 = arith.constant 0 : i32
        %dma_wait3A_117 = tpu.memref_slice %arg6[%run_scoped3A, %dma_wait3A_115, %dma_wait3A_116] : memref<2x128x128xf32, #tpu.memory_space<vmem>> -> memref<1x16x128xf32, #tpu.memory_space<vmem>>
        %dma_wait3A_118 = tpu.memref_squeeze %dma_wait3A_117 : memref<1x16x128xf32, #tpu.memory_space<vmem>> -> memref<16x128xf32, #tpu.memory_space<vmem>>
        %dma_wait3A_119 = arith.constant 9984 : i32
        %dma_wait3A_120 = arith.constant 0 : i32
        %dma_wait3A_121 = tpu.memref_slice %arg8[%dma_wait3A_119, %dma_wait3A_120] : memref<10008x128xf32, #tpu.memory_space<vmem_shared>> -> memref<16x128xf32, #tpu.memory_space<vmem_shared>>
        %dma_wait3A_122 = arith.constant 0 : i32
        %dma_wait3A_123 = arith.constant 0 : i32
        %dma_wait3A_124 = tpu.memref_slice %arg6[%run_scoped3A, %dma_wait3A_122, %dma_wait3A_123] : memref<2x128x128xf32, #tpu.memory_space<vmem>> -> memref<1x16x128xf32, #tpu.memory_space<vmem>>
        %dma_wait3A_125 = tpu.memref_squeeze %dma_wait3A_124 : memref<1x16x128xf32, #tpu.memory_space<vmem>> -> memref<16x128xf32, #tpu.memory_space<vmem>>
        %dma_wait3A_126 = arith.constant 9984 : i32
        %dma_wait3A_127 = arith.constant 0 : i32
        %dma_wait3A_128 = tpu.memref_slice %arg8[%dma_wait3A_126, %dma_wait3A_127] : memref<10008x128xf32, #tpu.memory_space<vmem_shared>> -> memref<16x128xf32, #tpu.memory_space<vmem_shared>>
        tpu.wait_dma2 semaphore(%run_scoped3A_100 : memref<!tpu.dma_semaphore, #tpu.memory_space<semaphore_mem>>) src(%dma_wait3A_128 : memref<16x128xf32, #tpu.memory_space<vmem_shared>>) dst(%dma_wait3A_125 : memref<16x128xf32, #tpu.memory_space<vmem>>)
        tpu.yield
      }) : () -> ()
      %run_scoped3A_99 = arith.constant 0 : i32
      "tpu.region"() ({
        %run_scoped3A_100 = tpu.sem_alloc : memref<!tpu.dma_semaphore, #tpu.memory_space<semaphore_mem>>
        %dma_start3A_101 = arith.constant 0 : i32
        %dma_start3A_102 = arith.constant 0 : i32
        %dma_start3A_103 = tpu.memref_slice %arg6[%run_scoped3A_99, %dma_start3A_101, %dma_start3A_102] : memref<2x128x128xf32, #tpu.memory_space<vmem>> -> memref<1x16x128xf32, #tpu.memory_space<vmem>>
        %dma_start3A_104 = tpu.memref_squeeze %dma_start3A_103 : memref<1x16x128xf32, #tpu.memory_space<vmem>> -> memref<16x128xf32, #tpu.memory_space<vmem>>
        %dma_start3A_105 = arith.constant 9984 : i32
        %dma_start3A_106 = arith.constant 0 : i32
        %dma_start3A_107 = tpu.memref_slice %arg4[%arg0, %dma_start3A_105, %dma_start3A_106] : memref<2x10000x128xf32, #tpu.memory_space<hbm>> -> memref<1x16x128xf32, #tpu.memory_space<hbm>>
        %dma_start3A_108 = tpu.memref_squeeze %dma_start3A_107 : memref<1x16x128xf32, #tpu.memory_space<hbm>> -> memref<16x128xf32, #tpu.memory_space<hbm>>
        %dma_start3A_109 = arith.constant 9984 : i32
        %dma_start3A_110 = arith.constant 0 : i32
        %dma_start3A_111 = tpu.memref_slice %arg4[%arg0, %dma_start3A_109, %dma_start3A_110] : memref<2x10000x128xf32, #tpu.memory_space<hbm>> -> memref<1x16x128xf32, #tpu.memory_space<hbm>>
        %dma_start3A_112 = tpu.memref_squeeze %dma_start3A_111 : memref<1x16x128xf32, #tpu.memory_space<hbm>> -> memref<16x128xf32, #tpu.memory_space<hbm>>
        %dma_start3A_113 = arith.constant 0 : i32
        %dma_start3A_114 = arith.constant 0 : i32
        %dma_start3A_115 = tpu.memref_slice %arg6[%run_scoped3A_99, %dma_start3A_113, %dma_start3A_114] : memref<2x128x128xf32, #tpu.memory_space<vmem>> -> memref<1x16x128xf32, #tpu.memory_space<vmem>>
        %dma_start3A_116 = tpu.memref_squeeze %dma_start3A_115 : memref<1x16x128xf32, #tpu.memory_space<vmem>> -> memref<16x128xf32, #tpu.memory_space<vmem>>
        tpu.enqueue_dma source(%dma_start3A_116 : memref<16x128xf32, #tpu.memory_space<vmem>>) target(%dma_start3A_112 : memref<16x128xf32, #tpu.memory_space<hbm>>) target_semaphore(%run_scoped3A_100 : memref<!tpu.dma_semaphore, #tpu.memory_space<semaphore_mem>>)
        %dma_wait3A_117 = arith.constant 0 : i32
        %dma_wait3A_118 = arith.constant 0 : i32
        %dma_wait3A_119 = tpu.memref_slice %arg6[%run_scoped3A_99, %dma_wait3A_117, %dma_wait3A_118] : memref<2x128x128xf32, #tpu.memory_space<vmem>> -> memref<1x16x128xf32, #tpu.memory_space<vmem>>
        %dma_wait3A_120 = tpu.memref_squeeze %dma_wait3A_119 : memref<1x16x128xf32, #tpu.memory_space<vmem>> -> memref<16x128xf32, #tpu.memory_space<vmem>>
        %dma_wait3A_121 = arith.constant 9984 : i32
        %dma_wait3A_122 = arith.constant 0 : i32
        %dma_wait3A_123 = tpu.memref_slice %arg4[%arg0, %dma_wait3A_121, %dma_wait3A_122] : memref<2x10000x128xf32, #tpu.memory_space<hbm>> -> memref<1x16x128xf32, #tpu.memory_space<hbm>>
        %dma_wait3A_124 = tpu.memref_squeeze %dma_wait3A_123 : memref<1x16x128xf32, #tpu.memory_space<hbm>> -> memref<16x128xf32, #tpu.memory_space<hbm>>
        %dma_wait3A_125 = arith.constant 9984 : i32
        %dma_wait3A_126 = arith.constant 0 : i32
        %dma_wait3A_127 = tpu.memref_slice %arg4[%arg0, %dma_wait3A_125, %dma_wait3A_126] : memref<2x10000x128xf32, #tpu.memory_space<hbm>> -> memref<1x16x128xf32, #tpu.memory_space<hbm>>
        %dma_wait3A_128 = tpu.memref_squeeze %dma_wait3A_127 : memref<1x16x128xf32, #tpu.memory_space<hbm>> -> memref<16x128xf32, #tpu.memory_space<hbm>>
        %dma_wait3A_129 = arith.constant 0 : i32
        %dma_wait3A_130 = arith.constant 0 : i32
        %dma_wait3A_131 = tpu.memref_slice %arg6[%run_scoped3A_99, %dma_wait3A_129, %dma_wait3A_130] : memref<2x128x128xf32, #tpu.memory_space<vmem>> -> memref<1x16x128xf32, #tpu.memory_space<vmem>>
        %dma_wait3A_132 = tpu.memref_squeeze %dma_wait3A_131 : memref<1x16x128xf32, #tpu.memory_space<vmem>> -> memref<16x128xf32, #tpu.memory_space<vmem>>
        tpu.wait_dma2 semaphore(%run_scoped3A_100 : memref<!tpu.dma_semaphore, #tpu.memory_space<semaphore_mem>>) src(%dma_wait3A_132 : memref<16x128xf32, #tpu.memory_space<vmem>>) dst(%dma_wait3A_128 : memref<16x128xf32, #tpu.memory_space<hbm>>)
        tpu.yield
      }) : () -> ()
    } else {
    }
    return
  }
}

#map = affine_map<(d0, d1) -> (0, 0, 0, 0)>
#map1 = affine_map<(d0, d1) -> (0)>
module attributes {stable_mosaic.version = 14 : i64} {
  func.func @_deg_sc(%arg0: i32, %arg1: i32, %arg2: memref<32x80x2x128xi32, #tpu.memory_space<hbm>>, %arg3: memref<10000xf32, #tpu.memory_space<hbm>>, %arg4: memref<10000xf32, #tpu.memory_space<hbm>>, %arg5: memref<80x2x128xi32, #tpu.memory_space<vmem>>, %arg6: memref<128xf32, #tpu.memory_space<vmem>>, %arg7: memref<1024xf32, #tpu.memory_space<vmem>>, %arg8: memref<10008xf32, #tpu.memory_space<vmem_shared>>) attributes {dimension_semantics = [#tpu.dimension_semantics<core_parallel>, #tpu.dimension_semantics<subcore_parallel>], iteration_bounds = array<i64: 2, 16>, scalar_prefetch = 0 : i64, scratch_operands = 4 : i64, tpu.core_type = #tpu.core_type<sc_vector_subcore>, window_params = [{transform_indices = #map}, {transform_indices = #map1}, {transform_indices = #map1}]} {
    %mul3A = arith.constant 2 : i32
    %mul3A_0 = arith.muli %arg1, %mul3A : i32
    %add3A = arith.addi %mul3A_0, %arg0 : i32
    %broadcast_in_dim3A = arith.constant 1.000000e+00 : f32
    %broadcast_in_dim3A_1 = vector.broadcast %broadcast_in_dim3A : f32 to vector<16xf32>
    %swap3A = arith.constant 0 : index
    %swap3A_2 = tpu.vector_load %arg6[%swap3A] {strides = array<i32>} : memref<128xf32, #tpu.memory_space<vmem>>, vector<16xf32>,
    %swap3A_3 = vector.shape_cast %swap3A_2 : vector<16xf32> to vector<16xf32>
    %swap3A_4 = vector.shape_cast %broadcast_in_dim3A_1 : vector<16xf32> to vector<16xf32>
    tpu.vector_store %arg6[%swap3A], %swap3A_4 {strides = array<i32>} : memref<128xf32, #tpu.memory_space<vmem>>, vector<16xf32>,
    %broadcast_in_dim3A_5 = arith.constant 1.000000e+00 : f32
    %broadcast_in_dim3A_6 = vector.broadcast %broadcast_in_dim3A_5 : f32 to vector<16xf32>
    %swap3A_7 = arith.constant 16 : index
    %swap3A_8 = tpu.vector_load %arg6[%swap3A_7] {strides = array<i32>} : memref<128xf32, #tpu.memory_space<vmem>>, vector<16xf32>,
    %swap3A_9 = vector.shape_cast %swap3A_8 : vector<16xf32> to vector<16xf32>
    %swap3A_10 = vector.shape_cast %broadcast_in_dim3A_6 : vector<16xf32> to vector<16xf32>
    tpu.vector_store %arg6[%swap3A_7], %swap3A_10 {strides = array<i32>} : memref<128xf32, #tpu.memory_space<vmem>>, vector<16xf32>,
    %broadcast_in_dim3A_11 = arith.constant 1.000000e+00 : f32
    %broadcast_in_dim3A_12 = vector.broadcast %broadcast_in_dim3A_11 : f32 to vector<16xf32>
    %swap3A_13 = arith.constant 32 : index
    %swap3A_14 = tpu.vector_load %arg6[%swap3A_13] {strides = array<i32>} : memref<128xf32, #tpu.memory_space<vmem>>, vector<16xf32>,
    %swap3A_15 = vector.shape_cast %swap3A_14 : vector<16xf32> to vector<16xf32>
    %swap3A_16 = vector.shape_cast %broadcast_in_dim3A_12 : vector<16xf32> to vector<16xf32>
    tpu.vector_store %arg6[%swap3A_13], %swap3A_16 {strides = array<i32>} : memref<128xf32, #tpu.memory_space<vmem>>, vector<16xf32>,
    %broadcast_in_dim3A_17 = arith.constant 1.000000e+00 : f32
    %broadcast_in_dim3A_18 = vector.broadcast %broadcast_in_dim3A_17 : f32 to vector<16xf32>
    %swap3A_19 = arith.constant 48 : index
    %swap3A_20 = tpu.vector_load %arg6[%swap3A_19] {strides = array<i32>} : memref<128xf32, #tpu.memory_space<vmem>>, vector<16xf32>,
    %swap3A_21 = vector.shape_cast %swap3A_20 : vector<16xf32> to vector<16xf32>
    %swap3A_22 = vector.shape_cast %broadcast_in_dim3A_18 : vector<16xf32> to vector<16xf32>
    tpu.vector_store %arg6[%swap3A_19], %swap3A_22 {strides = array<i32>} : memref<128xf32, #tpu.memory_space<vmem>>, vector<16xf32>,
    %broadcast_in_dim3A_23 = arith.constant 1.000000e+00 : f32
    %broadcast_in_dim3A_24 = vector.broadcast %broadcast_in_dim3A_23 : f32 to vector<16xf32>
    %swap3A_25 = arith.constant 64 : index
    %swap3A_26 = tpu.vector_load %arg6[%swap3A_25] {strides = array<i32>} : memref<128xf32, #tpu.memory_space<vmem>>, vector<16xf32>,
    %swap3A_27 = vector.shape_cast %swap3A_26 : vector<16xf32> to vector<16xf32>
    %swap3A_28 = vector.shape_cast %broadcast_in_dim3A_24 : vector<16xf32> to vector<16xf32>
    tpu.vector_store %arg6[%swap3A_25], %swap3A_28 {strides = array<i32>} : memref<128xf32, #tpu.memory_space<vmem>>, vector<16xf32>,
    %broadcast_in_dim3A_29 = arith.constant 1.000000e+00 : f32
    %broadcast_in_dim3A_30 = vector.broadcast %broadcast_in_dim3A_29 : f32 to vector<16xf32>
    %swap3A_31 = arith.constant 80 : index
    %swap3A_32 = tpu.vector_load %arg6[%swap3A_31] {strides = array<i32>} : memref<128xf32, #tpu.memory_space<vmem>>, vector<16xf32>,
    %swap3A_33 = vector.shape_cast %swap3A_32 : vector<16xf32> to vector<16xf32>
    %swap3A_34 = vector.shape_cast %broadcast_in_dim3A_30 : vector<16xf32> to vector<16xf32>
    tpu.vector_store %arg6[%swap3A_31], %swap3A_34 {strides = array<i32>} : memref<128xf32, #tpu.memory_space<vmem>>, vector<16xf32>,
    %broadcast_in_dim3A_35 = arith.constant 1.000000e+00 : f32
    %broadcast_in_dim3A_36 = vector.broadcast %broadcast_in_dim3A_35 : f32 to vector<16xf32>
    %swap3A_37 = arith.constant 96 : index
    %swap3A_38 = tpu.vector_load %arg6[%swap3A_37] {strides = array<i32>} : memref<128xf32, #tpu.memory_space<vmem>>, vector<16xf32>,
    %swap3A_39 = vector.shape_cast %swap3A_38 : vector<16xf32> to vector<16xf32>
    %swap3A_40 = vector.shape_cast %broadcast_in_dim3A_36 : vector<16xf32> to vector<16xf32>
    tpu.vector_store %arg6[%swap3A_37], %swap3A_40 {strides = array<i32>} : memref<128xf32, #tpu.memory_space<vmem>>, vector<16xf32>,
    %broadcast_in_dim3A_41 = arith.constant 1.000000e+00 : f32
    %broadcast_in_dim3A_42 = vector.broadcast %broadcast_in_dim3A_41 : f32 to vector<16xf32>
    %swap3A_43 = arith.constant 112 : index
    %swap3A_44 = tpu.vector_load %arg6[%swap3A_43] {strides = array<i32>} : memref<128xf32, #tpu.memory_space<vmem>>, vector<16xf32>,
    %swap3A_45 = vector.shape_cast %swap3A_44 : vector<16xf32> to vector<16xf32>
    %swap3A_46 = vector.shape_cast %broadcast_in_dim3A_42 : vector<16xf32> to vector<16xf32>
    tpu.vector_store %arg6[%swap3A_43], %swap3A_46 {strides = array<i32>} : memref<128xf32, #tpu.memory_space<vmem>>, vector<16xf32>,
    %scan3A = arith.constant 0 : i32
    %scan3A_47 = arith.constant 0 : i32
    %scan3A_48 = arith.constant 64 : i32
    %scan3A_49 = arith.addi %scan3A_47, %scan3A_48 : i32
    %scan3A_50 = arith.constant 1 : i32
    scf.for %scan3A_66 = %scan3A_47 to %scan3A_49 step %scan3A_50  : i32 {
      %broadcast_in_dim3A_67 = arith.constant 0.000000e+00 : f32
      %broadcast_in_dim3A_68 = vector.broadcast %broadcast_in_dim3A_67 : f32 to vector<16xf32>
      %mul3A_69 = arith.constant 16 : i32
      %mul3A_70 = arith.muli %scan3A_66, %mul3A_69 : i32
      %swap3A_71 = arith.index_cast %mul3A_70 : i32 to index
      %swap3A_72 = tpu.vector_load %arg7[%swap3A_71] {strides = array<i32>} : memref<1024xf32, #tpu.memory_space<vmem>>, vector<16xf32>,
      %swap3A_73 = vector.shape_cast %swap3A_72 : vector<16xf32> to vector<16xf32>
      %swap3A_74 = vector.shape_cast %broadcast_in_dim3A_68 : vector<16xf32> to vector<16xf32>
      tpu.vector_store %arg7[%swap3A_71], %swap3A_74 {strides = array<i32>} : memref<1024xf32, #tpu.memory_space<vmem>>, vector<16xf32>,
    }
    %scan3A_51 = arith.constant 64 : i32
    %lt3A = arith.constant 10 : i32
    %lt3A_52 = arith.cmpi slt, %arg1, %lt3A : i32
    %convert_element_type3A = arith.extui %lt3A_52 : i1 to i32
    %cond3A = arith.constant 0 : i32
    %cond3A_53 = arith.cmpi ne, %convert_element_type3A, %cond3A : i32
    scf.if %cond3A_53 {
      %mul3A_66 = arith.constant 1000 : i32
      %mul3A_67 = arith.muli %arg1, %mul3A_66 : i32
      "tpu.region"() ({
        %run_scoped3A = tpu.sem_alloc : memref<!tpu.dma_semaphore, #tpu.memory_space<semaphore_mem>>
        %dma_start3A = arith.constant 0 : i32
        %dma_start3A_68 = tpu.memref_slice %arg7[%dma_start3A] : memref<1024xf32, #tpu.memory_space<vmem>> -> memref<1000xf32, #tpu.memory_space<vmem>>
        %dma_start3A_69 = tpu.memref_slice %arg8[%mul3A_67] : memref<10008xf32, #tpu.memory_space<vmem_shared>> -> memref<1000xf32, #tpu.memory_space<vmem_shared>>
        %dma_start3A_70 = tpu.memref_slice %arg8[%mul3A_67] : memref<10008xf32, #tpu.memory_space<vmem_shared>> -> memref<1000xf32, #tpu.memory_space<vmem_shared>>
        %dma_start3A_71 = arith.constant 0 : i32
        %dma_start3A_72 = tpu.memref_slice %arg7[%dma_start3A_71] : memref<1024xf32, #tpu.memory_space<vmem>> -> memref<1000xf32, #tpu.memory_space<vmem>>
        tpu.enqueue_dma source(%dma_start3A_72 : memref<1000xf32, #tpu.memory_space<vmem>>) target(%dma_start3A_70 : memref<1000xf32, #tpu.memory_space<vmem_shared>>) target_semaphore(%run_scoped3A : memref<!tpu.dma_semaphore, #tpu.memory_space<semaphore_mem>>)
        %dma_wait3A = arith.constant 0 : i32
        %dma_wait3A_73 = tpu.memref_slice %arg7[%dma_wait3A] : memref<1024xf32, #tpu.memory_space<vmem>> -> memref<1000xf32, #tpu.memory_space<vmem>>
        %dma_wait3A_74 = tpu.memref_slice %arg8[%mul3A_67] : memref<10008xf32, #tpu.memory_space<vmem_shared>> -> memref<1000xf32, #tpu.memory_space<vmem_shared>>
        %dma_wait3A_75 = tpu.memref_slice %arg8[%mul3A_67] : memref<10008xf32, #tpu.memory_space<vmem_shared>> -> memref<1000xf32, #tpu.memory_space<vmem_shared>>
        %dma_wait3A_76 = arith.constant 0 : i32
        %dma_wait3A_77 = tpu.memref_slice %arg7[%dma_wait3A_76] : memref<1024xf32, #tpu.memory_space<vmem>> -> memref<1000xf32, #tpu.memory_space<vmem>>
        tpu.wait_dma2 semaphore(%run_scoped3A : memref<!tpu.dma_semaphore, #tpu.memory_space<semaphore_mem>>) src(%dma_wait3A_77 : memref<1000xf32, #tpu.memory_space<vmem>>) dst(%dma_wait3A_75 : memref<1000xf32, #tpu.memory_space<vmem_shared>>)
        tpu.yield
      }) : () -> ()
    } else {
    }
    "tpu.region"() ({
      %run_scoped3A = tpu.sem_alloc : memref<!tpu.dma_semaphore, #tpu.memory_space<semaphore_mem>>
      %dma_start3A = arith.constant 0 : i32
      %dma_start3A_66 = arith.constant 0 : i32
      %dma_start3A_67 = arith.constant 0 : i32
      %dma_start3A_68 = tpu.memref_slice %arg2[%add3A, %dma_start3A, %dma_start3A_66, %dma_start3A_67] : memref<32x80x2x128xi32, #tpu.memory_space<hbm>> -> memref<1x80x2x128xi32, #tpu.memory_space<hbm>>
      %dma_start3A_69 = tpu.memref_squeeze %dma_start3A_68 : memref<1x80x2x128xi32, #tpu.memory_space<hbm>> -> memref<80x2x128xi32, #tpu.memory_space<hbm>>
      %dma_start3A_70 = arith.constant 0 : i32
      %dma_start3A_71 = arith.constant 0 : i32
      %dma_start3A_72 = arith.constant 0 : i32
      %dma_start3A_73 = tpu.memref_slice %arg2[%add3A, %dma_start3A_70, %dma_start3A_71, %dma_start3A_72] : memref<32x80x2x128xi32, #tpu.memory_space<hbm>> -> memref<1x80x2x128xi32, #tpu.memory_space<hbm>>
      %dma_start3A_74 = tpu.memref_squeeze %dma_start3A_73 : memref<1x80x2x128xi32, #tpu.memory_space<hbm>> -> memref<80x2x128xi32, #tpu.memory_space<hbm>>
      tpu.enqueue_dma source(%dma_start3A_74 : memref<80x2x128xi32, #tpu.memory_space<hbm>>) target(%arg5 : memref<80x2x128xi32, #tpu.memory_space<vmem>>) target_semaphore(%run_scoped3A : memref<!tpu.dma_semaphore, #tpu.memory_space<semaphore_mem>>)
      %dma_wait3A = arith.constant 0 : i32
      %dma_wait3A_75 = arith.constant 0 : i32
      %dma_wait3A_76 = arith.constant 0 : i32
      %dma_wait3A_77 = tpu.memref_slice %arg2[%add3A, %dma_wait3A, %dma_wait3A_75, %dma_wait3A_76] : memref<32x80x2x128xi32, #tpu.memory_space<hbm>> -> memref<1x80x2x128xi32, #tpu.memory_space<hbm>>
      %dma_wait3A_78 = tpu.memref_squeeze %dma_wait3A_77 : memref<1x80x2x128xi32, #tpu.memory_space<hbm>> -> memref<80x2x128xi32, #tpu.memory_space<hbm>>
      %dma_wait3A_79 = arith.constant 0 : i32
      %dma_wait3A_80 = arith.constant 0 : i32
      %dma_wait3A_81 = arith.constant 0 : i32
      %dma_wait3A_82 = tpu.memref_slice %arg2[%add3A, %dma_wait3A_79, %dma_wait3A_80, %dma_wait3A_81] : memref<32x80x2x128xi32, #tpu.memory_space<hbm>> -> memref<1x80x2x128xi32, #tpu.memory_space<hbm>>
      %dma_wait3A_83 = tpu.memref_squeeze %dma_wait3A_82 : memref<1x80x2x128xi32, #tpu.memory_space<hbm>> -> memref<80x2x128xi32, #tpu.memory_space<hbm>>
      tpu.wait_dma2 semaphore(%run_scoped3A : memref<!tpu.dma_semaphore, #tpu.memory_space<semaphore_mem>>) src(%dma_wait3A_83 : memref<80x2x128xi32, #tpu.memory_space<hbm>>) dst(%arg5 : memref<80x2x128xi32, #tpu.memory_space<vmem>>)
      tpu.yield
    }) : () -> ()
    %barrier3A = arith.constant 0 : index
    tpu.barrier barrier_id(%barrier3A)
    %scan3A_54 = arith.constant 0 : i32
    %scan3A_55 = arith.constant 0 : i32
    %scan3A_56 = arith.constant 80 : i32
    %scan3A_57 = arith.addi %scan3A_55, %scan3A_56 : i32
    %scan3A_58 = arith.constant 1 : i32
    scf.for %scan3A_66 = %scan3A_55 to %scan3A_57 step %scan3A_58  : i32 {
      %run_scoped3A = arith.constant 1 : i32
      "tpu.region"() ({
        %run_scoped3A_67 = tpu.sem_alloc : memref<!tpu.dma_semaphore, #tpu.memory_space<semaphore_mem>>
        %dma_start3A = arith.constant 0 : i32
        %dma_start3A_68 = tpu.memref_slice %arg5[%scan3A_66, %run_scoped3A, %dma_start3A] : memref<80x2x128xi32, #tpu.memory_space<vmem>> -> memref<1x1x128xi32, #tpu.memory_space<vmem>>
        %dma_start3A_69 = tpu.memref_squeeze %dma_start3A_68 : memref<1x1x128xi32, #tpu.memory_space<vmem>> -> memref<128xi32, #tpu.memory_space<vmem>>
        %dma_start3A_70 = arith.constant 0 : i32
        %dma_start3A_71 = tpu.memref_slice %arg8[%dma_start3A_70] : memref<10008xf32, #tpu.memory_space<vmem_shared>> -> memref<10008xf32, #tpu.memory_space<vmem_shared>>
        tpu.enqueue_indirect_dma source(%arg6 : memref<128xf32, #tpu.memory_space<vmem>>) target(%dma_start3A_71 : memref<10008xf32, #tpu.memory_space<vmem_shared>>) offsets(%dma_start3A_69 : memref<128xi32, #tpu.memory_space<vmem>>) semaphore(%run_scoped3A_67 : memref<!tpu.dma_semaphore, #tpu.memory_space<semaphore_mem>>) {add = true}
        %dma_wait3A = arith.constant 0 : i32
        %dma_wait3A_72 = tpu.memref_slice %arg5[%scan3A_66, %run_scoped3A, %dma_wait3A] : memref<80x2x128xi32, #tpu.memory_space<vmem>> -> memref<1x1x128xi32, #tpu.memory_space<vmem>>
        %dma_wait3A_73 = tpu.memref_squeeze %dma_wait3A_72 : memref<1x1x128xi32, #tpu.memory_space<vmem>> -> memref<128xi32, #tpu.memory_space<vmem>>
        %dma_wait3A_74 = arith.constant 0 : i32
        %dma_wait3A_75 = tpu.memref_slice %arg8[%dma_wait3A_74] : memref<10008xf32, #tpu.memory_space<vmem_shared>> -> memref<10008xf32, #tpu.memory_space<vmem_shared>>
        tpu.wait_indirect_dma semaphore(%run_scoped3A_67 : memref<!tpu.dma_semaphore, #tpu.memory_space<semaphore_mem>>) src(%arg6 : memref<128xf32, #tpu.memory_space<vmem>>) dst(%dma_wait3A_75 : memref<10008xf32, #tpu.memory_space<vmem_shared>>)
        tpu.yield
      }) : () -> ()
    }
    %scan3A_59 = arith.constant 80 : i32
    %barrier3A_60 = arith.constant 0 : index
    tpu.barrier barrier_id(%barrier3A_60)
    %lt3A_61 = arith.constant 10 : i32
    %lt3A_62 = arith.cmpi slt, %arg1, %lt3A_61 : i32
    %convert_element_type3A_63 = arith.extui %lt3A_62 : i1 to i32
    %cond3A_64 = arith.constant 0 : i32
    %cond3A_65 = arith.cmpi ne, %convert_element_type3A_63, %cond3A_64 : i32
    scf.if %cond3A_65 {
      %mul3A_66 = arith.constant 1000 : i32
      %mul3A_67 = arith.muli %arg1, %mul3A_66 : i32
      "tpu.region"() ({
        %run_scoped3A = tpu.sem_alloc : memref<!tpu.dma_semaphore, #tpu.memory_space<semaphore_mem>>
        %dma_start3A = arith.constant 0 : i32
        %dma_start3A_77 = tpu.memref_slice %arg7[%dma_start3A] : memref<1024xf32, #tpu.memory_space<vmem>> -> memref<1000xf32, #tpu.memory_space<vmem>>
        %dma_start3A_78 = tpu.memref_slice %arg8[%mul3A_67] : memref<10008xf32, #tpu.memory_space<vmem_shared>> -> memref<1000xf32, #tpu.memory_space<vmem_shared>>
        %dma_start3A_79 = arith.constant 0 : i32
        %dma_start3A_80 = tpu.memref_slice %arg7[%dma_start3A_79] : memref<1024xf32, #tpu.memory_space<vmem>> -> memref<1000xf32, #tpu.memory_space<vmem>>
        %dma_start3A_81 = tpu.memref_slice %arg8[%mul3A_67] : memref<10008xf32, #tpu.memory_space<vmem_shared>> -> memref<1000xf32, #tpu.memory_space<vmem_shared>>
        tpu.enqueue_dma source(%dma_start3A_81 : memref<1000xf32, #tpu.memory_space<vmem_shared>>) target(%dma_start3A_80 : memref<1000xf32, #tpu.memory_space<vmem>>) target_semaphore(%run_scoped3A : memref<!tpu.dma_semaphore, #tpu.memory_space<semaphore_mem>>)
        %dma_wait3A = arith.constant 0 : i32
        %dma_wait3A_82 = tpu.memref_slice %arg7[%dma_wait3A] : memref<1024xf32, #tpu.memory_space<vmem>> -> memref<1000xf32, #tpu.memory_space<vmem>>
        %dma_wait3A_83 = tpu.memref_slice %arg8[%mul3A_67] : memref<10008xf32, #tpu.memory_space<vmem_shared>> -> memref<1000xf32, #tpu.memory_space<vmem_shared>>
        %dma_wait3A_84 = arith.constant 0 : i32
        %dma_wait3A_85 = tpu.memref_slice %arg7[%dma_wait3A_84] : memref<1024xf32, #tpu.memory_space<vmem>> -> memref<1000xf32, #tpu.memory_space<vmem>>
        %dma_wait3A_86 = tpu.memref_slice %arg8[%mul3A_67] : memref<10008xf32, #tpu.memory_space<vmem_shared>> -> memref<1000xf32, #tpu.memory_space<vmem_shared>>
        tpu.wait_dma2 semaphore(%run_scoped3A : memref<!tpu.dma_semaphore, #tpu.memory_space<semaphore_mem>>) src(%dma_wait3A_86 : memref<1000xf32, #tpu.memory_space<vmem_shared>>) dst(%dma_wait3A_85 : memref<1000xf32, #tpu.memory_space<vmem>>)
        tpu.yield
      }) : () -> ()
      %eq3A = arith.constant 0 : i32
      %eq3A_68 = arith.cmpi eq, %arg0, %eq3A : i32
      %convert_element_type3A_69 = arith.extui %eq3A_68 : i1 to i32
      %cond3A_70 = arith.constant 0 : i32
      %cond3A_71 = arith.cmpi ne, %convert_element_type3A_69, %cond3A_70 : i32
      scf.if %cond3A_71 {
        %mul3A_77 = arith.constant 1000 : i32
        %mul3A_78 = arith.muli %arg1, %mul3A_77 : i32
        "tpu.region"() ({
          %run_scoped3A = tpu.sem_alloc : memref<!tpu.dma_semaphore, #tpu.memory_space<semaphore_mem>>
          %dma_start3A = arith.constant 0 : i32
          %dma_start3A_79 = tpu.memref_slice %arg7[%dma_start3A] : memref<1024xf32, #tpu.memory_space<vmem>> -> memref<1000xf32, #tpu.memory_space<vmem>>
          %dma_start3A_80 = tpu.memref_slice %arg3[%mul3A_78] : memref<10000xf32, #tpu.memory_space<hbm>> -> memref<1000xf32, #tpu.memory_space<hbm>>
          %dma_start3A_81 = tpu.memref_slice %arg3[%mul3A_78] : memref<10000xf32, #tpu.memory_space<hbm>> -> memref<1000xf32, #tpu.memory_space<hbm>>
          %dma_start3A_82 = arith.constant 0 : i32
          %dma_start3A_83 = tpu.memref_slice %arg7[%dma_start3A_82] : memref<1024xf32, #tpu.memory_space<vmem>> -> memref<1000xf32, #tpu.memory_space<vmem>>
          tpu.enqueue_dma source(%dma_start3A_83 : memref<1000xf32, #tpu.memory_space<vmem>>) target(%dma_start3A_81 : memref<1000xf32, #tpu.memory_space<hbm>>) target_semaphore(%run_scoped3A : memref<!tpu.dma_semaphore, #tpu.memory_space<semaphore_mem>>)
          %dma_wait3A = arith.constant 0 : i32
          %dma_wait3A_84 = tpu.memref_slice %arg7[%dma_wait3A] : memref<1024xf32, #tpu.memory_space<vmem>> -> memref<1000xf32, #tpu.memory_space<vmem>>
          %dma_wait3A_85 = tpu.memref_slice %arg3[%mul3A_78] : memref<10000xf32, #tpu.memory_space<hbm>> -> memref<1000xf32, #tpu.memory_space<hbm>>
          %dma_wait3A_86 = tpu.memref_slice %arg3[%mul3A_78] : memref<10000xf32, #tpu.memory_space<hbm>> -> memref<1000xf32, #tpu.memory_space<hbm>>
          %dma_wait3A_87 = arith.constant 0 : i32
          %dma_wait3A_88 = tpu.memref_slice %arg7[%dma_wait3A_87] : memref<1024xf32, #tpu.memory_space<vmem>> -> memref<1000xf32, #tpu.memory_space<vmem>>
          tpu.wait_dma2 semaphore(%run_scoped3A : memref<!tpu.dma_semaphore, #tpu.memory_space<semaphore_mem>>) src(%dma_wait3A_88 : memref<1000xf32, #tpu.memory_space<vmem>>) dst(%dma_wait3A_86 : memref<1000xf32, #tpu.memory_space<hbm>>)
          tpu.yield
        }) : () -> ()
      } else {
      }
      %eq3A_72 = arith.constant 1 : i32
      %eq3A_73 = arith.cmpi eq, %arg0, %eq3A_72 : i32
      %convert_element_type3A_74 = arith.extui %eq3A_73 : i1 to i32
      %cond3A_75 = arith.constant 0 : i32
      %cond3A_76 = arith.cmpi ne, %convert_element_type3A_74, %cond3A_75 : i32
      scf.if %cond3A_76 {
        %mul3A_77 = arith.constant 1000 : i32
        %mul3A_78 = arith.muli %arg1, %mul3A_77 : i32
        "tpu.region"() ({
          %run_scoped3A = tpu.sem_alloc : memref<!tpu.dma_semaphore, #tpu.memory_space<semaphore_mem>>
          %dma_start3A = arith.constant 0 : i32
          %dma_start3A_79 = tpu.memref_slice %arg7[%dma_start3A] : memref<1024xf32, #tpu.memory_space<vmem>> -> memref<1000xf32, #tpu.memory_space<vmem>>
          %dma_start3A_80 = tpu.memref_slice %arg4[%mul3A_78] : memref<10000xf32, #tpu.memory_space<hbm>> -> memref<1000xf32, #tpu.memory_space<hbm>>
          %dma_start3A_81 = tpu.memref_slice %arg4[%mul3A_78] : memref<10000xf32, #tpu.memory_space<hbm>> -> memref<1000xf32, #tpu.memory_space<hbm>>
          %dma_start3A_82 = arith.constant 0 : i32
          %dma_start3A_83 = tpu.memref_slice %arg7[%dma_start3A_82] : memref<1024xf32, #tpu.memory_space<vmem>> -> memref<1000xf32, #tpu.memory_space<vmem>>
          tpu.enqueue_dma source(%dma_start3A_83 : memref<1000xf32, #tpu.memory_space<vmem>>) target(%dma_start3A_81 : memref<1000xf32, #tpu.memory_space<hbm>>) target_semaphore(%run_scoped3A : memref<!tpu.dma_semaphore, #tpu.memory_space<semaphore_mem>>)
          %dma_wait3A = arith.constant 0 : i32
          %dma_wait3A_84 = tpu.memref_slice %arg7[%dma_wait3A] : memref<1024xf32, #tpu.memory_space<vmem>> -> memref<1000xf32, #tpu.memory_space<vmem>>
          %dma_wait3A_85 = tpu.memref_slice %arg4[%mul3A_78] : memref<10000xf32, #tpu.memory_space<hbm>> -> memref<1000xf32, #tpu.memory_space<hbm>>
          %dma_wait3A_86 = tpu.memref_slice %arg4[%mul3A_78] : memref<10000xf32, #tpu.memory_space<hbm>> -> memref<1000xf32, #tpu.memory_space<hbm>>
          %dma_wait3A_87 = arith.constant 0 : i32
          %dma_wait3A_88 = tpu.memref_slice %arg7[%dma_wait3A_87] : memref<1024xf32, #tpu.memory_space<vmem>> -> memref<1000xf32, #tpu.memory_space<vmem>>
          tpu.wait_dma2 semaphore(%run_scoped3A : memref<!tpu.dma_semaphore, #tpu.memory_space<semaphore_mem>>) src(%dma_wait3A_88 : memref<1000xf32, #tpu.memory_space<vmem>>) dst(%dma_wait3A_86 : memref<1000xf32, #tpu.memory_space<hbm>>)
          tpu.yield
        }) : () -> ()
      } else {
      }
    } else {
    }
    return
  }
}

#map = affine_map<(d0, d1) -> (0, 0, 0, 0)>
#map1 = affine_map<(d0, d1) -> (0, 0)>
#map2 = affine_map<(d0, d1) -> (0, 0, 0)>
module attributes {stable_mosaic.version = 14 : i64} {
  func.func @_agg_sc(%arg0: i32, %arg1: i32, %arg2: memref<32x80x2x128xi32, #tpu.memory_space<hbm>>, %arg3: memref<10008x128xf32, #tpu.memory_space<hbm>>, %arg4: memref<2x10000x128xf32, #tpu.memory_space<hbm>>, %arg5: memref<2x2x128xi32, #tpu.memory_space<vmem>>, %arg6: memref<2x128x128xf32, #tpu.memory_space<vmem>>, %arg7: memref<8x128xf32, #tpu.memory_space<vmem>>, %arg8: memref<10008x128xf32, #tpu.memory_space<vmem_shared>>, %arg9: memref<!tpu.dma_semaphore, #tpu.memory_space<semaphore_mem>>, %arg10: memref<!tpu.dma_semaphore, #tpu.memory_space<semaphore_mem>>, %arg11: memref<!tpu.dma_semaphore, #tpu.memory_space<semaphore_mem>>, %arg12: memref<!tpu.dma_semaphore, #tpu.memory_space<semaphore_mem>>) attributes {dimension_semantics = [#tpu.dimension_semantics<core_parallel>, #tpu.dimension_semantics<subcore_parallel>], iteration_bounds = array<i64: 2, 16>, scalar_prefetch = 0 : i64, scratch_operands = 8 : i64, tpu.core_type = #tpu.core_type<sc_vector_subcore>, window_params = [{transform_indices = #map}, {transform_indices = #map1}, {transform_indices = #map2}]} {
    %mul3A = arith.constant 2 : i32
    %mul3A_0 = arith.muli %arg1, %mul3A : i32
    %add3A = arith.addi %mul3A_0, %arg0 : i32
    %mul3A_1 = arith.constant 624 : i32
    %mul3A_2 = arith.muli %arg1, %mul3A_1 : i32
    %scan3A = arith.constant 0 : i32
    %scan3A_3 = arith.constant 0 : i32
    %scan3A_4 = arith.constant 8 : i32
    %scan3A_5 = arith.addi %scan3A_3, %scan3A_4 : i32
    %scan3A_6 = arith.constant 1 : i32
    scf.for %scan3A_99 = %scan3A_3 to %scan3A_5 step %scan3A_6  : i32 {
      %broadcast_in_dim3A = arith.constant 0.000000e+00 : f32
      %broadcast_in_dim3A_100 = vector.broadcast %broadcast_in_dim3A : f32 to vector<16xf32>
      %swap3A = arith.index_cast %scan3A_99 : i32 to index
      %swap3A_101 = arith.constant 0 : index
      %swap3A_102 = tpu.vector_load %arg7[%swap3A, %swap3A_101] {strides = array<i32>} : memref<8x128xf32, #tpu.memory_space<vmem>>, vector<1x16xf32>,
      %swap3A_103 = vector.shape_cast %swap3A_102 : vector<1x16xf32> to vector<16xf32>
      %swap3A_104 = vector.shape_cast %broadcast_in_dim3A_100 : vector<16xf32> to vector<1x16xf32>
      tpu.vector_store %arg7[%swap3A, %swap3A_101], %swap3A_104 {strides = array<i32>} : memref<8x128xf32, #tpu.memory_space<vmem>>, vector<1x16xf32>,
      %broadcast_in_dim3A_105 = arith.constant 0.000000e+00 : f32
      %broadcast_in_dim3A_106 = vector.broadcast %broadcast_in_dim3A_105 : f32 to vector<16xf32>
      %swap3A_107 = arith.index_cast %scan3A_99 : i32 to index
      %swap3A_108 = arith.constant 16 : index
      %swap3A_109 = tpu.vector_load %arg7[%swap3A_107, %swap3A_108] {strides = array<i32>} : memref<8x128xf32, #tpu.memory_space<vmem>>, vector<1x16xf32>,
      %swap3A_110 = vector.shape_cast %swap3A_109 : vector<1x16xf32> to vector<16xf32>
      %swap3A_111 = vector.shape_cast %broadcast_in_dim3A_106 : vector<16xf32> to vector<1x16xf32>
      tpu.vector_store %arg7[%swap3A_107, %swap3A_108], %swap3A_111 {strides = array<i32>} : memref<8x128xf32, #tpu.memory_space<vmem>>, vector<1x16xf32>,
      %broadcast_in_dim3A_112 = arith.constant 0.000000e+00 : f32
      %broadcast_in_dim3A_113 = vector.broadcast %broadcast_in_dim3A_112 : f32 to vector<16xf32>
      %swap3A_114 = arith.index_cast %scan3A_99 : i32 to index
      %swap3A_115 = arith.constant 32 : index
      %swap3A_116 = tpu.vector_load %arg7[%swap3A_114, %swap3A_115] {strides = array<i32>} : memref<8x128xf32, #tpu.memory_space<vmem>>, vector<1x16xf32>,
      %swap3A_117 = vector.shape_cast %swap3A_116 : vector<1x16xf32> to vector<16xf32>
      %swap3A_118 = vector.shape_cast %broadcast_in_dim3A_113 : vector<16xf32> to vector<1x16xf32>
      tpu.vector_store %arg7[%swap3A_114, %swap3A_115], %swap3A_118 {strides = array<i32>} : memref<8x128xf32, #tpu.memory_space<vmem>>, vector<1x16xf32>,
      %broadcast_in_dim3A_119 = arith.constant 0.000000e+00 : f32
      %broadcast_in_dim3A_120 = vector.broadcast %broadcast_in_dim3A_119 : f32 to vector<16xf32>
      %swap3A_121 = arith.index_cast %scan3A_99 : i32 to index
      %swap3A_122 = arith.constant 48 : index
      %swap3A_123 = tpu.vector_load %arg7[%swap3A_121, %swap3A_122] {strides = array<i32>} : memref<8x128xf32, #tpu.memory_space<vmem>>, vector<1x16xf32>,
      %swap3A_124 = vector.shape_cast %swap3A_123 : vector<1x16xf32> to vector<16xf32>
      %swap3A_125 = vector.shape_cast %broadcast_in_dim3A_120 : vector<16xf32> to vector<1x16xf32>
      tpu.vector_store %arg7[%swap3A_121, %swap3A_122], %swap3A_125 {strides = array<i32>} : memref<8x128xf32, #tpu.memory_space<vmem>>, vector<1x16xf32>,
      %broadcast_in_dim3A_126 = arith.constant 0.000000e+00 : f32
      %broadcast_in_dim3A_127 = vector.broadcast %broadcast_in_dim3A_126 : f32 to vector<16xf32>
      %swap3A_128 = arith.index_cast %scan3A_99 : i32 to index
      %swap3A_129 = arith.constant 64 : index
      %swap3A_130 = tpu.vector_load %arg7[%swap3A_128, %swap3A_129] {strides = array<i32>} : memref<8x128xf32, #tpu.memory_space<vmem>>, vector<1x16xf32>,
      %swap3A_131 = vector.shape_cast %swap3A_130 : vector<1x16xf32> to vector<16xf32>
      %swap3A_132 = vector.shape_cast %broadcast_in_dim3A_127 : vector<16xf32> to vector<1x16xf32>
      tpu.vector_store %arg7[%swap3A_128, %swap3A_129], %swap3A_132 {strides = array<i32>} : memref<8x128xf32, #tpu.memory_space<vmem>>, vector<1x16xf32>,
      %broadcast_in_dim3A_133 = arith.constant 0.000000e+00 : f32
      %broadcast_in_dim3A_134 = vector.broadcast %broadcast_in_dim3A_133 : f32 to vector<16xf32>
      %swap3A_135 = arith.index_cast %scan3A_99 : i32 to index
      %swap3A_136 = arith.constant 80 : index
      %swap3A_137 = tpu.vector_load %arg7[%swap3A_135, %swap3A_136] {strides = array<i32>} : memref<8x128xf32, #tpu.memory_space<vmem>>, vector<1x16xf32>,
      %swap3A_138 = vector.shape_cast %swap3A_137 : vector<1x16xf32> to vector<16xf32>
      %swap3A_139 = vector.shape_cast %broadcast_in_dim3A_134 : vector<16xf32> to vector<1x16xf32>
      tpu.vector_store %arg7[%swap3A_135, %swap3A_136], %swap3A_139 {strides = array<i32>} : memref<8x128xf32, #tpu.memory_space<vmem>>, vector<1x16xf32>,
      %broadcast_in_dim3A_140 = arith.constant 0.000000e+00 : f32
      %broadcast_in_dim3A_141 = vector.broadcast %broadcast_in_dim3A_140 : f32 to vector<16xf32>
      %swap3A_142 = arith.index_cast %scan3A_99 : i32 to index
      %swap3A_143 = arith.constant 96 : index
      %swap3A_144 = tpu.vector_load %arg7[%swap3A_142, %swap3A_143] {strides = array<i32>} : memref<8x128xf32, #tpu.memory_space<vmem>>, vector<1x16xf32>,
      %swap3A_145 = vector.shape_cast %swap3A_144 : vector<1x16xf32> to vector<16xf32>
      %swap3A_146 = vector.shape_cast %broadcast_in_dim3A_141 : vector<16xf32> to vector<1x16xf32>
      tpu.vector_store %arg7[%swap3A_142, %swap3A_143], %swap3A_146 {strides = array<i32>} : memref<8x128xf32, #tpu.memory_space<vmem>>, vector<1x16xf32>,
      %broadcast_in_dim3A_147 = arith.constant 0.000000e+00 : f32
      %broadcast_in_dim3A_148 = vector.broadcast %broadcast_in_dim3A_147 : f32 to vector<16xf32>
      %swap3A_149 = arith.index_cast %scan3A_99 : i32 to index
      %swap3A_150 = arith.constant 112 : index
      %swap3A_151 = tpu.vector_load %arg7[%swap3A_149, %swap3A_150] {strides = array<i32>} : memref<8x128xf32, #tpu.memory_space<vmem>>, vector<1x16xf32>,
      %swap3A_152 = vector.shape_cast %swap3A_151 : vector<1x16xf32> to vector<16xf32>
      %swap3A_153 = vector.shape_cast %broadcast_in_dim3A_148 : vector<16xf32> to vector<1x16xf32>
      tpu.vector_store %arg7[%swap3A_149, %swap3A_150], %swap3A_153 {strides = array<i32>} : memref<8x128xf32, #tpu.memory_space<vmem>>, vector<1x16xf32>,
    }
    %scan3A_7 = arith.constant 8 : i32
    %scan3A_8 = arith.constant 0 : i32
    %scan3A_9 = arith.constant 0 : i32
    %scan3A_10 = arith.constant 78 : i32
    %scan3A_11 = arith.addi %scan3A_9, %scan3A_10 : i32
    %scan3A_12 = arith.constant 1 : i32
    scf.for %scan3A_99 = %scan3A_9 to %scan3A_11 step %scan3A_12  : i32 {
      %mul3A_100 = arith.constant 8 : i32
      %mul3A_101 = arith.muli %scan3A_99, %mul3A_100 : i32
      %add3A_102 = arith.addi %mul3A_2, %mul3A_101 : i32
      "tpu.region"() ({
        %run_scoped3A = tpu.sem_alloc : memref<!tpu.dma_semaphore, #tpu.memory_space<semaphore_mem>>
        %dma_start3A_103 = arith.constant 0 : i32
        %dma_start3A_104 = tpu.memref_slice %arg8[%add3A_102, %dma_start3A_103] : memref<10008x128xf32, #tpu.memory_space<vmem_shared>> -> memref<8x128xf32, #tpu.memory_space<vmem_shared>>
        %dma_start3A_105 = arith.constant 0 : i32
        %dma_start3A_106 = tpu.memref_slice %arg8[%add3A_102, %dma_start3A_105] : memref<10008x128xf32, #tpu.memory_space<vmem_shared>> -> memref<8x128xf32, #tpu.memory_space<vmem_shared>>
        tpu.enqueue_dma source(%arg7 : memref<8x128xf32, #tpu.memory_space<vmem>>) target(%dma_start3A_106 : memref<8x128xf32, #tpu.memory_space<vmem_shared>>) target_semaphore(%run_scoped3A : memref<!tpu.dma_semaphore, #tpu.memory_space<semaphore_mem>>)
        %dma_wait3A_107 = arith.constant 0 : i32
        %dma_wait3A_108 = tpu.memref_slice %arg8[%add3A_102, %dma_wait3A_107] : memref<10008x128xf32, #tpu.memory_space<vmem_shared>> -> memref<8x128xf32, #tpu.memory_space<vmem_shared>>
        %dma_wait3A_109 = arith.constant 0 : i32
        %dma_wait3A_110 = tpu.memref_slice %arg8[%add3A_102, %dma_wait3A_109] : memref<10008x128xf32, #tpu.memory_space<vmem_shared>> -> memref<8x128xf32, #tpu.memory_space<vmem_shared>>
        tpu.wait_dma2 semaphore(%run_scoped3A : memref<!tpu.dma_semaphore, #tpu.memory_space<semaphore_mem>>) src(%arg7 : memref<8x128xf32, #tpu.memory_space<vmem>>) dst(%dma_wait3A_110 : memref<8x128xf32, #tpu.memory_space<vmem_shared>>)
        tpu.yield
      }) : () -> ()
    }
    %scan3A_13 = arith.constant 78 : i32
    %eq3A = arith.constant 15 : i32
    %eq3A_14 = arith.cmpi eq, %arg1, %eq3A : i32
    %convert_element_type3A = arith.extui %eq3A_14 : i1 to i32
    %cond3A = arith.constant 0 : i32
    %cond3A_15 = arith.cmpi ne, %convert_element_type3A, %cond3A : i32
    scf.if %cond3A_15 {
      "tpu.region"() ({
        %run_scoped3A = tpu.sem_alloc : memref<!tpu.dma_semaphore, #tpu.memory_space<semaphore_mem>>
        %dma_start3A_99 = arith.constant 9984 : i32
        %dma_start3A_100 = arith.constant 0 : i32
        %dma_start3A_101 = tpu.memref_slice %arg8[%dma_start3A_99, %dma_start3A_100] : memref<10008x128xf32, #tpu.memory_space<vmem_shared>> -> memref<8x128xf32, #tpu.memory_space<vmem_shared>>
        %dma_start3A_102 = arith.constant 9984 : i32
        %dma_start3A_103 = arith.constant 0 : i32
        %dma_start3A_104 = tpu.memref_slice %arg8[%dma_start3A_102, %dma_start3A_103] : memref<10008x128xf32, #tpu.memory_space<vmem_shared>> -> memref<8x128xf32, #tpu.memory_space<vmem_shared>>
        tpu.enqueue_dma source(%arg7 : memref<8x128xf32, #tpu.memory_space<vmem>>) target(%dma_start3A_104 : memref<8x128xf32, #tpu.memory_space<vmem_shared>>) target_semaphore(%run_scoped3A : memref<!tpu.dma_semaphore, #tpu.memory_space<semaphore_mem>>)
        %dma_wait3A_105 = arith.constant 9984 : i32
        %dma_wait3A_106 = arith.constant 0 : i32
        %dma_wait3A_107 = tpu.memref_slice %arg8[%dma_wait3A_105, %dma_wait3A_106] : memref<10008x128xf32, #tpu.memory_space<vmem_shared>> -> memref<8x128xf32, #tpu.memory_space<vmem_shared>>
        %dma_wait3A_108 = arith.constant 9984 : i32
        %dma_wait3A_109 = arith.constant 0 : i32
        %dma_wait3A_110 = tpu.memref_slice %arg8[%dma_wait3A_108, %dma_wait3A_109] : memref<10008x128xf32, #tpu.memory_space<vmem_shared>> -> memref<8x128xf32, #tpu.memory_space<vmem_shared>>
        tpu.wait_dma2 semaphore(%run_scoped3A : memref<!tpu.dma_semaphore, #tpu.memory_space<semaphore_mem>>) src(%arg7 : memref<8x128xf32, #tpu.memory_space<vmem>>) dst(%dma_wait3A_110 : memref<8x128xf32, #tpu.memory_space<vmem_shared>>)
        tpu.yield
      }) : () -> ()
      "tpu.region"() ({
        %run_scoped3A = tpu.sem_alloc : memref<!tpu.dma_semaphore, #tpu.memory_space<semaphore_mem>>
        %dma_start3A_99 = arith.constant 9992 : i32
        %dma_start3A_100 = arith.constant 0 : i32
        %dma_start3A_101 = tpu.memref_slice %arg8[%dma_start3A_99, %dma_start3A_100] : memref<10008x128xf32, #tpu.memory_space<vmem_shared>> -> memref<8x128xf32, #tpu.memory_space<vmem_shared>>
        %dma_start3A_102 = arith.constant 9992 : i32
        %dma_start3A_103 = arith.constant 0 : i32
        %dma_start3A_104 = tpu.memref_slice %arg8[%dma_start3A_102, %dma_start3A_103] : memref<10008x128xf32, #tpu.memory_space<vmem_shared>> -> memref<8x128xf32, #tpu.memory_space<vmem_shared>>
        tpu.enqueue_dma source(%arg7 : memref<8x128xf32, #tpu.memory_space<vmem>>) target(%dma_start3A_104 : memref<8x128xf32, #tpu.memory_space<vmem_shared>>) target_semaphore(%run_scoped3A : memref<!tpu.dma_semaphore, #tpu.memory_space<semaphore_mem>>)
        %dma_wait3A_105 = arith.constant 9992 : i32
        %dma_wait3A_106 = arith.constant 0 : i32
        %dma_wait3A_107 = tpu.memref_slice %arg8[%dma_wait3A_105, %dma_wait3A_106] : memref<10008x128xf32, #tpu.memory_space<vmem_shared>> -> memref<8x128xf32, #tpu.memory_space<vmem_shared>>
        %dma_wait3A_108 = arith.constant 9992 : i32
        %dma_wait3A_109 = arith.constant 0 : i32
        %dma_wait3A_110 = tpu.memref_slice %arg8[%dma_wait3A_108, %dma_wait3A_109] : memref<10008x128xf32, #tpu.memory_space<vmem_shared>> -> memref<8x128xf32, #tpu.memory_space<vmem_shared>>
        tpu.wait_dma2 semaphore(%run_scoped3A : memref<!tpu.dma_semaphore, #tpu.memory_space<semaphore_mem>>) src(%arg7 : memref<8x128xf32, #tpu.memory_space<vmem>>) dst(%dma_wait3A_110 : memref<8x128xf32, #tpu.memory_space<vmem_shared>>)
        tpu.yield
      }) : () -> ()
    } else {
    }
    %barrier3A = arith.constant 0 : index
    tpu.barrier barrier_id(%barrier3A)
    %dma_start3A = arith.constant 0 : i32
    %dma_start3A_16 = arith.constant 0 : i32
    %dma_start3A_17 = arith.constant 0 : i32
    %dma_start3A_18 = arith.constant 0 : i32
    %dma_start3A_19 = tpu.memref_slice %arg5[%dma_start3A_16, %dma_start3A_17, %dma_start3A_18] : memref<2x2x128xi32, #tpu.memory_space<vmem>> -> memref<1x2x128xi32, #tpu.memory_space<vmem>>
    %dma_start3A_20 = tpu.memref_squeeze %dma_start3A_19 : memref<1x2x128xi32, #tpu.memory_space<vmem>> -> memref<2x128xi32, #tpu.memory_space<vmem>>
    %dma_start3A_21 = arith.constant 0 : i32
    %dma_start3A_22 = arith.constant 0 : i32
    %dma_start3A_23 = tpu.memref_slice %arg2[%add3A, %dma_start3A, %dma_start3A_21, %dma_start3A_22] : memref<32x80x2x128xi32, #tpu.memory_space<hbm>> -> memref<1x1x2x128xi32, #tpu.memory_space<hbm>>
    %dma_start3A_24 = tpu.memref_squeeze %dma_start3A_23 : memref<1x1x2x128xi32, #tpu.memory_space<hbm>> -> memref<2x128xi32, #tpu.memory_space<hbm>>
    %dma_start3A_25 = arith.constant 0 : i32
    %dma_start3A_26 = arith.constant 0 : i32
    %dma_start3A_27 = tpu.memref_slice %arg5[%dma_start3A_16, %dma_start3A_25, %dma_start3A_26] : memref<2x2x128xi32, #tpu.memory_space<vmem>> -> memref<1x2x128xi32, #tpu.memory_space<vmem>>
    %dma_start3A_28 = tpu.memref_squeeze %dma_start3A_27 : memref<1x2x128xi32, #tpu.memory_space<vmem>> -> memref<2x128xi32, #tpu.memory_space<vmem>>
    %dma_start3A_29 = arith.constant 0 : i32
    %dma_start3A_30 = arith.constant 0 : i32
    %dma_start3A_31 = tpu.memref_slice %arg2[%add3A, %dma_start3A, %dma_start3A_29, %dma_start3A_30] : memref<32x80x2x128xi32, #tpu.memory_space<hbm>> -> memref<1x1x2x128xi32, #tpu.memory_space<hbm>>
    %dma_start3A_32 = tpu.memref_squeeze %dma_start3A_31 : memref<1x1x2x128xi32, #tpu.memory_space<hbm>> -> memref<2x128xi32, #tpu.memory_space<hbm>>
    tpu.enqueue_dma source(%dma_start3A_32 : memref<2x128xi32, #tpu.memory_space<hbm>>) target(%dma_start3A_28 : memref<2x128xi32, #tpu.memory_space<vmem>>) target_semaphore(%arg9 : memref<!tpu.dma_semaphore, #tpu.memory_space<semaphore_mem>>)
    %dma_start3A_33 = arith.constant 1 : i32
    %dma_start3A_34 = arith.constant 1 : i32
    %dma_start3A_35 = arith.constant 0 : i32
    %dma_start3A_36 = arith.constant 0 : i32
    %dma_start3A_37 = tpu.memref_slice %arg5[%dma_start3A_34, %dma_start3A_35, %dma_start3A_36] : memref<2x2x128xi32, #tpu.memory_space<vmem>> -> memref<1x2x128xi32, #tpu.memory_space<vmem>>
    %dma_start3A_38 = tpu.memref_squeeze %dma_start3A_37 : memref<1x2x128xi32, #tpu.memory_space<vmem>> -> memref<2x128xi32, #tpu.memory_space<vmem>>
    %dma_start3A_39 = arith.constant 0 : i32
    %dma_start3A_40 = arith.constant 0 : i32
    %dma_start3A_41 = tpu.memref_slice %arg2[%add3A, %dma_start3A_33, %dma_start3A_39, %dma_start3A_40] : memref<32x80x2x128xi32, #tpu.memory_space<hbm>> -> memref<1x1x2x128xi32, #tpu.memory_space<hbm>>
    %dma_start3A_42 = tpu.memref_squeeze %dma_start3A_41 : memref<1x1x2x128xi32, #tpu.memory_space<hbm>> -> memref<2x128xi32, #tpu.memory_space<hbm>>
    %dma_start3A_43 = arith.constant 0 : i32
    %dma_start3A_44 = arith.constant 0 : i32
    %dma_start3A_45 = tpu.memref_slice %arg5[%dma_start3A_34, %dma_start3A_43, %dma_start3A_44] : memref<2x2x128xi32, #tpu.memory_space<vmem>> -> memref<1x2x128xi32, #tpu.memory_space<vmem>>
    %dma_start3A_46 = tpu.memref_squeeze %dma_start3A_45 : memref<1x2x128xi32, #tpu.memory_space<vmem>> -> memref<2x128xi32, #tpu.memory_space<vmem>>
    %dma_start3A_47 = arith.constant 0 : i32
    %dma_start3A_48 = arith.constant 0 : i32
    %dma_start3A_49 = tpu.memref_slice %arg2[%add3A, %dma_start3A_33, %dma_start3A_47, %dma_start3A_48] : memref<32x80x2x128xi32, #tpu.memory_space<hbm>> -> memref<1x1x2x128xi32, #tpu.memory_space<hbm>>
    %dma_start3A_50 = tpu.memref_squeeze %dma_start3A_49 : memref<1x1x2x128xi32, #tpu.memory_space<hbm>> -> memref<2x128xi32, #tpu.memory_space<hbm>>
    tpu.enqueue_dma source(%dma_start3A_50 : memref<2x128xi32, #tpu.memory_space<hbm>>) target(%dma_start3A_46 : memref<2x128xi32, #tpu.memory_space<vmem>>) target_semaphore(%arg10 : memref<!tpu.dma_semaphore, #tpu.memory_space<semaphore_mem>>)
    %dma_wait3A = arith.constant 0 : i32
    %dma_wait3A_51 = arith.constant 0 : i32
    %dma_wait3A_52 = arith.constant 0 : i32
    %dma_wait3A_53 = arith.constant 0 : i32
    %dma_wait3A_54 = tpu.memref_slice %arg5[%dma_wait3A_51, %dma_wait3A_52, %dma_wait3A_53] : memref<2x2x128xi32, #tpu.memory_space<vmem>> -> memref<1x2x128xi32, #tpu.memory_space<vmem>>
    %dma_wait3A_55 = tpu.memref_squeeze %dma_wait3A_54 : memref<1x2x128xi32, #tpu.memory_space<vmem>> -> memref<2x128xi32, #tpu.memory_space<vmem>>
    %dma_wait3A_56 = arith.constant 0 : i32
    %dma_wait3A_57 = arith.constant 0 : i32
    %dma_wait3A_58 = tpu.memref_slice %arg2[%add3A, %dma_wait3A, %dma_wait3A_56, %dma_wait3A_57] : memref<32x80x2x128xi32, #tpu.memory_space<hbm>> -> memref<1x1x2x128xi32, #tpu.memory_space<hbm>>
    %dma_wait3A_59 = tpu.memref_squeeze %dma_wait3A_58 : memref<1x1x2x128xi32, #tpu.memory_space<hbm>> -> memref<2x128xi32, #tpu.memory_space<hbm>>
    %dma_wait3A_60 = arith.constant 0 : i32
    %dma_wait3A_61 = arith.constant 0 : i32
    %dma_wait3A_62 = tpu.memref_slice %arg5[%dma_wait3A_51, %dma_wait3A_60, %dma_wait3A_61] : memref<2x2x128xi32, #tpu.memory_space<vmem>> -> memref<1x2x128xi32, #tpu.memory_space<vmem>>
    %dma_wait3A_63 = tpu.memref_squeeze %dma_wait3A_62 : memref<1x2x128xi32, #tpu.memory_space<vmem>> -> memref<2x128xi32, #tpu.memory_space<vmem>>
    %dma_wait3A_64 = arith.constant 0 : i32
    %dma_wait3A_65 = arith.constant 0 : i32
    %dma_wait3A_66 = tpu.memref_slice %arg2[%add3A, %dma_wait3A, %dma_wait3A_64, %dma_wait3A_65] : memref<32x80x2x128xi32, #tpu.memory_space<hbm>> -> memref<1x1x2x128xi32, #tpu.memory_space<hbm>>
    %dma_wait3A_67 = tpu.memref_squeeze %dma_wait3A_66 : memref<1x1x2x128xi32, #tpu.memory_space<hbm>> -> memref<2x128xi32, #tpu.memory_space<hbm>>
    tpu.wait_dma2 semaphore(%arg9 : memref<!tpu.dma_semaphore, #tpu.memory_space<semaphore_mem>>) src(%dma_wait3A_67 : memref<2x128xi32, #tpu.memory_space<hbm>>) dst(%dma_wait3A_63 : memref<2x128xi32, #tpu.memory_space<vmem>>)
    %dma_start3A_68 = arith.constant 0 : i32
    %dma_start3A_69 = arith.constant 0 : i32
    %dma_start3A_70 = arith.constant 0 : i32
    %dma_start3A_71 = arith.constant 0 : i32
    %dma_start3A_72 = arith.constant 0 : i32
    %dma_start3A_73 = tpu.memref_slice %arg6[%dma_start3A_70, %dma_start3A_71, %dma_start3A_72] : memref<2x128x128xf32, #tpu.memory_space<vmem>> -> memref<1x128x128xf32, #tpu.memory_space<vmem>>
    %dma_start3A_74 = tpu.memref_squeeze %dma_start3A_73 : memref<1x128x128xf32, #tpu.memory_space<vmem>> -> memref<128x128xf32, #tpu.memory_space<vmem>>
    %dma_start3A_75 = arith.constant 0 : i32
    %dma_start3A_76 = tpu.memref_slice %arg5[%dma_start3A_68, %dma_start3A_69, %dma_start3A_75] : memref<2x2x128xi32, #tpu.memory_space<vmem>> -> memref<1x1x128xi32, #tpu.memory_space<vmem>>
    %dma_start3A_77 = tpu.memref_squeeze %dma_start3A_76 : memref<1x1x128xi32, #tpu.memory_space<vmem>> -> memref<128xi32, #tpu.memory_space<vmem>>
    %dma_start3A_78 = arith.constant 0 : i32
    %dma_start3A_79 = arith.constant 0 : i32
    %dma_start3A_80 = tpu.memref_slice %arg3[%dma_start3A_78, %dma_start3A_79] : memref<10008x128xf32, #tpu.memory_space<hbm>> -> memref<10008x128xf32, #tpu.memory_space<hbm>>
    tpu.enqueue_indirect_dma source(%dma_start3A_80 : memref<10008x128xf32, #tpu.memory_space<hbm>>) target(%dma_start3A_74 : memref<128x128xf32, #tpu.memory_space<vmem>>) offsets(%dma_start3A_77 : memref<128xi32, #tpu.memory_space<vmem>>) semaphore(%arg11 : memref<!tpu.dma_semaphore, #tpu.memory_space<semaphore_mem>>)
    %scan3A_81 = arith.constant 0 : i32
    %scan3A_82 = arith.constant 0 : i32
    %scan3A_83 = arith.constant 40 : i32
    %scan3A_84 = arith.addi %scan3A_82, %scan3A_83 : i32
    %scan3A_85 = arith.constant 1 : i32
    scf.for %scan3A_99 = %scan3A_82 to %scan3A_84 step %scan3A_85  : i32 {
      %mul3A_100 = arith.constant 2 : i32
      %mul3A_101 = arith.muli %mul3A_100, %scan3A_99 : i32
      %add3A_102 = arith.constant 1 : i32
      %add3A_103 = arith.addi %mul3A_101, %add3A_102 : i32
      %dma_wait3A_104 = arith.constant 1 : i32
      %dma_wait3A_105 = arith.constant 0 : i32
      %dma_wait3A_106 = arith.constant 0 : i32
      %dma_wait3A_107 = tpu.memref_slice %arg5[%dma_wait3A_104, %dma_wait3A_105, %dma_wait3A_106] : memref<2x2x128xi32, #tpu.memory_space<vmem>> -> memref<1x2x128xi32, #tpu.memory_space<vmem>>
      %dma_wait3A_108 = tpu.memref_squeeze %dma_wait3A_107 : memref<1x2x128xi32, #tpu.memory_space<vmem>> -> memref<2x128xi32, #tpu.memory_space<vmem>>
      %dma_wait3A_109 = arith.constant 0 : i32
      %dma_wait3A_110 = arith.constant 0 : i32
      %dma_wait3A_111 = tpu.memref_slice %arg2[%add3A, %add3A_103, %dma_wait3A_109, %dma_wait3A_110] : memref<32x80x2x128xi32, #tpu.memory_space<hbm>> -> memref<1x1x2x128xi32, #tpu.memory_space<hbm>>
      %dma_wait3A_112 = tpu.memref_squeeze %dma_wait3A_111 : memref<1x1x2x128xi32, #tpu.memory_space<hbm>> -> memref<2x128xi32, #tpu.memory_space<hbm>>
      %dma_wait3A_113 = arith.constant 0 : i32
      %dma_wait3A_114 = arith.constant 0 : i32
      %dma_wait3A_115 = tpu.memref_slice %arg5[%dma_wait3A_104, %dma_wait3A_113, %dma_wait3A_114] : memref<2x2x128xi32, #tpu.memory_space<vmem>> -> memref<1x2x128xi32, #tpu.memory_space<vmem>>
      %dma_wait3A_116 = tpu.memref_squeeze %dma_wait3A_115 : memref<1x2x128xi32, #tpu.memory_space<vmem>> -> memref<2x128xi32, #tpu.memory_space<vmem>>
      %dma_wait3A_117 = arith.constant 0 : i32
      %dma_wait3A_118 = arith.constant 0 : i32
      %dma_wait3A_119 = tpu.memref_slice %arg2[%add3A, %add3A_103, %dma_wait3A_117, %dma_wait3A_118] : memref<32x80x2x128xi32, #tpu.memory_space<hbm>> -> memref<1x1x2x128xi32, #tpu.memory_space<hbm>>
      %dma_wait3A_120 = tpu.memref_squeeze %dma_wait3A_119 : memref<1x1x2x128xi32, #tpu.memory_space<hbm>> -> memref<2x128xi32, #tpu.memory_space<hbm>>
      tpu.wait_dma2 semaphore(%arg10 : memref<!tpu.dma_semaphore, #tpu.memory_space<semaphore_mem>>) src(%dma_wait3A_120 : memref<2x128xi32, #tpu.memory_space<hbm>>) dst(%dma_wait3A_116 : memref<2x128xi32, #tpu.memory_space<vmem>>)
      %dma_start3A_121 = arith.constant 1 : i32
      %dma_start3A_122 = arith.constant 0 : i32
      %dma_start3A_123 = arith.constant 1 : i32
      %dma_start3A_124 = arith.constant 0 : i32
      %dma_start3A_125 = arith.constant 0 : i32
      %dma_start3A_126 = tpu.memref_slice %arg6[%dma_start3A_123, %dma_start3A_124, %dma_start3A_125] : memref<2x128x128xf32, #tpu.memory_space<vmem>> -> memref<1x128x128xf32, #tpu.memory_space<vmem>>
      %dma_start3A_127 = tpu.memref_squeeze %dma_start3A_126 : memref<1x128x128xf32, #tpu.memory_space<vmem>> -> memref<128x128xf32, #tpu.memory_space<vmem>>
      %dma_start3A_128 = arith.constant 0 : i32
      %dma_start3A_129 = tpu.memref_slice %arg5[%dma_start3A_121, %dma_start3A_122, %dma_start3A_128] : memref<2x2x128xi32, #tpu.memory_space<vmem>> -> memref<1x1x128xi32, #tpu.memory_space<vmem>>
      %dma_start3A_130 = tpu.memref_squeeze %dma_start3A_129 : memref<1x1x128xi32, #tpu.memory_space<vmem>> -> memref<128xi32, #tpu.memory_space<vmem>>
      %dma_start3A_131 = arith.constant 0 : i32
      %dma_start3A_132 = arith.constant 0 : i32
      %dma_start3A_133 = tpu.memref_slice %arg3[%dma_start3A_131, %dma_start3A_132] : memref<10008x128xf32, #tpu.memory_space<hbm>> -> memref<10008x128xf32, #tpu.memory_space<hbm>>
      tpu.enqueue_indirect_dma source(%dma_start3A_133 : memref<10008x128xf32, #tpu.memory_space<hbm>>) target(%dma_start3A_127 : memref<128x128xf32, #tpu.memory_space<vmem>>) offsets(%dma_start3A_130 : memref<128xi32, #tpu.memory_space<vmem>>) semaphore(%arg12 : memref<!tpu.dma_semaphore, #tpu.memory_space<semaphore_mem>>)
      %dma_wait3A_134 = arith.constant 0 : i32
      %dma_wait3A_135 = arith.constant 0 : i32
      %dma_wait3A_136 = arith.constant 0 : i32
      %dma_wait3A_137 = arith.constant 0 : i32
      %dma_wait3A_138 = arith.constant 0 : i32
      %dma_wait3A_139 = tpu.memref_slice %arg6[%dma_wait3A_136, %dma_wait3A_137, %dma_wait3A_138] : memref<2x128x128xf32, #tpu.memory_space<vmem>> -> memref<1x128x128xf32, #tpu.memory_space<vmem>>
      %dma_wait3A_140 = tpu.memref_squeeze %dma_wait3A_139 : memref<1x128x128xf32, #tpu.memory_space<vmem>> -> memref<128x128xf32, #tpu.memory_space<vmem>>
      %dma_wait3A_141 = arith.constant 0 : i32
      %dma_wait3A_142 = tpu.memref_slice %arg5[%dma_wait3A_134, %dma_wait3A_135, %dma_wait3A_141] : memref<2x2x128xi32, #tpu.memory_space<vmem>> -> memref<1x1x128xi32, #tpu.memory_space<vmem>>
      %dma_wait3A_143 = tpu.memref_squeeze %dma_wait3A_142 : memref<1x1x128xi32, #tpu.memory_space<vmem>> -> memref<128xi32, #tpu.memory_space<vmem>>
      %dma_wait3A_144 = arith.constant 0 : i32
      %dma_wait3A_145 = arith.constant 0 : i32
      %dma_wait3A_146 = tpu.memref_slice %arg3[%dma_wait3A_144, %dma_wait3A_145] : memref<10008x128xf32, #tpu.memory_space<hbm>> -> memref<10008x128xf32, #tpu.memory_space<hbm>>
      tpu.wait_indirect_dma semaphore(%arg11 : memref<!tpu.dma_semaphore, #tpu.memory_space<semaphore_mem>>) src(%dma_wait3A_146 : memref<10008x128xf32, #tpu.memory_space<hbm>>) dst(%dma_wait3A_140 : memref<128x128xf32, #tpu.memory_space<vmem>>)
      %run_scoped3A = arith.constant 0 : i32
      %run_scoped3A_147 = arith.constant 0 : i32
      %run_scoped3A_148 = arith.constant 1 : i32
      "tpu.region"() ({
        %run_scoped3A_178 = tpu.sem_alloc : memref<!tpu.dma_semaphore, #tpu.memory_space<semaphore_mem>>
        %dma_start3A_179 = arith.constant 0 : i32
        %dma_start3A_180 = arith.constant 0 : i32
        %dma_start3A_181 = tpu.memref_slice %arg6[%run_scoped3A, %dma_start3A_179, %dma_start3A_180] : memref<2x128x128xf32, #tpu.memory_space<vmem>> -> memref<1x128x128xf32, #tpu.memory_space<vmem>>
        %dma_start3A_182 = tpu.memref_squeeze %dma_start3A_181 : memref<1x128x128xf32, #tpu.memory_space<vmem>> -> memref<128x128xf32, #tpu.memory_space<vmem>>
        %dma_start3A_183 = arith.constant 0 : i32
        %dma_start3A_184 = tpu.memref_slice %arg5[%run_scoped3A_147, %run_scoped3A_148, %dma_start3A_183] : memref<2x2x128xi32, #tpu.memory_space<vmem>> -> memref<1x1x128xi32, #tpu.memory_space<vmem>>
        %dma_start3A_185 = tpu.memref_squeeze %dma_start3A_184 : memref<1x1x128xi32, #tpu.memory_space<vmem>> -> memref<128xi32, #tpu.memory_space<vmem>>
        %dma_start3A_186 = arith.constant 0 : i32
        %dma_start3A_187 = arith.constant 0 : i32
        %dma_start3A_188 = tpu.memref_slice %arg8[%dma_start3A_186, %dma_start3A_187] : memref<10008x128xf32, #tpu.memory_space<vmem_shared>> -> memref<10008x128xf32, #tpu.memory_space<vmem_shared>>
        tpu.enqueue_indirect_dma source(%dma_start3A_182 : memref<128x128xf32, #tpu.memory_space<vmem>>) target(%dma_start3A_188 : memref<10008x128xf32, #tpu.memory_space<vmem_shared>>) offsets(%dma_start3A_185 : memref<128xi32, #tpu.memory_space<vmem>>) semaphore(%run_scoped3A_178 : memref<!tpu.dma_semaphore, #tpu.memory_space<semaphore_mem>>) {add = true}
        %dma_wait3A_189 = arith.constant 0 : i32
        %dma_wait3A_190 = arith.constant 0 : i32
        %dma_wait3A_191 = tpu.memref_slice %arg6[%run_scoped3A, %dma_wait3A_189, %dma_wait3A_190] : memref<2x128x128xf32, #tpu.memory_space<vmem>> -> memref<1x128x128xf32, #tpu.memory_space<vmem>>
        %dma_wait3A_192 = tpu.memref_squeeze %dma_wait3A_191 : memref<1x128x128xf32, #tpu.memory_space<vmem>> -> memref<128x128xf32, #tpu.memory_space<vmem>>
        %dma_wait3A_193 = arith.constant 0 : i32
        %dma_wait3A_194 = tpu.memref_slice %arg5[%run_scoped3A_147, %run_scoped3A_148, %dma_wait3A_193] : memref<2x2x128xi32, #tpu.memory_space<vmem>> -> memref<1x1x128xi32, #tpu.memory_space<vmem>>
        %dma_wait3A_195 = tpu.memref_squeeze %dma_wait3A_194 : memref<1x1x128xi32, #tpu.memory_space<vmem>> -> memref<128xi32, #tpu.memory_space<vmem>>
        %dma_wait3A_196 = arith.constant 0 : i32
        %dma_wait3A_197 = arith.constant 0 : i32
        %dma_wait3A_198 = tpu.memref_slice %arg8[%dma_wait3A_196, %dma_wait3A_197] : memref<10008x128xf32, #tpu.memory_space<vmem_shared>> -> memref<10008x128xf32, #tpu.memory_space<vmem_shared>>
        tpu.wait_indirect_dma semaphore(%run_scoped3A_178 : memref<!tpu.dma_semaphore, #tpu.memory_space<semaphore_mem>>) src(%dma_wait3A_192 : memref<128x128xf32, #tpu.memory_space<vmem>>) dst(%dma_wait3A_198 : memref<10008x128xf32, #tpu.memory_space<vmem_shared>>)
        tpu.yield
      }) : () -> ()
      %add3A_149 = arith.constant 2 : i32
      %add3A_150 = arith.addi %mul3A_101, %add3A_149 : i32
      %lt3A = arith.constant 80 : i32
      %lt3A_151 = arith.cmpi slt, %add3A_150, %lt3A : i32
      %convert_element_type3A_152 = arith.extui %lt3A_151 : i1 to i32
      %cond3A_153 = arith.constant 0 : i32
      %cond3A_154 = arith.cmpi ne, %convert_element_type3A_152, %cond3A_153 : i32
      scf.if %cond3A_154 {
        %add3A_178 = arith.constant 2 : i32
        %add3A_179 = arith.addi %mul3A_101, %add3A_178 : i32
        %dma_start3A_180 = arith.constant 0 : i32
        %dma_start3A_181 = arith.constant 0 : i32
        %dma_start3A_182 = arith.constant 0 : i32
        %dma_start3A_183 = tpu.memref_slice %arg5[%dma_start3A_180, %dma_start3A_181, %dma_start3A_182] : memref<2x2x128xi32, #tpu.memory_space<vmem>> -> memref<1x2x128xi32, #tpu.memory_space<vmem>>
        %dma_start3A_184 = tpu.memref_squeeze %dma_start3A_183 : memref<1x2x128xi32, #tpu.memory_space<vmem>> -> memref<2x128xi32, #tpu.memory_space<vmem>>
        %dma_start3A_185 = arith.constant 0 : i32
        %dma_start3A_186 = arith.constant 0 : i32
        %dma_start3A_187 = tpu.memref_slice %arg2[%add3A, %add3A_179, %dma_start3A_185, %dma_start3A_186] : memref<32x80x2x128xi32, #tpu.memory_space<hbm>> -> memref<1x1x2x128xi32, #tpu.memory_space<hbm>>
        %dma_start3A_188 = tpu.memref_squeeze %dma_start3A_187 : memref<1x1x2x128xi32, #tpu.memory_space<hbm>> -> memref<2x128xi32, #tpu.memory_space<hbm>>
        %dma_start3A_189 = arith.constant 0 : i32
        %dma_start3A_190 = arith.constant 0 : i32
        %dma_start3A_191 = tpu.memref_slice %arg5[%dma_start3A_180, %dma_start3A_189, %dma_start3A_190] : memref<2x2x128xi32, #tpu.memory_space<vmem>> -> memref<1x2x128xi32, #tpu.memory_space<vmem>>
        %dma_start3A_192 = tpu.memref_squeeze %dma_start3A_191 : memref<1x2x128xi32, #tpu.memory_space<vmem>> -> memref<2x128xi32, #tpu.memory_space<vmem>>
        %dma_start3A_193 = arith.constant 0 : i32
        %dma_start3A_194 = arith.constant 0 : i32
        %dma_start3A_195 = tpu.memref_slice %arg2[%add3A, %add3A_179, %dma_start3A_193, %dma_start3A_194] : memref<32x80x2x128xi32, #tpu.memory_space<hbm>> -> memref<1x1x2x128xi32, #tpu.memory_space<hbm>>
        %dma_start3A_196 = tpu.memref_squeeze %dma_start3A_195 : memref<1x1x2x128xi32, #tpu.memory_space<hbm>> -> memref<2x128xi32, #tpu.memory_space<hbm>>
        tpu.enqueue_dma source(%dma_start3A_196 : memref<2x128xi32, #tpu.memory_space<hbm>>) target(%dma_start3A_192 : memref<2x128xi32, #tpu.memory_space<vmem>>) target_semaphore(%arg9 : memref<!tpu.dma_semaphore, #tpu.memory_space<semaphore_mem>>)
      } else {
      }
      %dma_wait3A_155 = arith.constant 1 : i32
      %dma_wait3A_156 = arith.constant 0 : i32
      %dma_wait3A_157 = arith.constant 1 : i32
      %dma_wait3A_158 = arith.constant 0 : i32
      %dma_wait3A_159 = arith.constant 0 : i32
      %dma_wait3A_160 = tpu.memref_slice %arg6[%dma_wait3A_157, %dma_wait3A_158, %dma_wait3A_159] : memref<2x128x128xf32, #tpu.memory_space<vmem>> -> memref<1x128x128xf32, #tpu.memory_space<vmem>>
      %dma_wait3A_161 = tpu.memref_squeeze %dma_wait3A_160 : memref<1x128x128xf32, #tpu.memory_space<vmem>> -> memref<128x128xf32, #tpu.memory_space<vmem>>
      %dma_wait3A_162 = arith.constant 0 : i32
      %dma_wait3A_163 = tpu.memref_slice %arg5[%dma_wait3A_155, %dma_wait3A_156, %dma_wait3A_162] : memref<2x2x128xi32, #tpu.memory_space<vmem>> -> memref<1x1x128xi32, #tpu.memory_space<vmem>>
      %dma_wait3A_164 = tpu.memref_squeeze %dma_wait3A_163 : memref<1x1x128xi32, #tpu.memory_space<vmem>> -> memref<128xi32, #tpu.memory_space<vmem>>
      %dma_wait3A_165 = arith.constant 0 : i32
      %dma_wait3A_166 = arith.constant 0 : i32
      %dma_wait3A_167 = tpu.memref_slice %arg3[%dma_wait3A_165, %dma_wait3A_166] : memref<10008x128xf32, #tpu.memory_space<hbm>> -> memref<10008x128xf32, #tpu.memory_space<hbm>>
      tpu.wait_indirect_dma semaphore(%arg12 : memref<!tpu.dma_semaphore, #tpu.memory_space<semaphore_mem>>) src(%dma_wait3A_167 : memref<10008x128xf32, #tpu.memory_space<hbm>>) dst(%dma_wait3A_161 : memref<128x128xf32, #tpu.memory_space<vmem>>)
      %run_scoped3A_168 = arith.constant 1 : i32
      %run_scoped3A_169 = arith.constant 1 : i32
      %run_scoped3A_170 = arith.constant 1 : i32
      "tpu.region"() ({
        %run_scoped3A_178 = tpu.sem_alloc : memref<!tpu.dma_semaphore, #tpu.memory_space<semaphore_mem>>
        %dma_start3A_179 = arith.constant 0 : i32
        %dma_start3A_180 = arith.constant 0 : i32
        %dma_start3A_181 = tpu.memref_slice %arg6[%run_scoped3A_168, %dma_start3A_179, %dma_start3A_180] : memref<2x128x128xf32, #tpu.memory_space<vmem>> -> memref<1x128x128xf32, #tpu.memory_space<vmem>>
        %dma_start3A_182 = tpu.memref_squeeze %dma_start3A_181 : memref<1x128x128xf32, #tpu.memory_space<vmem>> -> memref<128x128xf32, #tpu.memory_space<vmem>>
        %dma_start3A_183 = arith.constant 0 : i32
        %dma_start3A_184 = tpu.memref_slice %arg5[%run_scoped3A_169, %run_scoped3A_170, %dma_start3A_183] : memref<2x2x128xi32, #tpu.memory_space<vmem>> -> memref<1x1x128xi32, #tpu.memory_space<vmem>>
        %dma_start3A_185 = tpu.memref_squeeze %dma_start3A_184 : memref<1x1x128xi32, #tpu.memory_space<vmem>> -> memref<128xi32, #tpu.memory_space<vmem>>
        %dma_start3A_186 = arith.constant 0 : i32
        %dma_start3A_187 = arith.constant 0 : i32
        %dma_start3A_188 = tpu.memref_slice %arg8[%dma_start3A_186, %dma_start3A_187] : memref<10008x128xf32, #tpu.memory_space<vmem_shared>> -> memref<10008x128xf32, #tpu.memory_space<vmem_shared>>
        tpu.enqueue_indirect_dma source(%dma_start3A_182 : memref<128x128xf32, #tpu.memory_space<vmem>>) target(%dma_start3A_188 : memref<10008x128xf32, #tpu.memory_space<vmem_shared>>) offsets(%dma_start3A_185 : memref<128xi32, #tpu.memory_space<vmem>>) semaphore(%run_scoped3A_178 : memref<!tpu.dma_semaphore, #tpu.memory_space<semaphore_mem>>) {add = true}
        %dma_wait3A_189 = arith.constant 0 : i32
        %dma_wait3A_190 = arith.constant 0 : i32
        %dma_wait3A_191 = tpu.memref_slice %arg6[%run_scoped3A_168, %dma_wait3A_189, %dma_wait3A_190] : memref<2x128x128xf32, #tpu.memory_space<vmem>> -> memref<1x128x128xf32, #tpu.memory_space<vmem>>
        %dma_wait3A_192 = tpu.memref_squeeze %dma_wait3A_191 : memref<1x128x128xf32, #tpu.memory_space<vmem>> -> memref<128x128xf32, #tpu.memory_space<vmem>>
        %dma_wait3A_193 = arith.constant 0 : i32
        %dma_wait3A_194 = tpu.memref_slice %arg5[%run_scoped3A_169, %run_scoped3A_170, %dma_wait3A_193] : memref<2x2x128xi32, #tpu.memory_space<vmem>> -> memref<1x1x128xi32, #tpu.memory_space<vmem>>
        %dma_wait3A_195 = tpu.memref_squeeze %dma_wait3A_194 : memref<1x1x128xi32, #tpu.memory_space<vmem>> -> memref<128xi32, #tpu.memory_space<vmem>>
        %dma_wait3A_196 = arith.constant 0 : i32
        %dma_wait3A_197 = arith.constant 0 : i32
        %dma_wait3A_198 = tpu.memref_slice %arg8[%dma_wait3A_196, %dma_wait3A_197] : memref<10008x128xf32, #tpu.memory_space<vmem_shared>> -> memref<10008x128xf32, #tpu.memory_space<vmem_shared>>
        tpu.wait_indirect_dma semaphore(%run_scoped3A_178 : memref<!tpu.dma_semaphore, #tpu.memory_space<semaphore_mem>>) src(%dma_wait3A_192 : memref<128x128xf32, #tpu.memory_space<vmem>>) dst(%dma_wait3A_198 : memref<10008x128xf32, #tpu.memory_space<vmem_shared>>)
        tpu.yield
      }) : () -> ()
      %add3A_171 = arith.constant 2 : i32
      %add3A_172 = arith.addi %mul3A_101, %add3A_171 : i32
      %lt3A_173 = arith.constant 80 : i32
      %lt3A_174 = arith.cmpi slt, %add3A_172, %lt3A_173 : i32
      %convert_element_type3A_175 = arith.extui %lt3A_174 : i1 to i32
      %cond3A_176 = arith.constant 0 : i32
      %cond3A_177 = arith.cmpi ne, %convert_element_type3A_175, %cond3A_176 : i32
      scf.if %cond3A_177 {
        %add3A_178 = arith.constant 3 : i32
        %add3A_179 = arith.addi %mul3A_101, %add3A_178 : i32
        %dma_start3A_180 = arith.constant 1 : i32
        %dma_start3A_181 = arith.constant 0 : i32
        %dma_start3A_182 = arith.constant 0 : i32
        %dma_start3A_183 = tpu.memref_slice %arg5[%dma_start3A_180, %dma_start3A_181, %dma_start3A_182] : memref<2x2x128xi32, #tpu.memory_space<vmem>> -> memref<1x2x128xi32, #tpu.memory_space<vmem>>
        %dma_start3A_184 = tpu.memref_squeeze %dma_start3A_183 : memref<1x2x128xi32, #tpu.memory_space<vmem>> -> memref<2x128xi32, #tpu.memory_space<vmem>>
        %dma_start3A_185 = arith.constant 0 : i32
        %dma_start3A_186 = arith.constant 0 : i32
        %dma_start3A_187 = tpu.memref_slice %arg2[%add3A, %add3A_179, %dma_start3A_185, %dma_start3A_186] : memref<32x80x2x128xi32, #tpu.memory_space<hbm>> -> memref<1x1x2x128xi32, #tpu.memory_space<hbm>>
        %dma_start3A_188 = tpu.memref_squeeze %dma_start3A_187 : memref<1x1x2x128xi32, #tpu.memory_space<hbm>> -> memref<2x128xi32, #tpu.memory_space<hbm>>
        %dma_start3A_189 = arith.constant 0 : i32
        %dma_start3A_190 = arith.constant 0 : i32
        %dma_start3A_191 = tpu.memref_slice %arg5[%dma_start3A_180, %dma_start3A_189, %dma_start3A_190] : memref<2x2x128xi32, #tpu.memory_space<vmem>> -> memref<1x2x128xi32, #tpu.memory_space<vmem>>
        %dma_start3A_192 = tpu.memref_squeeze %dma_start3A_191 : memref<1x2x128xi32, #tpu.memory_space<vmem>> -> memref<2x128xi32, #tpu.memory_space<vmem>>
        %dma_start3A_193 = arith.constant 0 : i32
        %dma_start3A_194 = arith.constant 0 : i32
        %dma_start3A_195 = tpu.memref_slice %arg2[%add3A, %add3A_179, %dma_start3A_193, %dma_start3A_194] : memref<32x80x2x128xi32, #tpu.memory_space<hbm>> -> memref<1x1x2x128xi32, #tpu.memory_space<hbm>>
        %dma_start3A_196 = tpu.memref_squeeze %dma_start3A_195 : memref<1x1x2x128xi32, #tpu.memory_space<hbm>> -> memref<2x128xi32, #tpu.memory_space<hbm>>
        tpu.enqueue_dma source(%dma_start3A_196 : memref<2x128xi32, #tpu.memory_space<hbm>>) target(%dma_start3A_192 : memref<2x128xi32, #tpu.memory_space<vmem>>) target_semaphore(%arg10 : memref<!tpu.dma_semaphore, #tpu.memory_space<semaphore_mem>>)
        %add3A_197 = arith.constant 2 : i32
        %add3A_198 = arith.addi %mul3A_101, %add3A_197 : i32
        %dma_wait3A_199 = arith.constant 0 : i32
        %dma_wait3A_200 = arith.constant 0 : i32
        %dma_wait3A_201 = arith.constant 0 : i32
        %dma_wait3A_202 = tpu.memref_slice %arg5[%dma_wait3A_199, %dma_wait3A_200, %dma_wait3A_201] : memref<2x2x128xi32, #tpu.memory_space<vmem>> -> memref<1x2x128xi32, #tpu.memory_space<vmem>>
        %dma_wait3A_203 = tpu.memref_squeeze %dma_wait3A_202 : memref<1x2x128xi32, #tpu.memory_space<vmem>> -> memref<2x128xi32, #tpu.memory_space<vmem>>
        %dma_wait3A_204 = arith.constant 0 : i32
        %dma_wait3A_205 = arith.constant 0 : i32
        %dma_wait3A_206 = tpu.memref_slice %arg2[%add3A, %add3A_198, %dma_wait3A_204, %dma_wait3A_205] : memref<32x80x2x128xi32, #tpu.memory_space<hbm>> -> memref<1x1x2x128xi32, #tpu.memory_space<hbm>>
        %dma_wait3A_207 = tpu.memref_squeeze %dma_wait3A_206 : memref<1x1x2x128xi32, #tpu.memory_space<hbm>> -> memref<2x128xi32, #tpu.memory_space<hbm>>
        %dma_wait3A_208 = arith.constant 0 : i32
        %dma_wait3A_209 = arith.constant 0 : i32
        %dma_wait3A_210 = tpu.memref_slice %arg5[%dma_wait3A_199, %dma_wait3A_208, %dma_wait3A_209] : memref<2x2x128xi32, #tpu.memory_space<vmem>> -> memref<1x2x128xi32, #tpu.memory_space<vmem>>
        %dma_wait3A_211 = tpu.memref_squeeze %dma_wait3A_210 : memref<1x2x128xi32, #tpu.memory_space<vmem>> -> memref<2x128xi32, #tpu.memory_space<vmem>>
        %dma_wait3A_212 = arith.constant 0 : i32
        %dma_wait3A_213 = arith.constant 0 : i32
        %dma_wait3A_214 = tpu.memref_slice %arg2[%add3A, %add3A_198, %dma_wait3A_212, %dma_wait3A_213] : memref<32x80x2x128xi32, #tpu.memory_space<hbm>> -> memref<1x1x2x128xi32, #tpu.memory_space<hbm>>
        %dma_wait3A_215 = tpu.memref_squeeze %dma_wait3A_214 : memref<1x1x2x128xi32, #tpu.memory_space<hbm>> -> memref<2x128xi32, #tpu.memory_space<hbm>>
        tpu.wait_dma2 semaphore(%arg9 : memref<!tpu.dma_semaphore, #tpu.memory_space<semaphore_mem>>) src(%dma_wait3A_215 : memref<2x128xi32, #tpu.memory_space<hbm>>) dst(%dma_wait3A_211 : memref<2x128xi32, #tpu.memory_space<vmem>>)
        %dma_start3A_216 = arith.constant 0 : i32
        %dma_start3A_217 = arith.constant 0 : i32
        %dma_start3A_218 = arith.constant 0 : i32
        %dma_start3A_219 = arith.constant 0 : i32
        %dma_start3A_220 = arith.constant 0 : i32
        %dma_start3A_221 = tpu.memref_slice %arg6[%dma_start3A_218, %dma_start3A_219, %dma_start3A_220] : memref<2x128x128xf32, #tpu.memory_space<vmem>> -> memref<1x128x128xf32, #tpu.memory_space<vmem>>
        %dma_start3A_222 = tpu.memref_squeeze %dma_start3A_221 : memref<1x128x128xf32, #tpu.memory_space<vmem>> -> memref<128x128xf32, #tpu.memory_space<vmem>>
        %dma_start3A_223 = arith.constant 0 : i32
        %dma_start3A_224 = tpu.memref_slice %arg5[%dma_start3A_216, %dma_start3A_217, %dma_start3A_223] : memref<2x2x128xi32, #tpu.memory_space<vmem>> -> memref<1x1x128xi32, #tpu.memory_space<vmem>>
        %dma_start3A_225 = tpu.memref_squeeze %dma_start3A_224 : memref<1x1x128xi32, #tpu.memory_space<vmem>> -> memref<128xi32, #tpu.memory_space<vmem>>
        %dma_start3A_226 = arith.constant 0 : i32
        %dma_start3A_227 = arith.constant 0 : i32
        %dma_start3A_228 = tpu.memref_slice %arg3[%dma_start3A_226, %dma_start3A_227] : memref<10008x128xf32, #tpu.memory_space<hbm>> -> memref<10008x128xf32, #tpu.memory_space<hbm>>
        tpu.enqueue_indirect_dma source(%dma_start3A_228 : memref<10008x128xf32, #tpu.memory_space<hbm>>) target(%dma_start3A_222 : memref<128x128xf32, #tpu.memory_space<vmem>>) offsets(%dma_start3A_225 : memref<128xi32, #tpu.memory_space<vmem>>) semaphore(%arg11 : memref<!tpu.dma_semaphore, #tpu.memory_space<semaphore_mem>>)
      } else {
      }
    }
    %scan3A_86 = arith.constant 40 : i32
    %barrier3A_87 = arith.constant 0 : index
    tpu.barrier barrier_id(%barrier3A_87)
    %scan3A_88 = arith.constant 0 : i32
    %scan3A_89 = arith.constant 0 : i32
    %scan3A_90 = arith.constant 13 : i32
    %scan3A_91 = arith.addi %scan3A_89, %scan3A_90 : i32
    %scan3A_92 = arith.constant 1 : i32
    scf.for %scan3A_99 = %scan3A_89 to %scan3A_91 step %scan3A_92  : i32 {
      %mul3A_100 = arith.constant 48 : i32
      %mul3A_101 = arith.muli %scan3A_99, %mul3A_100 : i32
      %add3A_102 = arith.addi %mul3A_2, %mul3A_101 : i32
      %run_scoped3A = arith.constant 0 : i32
      "tpu.region"() ({
        %run_scoped3A_104 = tpu.sem_alloc : memref<!tpu.dma_semaphore, #tpu.memory_space<semaphore_mem>>
        %dma_start3A_105 = arith.constant 0 : i32
        %dma_start3A_106 = arith.constant 0 : i32
        %dma_start3A_107 = tpu.memref_slice %arg6[%run_scoped3A, %dma_start3A_105, %dma_start3A_106] : memref<2x128x128xf32, #tpu.memory_space<vmem>> -> memref<1x48x128xf32, #tpu.memory_space<vmem>>
        %dma_start3A_108 = tpu.memref_squeeze %dma_start3A_107 : memref<1x48x128xf32, #tpu.memory_space<vmem>> -> memref<48x128xf32, #tpu.memory_space<vmem>>
        %dma_start3A_109 = arith.constant 0 : i32
        %dma_start3A_110 = tpu.memref_slice %arg8[%add3A_102, %dma_start3A_109] : memref<10008x128xf32, #tpu.memory_space<vmem_shared>> -> memref<48x128xf32, #tpu.memory_space<vmem_shared>>
        %dma_start3A_111 = arith.constant 0 : i32
        %dma_start3A_112 = arith.constant 0 : i32
        %dma_start3A_113 = tpu.memref_slice %arg6[%run_scoped3A, %dma_start3A_111, %dma_start3A_112] : memref<2x128x128xf32, #tpu.memory_space<vmem>> -> memref<1x48x128xf32, #tpu.memory_space<vmem>>
        %dma_start3A_114 = tpu.memref_squeeze %dma_start3A_113 : memref<1x48x128xf32, #tpu.memory_space<vmem>> -> memref<48x128xf32, #tpu.memory_space<vmem>>
        %dma_start3A_115 = arith.constant 0 : i32
        %dma_start3A_116 = tpu.memref_slice %arg8[%add3A_102, %dma_start3A_115] : memref<10008x128xf32, #tpu.memory_space<vmem_shared>> -> memref<48x128xf32, #tpu.memory_space<vmem_shared>>
        tpu.enqueue_dma source(%dma_start3A_116 : memref<48x128xf32, #tpu.memory_space<vmem_shared>>) target(%dma_start3A_114 : memref<48x128xf32, #tpu.memory_space<vmem>>) target_semaphore(%run_scoped3A_104 : memref<!tpu.dma_semaphore, #tpu.memory_space<semaphore_mem>>)
        %dma_wait3A_117 = arith.constant 0 : i32
        %dma_wait3A_118 = arith.constant 0 : i32
        %dma_wait3A_119 = tpu.memref_slice %arg6[%run_scoped3A, %dma_wait3A_117, %dma_wait3A_118] : memref<2x128x128xf32, #tpu.memory_space<vmem>> -> memref<1x48x128xf32, #tpu.memory_space<vmem>>
        %dma_wait3A_120 = tpu.memref_squeeze %dma_wait3A_119 : memref<1x48x128xf32, #tpu.memory_space<vmem>> -> memref<48x128xf32, #tpu.memory_space<vmem>>
        %dma_wait3A_121 = arith.constant 0 : i32
        %dma_wait3A_122 = tpu.memref_slice %arg8[%add3A_102, %dma_wait3A_121] : memref<10008x128xf32, #tpu.memory_space<vmem_shared>> -> memref<48x128xf32, #tpu.memory_space<vmem_shared>>
        %dma_wait3A_123 = arith.constant 0 : i32
        %dma_wait3A_124 = arith.constant 0 : i32
        %dma_wait3A_125 = tpu.memref_slice %arg6[%run_scoped3A, %dma_wait3A_123, %dma_wait3A_124] : memref<2x128x128xf32, #tpu.memory_space<vmem>> -> memref<1x48x128xf32, #tpu.memory_space<vmem>>
        %dma_wait3A_126 = tpu.memref_squeeze %dma_wait3A_125 : memref<1x48x128xf32, #tpu.memory_space<vmem>> -> memref<48x128xf32, #tpu.memory_space<vmem>>
        %dma_wait3A_127 = arith.constant 0 : i32
        %dma_wait3A_128 = tpu.memref_slice %arg8[%add3A_102, %dma_wait3A_127] : memref<10008x128xf32, #tpu.memory_space<vmem_shared>> -> memref<48x128xf32, #tpu.memory_space<vmem_shared>>
        tpu.wait_dma2 semaphore(%run_scoped3A_104 : memref<!tpu.dma_semaphore, #tpu.memory_space<semaphore_mem>>) src(%dma_wait3A_128 : memref<48x128xf32, #tpu.memory_space<vmem_shared>>) dst(%dma_wait3A_126 : memref<48x128xf32, #tpu.memory_space<vmem>>)
        tpu.yield
      }) : () -> ()
      %run_scoped3A_103 = arith.constant 0 : i32
      "tpu.region"() ({
        %run_scoped3A_104 = tpu.sem_alloc : memref<!tpu.dma_semaphore, #tpu.memory_space<semaphore_mem>>
        %dma_start3A_105 = arith.constant 0 : i32
        %dma_start3A_106 = arith.constant 0 : i32
        %dma_start3A_107 = tpu.memref_slice %arg6[%run_scoped3A_103, %dma_start3A_105, %dma_start3A_106] : memref<2x128x128xf32, #tpu.memory_space<vmem>> -> memref<1x48x128xf32, #tpu.memory_space<vmem>>
        %dma_start3A_108 = tpu.memref_squeeze %dma_start3A_107 : memref<1x48x128xf32, #tpu.memory_space<vmem>> -> memref<48x128xf32, #tpu.memory_space<vmem>>
        %dma_start3A_109 = arith.constant 0 : i32
        %dma_start3A_110 = tpu.memref_slice %arg4[%arg0, %add3A_102, %dma_start3A_109] : memref<2x10000x128xf32, #tpu.memory_space<hbm>> -> memref<1x48x128xf32, #tpu.memory_space<hbm>>
        %dma_start3A_111 = tpu.memref_squeeze %dma_start3A_110 : memref<1x48x128xf32, #tpu.memory_space<hbm>> -> memref<48x128xf32, #tpu.memory_space<hbm>>
        %dma_start3A_112 = arith.constant 0 : i32
        %dma_start3A_113 = tpu.memref_slice %arg4[%arg0, %add3A_102, %dma_start3A_112] : memref<2x10000x128xf32, #tpu.memory_space<hbm>> -> memref<1x48x128xf32, #tpu.memory_space<hbm>>
        %dma_start3A_114 = tpu.memref_squeeze %dma_start3A_113 : memref<1x48x128xf32, #tpu.memory_space<hbm>> -> memref<48x128xf32, #tpu.memory_space<hbm>>
        %dma_start3A_115 = arith.constant 0 : i32
        %dma_start3A_116 = arith.constant 0 : i32
        %dma_start3A_117 = tpu.memref_slice %arg6[%run_scoped3A_103, %dma_start3A_115, %dma_start3A_116] : memref<2x128x128xf32, #tpu.memory_space<vmem>> -> memref<1x48x128xf32, #tpu.memory_space<vmem>>
        %dma_start3A_118 = tpu.memref_squeeze %dma_start3A_117 : memref<1x48x128xf32, #tpu.memory_space<vmem>> -> memref<48x128xf32, #tpu.memory_space<vmem>>
        tpu.enqueue_dma source(%dma_start3A_118 : memref<48x128xf32, #tpu.memory_space<vmem>>) target(%dma_start3A_114 : memref<48x128xf32, #tpu.memory_space<hbm>>) target_semaphore(%run_scoped3A_104 : memref<!tpu.dma_semaphore, #tpu.memory_space<semaphore_mem>>)
        %dma_wait3A_119 = arith.constant 0 : i32
        %dma_wait3A_120 = arith.constant 0 : i32
        %dma_wait3A_121 = tpu.memref_slice %arg6[%run_scoped3A_103, %dma_wait3A_119, %dma_wait3A_120] : memref<2x128x128xf32, #tpu.memory_space<vmem>> -> memref<1x48x128xf32, #tpu.memory_space<vmem>>
        %dma_wait3A_122 = tpu.memref_squeeze %dma_wait3A_121 : memref<1x48x128xf32, #tpu.memory_space<vmem>> -> memref<48x128xf32, #tpu.memory_space<vmem>>
        %dma_wait3A_123 = arith.constant 0 : i32
        %dma_wait3A_124 = tpu.memref_slice %arg4[%arg0, %add3A_102, %dma_wait3A_123] : memref<2x10000x128xf32, #tpu.memory_space<hbm>> -> memref<1x48x128xf32, #tpu.memory_space<hbm>>
        %dma_wait3A_125 = tpu.memref_squeeze %dma_wait3A_124 : memref<1x48x128xf32, #tpu.memory_space<hbm>> -> memref<48x128xf32, #tpu.memory_space<hbm>>
        %dma_wait3A_126 = arith.constant 0 : i32
        %dma_wait3A_127 = tpu.memref_slice %arg4[%arg0, %add3A_102, %dma_wait3A_126] : memref<2x10000x128xf32, #tpu.memory_space<hbm>> -> memref<1x48x128xf32, #tpu.memory_space<hbm>>
        %dma_wait3A_128 = tpu.memref_squeeze %dma_wait3A_127 : memref<1x48x128xf32, #tpu.memory_space<hbm>> -> memref<48x128xf32, #tpu.memory_space<hbm>>
        %dma_wait3A_129 = arith.constant 0 : i32
        %dma_wait3A_130 = arith.constant 0 : i32
        %dma_wait3A_131 = tpu.memref_slice %arg6[%run_scoped3A_103, %dma_wait3A_129, %dma_wait3A_130] : memref<2x128x128xf32, #tpu.memory_space<vmem>> -> memref<1x48x128xf32, #tpu.memory_space<vmem>>
        %dma_wait3A_132 = tpu.memref_squeeze %dma_wait3A_131 : memref<1x48x128xf32, #tpu.memory_space<vmem>> -> memref<48x128xf32, #tpu.memory_space<vmem>>
        tpu.wait_dma2 semaphore(%run_scoped3A_104 : memref<!tpu.dma_semaphore, #tpu.memory_space<semaphore_mem>>) src(%dma_wait3A_132 : memref<48x128xf32, #tpu.memory_space<vmem>>) dst(%dma_wait3A_128 : memref<48x128xf32, #tpu.memory_space<hbm>>)
        tpu.yield
      }) : () -> ()
    }
    %scan3A_93 = arith.constant 13 : i32
    %eq3A_94 = arith.constant 15 : i32
    %eq3A_95 = arith.cmpi eq, %arg1, %eq3A_94 : i32
    %convert_element_type3A_96 = arith.extui %eq3A_95 : i1 to i32
    %cond3A_97 = arith.constant 0 : i32
    %cond3A_98 = arith.cmpi ne, %convert_element_type3A_96, %cond3A_97 : i32
    scf.if %cond3A_98 {
      %run_scoped3A = arith.constant 0 : i32
      "tpu.region"() ({
        %run_scoped3A_100 = tpu.sem_alloc : memref<!tpu.dma_semaphore, #tpu.memory_space<semaphore_mem>>
        %dma_start3A_101 = arith.constant 0 : i32
        %dma_start3A_102 = arith.constant 0 : i32
        %dma_start3A_103 = tpu.memref_slice %arg6[%run_scoped3A, %dma_start3A_101, %dma_start3A_102] : memref<2x128x128xf32, #tpu.memory_space<vmem>> -> memref<1x16x128xf32, #tpu.memory_space<vmem>>
        %dma_start3A_104 = tpu.memref_squeeze %dma_start3A_103 : memref<1x16x128xf32, #tpu.memory_space<vmem>> -> memref<16x128xf32, #tpu.memory_space<vmem>>
        %dma_start3A_105 = arith.constant 9984 : i32
        %dma_start3A_106 = arith.constant 0 : i32
        %dma_start3A_107 = tpu.memref_slice %arg8[%dma_start3A_105, %dma_start3A_106] : memref<10008x128xf32, #tpu.memory_space<vmem_shared>> -> memref<16x128xf32, #tpu.memory_space<vmem_shared>>
        %dma_start3A_108 = arith.constant 0 : i32
        %dma_start3A_109 = arith.constant 0 : i32
        %dma_start3A_110 = tpu.memref_slice %arg6[%run_scoped3A, %dma_start3A_108, %dma_start3A_109] : memref<2x128x128xf32, #tpu.memory_space<vmem>> -> memref<1x16x128xf32, #tpu.memory_space<vmem>>
        %dma_start3A_111 = tpu.memref_squeeze %dma_start3A_110 : memref<1x16x128xf32, #tpu.memory_space<vmem>> -> memref<16x128xf32, #tpu.memory_space<vmem>>
        %dma_start3A_112 = arith.constant 9984 : i32
        %dma_start3A_113 = arith.constant 0 : i32
        %dma_start3A_114 = tpu.memref_slice %arg8[%dma_start3A_112, %dma_start3A_113] : memref<10008x128xf32, #tpu.memory_space<vmem_shared>> -> memref<16x128xf32, #tpu.memory_space<vmem_shared>>
        tpu.enqueue_dma source(%dma_start3A_114 : memref<16x128xf32, #tpu.memory_space<vmem_shared>>) target(%dma_start3A_111 : memref<16x128xf32, #tpu.memory_space<vmem>>) target_semaphore(%run_scoped3A_100 : memref<!tpu.dma_semaphore, #tpu.memory_space<semaphore_mem>>)
        %dma_wait3A_115 = arith.constant 0 : i32
        %dma_wait3A_116 = arith.constant 0 : i32
        %dma_wait3A_117 = tpu.memref_slice %arg6[%run_scoped3A, %dma_wait3A_115, %dma_wait3A_116] : memref<2x128x128xf32, #tpu.memory_space<vmem>> -> memref<1x16x128xf32, #tpu.memory_space<vmem>>
        %dma_wait3A_118 = tpu.memref_squeeze %dma_wait3A_117 : memref<1x16x128xf32, #tpu.memory_space<vmem>> -> memref<16x128xf32, #tpu.memory_space<vmem>>
        %dma_wait3A_119 = arith.constant 9984 : i32
        %dma_wait3A_120 = arith.constant 0 : i32
        %dma_wait3A_121 = tpu.memref_slice %arg8[%dma_wait3A_119, %dma_wait3A_120] : memref<10008x128xf32, #tpu.memory_space<vmem_shared>> -> memref<16x128xf32, #tpu.memory_space<vmem_shared>>
        %dma_wait3A_122 = arith.constant 0 : i32
        %dma_wait3A_123 = arith.constant 0 : i32
        %dma_wait3A_124 = tpu.memref_slice %arg6[%run_scoped3A, %dma_wait3A_122, %dma_wait3A_123] : memref<2x128x128xf32, #tpu.memory_space<vmem>> -> memref<1x16x128xf32, #tpu.memory_space<vmem>>
        %dma_wait3A_125 = tpu.memref_squeeze %dma_wait3A_124 : memref<1x16x128xf32, #tpu.memory_space<vmem>> -> memref<16x128xf32, #tpu.memory_space<vmem>>
        %dma_wait3A_126 = arith.constant 9984 : i32
        %dma_wait3A_127 = arith.constant 0 : i32
        %dma_wait3A_128 = tpu.memref_slice %arg8[%dma_wait3A_126, %dma_wait3A_127] : memref<10008x128xf32, #tpu.memory_space<vmem_shared>> -> memref<16x128xf32, #tpu.memory_space<vmem_shared>>
        tpu.wait_dma2 semaphore(%run_scoped3A_100 : memref<!tpu.dma_semaphore, #tpu.memory_space<semaphore_mem>>) src(%dma_wait3A_128 : memref<16x128xf32, #tpu.memory_space<vmem_shared>>) dst(%dma_wait3A_125 : memref<16x128xf32, #tpu.memory_space<vmem>>)
        tpu.yield
      }) : () -> ()
      %run_scoped3A_99 = arith.constant 0 : i32
      "tpu.region"() ({
        %run_scoped3A_100 = tpu.sem_alloc : memref<!tpu.dma_semaphore, #tpu.memory_space<semaphore_mem>>
        %dma_start3A_101 = arith.constant 0 : i32
        %dma_start3A_102 = arith.constant 0 : i32
        %dma_start3A_103 = tpu.memref_slice %arg6[%run_scoped3A_99, %dma_start3A_101, %dma_start3A_102] : memref<2x128x128xf32, #tpu.memory_space<vmem>> -> memref<1x16x128xf32, #tpu.memory_space<vmem>>
        %dma_start3A_104 = tpu.memref_squeeze %dma_start3A_103 : memref<1x16x128xf32, #tpu.memory_space<vmem>> -> memref<16x128xf32, #tpu.memory_space<vmem>>
        %dma_start3A_105 = arith.constant 9984 : i32
        %dma_start3A_106 = arith.constant 0 : i32
        %dma_start3A_107 = tpu.memref_slice %arg4[%arg0, %dma_start3A_105, %dma_start3A_106] : memref<2x10000x128xf32, #tpu.memory_space<hbm>> -> memref<1x16x128xf32, #tpu.memory_space<hbm>>
        %dma_start3A_108 = tpu.memref_squeeze %dma_start3A_107 : memref<1x16x128xf32, #tpu.memory_space<hbm>> -> memref<16x128xf32, #tpu.memory_space<hbm>>
        %dma_start3A_109 = arith.constant 9984 : i32
        %dma_start3A_110 = arith.constant 0 : i32
        %dma_start3A_111 = tpu.memref_slice %arg4[%arg0, %dma_start3A_109, %dma_start3A_110] : memref<2x10000x128xf32, #tpu.memory_space<hbm>> -> memref<1x16x128xf32, #tpu.memory_space<hbm>>
        %dma_start3A_112 = tpu.memref_squeeze %dma_start3A_111 : memref<1x16x128xf32, #tpu.memory_space<hbm>> -> memref<16x128xf32, #tpu.memory_space<hbm>>
        %dma_start3A_113 = arith.constant 0 : i32
        %dma_start3A_114 = arith.constant 0 : i32
        %dma_start3A_115 = tpu.memref_slice %arg6[%run_scoped3A_99, %dma_start3A_113, %dma_start3A_114] : memref<2x128x128xf32, #tpu.memory_space<vmem>> -> memref<1x16x128xf32, #tpu.memory_space<vmem>>
        %dma_start3A_116 = tpu.memref_squeeze %dma_start3A_115 : memref<1x16x128xf32, #tpu.memory_space<vmem>> -> memref<16x128xf32, #tpu.memory_space<vmem>>
        tpu.enqueue_dma source(%dma_start3A_116 : memref<16x128xf32, #tpu.memory_space<vmem>>) target(%dma_start3A_112 : memref<16x128xf32, #tpu.memory_space<hbm>>) target_semaphore(%run_scoped3A_100 : memref<!tpu.dma_semaphore, #tpu.memory_space<semaphore_mem>>)
        %dma_wait3A_117 = arith.constant 0 : i32
        %dma_wait3A_118 = arith.constant 0 : i32
        %dma_wait3A_119 = tpu.memref_slice %arg6[%run_scoped3A_99, %dma_wait3A_117, %dma_wait3A_118] : memref<2x128x128xf32, #tpu.memory_space<vmem>> -> memref<1x16x128xf32, #tpu.memory_space<vmem>>
        %dma_wait3A_120 = tpu.memref_squeeze %dma_wait3A_119 : memref<1x16x128xf32, #tpu.memory_space<vmem>> -> memref<16x128xf32, #tpu.memory_space<vmem>>
        %dma_wait3A_121 = arith.constant 9984 : i32
        %dma_wait3A_122 = arith.constant 0 : i32
        %dma_wait3A_123 = tpu.memref_slice %arg4[%arg0, %dma_wait3A_121, %dma_wait3A_122] : memref<2x10000x128xf32, #tpu.memory_space<hbm>> -> memref<1x16x128xf32, #tpu.memory_space<hbm>>
        %dma_wait3A_124 = tpu.memref_squeeze %dma_wait3A_123 : memref<1x16x128xf32, #tpu.memory_space<hbm>> -> memref<16x128xf32, #tpu.memory_space<hbm>>
        %dma_wait3A_125 = arith.constant 9984 : i32
        %dma_wait3A_126 = arith.constant 0 : i32
        %dma_wait3A_127 = tpu.memref_slice %arg4[%arg0, %dma_wait3A_125, %dma_wait3A_126] : memref<2x10000x128xf32, #tpu.memory_space<hbm>> -> memref<1x16x128xf32, #tpu.memory_space<hbm>>
        %dma_wait3A_128 = tpu.memref_squeeze %dma_wait3A_127 : memref<1x16x128xf32, #tpu.memory_space<hbm>> -> memref<16x128xf32, #tpu.memory_space<hbm>>
        %dma_wait3A_129 = arith.constant 0 : i32
        %dma_wait3A_130 = arith.constant 0 : i32
        %dma_wait3A_131 = tpu.memref_slice %arg6[%run_scoped3A_99, %dma_wait3A_129, %dma_wait3A_130] : memref<2x128x128xf32, #tpu.memory_space<vmem>> -> memref<1x16x128xf32, #tpu.memory_space<vmem>>
        %dma_wait3A_132 = tpu.memref_squeeze %dma_wait3A_131 : memref<1x16x128xf32, #tpu.memory_space<vmem>> -> memref<16x128xf32, #tpu.memory_space<vmem>>
        tpu.wait_dma2 semaphore(%run_scoped3A_100 : memref<!tpu.dma_semaphore, #tpu.memory_space<semaphore_mem>>) src(%dma_wait3A_132 : memref<16x128xf32, #tpu.memory_space<vmem>>) dst(%dma_wait3A_128 : memref<16x128xf32, #tpu.memory_space<hbm>>)
        tpu.yield
      }) : () -> ()
    } else {
    }
    return
  }
}

#map = affine_map<(d0, d1) -> (0, 0, 0, 0)>
#map1 = affine_map<(d0, d1) -> (0, 0)>
#map2 = affine_map<(d0, d1) -> (0, 0, 0)>
module attributes {stable_mosaic.version = 14 : i64} {
  func.func @_agg_sc(%arg0: i32, %arg1: i32, %arg2: memref<32x80x2x128xi32, #tpu.memory_space<hbm>>, %arg3: memref<10008x128xf32, #tpu.memory_space<hbm>>, %arg4: memref<2x10000x128xf32, #tpu.memory_space<hbm>>, %arg5: memref<2x2x128xi32, #tpu.memory_space<vmem>>, %arg6: memref<2x128x128xf32, #tpu.memory_space<vmem>>, %arg7: memref<8x128xf32, #tpu.memory_space<vmem>>, %arg8: memref<10008x128xf32, #tpu.memory_space<vmem_shared>>, %arg9: memref<!tpu.dma_semaphore, #tpu.memory_space<semaphore_mem>>, %arg10: memref<!tpu.dma_semaphore, #tpu.memory_space<semaphore_mem>>, %arg11: memref<!tpu.dma_semaphore, #tpu.memory_space<semaphore_mem>>, %arg12: memref<!tpu.dma_semaphore, #tpu.memory_space<semaphore_mem>>) attributes {dimension_semantics = [#tpu.dimension_semantics<core_parallel>, #tpu.dimension_semantics<subcore_parallel>], iteration_bounds = array<i64: 2, 16>, scalar_prefetch = 0 : i64, scratch_operands = 8 : i64, tpu.core_type = #tpu.core_type<sc_vector_subcore>, window_params = [{transform_indices = #map}, {transform_indices = #map1}, {transform_indices = #map2}]} {
    %mul3A = arith.constant 2 : i32
    %mul3A_0 = arith.muli %arg1, %mul3A : i32
    %add3A = arith.addi %mul3A_0, %arg0 : i32
    %mul3A_1 = arith.constant 624 : i32
    %mul3A_2 = arith.muli %arg1, %mul3A_1 : i32
    %scan3A = arith.constant 0 : i32
    %scan3A_3 = arith.constant 0 : i32
    %scan3A_4 = arith.constant 8 : i32
    %scan3A_5 = arith.addi %scan3A_3, %scan3A_4 : i32
    %scan3A_6 = arith.constant 1 : i32
    scf.for %scan3A_99 = %scan3A_3 to %scan3A_5 step %scan3A_6  : i32 {
      %broadcast_in_dim3A = arith.constant 0.000000e+00 : f32
      %broadcast_in_dim3A_100 = vector.broadcast %broadcast_in_dim3A : f32 to vector<16xf32>
      %swap3A = arith.index_cast %scan3A_99 : i32 to index
      %swap3A_101 = arith.constant 0 : index
      %swap3A_102 = tpu.vector_load %arg7[%swap3A, %swap3A_101] {strides = array<i32>} : memref<8x128xf32, #tpu.memory_space<vmem>>, vector<1x16xf32>,
      %swap3A_103 = vector.shape_cast %swap3A_102 : vector<1x16xf32> to vector<16xf32>
      %swap3A_104 = vector.shape_cast %broadcast_in_dim3A_100 : vector<16xf32> to vector<1x16xf32>
      tpu.vector_store %arg7[%swap3A, %swap3A_101], %swap3A_104 {strides = array<i32>} : memref<8x128xf32, #tpu.memory_space<vmem>>, vector<1x16xf32>,
      %broadcast_in_dim3A_105 = arith.constant 0.000000e+00 : f32
      %broadcast_in_dim3A_106 = vector.broadcast %broadcast_in_dim3A_105 : f32 to vector<16xf32>
      %swap3A_107 = arith.index_cast %scan3A_99 : i32 to index
      %swap3A_108 = arith.constant 16 : index
      %swap3A_109 = tpu.vector_load %arg7[%swap3A_107, %swap3A_108] {strides = array<i32>} : memref<8x128xf32, #tpu.memory_space<vmem>>, vector<1x16xf32>,
      %swap3A_110 = vector.shape_cast %swap3A_109 : vector<1x16xf32> to vector<16xf32>
      %swap3A_111 = vector.shape_cast %broadcast_in_dim3A_106 : vector<16xf32> to vector<1x16xf32>
      tpu.vector_store %arg7[%swap3A_107, %swap3A_108], %swap3A_111 {strides = array<i32>} : memref<8x128xf32, #tpu.memory_space<vmem>>, vector<1x16xf32>,
      %broadcast_in_dim3A_112 = arith.constant 0.000000e+00 : f32
      %broadcast_in_dim3A_113 = vector.broadcast %broadcast_in_dim3A_112 : f32 to vector<16xf32>
      %swap3A_114 = arith.index_cast %scan3A_99 : i32 to index
      %swap3A_115 = arith.constant 32 : index
      %swap3A_116 = tpu.vector_load %arg7[%swap3A_114, %swap3A_115] {strides = array<i32>} : memref<8x128xf32, #tpu.memory_space<vmem>>, vector<1x16xf32>,
      %swap3A_117 = vector.shape_cast %swap3A_116 : vector<1x16xf32> to vector<16xf32>
      %swap3A_118 = vector.shape_cast %broadcast_in_dim3A_113 : vector<16xf32> to vector<1x16xf32>
      tpu.vector_store %arg7[%swap3A_114, %swap3A_115], %swap3A_118 {strides = array<i32>} : memref<8x128xf32, #tpu.memory_space<vmem>>, vector<1x16xf32>,
      %broadcast_in_dim3A_119 = arith.constant 0.000000e+00 : f32
      %broadcast_in_dim3A_120 = vector.broadcast %broadcast_in_dim3A_119 : f32 to vector<16xf32>
      %swap3A_121 = arith.index_cast %scan3A_99 : i32 to index
      %swap3A_122 = arith.constant 48 : index
      %swap3A_123 = tpu.vector_load %arg7[%swap3A_121, %swap3A_122] {strides = array<i32>} : memref<8x128xf32, #tpu.memory_space<vmem>>, vector<1x16xf32>,
      %swap3A_124 = vector.shape_cast %swap3A_123 : vector<1x16xf32> to vector<16xf32>
      %swap3A_125 = vector.shape_cast %broadcast_in_dim3A_120 : vector<16xf32> to vector<1x16xf32>
      tpu.vector_store %arg7[%swap3A_121, %swap3A_122], %swap3A_125 {strides = array<i32>} : memref<8x128xf32, #tpu.memory_space<vmem>>, vector<1x16xf32>,
      %broadcast_in_dim3A_126 = arith.constant 0.000000e+00 : f32
      %broadcast_in_dim3A_127 = vector.broadcast %broadcast_in_dim3A_126 : f32 to vector<16xf32>
      %swap3A_128 = arith.index_cast %scan3A_99 : i32 to index
      %swap3A_129 = arith.constant 64 : index
      %swap3A_130 = tpu.vector_load %arg7[%swap3A_128, %swap3A_129] {strides = array<i32>} : memref<8x128xf32, #tpu.memory_space<vmem>>, vector<1x16xf32>,
      %swap3A_131 = vector.shape_cast %swap3A_130 : vector<1x16xf32> to vector<16xf32>
      %swap3A_132 = vector.shape_cast %broadcast_in_dim3A_127 : vector<16xf32> to vector<1x16xf32>
      tpu.vector_store %arg7[%swap3A_128, %swap3A_129], %swap3A_132 {strides = array<i32>} : memref<8x128xf32, #tpu.memory_space<vmem>>, vector<1x16xf32>,
      %broadcast_in_dim3A_133 = arith.constant 0.000000e+00 : f32
      %broadcast_in_dim3A_134 = vector.broadcast %broadcast_in_dim3A_133 : f32 to vector<16xf32>
      %swap3A_135 = arith.index_cast %scan3A_99 : i32 to index
      %swap3A_136 = arith.constant 80 : index
      %swap3A_137 = tpu.vector_load %arg7[%swap3A_135, %swap3A_136] {strides = array<i32>} : memref<8x128xf32, #tpu.memory_space<vmem>>, vector<1x16xf32>,
      %swap3A_138 = vector.shape_cast %swap3A_137 : vector<1x16xf32> to vector<16xf32>
      %swap3A_139 = vector.shape_cast %broadcast_in_dim3A_134 : vector<16xf32> to vector<1x16xf32>
      tpu.vector_store %arg7[%swap3A_135, %swap3A_136], %swap3A_139 {strides = array<i32>} : memref<8x128xf32, #tpu.memory_space<vmem>>, vector<1x16xf32>,
      %broadcast_in_dim3A_140 = arith.constant 0.000000e+00 : f32
      %broadcast_in_dim3A_141 = vector.broadcast %broadcast_in_dim3A_140 : f32 to vector<16xf32>
      %swap3A_142 = arith.index_cast %scan3A_99 : i32 to index
      %swap3A_143 = arith.constant 96 : index
      %swap3A_144 = tpu.vector_load %arg7[%swap3A_142, %swap3A_143] {strides = array<i32>} : memref<8x128xf32, #tpu.memory_space<vmem>>, vector<1x16xf32>,
      %swap3A_145 = vector.shape_cast %swap3A_144 : vector<1x16xf32> to vector<16xf32>
      %swap3A_146 = vector.shape_cast %broadcast_in_dim3A_141 : vector<16xf32> to vector<1x16xf32>
      tpu.vector_store %arg7[%swap3A_142, %swap3A_143], %swap3A_146 {strides = array<i32>} : memref<8x128xf32, #tpu.memory_space<vmem>>, vector<1x16xf32>,
      %broadcast_in_dim3A_147 = arith.constant 0.000000e+00 : f32
      %broadcast_in_dim3A_148 = vector.broadcast %broadcast_in_dim3A_147 : f32 to vector<16xf32>
      %swap3A_149 = arith.index_cast %scan3A_99 : i32 to index
      %swap3A_150 = arith.constant 112 : index
      %swap3A_151 = tpu.vector_load %arg7[%swap3A_149, %swap3A_150] {strides = array<i32>} : memref<8x128xf32, #tpu.memory_space<vmem>>, vector<1x16xf32>,
      %swap3A_152 = vector.shape_cast %swap3A_151 : vector<1x16xf32> to vector<16xf32>
      %swap3A_153 = vector.shape_cast %broadcast_in_dim3A_148 : vector<16xf32> to vector<1x16xf32>
      tpu.vector_store %arg7[%swap3A_149, %swap3A_150], %swap3A_153 {strides = array<i32>} : memref<8x128xf32, #tpu.memory_space<vmem>>, vector<1x16xf32>,
    }
    %scan3A_7 = arith.constant 8 : i32
    %scan3A_8 = arith.constant 0 : i32
    %scan3A_9 = arith.constant 0 : i32
    %scan3A_10 = arith.constant 78 : i32
    %scan3A_11 = arith.addi %scan3A_9, %scan3A_10 : i32
    %scan3A_12 = arith.constant 1 : i32
    scf.for %scan3A_99 = %scan3A_9 to %scan3A_11 step %scan3A_12  : i32 {
      %mul3A_100 = arith.constant 8 : i32
      %mul3A_101 = arith.muli %scan3A_99, %mul3A_100 : i32
      %add3A_102 = arith.addi %mul3A_2, %mul3A_101 : i32
      "tpu.region"() ({
        %run_scoped3A = tpu.sem_alloc : memref<!tpu.dma_semaphore, #tpu.memory_space<semaphore_mem>>
        %dma_start3A_103 = arith.constant 0 : i32
        %dma_start3A_104 = tpu.memref_slice %arg8[%add3A_102, %dma_start3A_103] : memref<10008x128xf32, #tpu.memory_space<vmem_shared>> -> memref<8x128xf32, #tpu.memory_space<vmem_shared>>
        %dma_start3A_105 = arith.constant 0 : i32
        %dma_start3A_106 = tpu.memref_slice %arg8[%add3A_102, %dma_start3A_105] : memref<10008x128xf32, #tpu.memory_space<vmem_shared>> -> memref<8x128xf32, #tpu.memory_space<vmem_shared>>
        tpu.enqueue_dma source(%arg7 : memref<8x128xf32, #tpu.memory_space<vmem>>) target(%dma_start3A_106 : memref<8x128xf32, #tpu.memory_space<vmem_shared>>) target_semaphore(%run_scoped3A : memref<!tpu.dma_semaphore, #tpu.memory_space<semaphore_mem>>)
        %dma_wait3A_107 = arith.constant 0 : i32
        %dma_wait3A_108 = tpu.memref_slice %arg8[%add3A_102, %dma_wait3A_107] : memref<10008x128xf32, #tpu.memory_space<vmem_shared>> -> memref<8x128xf32, #tpu.memory_space<vmem_shared>>
        %dma_wait3A_109 = arith.constant 0 : i32
        %dma_wait3A_110 = tpu.memref_slice %arg8[%add3A_102, %dma_wait3A_109] : memref<10008x128xf32, #tpu.memory_space<vmem_shared>> -> memref<8x128xf32, #tpu.memory_space<vmem_shared>>
        tpu.wait_dma2 semaphore(%run_scoped3A : memref<!tpu.dma_semaphore, #tpu.memory_space<semaphore_mem>>) src(%arg7 : memref<8x128xf32, #tpu.memory_space<vmem>>) dst(%dma_wait3A_110 : memref<8x128xf32, #tpu.memory_space<vmem_shared>>)
        tpu.yield
      }) : () -> ()
    }
    %scan3A_13 = arith.constant 78 : i32
    %eq3A = arith.constant 15 : i32
    %eq3A_14 = arith.cmpi eq, %arg1, %eq3A : i32
    %convert_element_type3A = arith.extui %eq3A_14 : i1 to i32
    %cond3A = arith.constant 0 : i32
    %cond3A_15 = arith.cmpi ne, %convert_element_type3A, %cond3A : i32
    scf.if %cond3A_15 {
      "tpu.region"() ({
        %run_scoped3A = tpu.sem_alloc : memref<!tpu.dma_semaphore, #tpu.memory_space<semaphore_mem>>
        %dma_start3A_99 = arith.constant 9984 : i32
        %dma_start3A_100 = arith.constant 0 : i32
        %dma_start3A_101 = tpu.memref_slice %arg8[%dma_start3A_99, %dma_start3A_100] : memref<10008x128xf32, #tpu.memory_space<vmem_shared>> -> memref<8x128xf32, #tpu.memory_space<vmem_shared>>
        %dma_start3A_102 = arith.constant 9984 : i32
        %dma_start3A_103 = arith.constant 0 : i32
        %dma_start3A_104 = tpu.memref_slice %arg8[%dma_start3A_102, %dma_start3A_103] : memref<10008x128xf32, #tpu.memory_space<vmem_shared>> -> memref<8x128xf32, #tpu.memory_space<vmem_shared>>
        tpu.enqueue_dma source(%arg7 : memref<8x128xf32, #tpu.memory_space<vmem>>) target(%dma_start3A_104 : memref<8x128xf32, #tpu.memory_space<vmem_shared>>) target_semaphore(%run_scoped3A : memref<!tpu.dma_semaphore, #tpu.memory_space<semaphore_mem>>)
        %dma_wait3A_105 = arith.constant 9984 : i32
        %dma_wait3A_106 = arith.constant 0 : i32
        %dma_wait3A_107 = tpu.memref_slice %arg8[%dma_wait3A_105, %dma_wait3A_106] : memref<10008x128xf32, #tpu.memory_space<vmem_shared>> -> memref<8x128xf32, #tpu.memory_space<vmem_shared>>
        %dma_wait3A_108 = arith.constant 9984 : i32
        %dma_wait3A_109 = arith.constant 0 : i32
        %dma_wait3A_110 = tpu.memref_slice %arg8[%dma_wait3A_108, %dma_wait3A_109] : memref<10008x128xf32, #tpu.memory_space<vmem_shared>> -> memref<8x128xf32, #tpu.memory_space<vmem_shared>>
        tpu.wait_dma2 semaphore(%run_scoped3A : memref<!tpu.dma_semaphore, #tpu.memory_space<semaphore_mem>>) src(%arg7 : memref<8x128xf32, #tpu.memory_space<vmem>>) dst(%dma_wait3A_110 : memref<8x128xf32, #tpu.memory_space<vmem_shared>>)
        tpu.yield
      }) : () -> ()
      "tpu.region"() ({
        %run_scoped3A = tpu.sem_alloc : memref<!tpu.dma_semaphore, #tpu.memory_space<semaphore_mem>>
        %dma_start3A_99 = arith.constant 9992 : i32
        %dma_start3A_100 = arith.constant 0 : i32
        %dma_start3A_101 = tpu.memref_slice %arg8[%dma_start3A_99, %dma_start3A_100] : memref<10008x128xf32, #tpu.memory_space<vmem_shared>> -> memref<8x128xf32, #tpu.memory_space<vmem_shared>>
        %dma_start3A_102 = arith.constant 9992 : i32
        %dma_start3A_103 = arith.constant 0 : i32
        %dma_start3A_104 = tpu.memref_slice %arg8[%dma_start3A_102, %dma_start3A_103] : memref<10008x128xf32, #tpu.memory_space<vmem_shared>> -> memref<8x128xf32, #tpu.memory_space<vmem_shared>>
        tpu.enqueue_dma source(%arg7 : memref<8x128xf32, #tpu.memory_space<vmem>>) target(%dma_start3A_104 : memref<8x128xf32, #tpu.memory_space<vmem_shared>>) target_semaphore(%run_scoped3A : memref<!tpu.dma_semaphore, #tpu.memory_space<semaphore_mem>>)
        %dma_wait3A_105 = arith.constant 9992 : i32
        %dma_wait3A_106 = arith.constant 0 : i32
        %dma_wait3A_107 = tpu.memref_slice %arg8[%dma_wait3A_105, %dma_wait3A_106] : memref<10008x128xf32, #tpu.memory_space<vmem_shared>> -> memref<8x128xf32, #tpu.memory_space<vmem_shared>>
        %dma_wait3A_108 = arith.constant 9992 : i32
        %dma_wait3A_109 = arith.constant 0 : i32
        %dma_wait3A_110 = tpu.memref_slice %arg8[%dma_wait3A_108, %dma_wait3A_109] : memref<10008x128xf32, #tpu.memory_space<vmem_shared>> -> memref<8x128xf32, #tpu.memory_space<vmem_shared>>
        tpu.wait_dma2 semaphore(%run_scoped3A : memref<!tpu.dma_semaphore, #tpu.memory_space<semaphore_mem>>) src(%arg7 : memref<8x128xf32, #tpu.memory_space<vmem>>) dst(%dma_wait3A_110 : memref<8x128xf32, #tpu.memory_space<vmem_shared>>)
        tpu.yield
      }) : () -> ()
    } else {
    }
    %barrier3A = arith.constant 0 : index
    tpu.barrier barrier_id(%barrier3A)
    %dma_start3A = arith.constant 0 : i32
    %dma_start3A_16 = arith.constant 0 : i32
    %dma_start3A_17 = arith.constant 0 : i32
    %dma_start3A_18 = arith.constant 0 : i32
    %dma_start3A_19 = tpu.memref_slice %arg5[%dma_start3A_16, %dma_start3A_17, %dma_start3A_18] : memref<2x2x128xi32, #tpu.memory_space<vmem>> -> memref<1x2x128xi32, #tpu.memory_space<vmem>>
    %dma_start3A_20 = tpu.memref_squeeze %dma_start3A_19 : memref<1x2x128xi32, #tpu.memory_space<vmem>> -> memref<2x128xi32, #tpu.memory_space<vmem>>
    %dma_start3A_21 = arith.constant 0 : i32
    %dma_start3A_22 = arith.constant 0 : i32
    %dma_start3A_23 = tpu.memref_slice %arg2[%add3A, %dma_start3A, %dma_start3A_21, %dma_start3A_22] : memref<32x80x2x128xi32, #tpu.memory_space<hbm>> -> memref<1x1x2x128xi32, #tpu.memory_space<hbm>>
    %dma_start3A_24 = tpu.memref_squeeze %dma_start3A_23 : memref<1x1x2x128xi32, #tpu.memory_space<hbm>> -> memref<2x128xi32, #tpu.memory_space<hbm>>
    %dma_start3A_25 = arith.constant 0 : i32
    %dma_start3A_26 = arith.constant 0 : i32
    %dma_start3A_27 = tpu.memref_slice %arg5[%dma_start3A_16, %dma_start3A_25, %dma_start3A_26] : memref<2x2x128xi32, #tpu.memory_space<vmem>> -> memref<1x2x128xi32, #tpu.memory_space<vmem>>
    %dma_start3A_28 = tpu.memref_squeeze %dma_start3A_27 : memref<1x2x128xi32, #tpu.memory_space<vmem>> -> memref<2x128xi32, #tpu.memory_space<vmem>>
    %dma_start3A_29 = arith.constant 0 : i32
    %dma_start3A_30 = arith.constant 0 : i32
    %dma_start3A_31 = tpu.memref_slice %arg2[%add3A, %dma_start3A, %dma_start3A_29, %dma_start3A_30] : memref<32x80x2x128xi32, #tpu.memory_space<hbm>> -> memref<1x1x2x128xi32, #tpu.memory_space<hbm>>
    %dma_start3A_32 = tpu.memref_squeeze %dma_start3A_31 : memref<1x1x2x128xi32, #tpu.memory_space<hbm>> -> memref<2x128xi32, #tpu.memory_space<hbm>>
    tpu.enqueue_dma source(%dma_start3A_32 : memref<2x128xi32, #tpu.memory_space<hbm>>) target(%dma_start3A_28 : memref<2x128xi32, #tpu.memory_space<vmem>>) target_semaphore(%arg9 : memref<!tpu.dma_semaphore, #tpu.memory_space<semaphore_mem>>)
    %dma_start3A_33 = arith.constant 1 : i32
    %dma_start3A_34 = arith.constant 1 : i32
    %dma_start3A_35 = arith.constant 0 : i32
    %dma_start3A_36 = arith.constant 0 : i32
    %dma_start3A_37 = tpu.memref_slice %arg5[%dma_start3A_34, %dma_start3A_35, %dma_start3A_36] : memref<2x2x128xi32, #tpu.memory_space<vmem>> -> memref<1x2x128xi32, #tpu.memory_space<vmem>>
    %dma_start3A_38 = tpu.memref_squeeze %dma_start3A_37 : memref<1x2x128xi32, #tpu.memory_space<vmem>> -> memref<2x128xi32, #tpu.memory_space<vmem>>
    %dma_start3A_39 = arith.constant 0 : i32
    %dma_start3A_40 = arith.constant 0 : i32
    %dma_start3A_41 = tpu.memref_slice %arg2[%add3A, %dma_start3A_33, %dma_start3A_39, %dma_start3A_40] : memref<32x80x2x128xi32, #tpu.memory_space<hbm>> -> memref<1x1x2x128xi32, #tpu.memory_space<hbm>>
    %dma_start3A_42 = tpu.memref_squeeze %dma_start3A_41 : memref<1x1x2x128xi32, #tpu.memory_space<hbm>> -> memref<2x128xi32, #tpu.memory_space<hbm>>
    %dma_start3A_43 = arith.constant 0 : i32
    %dma_start3A_44 = arith.constant 0 : i32
    %dma_start3A_45 = tpu.memref_slice %arg5[%dma_start3A_34, %dma_start3A_43, %dma_start3A_44] : memref<2x2x128xi32, #tpu.memory_space<vmem>> -> memref<1x2x128xi32, #tpu.memory_space<vmem>>
    %dma_start3A_46 = tpu.memref_squeeze %dma_start3A_45 : memref<1x2x128xi32, #tpu.memory_space<vmem>> -> memref<2x128xi32, #tpu.memory_space<vmem>>
    %dma_start3A_47 = arith.constant 0 : i32
    %dma_start3A_48 = arith.constant 0 : i32
    %dma_start3A_49 = tpu.memref_slice %arg2[%add3A, %dma_start3A_33, %dma_start3A_47, %dma_start3A_48] : memref<32x80x2x128xi32, #tpu.memory_space<hbm>> -> memref<1x1x2x128xi32, #tpu.memory_space<hbm>>
    %dma_start3A_50 = tpu.memref_squeeze %dma_start3A_49 : memref<1x1x2x128xi32, #tpu.memory_space<hbm>> -> memref<2x128xi32, #tpu.memory_space<hbm>>
    tpu.enqueue_dma source(%dma_start3A_50 : memref<2x128xi32, #tpu.memory_space<hbm>>) target(%dma_start3A_46 : memref<2x128xi32, #tpu.memory_space<vmem>>) target_semaphore(%arg10 : memref<!tpu.dma_semaphore, #tpu.memory_space<semaphore_mem>>)
    %dma_wait3A = arith.constant 0 : i32
    %dma_wait3A_51 = arith.constant 0 : i32
    %dma_wait3A_52 = arith.constant 0 : i32
    %dma_wait3A_53 = arith.constant 0 : i32
    %dma_wait3A_54 = tpu.memref_slice %arg5[%dma_wait3A_51, %dma_wait3A_52, %dma_wait3A_53] : memref<2x2x128xi32, #tpu.memory_space<vmem>> -> memref<1x2x128xi32, #tpu.memory_space<vmem>>
    %dma_wait3A_55 = tpu.memref_squeeze %dma_wait3A_54 : memref<1x2x128xi32, #tpu.memory_space<vmem>> -> memref<2x128xi32, #tpu.memory_space<vmem>>
    %dma_wait3A_56 = arith.constant 0 : i32
    %dma_wait3A_57 = arith.constant 0 : i32
    %dma_wait3A_58 = tpu.memref_slice %arg2[%add3A, %dma_wait3A, %dma_wait3A_56, %dma_wait3A_57] : memref<32x80x2x128xi32, #tpu.memory_space<hbm>> -> memref<1x1x2x128xi32, #tpu.memory_space<hbm>>
    %dma_wait3A_59 = tpu.memref_squeeze %dma_wait3A_58 : memref<1x1x2x128xi32, #tpu.memory_space<hbm>> -> memref<2x128xi32, #tpu.memory_space<hbm>>
    %dma_wait3A_60 = arith.constant 0 : i32
    %dma_wait3A_61 = arith.constant 0 : i32
    %dma_wait3A_62 = tpu.memref_slice %arg5[%dma_wait3A_51, %dma_wait3A_60, %dma_wait3A_61] : memref<2x2x128xi32, #tpu.memory_space<vmem>> -> memref<1x2x128xi32, #tpu.memory_space<vmem>>
    %dma_wait3A_63 = tpu.memref_squeeze %dma_wait3A_62 : memref<1x2x128xi32, #tpu.memory_space<vmem>> -> memref<2x128xi32, #tpu.memory_space<vmem>>
    %dma_wait3A_64 = arith.constant 0 : i32
    %dma_wait3A_65 = arith.constant 0 : i32
    %dma_wait3A_66 = tpu.memref_slice %arg2[%add3A, %dma_wait3A, %dma_wait3A_64, %dma_wait3A_65] : memref<32x80x2x128xi32, #tpu.memory_space<hbm>> -> memref<1x1x2x128xi32, #tpu.memory_space<hbm>>
    %dma_wait3A_67 = tpu.memref_squeeze %dma_wait3A_66 : memref<1x1x2x128xi32, #tpu.memory_space<hbm>> -> memref<2x128xi32, #tpu.memory_space<hbm>>
    tpu.wait_dma2 semaphore(%arg9 : memref<!tpu.dma_semaphore, #tpu.memory_space<semaphore_mem>>) src(%dma_wait3A_67 : memref<2x128xi32, #tpu.memory_space<hbm>>) dst(%dma_wait3A_63 : memref<2x128xi32, #tpu.memory_space<vmem>>)
    %dma_start3A_68 = arith.constant 0 : i32
    %dma_start3A_69 = arith.constant 0 : i32
    %dma_start3A_70 = arith.constant 0 : i32
    %dma_start3A_71 = arith.constant 0 : i32
    %dma_start3A_72 = arith.constant 0 : i32
    %dma_start3A_73 = tpu.memref_slice %arg6[%dma_start3A_70, %dma_start3A_71, %dma_start3A_72] : memref<2x128x128xf32, #tpu.memory_space<vmem>> -> memref<1x128x128xf32, #tpu.memory_space<vmem>>
    %dma_start3A_74 = tpu.memref_squeeze %dma_start3A_73 : memref<1x128x128xf32, #tpu.memory_space<vmem>> -> memref<128x128xf32, #tpu.memory_space<vmem>>
    %dma_start3A_75 = arith.constant 0 : i32
    %dma_start3A_76 = tpu.memref_slice %arg5[%dma_start3A_68, %dma_start3A_69, %dma_start3A_75] : memref<2x2x128xi32, #tpu.memory_space<vmem>> -> memref<1x1x128xi32, #tpu.memory_space<vmem>>
    %dma_start3A_77 = tpu.memref_squeeze %dma_start3A_76 : memref<1x1x128xi32, #tpu.memory_space<vmem>> -> memref<128xi32, #tpu.memory_space<vmem>>
    %dma_start3A_78 = arith.constant 0 : i32
    %dma_start3A_79 = arith.constant 0 : i32
    %dma_start3A_80 = tpu.memref_slice %arg3[%dma_start3A_78, %dma_start3A_79] : memref<10008x128xf32, #tpu.memory_space<hbm>> -> memref<10008x128xf32, #tpu.memory_space<hbm>>
    tpu.enqueue_indirect_dma source(%dma_start3A_80 : memref<10008x128xf32, #tpu.memory_space<hbm>>) target(%dma_start3A_74 : memref<128x128xf32, #tpu.memory_space<vmem>>) offsets(%dma_start3A_77 : memref<128xi32, #tpu.memory_space<vmem>>) semaphore(%arg11 : memref<!tpu.dma_semaphore, #tpu.memory_space<semaphore_mem>>)
    %scan3A_81 = arith.constant 0 : i32
    %scan3A_82 = arith.constant 0 : i32
    %scan3A_83 = arith.constant 40 : i32
    %scan3A_84 = arith.addi %scan3A_82, %scan3A_83 : i32
    %scan3A_85 = arith.constant 1 : i32
    scf.for %scan3A_99 = %scan3A_82 to %scan3A_84 step %scan3A_85  : i32 {
      %mul3A_100 = arith.constant 2 : i32
      %mul3A_101 = arith.muli %mul3A_100, %scan3A_99 : i32
      %add3A_102 = arith.constant 1 : i32
      %add3A_103 = arith.addi %mul3A_101, %add3A_102 : i32
      %dma_wait3A_104 = arith.constant 1 : i32
      %dma_wait3A_105 = arith.constant 0 : i32
      %dma_wait3A_106 = arith.constant 0 : i32
      %dma_wait3A_107 = tpu.memref_slice %arg5[%dma_wait3A_104, %dma_wait3A_105, %dma_wait3A_106] : memref<2x2x128xi32, #tpu.memory_space<vmem>> -> memref<1x2x128xi32, #tpu.memory_space<vmem>>
      %dma_wait3A_108 = tpu.memref_squeeze %dma_wait3A_107 : memref<1x2x128xi32, #tpu.memory_space<vmem>> -> memref<2x128xi32, #tpu.memory_space<vmem>>
      %dma_wait3A_109 = arith.constant 0 : i32
      %dma_wait3A_110 = arith.constant 0 : i32
      %dma_wait3A_111 = tpu.memref_slice %arg2[%add3A, %add3A_103, %dma_wait3A_109, %dma_wait3A_110] : memref<32x80x2x128xi32, #tpu.memory_space<hbm>> -> memref<1x1x2x128xi32, #tpu.memory_space<hbm>>
      %dma_wait3A_112 = tpu.memref_squeeze %dma_wait3A_111 : memref<1x1x2x128xi32, #tpu.memory_space<hbm>> -> memref<2x128xi32, #tpu.memory_space<hbm>>
      %dma_wait3A_113 = arith.constant 0 : i32
      %dma_wait3A_114 = arith.constant 0 : i32
      %dma_wait3A_115 = tpu.memref_slice %arg5[%dma_wait3A_104, %dma_wait3A_113, %dma_wait3A_114] : memref<2x2x128xi32, #tpu.memory_space<vmem>> -> memref<1x2x128xi32, #tpu.memory_space<vmem>>
      %dma_wait3A_116 = tpu.memref_squeeze %dma_wait3A_115 : memref<1x2x128xi32, #tpu.memory_space<vmem>> -> memref<2x128xi32, #tpu.memory_space<vmem>>
      %dma_wait3A_117 = arith.constant 0 : i32
      %dma_wait3A_118 = arith.constant 0 : i32
      %dma_wait3A_119 = tpu.memref_slice %arg2[%add3A, %add3A_103, %dma_wait3A_117, %dma_wait3A_118] : memref<32x80x2x128xi32, #tpu.memory_space<hbm>> -> memref<1x1x2x128xi32, #tpu.memory_space<hbm>>
      %dma_wait3A_120 = tpu.memref_squeeze %dma_wait3A_119 : memref<1x1x2x128xi32, #tpu.memory_space<hbm>> -> memref<2x128xi32, #tpu.memory_space<hbm>>
      tpu.wait_dma2 semaphore(%arg10 : memref<!tpu.dma_semaphore, #tpu.memory_space<semaphore_mem>>) src(%dma_wait3A_120 : memref<2x128xi32, #tpu.memory_space<hbm>>) dst(%dma_wait3A_116 : memref<2x128xi32, #tpu.memory_space<vmem>>)
      %dma_start3A_121 = arith.constant 1 : i32
      %dma_start3A_122 = arith.constant 0 : i32
      %dma_start3A_123 = arith.constant 1 : i32
      %dma_start3A_124 = arith.constant 0 : i32
      %dma_start3A_125 = arith.constant 0 : i32
      %dma_start3A_126 = tpu.memref_slice %arg6[%dma_start3A_123, %dma_start3A_124, %dma_start3A_125] : memref<2x128x128xf32, #tpu.memory_space<vmem>> -> memref<1x128x128xf32, #tpu.memory_space<vmem>>
      %dma_start3A_127 = tpu.memref_squeeze %dma_start3A_126 : memref<1x128x128xf32, #tpu.memory_space<vmem>> -> memref<128x128xf32, #tpu.memory_space<vmem>>
      %dma_start3A_128 = arith.constant 0 : i32
      %dma_start3A_129 = tpu.memref_slice %arg5[%dma_start3A_121, %dma_start3A_122, %dma_start3A_128] : memref<2x2x128xi32, #tpu.memory_space<vmem>> -> memref<1x1x128xi32, #tpu.memory_space<vmem>>
      %dma_start3A_130 = tpu.memref_squeeze %dma_start3A_129 : memref<1x1x128xi32, #tpu.memory_space<vmem>> -> memref<128xi32, #tpu.memory_space<vmem>>
      %dma_start3A_131 = arith.constant 0 : i32
      %dma_start3A_132 = arith.constant 0 : i32
      %dma_start3A_133 = tpu.memref_slice %arg3[%dma_start3A_131, %dma_start3A_132] : memref<10008x128xf32, #tpu.memory_space<hbm>> -> memref<10008x128xf32, #tpu.memory_space<hbm>>
      tpu.enqueue_indirect_dma source(%dma_start3A_133 : memref<10008x128xf32, #tpu.memory_space<hbm>>) target(%dma_start3A_127 : memref<128x128xf32, #tpu.memory_space<vmem>>) offsets(%dma_start3A_130 : memref<128xi32, #tpu.memory_space<vmem>>) semaphore(%arg12 : memref<!tpu.dma_semaphore, #tpu.memory_space<semaphore_mem>>)
      %dma_wait3A_134 = arith.constant 0 : i32
      %dma_wait3A_135 = arith.constant 0 : i32
      %dma_wait3A_136 = arith.constant 0 : i32
      %dma_wait3A_137 = arith.constant 0 : i32
      %dma_wait3A_138 = arith.constant 0 : i32
      %dma_wait3A_139 = tpu.memref_slice %arg6[%dma_wait3A_136, %dma_wait3A_137, %dma_wait3A_138] : memref<2x128x128xf32, #tpu.memory_space<vmem>> -> memref<1x128x128xf32, #tpu.memory_space<vmem>>
      %dma_wait3A_140 = tpu.memref_squeeze %dma_wait3A_139 : memref<1x128x128xf32, #tpu.memory_space<vmem>> -> memref<128x128xf32, #tpu.memory_space<vmem>>
      %dma_wait3A_141 = arith.constant 0 : i32
      %dma_wait3A_142 = tpu.memref_slice %arg5[%dma_wait3A_134, %dma_wait3A_135, %dma_wait3A_141] : memref<2x2x128xi32, #tpu.memory_space<vmem>> -> memref<1x1x128xi32, #tpu.memory_space<vmem>>
      %dma_wait3A_143 = tpu.memref_squeeze %dma_wait3A_142 : memref<1x1x128xi32, #tpu.memory_space<vmem>> -> memref<128xi32, #tpu.memory_space<vmem>>
      %dma_wait3A_144 = arith.constant 0 : i32
      %dma_wait3A_145 = arith.constant 0 : i32
      %dma_wait3A_146 = tpu.memref_slice %arg3[%dma_wait3A_144, %dma_wait3A_145] : memref<10008x128xf32, #tpu.memory_space<hbm>> -> memref<10008x128xf32, #tpu.memory_space<hbm>>
      tpu.wait_indirect_dma semaphore(%arg11 : memref<!tpu.dma_semaphore, #tpu.memory_space<semaphore_mem>>) src(%dma_wait3A_146 : memref<10008x128xf32, #tpu.memory_space<hbm>>) dst(%dma_wait3A_140 : memref<128x128xf32, #tpu.memory_space<vmem>>)
      %run_scoped3A = arith.constant 0 : i32
      %run_scoped3A_147 = arith.constant 0 : i32
      %run_scoped3A_148 = arith.constant 1 : i32
      "tpu.region"() ({
        %run_scoped3A_178 = tpu.sem_alloc : memref<!tpu.dma_semaphore, #tpu.memory_space<semaphore_mem>>
        %dma_start3A_179 = arith.constant 0 : i32
        %dma_start3A_180 = arith.constant 0 : i32
        %dma_start3A_181 = tpu.memref_slice %arg6[%run_scoped3A, %dma_start3A_179, %dma_start3A_180] : memref<2x128x128xf32, #tpu.memory_space<vmem>> -> memref<1x128x128xf32, #tpu.memory_space<vmem>>
        %dma_start3A_182 = tpu.memref_squeeze %dma_start3A_181 : memref<1x128x128xf32, #tpu.memory_space<vmem>> -> memref<128x128xf32, #tpu.memory_space<vmem>>
        %dma_start3A_183 = arith.constant 0 : i32
        %dma_start3A_184 = tpu.memref_slice %arg5[%run_scoped3A_147, %run_scoped3A_148, %dma_start3A_183] : memref<2x2x128xi32, #tpu.memory_space<vmem>> -> memref<1x1x128xi32, #tpu.memory_space<vmem>>
        %dma_start3A_185 = tpu.memref_squeeze %dma_start3A_184 : memref<1x1x128xi32, #tpu.memory_space<vmem>> -> memref<128xi32, #tpu.memory_space<vmem>>
        %dma_start3A_186 = arith.constant 0 : i32
        %dma_start3A_187 = arith.constant 0 : i32
        %dma_start3A_188 = tpu.memref_slice %arg8[%dma_start3A_186, %dma_start3A_187] : memref<10008x128xf32, #tpu.memory_space<vmem_shared>> -> memref<10008x128xf32, #tpu.memory_space<vmem_shared>>
        tpu.enqueue_indirect_dma source(%dma_start3A_182 : memref<128x128xf32, #tpu.memory_space<vmem>>) target(%dma_start3A_188 : memref<10008x128xf32, #tpu.memory_space<vmem_shared>>) offsets(%dma_start3A_185 : memref<128xi32, #tpu.memory_space<vmem>>) semaphore(%run_scoped3A_178 : memref<!tpu.dma_semaphore, #tpu.memory_space<semaphore_mem>>) {add = true}
        %dma_wait3A_189 = arith.constant 0 : i32
        %dma_wait3A_190 = arith.constant 0 : i32
        %dma_wait3A_191 = tpu.memref_slice %arg6[%run_scoped3A, %dma_wait3A_189, %dma_wait3A_190] : memref<2x128x128xf32, #tpu.memory_space<vmem>> -> memref<1x128x128xf32, #tpu.memory_space<vmem>>
        %dma_wait3A_192 = tpu.memref_squeeze %dma_wait3A_191 : memref<1x128x128xf32, #tpu.memory_space<vmem>> -> memref<128x128xf32, #tpu.memory_space<vmem>>
        %dma_wait3A_193 = arith.constant 0 : i32
        %dma_wait3A_194 = tpu.memref_slice %arg5[%run_scoped3A_147, %run_scoped3A_148, %dma_wait3A_193] : memref<2x2x128xi32, #tpu.memory_space<vmem>> -> memref<1x1x128xi32, #tpu.memory_space<vmem>>
        %dma_wait3A_195 = tpu.memref_squeeze %dma_wait3A_194 : memref<1x1x128xi32, #tpu.memory_space<vmem>> -> memref<128xi32, #tpu.memory_space<vmem>>
        %dma_wait3A_196 = arith.constant 0 : i32
        %dma_wait3A_197 = arith.constant 0 : i32
        %dma_wait3A_198 = tpu.memref_slice %arg8[%dma_wait3A_196, %dma_wait3A_197] : memref<10008x128xf32, #tpu.memory_space<vmem_shared>> -> memref<10008x128xf32, #tpu.memory_space<vmem_shared>>
        tpu.wait_indirect_dma semaphore(%run_scoped3A_178 : memref<!tpu.dma_semaphore, #tpu.memory_space<semaphore_mem>>) src(%dma_wait3A_192 : memref<128x128xf32, #tpu.memory_space<vmem>>) dst(%dma_wait3A_198 : memref<10008x128xf32, #tpu.memory_space<vmem_shared>>)
        tpu.yield
      }) : () -> ()
      %add3A_149 = arith.constant 2 : i32
      %add3A_150 = arith.addi %mul3A_101, %add3A_149 : i32
      %lt3A = arith.constant 80 : i32
      %lt3A_151 = arith.cmpi slt, %add3A_150, %lt3A : i32
      %convert_element_type3A_152 = arith.extui %lt3A_151 : i1 to i32
      %cond3A_153 = arith.constant 0 : i32
      %cond3A_154 = arith.cmpi ne, %convert_element_type3A_152, %cond3A_153 : i32
      scf.if %cond3A_154 {
        %add3A_178 = arith.constant 2 : i32
        %add3A_179 = arith.addi %mul3A_101, %add3A_178 : i32
        %dma_start3A_180 = arith.constant 0 : i32
        %dma_start3A_181 = arith.constant 0 : i32
        %dma_start3A_182 = arith.constant 0 : i32
        %dma_start3A_183 = tpu.memref_slice %arg5[%dma_start3A_180, %dma_start3A_181, %dma_start3A_182] : memref<2x2x128xi32, #tpu.memory_space<vmem>> -> memref<1x2x128xi32, #tpu.memory_space<vmem>>
        %dma_start3A_184 = tpu.memref_squeeze %dma_start3A_183 : memref<1x2x128xi32, #tpu.memory_space<vmem>> -> memref<2x128xi32, #tpu.memory_space<vmem>>
        %dma_start3A_185 = arith.constant 0 : i32
        %dma_start3A_186 = arith.constant 0 : i32
        %dma_start3A_187 = tpu.memref_slice %arg2[%add3A, %add3A_179, %dma_start3A_185, %dma_start3A_186] : memref<32x80x2x128xi32, #tpu.memory_space<hbm>> -> memref<1x1x2x128xi32, #tpu.memory_space<hbm>>
        %dma_start3A_188 = tpu.memref_squeeze %dma_start3A_187 : memref<1x1x2x128xi32, #tpu.memory_space<hbm>> -> memref<2x128xi32, #tpu.memory_space<hbm>>
        %dma_start3A_189 = arith.constant 0 : i32
        %dma_start3A_190 = arith.constant 0 : i32
        %dma_start3A_191 = tpu.memref_slice %arg5[%dma_start3A_180, %dma_start3A_189, %dma_start3A_190] : memref<2x2x128xi32, #tpu.memory_space<vmem>> -> memref<1x2x128xi32, #tpu.memory_space<vmem>>
        %dma_start3A_192 = tpu.memref_squeeze %dma_start3A_191 : memref<1x2x128xi32, #tpu.memory_space<vmem>> -> memref<2x128xi32, #tpu.memory_space<vmem>>
        %dma_start3A_193 = arith.constant 0 : i32
        %dma_start3A_194 = arith.constant 0 : i32
        %dma_start3A_195 = tpu.memref_slice %arg2[%add3A, %add3A_179, %dma_start3A_193, %dma_start3A_194] : memref<32x80x2x128xi32, #tpu.memory_space<hbm>> -> memref<1x1x2x128xi32, #tpu.memory_space<hbm>>
        %dma_start3A_196 = tpu.memref_squeeze %dma_start3A_195 : memref<1x1x2x128xi32, #tpu.memory_space<hbm>> -> memref<2x128xi32, #tpu.memory_space<hbm>>
        tpu.enqueue_dma source(%dma_start3A_196 : memref<2x128xi32, #tpu.memory_space<hbm>>) target(%dma_start3A_192 : memref<2x128xi32, #tpu.memory_space<vmem>>) target_semaphore(%arg9 : memref<!tpu.dma_semaphore, #tpu.memory_space<semaphore_mem>>)
      } else {
      }
      %dma_wait3A_155 = arith.constant 1 : i32
      %dma_wait3A_156 = arith.constant 0 : i32
      %dma_wait3A_157 = arith.constant 1 : i32
      %dma_wait3A_158 = arith.constant 0 : i32
      %dma_wait3A_159 = arith.constant 0 : i32
      %dma_wait3A_160 = tpu.memref_slice %arg6[%dma_wait3A_157, %dma_wait3A_158, %dma_wait3A_159] : memref<2x128x128xf32, #tpu.memory_space<vmem>> -> memref<1x128x128xf32, #tpu.memory_space<vmem>>
      %dma_wait3A_161 = tpu.memref_squeeze %dma_wait3A_160 : memref<1x128x128xf32, #tpu.memory_space<vmem>> -> memref<128x128xf32, #tpu.memory_space<vmem>>
      %dma_wait3A_162 = arith.constant 0 : i32
      %dma_wait3A_163 = tpu.memref_slice %arg5[%dma_wait3A_155, %dma_wait3A_156, %dma_wait3A_162] : memref<2x2x128xi32, #tpu.memory_space<vmem>> -> memref<1x1x128xi32, #tpu.memory_space<vmem>>
      %dma_wait3A_164 = tpu.memref_squeeze %dma_wait3A_163 : memref<1x1x128xi32, #tpu.memory_space<vmem>> -> memref<128xi32, #tpu.memory_space<vmem>>
      %dma_wait3A_165 = arith.constant 0 : i32
      %dma_wait3A_166 = arith.constant 0 : i32
      %dma_wait3A_167 = tpu.memref_slice %arg3[%dma_wait3A_165, %dma_wait3A_166] : memref<10008x128xf32, #tpu.memory_space<hbm>> -> memref<10008x128xf32, #tpu.memory_space<hbm>>
      tpu.wait_indirect_dma semaphore(%arg12 : memref<!tpu.dma_semaphore, #tpu.memory_space<semaphore_mem>>) src(%dma_wait3A_167 : memref<10008x128xf32, #tpu.memory_space<hbm>>) dst(%dma_wait3A_161 : memref<128x128xf32, #tpu.memory_space<vmem>>)
      %run_scoped3A_168 = arith.constant 1 : i32
      %run_scoped3A_169 = arith.constant 1 : i32
      %run_scoped3A_170 = arith.constant 1 : i32
      "tpu.region"() ({
        %run_scoped3A_178 = tpu.sem_alloc : memref<!tpu.dma_semaphore, #tpu.memory_space<semaphore_mem>>
        %dma_start3A_179 = arith.constant 0 : i32
        %dma_start3A_180 = arith.constant 0 : i32
        %dma_start3A_181 = tpu.memref_slice %arg6[%run_scoped3A_168, %dma_start3A_179, %dma_start3A_180] : memref<2x128x128xf32, #tpu.memory_space<vmem>> -> memref<1x128x128xf32, #tpu.memory_space<vmem>>
        %dma_start3A_182 = tpu.memref_squeeze %dma_start3A_181 : memref<1x128x128xf32, #tpu.memory_space<vmem>> -> memref<128x128xf32, #tpu.memory_space<vmem>>
        %dma_start3A_183 = arith.constant 0 : i32
        %dma_start3A_184 = tpu.memref_slice %arg5[%run_scoped3A_169, %run_scoped3A_170, %dma_start3A_183] : memref<2x2x128xi32, #tpu.memory_space<vmem>> -> memref<1x1x128xi32, #tpu.memory_space<vmem>>
        %dma_start3A_185 = tpu.memref_squeeze %dma_start3A_184 : memref<1x1x128xi32, #tpu.memory_space<vmem>> -> memref<128xi32, #tpu.memory_space<vmem>>
        %dma_start3A_186 = arith.constant 0 : i32
        %dma_start3A_187 = arith.constant 0 : i32
        %dma_start3A_188 = tpu.memref_slice %arg8[%dma_start3A_186, %dma_start3A_187] : memref<10008x128xf32, #tpu.memory_space<vmem_shared>> -> memref<10008x128xf32, #tpu.memory_space<vmem_shared>>
        tpu.enqueue_indirect_dma source(%dma_start3A_182 : memref<128x128xf32, #tpu.memory_space<vmem>>) target(%dma_start3A_188 : memref<10008x128xf32, #tpu.memory_space<vmem_shared>>) offsets(%dma_start3A_185 : memref<128xi32, #tpu.memory_space<vmem>>) semaphore(%run_scoped3A_178 : memref<!tpu.dma_semaphore, #tpu.memory_space<semaphore_mem>>) {add = true}
        %dma_wait3A_189 = arith.constant 0 : i32
        %dma_wait3A_190 = arith.constant 0 : i32
        %dma_wait3A_191 = tpu.memref_slice %arg6[%run_scoped3A_168, %dma_wait3A_189, %dma_wait3A_190] : memref<2x128x128xf32, #tpu.memory_space<vmem>> -> memref<1x128x128xf32, #tpu.memory_space<vmem>>
        %dma_wait3A_192 = tpu.memref_squeeze %dma_wait3A_191 : memref<1x128x128xf32, #tpu.memory_space<vmem>> -> memref<128x128xf32, #tpu.memory_space<vmem>>
        %dma_wait3A_193 = arith.constant 0 : i32
        %dma_wait3A_194 = tpu.memref_slice %arg5[%run_scoped3A_169, %run_scoped3A_170, %dma_wait3A_193] : memref<2x2x128xi32, #tpu.memory_space<vmem>> -> memref<1x1x128xi32, #tpu.memory_space<vmem>>
        %dma_wait3A_195 = tpu.memref_squeeze %dma_wait3A_194 : memref<1x1x128xi32, #tpu.memory_space<vmem>> -> memref<128xi32, #tpu.memory_space<vmem>>
        %dma_wait3A_196 = arith.constant 0 : i32
        %dma_wait3A_197 = arith.constant 0 : i32
        %dma_wait3A_198 = tpu.memref_slice %arg8[%dma_wait3A_196, %dma_wait3A_197] : memref<10008x128xf32, #tpu.memory_space<vmem_shared>> -> memref<10008x128xf32, #tpu.memory_space<vmem_shared>>
        tpu.wait_indirect_dma semaphore(%run_scoped3A_178 : memref<!tpu.dma_semaphore, #tpu.memory_space<semaphore_mem>>) src(%dma_wait3A_192 : memref<128x128xf32, #tpu.memory_space<vmem>>) dst(%dma_wait3A_198 : memref<10008x128xf32, #tpu.memory_space<vmem_shared>>)
        tpu.yield
      }) : () -> ()
      %add3A_171 = arith.constant 2 : i32
      %add3A_172 = arith.addi %mul3A_101, %add3A_171 : i32
      %lt3A_173 = arith.constant 80 : i32
      %lt3A_174 = arith.cmpi slt, %add3A_172, %lt3A_173 : i32
      %convert_element_type3A_175 = arith.extui %lt3A_174 : i1 to i32
      %cond3A_176 = arith.constant 0 : i32
      %cond3A_177 = arith.cmpi ne, %convert_element_type3A_175, %cond3A_176 : i32
      scf.if %cond3A_177 {
        %add3A_178 = arith.constant 3 : i32
        %add3A_179 = arith.addi %mul3A_101, %add3A_178 : i32
        %dma_start3A_180 = arith.constant 1 : i32
        %dma_start3A_181 = arith.constant 0 : i32
        %dma_start3A_182 = arith.constant 0 : i32
        %dma_start3A_183 = tpu.memref_slice %arg5[%dma_start3A_180, %dma_start3A_181, %dma_start3A_182] : memref<2x2x128xi32, #tpu.memory_space<vmem>> -> memref<1x2x128xi32, #tpu.memory_space<vmem>>
        %dma_start3A_184 = tpu.memref_squeeze %dma_start3A_183 : memref<1x2x128xi32, #tpu.memory_space<vmem>> -> memref<2x128xi32, #tpu.memory_space<vmem>>
        %dma_start3A_185 = arith.constant 0 : i32
        %dma_start3A_186 = arith.constant 0 : i32
        %dma_start3A_187 = tpu.memref_slice %arg2[%add3A, %add3A_179, %dma_start3A_185, %dma_start3A_186] : memref<32x80x2x128xi32, #tpu.memory_space<hbm>> -> memref<1x1x2x128xi32, #tpu.memory_space<hbm>>
        %dma_start3A_188 = tpu.memref_squeeze %dma_start3A_187 : memref<1x1x2x128xi32, #tpu.memory_space<hbm>> -> memref<2x128xi32, #tpu.memory_space<hbm>>
        %dma_start3A_189 = arith.constant 0 : i32
        %dma_start3A_190 = arith.constant 0 : i32
        %dma_start3A_191 = tpu.memref_slice %arg5[%dma_start3A_180, %dma_start3A_189, %dma_start3A_190] : memref<2x2x128xi32, #tpu.memory_space<vmem>> -> memref<1x2x128xi32, #tpu.memory_space<vmem>>
        %dma_start3A_192 = tpu.memref_squeeze %dma_start3A_191 : memref<1x2x128xi32, #tpu.memory_space<vmem>> -> memref<2x128xi32, #tpu.memory_space<vmem>>
        %dma_start3A_193 = arith.constant 0 : i32
        %dma_start3A_194 = arith.constant 0 : i32
        %dma_start3A_195 = tpu.memref_slice %arg2[%add3A, %add3A_179, %dma_start3A_193, %dma_start3A_194] : memref<32x80x2x128xi32, #tpu.memory_space<hbm>> -> memref<1x1x2x128xi32, #tpu.memory_space<hbm>>
        %dma_start3A_196 = tpu.memref_squeeze %dma_start3A_195 : memref<1x1x2x128xi32, #tpu.memory_space<hbm>> -> memref<2x128xi32, #tpu.memory_space<hbm>>
        tpu.enqueue_dma source(%dma_start3A_196 : memref<2x128xi32, #tpu.memory_space<hbm>>) target(%dma_start3A_192 : memref<2x128xi32, #tpu.memory_space<vmem>>) target_semaphore(%arg10 : memref<!tpu.dma_semaphore, #tpu.memory_space<semaphore_mem>>)
        %add3A_197 = arith.constant 2 : i32
        %add3A_198 = arith.addi %mul3A_101, %add3A_197 : i32
        %dma_wait3A_199 = arith.constant 0 : i32
        %dma_wait3A_200 = arith.constant 0 : i32
        %dma_wait3A_201 = arith.constant 0 : i32
        %dma_wait3A_202 = tpu.memref_slice %arg5[%dma_wait3A_199, %dma_wait3A_200, %dma_wait3A_201] : memref<2x2x128xi32, #tpu.memory_space<vmem>> -> memref<1x2x128xi32, #tpu.memory_space<vmem>>
        %dma_wait3A_203 = tpu.memref_squeeze %dma_wait3A_202 : memref<1x2x128xi32, #tpu.memory_space<vmem>> -> memref<2x128xi32, #tpu.memory_space<vmem>>
        %dma_wait3A_204 = arith.constant 0 : i32
        %dma_wait3A_205 = arith.constant 0 : i32
        %dma_wait3A_206 = tpu.memref_slice %arg2[%add3A, %add3A_198, %dma_wait3A_204, %dma_wait3A_205] : memref<32x80x2x128xi32, #tpu.memory_space<hbm>> -> memref<1x1x2x128xi32, #tpu.memory_space<hbm>>
        %dma_wait3A_207 = tpu.memref_squeeze %dma_wait3A_206 : memref<1x1x2x128xi32, #tpu.memory_space<hbm>> -> memref<2x128xi32, #tpu.memory_space<hbm>>
        %dma_wait3A_208 = arith.constant 0 : i32
        %dma_wait3A_209 = arith.constant 0 : i32
        %dma_wait3A_210 = tpu.memref_slice %arg5[%dma_wait3A_199, %dma_wait3A_208, %dma_wait3A_209] : memref<2x2x128xi32, #tpu.memory_space<vmem>> -> memref<1x2x128xi32, #tpu.memory_space<vmem>>
        %dma_wait3A_211 = tpu.memref_squeeze %dma_wait3A_210 : memref<1x2x128xi32, #tpu.memory_space<vmem>> -> memref<2x128xi32, #tpu.memory_space<vmem>>
        %dma_wait3A_212 = arith.constant 0 : i32
        %dma_wait3A_213 = arith.constant 0 : i32
        %dma_wait3A_214 = tpu.memref_slice %arg2[%add3A, %add3A_198, %dma_wait3A_212, %dma_wait3A_213] : memref<32x80x2x128xi32, #tpu.memory_space<hbm>> -> memref<1x1x2x128xi32, #tpu.memory_space<hbm>>
        %dma_wait3A_215 = tpu.memref_squeeze %dma_wait3A_214 : memref<1x1x2x128xi32, #tpu.memory_space<hbm>> -> memref<2x128xi32, #tpu.memory_space<hbm>>
        tpu.wait_dma2 semaphore(%arg9 : memref<!tpu.dma_semaphore, #tpu.memory_space<semaphore_mem>>) src(%dma_wait3A_215 : memref<2x128xi32, #tpu.memory_space<hbm>>) dst(%dma_wait3A_211 : memref<2x128xi32, #tpu.memory_space<vmem>>)
        %dma_start3A_216 = arith.constant 0 : i32
        %dma_start3A_217 = arith.constant 0 : i32
        %dma_start3A_218 = arith.constant 0 : i32
        %dma_start3A_219 = arith.constant 0 : i32
        %dma_start3A_220 = arith.constant 0 : i32
        %dma_start3A_221 = tpu.memref_slice %arg6[%dma_start3A_218, %dma_start3A_219, %dma_start3A_220] : memref<2x128x128xf32, #tpu.memory_space<vmem>> -> memref<1x128x128xf32, #tpu.memory_space<vmem>>
        %dma_start3A_222 = tpu.memref_squeeze %dma_start3A_221 : memref<1x128x128xf32, #tpu.memory_space<vmem>> -> memref<128x128xf32, #tpu.memory_space<vmem>>
        %dma_start3A_223 = arith.constant 0 : i32
        %dma_start3A_224 = tpu.memref_slice %arg5[%dma_start3A_216, %dma_start3A_217, %dma_start3A_223] : memref<2x2x128xi32, #tpu.memory_space<vmem>> -> memref<1x1x128xi32, #tpu.memory_space<vmem>>
        %dma_start3A_225 = tpu.memref_squeeze %dma_start3A_224 : memref<1x1x128xi32, #tpu.memory_space<vmem>> -> memref<128xi32, #tpu.memory_space<vmem>>
        %dma_start3A_226 = arith.constant 0 : i32
        %dma_start3A_227 = arith.constant 0 : i32
        %dma_start3A_228 = tpu.memref_slice %arg3[%dma_start3A_226, %dma_start3A_227] : memref<10008x128xf32, #tpu.memory_space<hbm>> -> memref<10008x128xf32, #tpu.memory_space<hbm>>
        tpu.enqueue_indirect_dma source(%dma_start3A_228 : memref<10008x128xf32, #tpu.memory_space<hbm>>) target(%dma_start3A_222 : memref<128x128xf32, #tpu.memory_space<vmem>>) offsets(%dma_start3A_225 : memref<128xi32, #tpu.memory_space<vmem>>) semaphore(%arg11 : memref<!tpu.dma_semaphore, #tpu.memory_space<semaphore_mem>>)
      } else {
      }
    }
    %scan3A_86 = arith.constant 40 : i32
    %barrier3A_87 = arith.constant 0 : index
    tpu.barrier barrier_id(%barrier3A_87)
    %scan3A_88 = arith.constant 0 : i32
    %scan3A_89 = arith.constant 0 : i32
    %scan3A_90 = arith.constant 13 : i32
    %scan3A_91 = arith.addi %scan3A_89, %scan3A_90 : i32
    %scan3A_92 = arith.constant 1 : i32
    scf.for %scan3A_99 = %scan3A_89 to %scan3A_91 step %scan3A_92  : i32 {
      %mul3A_100 = arith.constant 48 : i32
      %mul3A_101 = arith.muli %scan3A_99, %mul3A_100 : i32
      %add3A_102 = arith.addi %mul3A_2, %mul3A_101 : i32
      %run_scoped3A = arith.constant 0 : i32
      "tpu.region"() ({
        %run_scoped3A_104 = tpu.sem_alloc : memref<!tpu.dma_semaphore, #tpu.memory_space<semaphore_mem>>
        %dma_start3A_105 = arith.constant 0 : i32
        %dma_start3A_106 = arith.constant 0 : i32
        %dma_start3A_107 = tpu.memref_slice %arg6[%run_scoped3A, %dma_start3A_105, %dma_start3A_106] : memref<2x128x128xf32, #tpu.memory_space<vmem>> -> memref<1x48x128xf32, #tpu.memory_space<vmem>>
        %dma_start3A_108 = tpu.memref_squeeze %dma_start3A_107 : memref<1x48x128xf32, #tpu.memory_space<vmem>> -> memref<48x128xf32, #tpu.memory_space<vmem>>
        %dma_start3A_109 = arith.constant 0 : i32
        %dma_start3A_110 = tpu.memref_slice %arg8[%add3A_102, %dma_start3A_109] : memref<10008x128xf32, #tpu.memory_space<vmem_shared>> -> memref<48x128xf32, #tpu.memory_space<vmem_shared>>
        %dma_start3A_111 = arith.constant 0 : i32
        %dma_start3A_112 = arith.constant 0 : i32
        %dma_start3A_113 = tpu.memref_slice %arg6[%run_scoped3A, %dma_start3A_111, %dma_start3A_112] : memref<2x128x128xf32, #tpu.memory_space<vmem>> -> memref<1x48x128xf32, #tpu.memory_space<vmem>>
        %dma_start3A_114 = tpu.memref_squeeze %dma_start3A_113 : memref<1x48x128xf32, #tpu.memory_space<vmem>> -> memref<48x128xf32, #tpu.memory_space<vmem>>
        %dma_start3A_115 = arith.constant 0 : i32
        %dma_start3A_116 = tpu.memref_slice %arg8[%add3A_102, %dma_start3A_115] : memref<10008x128xf32, #tpu.memory_space<vmem_shared>> -> memref<48x128xf32, #tpu.memory_space<vmem_shared>>
        tpu.enqueue_dma source(%dma_start3A_116 : memref<48x128xf32, #tpu.memory_space<vmem_shared>>) target(%dma_start3A_114 : memref<48x128xf32, #tpu.memory_space<vmem>>) target_semaphore(%run_scoped3A_104 : memref<!tpu.dma_semaphore, #tpu.memory_space<semaphore_mem>>)
        %dma_wait3A_117 = arith.constant 0 : i32
        %dma_wait3A_118 = arith.constant 0 : i32
        %dma_wait3A_119 = tpu.memref_slice %arg6[%run_scoped3A, %dma_wait3A_117, %dma_wait3A_118] : memref<2x128x128xf32, #tpu.memory_space<vmem>> -> memref<1x48x128xf32, #tpu.memory_space<vmem>>
        %dma_wait3A_120 = tpu.memref_squeeze %dma_wait3A_119 : memref<1x48x128xf32, #tpu.memory_space<vmem>> -> memref<48x128xf32, #tpu.memory_space<vmem>>
        %dma_wait3A_121 = arith.constant 0 : i32
        %dma_wait3A_122 = tpu.memref_slice %arg8[%add3A_102, %dma_wait3A_121] : memref<10008x128xf32, #tpu.memory_space<vmem_shared>> -> memref<48x128xf32, #tpu.memory_space<vmem_shared>>
        %dma_wait3A_123 = arith.constant 0 : i32
        %dma_wait3A_124 = arith.constant 0 : i32
        %dma_wait3A_125 = tpu.memref_slice %arg6[%run_scoped3A, %dma_wait3A_123, %dma_wait3A_124] : memref<2x128x128xf32, #tpu.memory_space<vmem>> -> memref<1x48x128xf32, #tpu.memory_space<vmem>>
        %dma_wait3A_126 = tpu.memref_squeeze %dma_wait3A_125 : memref<1x48x128xf32, #tpu.memory_space<vmem>> -> memref<48x128xf32, #tpu.memory_space<vmem>>
        %dma_wait3A_127 = arith.constant 0 : i32
        %dma_wait3A_128 = tpu.memref_slice %arg8[%add3A_102, %dma_wait3A_127] : memref<10008x128xf32, #tpu.memory_space<vmem_shared>> -> memref<48x128xf32, #tpu.memory_space<vmem_shared>>
        tpu.wait_dma2 semaphore(%run_scoped3A_104 : memref<!tpu.dma_semaphore, #tpu.memory_space<semaphore_mem>>) src(%dma_wait3A_128 : memref<48x128xf32, #tpu.memory_space<vmem_shared>>) dst(%dma_wait3A_126 : memref<48x128xf32, #tpu.memory_space<vmem>>)
        tpu.yield
      }) : () -> ()
      %run_scoped3A_103 = arith.constant 0 : i32
      "tpu.region"() ({
        %run_scoped3A_104 = tpu.sem_alloc : memref<!tpu.dma_semaphore, #tpu.memory_space<semaphore_mem>>
        %dma_start3A_105 = arith.constant 0 : i32
        %dma_start3A_106 = arith.constant 0 : i32
        %dma_start3A_107 = tpu.memref_slice %arg6[%run_scoped3A_103, %dma_start3A_105, %dma_start3A_106] : memref<2x128x128xf32, #tpu.memory_space<vmem>> -> memref<1x48x128xf32, #tpu.memory_space<vmem>>
        %dma_start3A_108 = tpu.memref_squeeze %dma_start3A_107 : memref<1x48x128xf32, #tpu.memory_space<vmem>> -> memref<48x128xf32, #tpu.memory_space<vmem>>
        %dma_start3A_109 = arith.constant 0 : i32
        %dma_start3A_110 = tpu.memref_slice %arg4[%arg0, %add3A_102, %dma_start3A_109] : memref<2x10000x128xf32, #tpu.memory_space<hbm>> -> memref<1x48x128xf32, #tpu.memory_space<hbm>>
        %dma_start3A_111 = tpu.memref_squeeze %dma_start3A_110 : memref<1x48x128xf32, #tpu.memory_space<hbm>> -> memref<48x128xf32, #tpu.memory_space<hbm>>
        %dma_start3A_112 = arith.constant 0 : i32
        %dma_start3A_113 = tpu.memref_slice %arg4[%arg0, %add3A_102, %dma_start3A_112] : memref<2x10000x128xf32, #tpu.memory_space<hbm>> -> memref<1x48x128xf32, #tpu.memory_space<hbm>>
        %dma_start3A_114 = tpu.memref_squeeze %dma_start3A_113 : memref<1x48x128xf32, #tpu.memory_space<hbm>> -> memref<48x128xf32, #tpu.memory_space<hbm>>
        %dma_start3A_115 = arith.constant 0 : i32
        %dma_start3A_116 = arith.constant 0 : i32
        %dma_start3A_117 = tpu.memref_slice %arg6[%run_scoped3A_103, %dma_start3A_115, %dma_start3A_116] : memref<2x128x128xf32, #tpu.memory_space<vmem>> -> memref<1x48x128xf32, #tpu.memory_space<vmem>>
        %dma_start3A_118 = tpu.memref_squeeze %dma_start3A_117 : memref<1x48x128xf32, #tpu.memory_space<vmem>> -> memref<48x128xf32, #tpu.memory_space<vmem>>
        tpu.enqueue_dma source(%dma_start3A_118 : memref<48x128xf32, #tpu.memory_space<vmem>>) target(%dma_start3A_114 : memref<48x128xf32, #tpu.memory_space<hbm>>) target_semaphore(%run_scoped3A_104 : memref<!tpu.dma_semaphore, #tpu.memory_space<semaphore_mem>>)
        %dma_wait3A_119 = arith.constant 0 : i32
        %dma_wait3A_120 = arith.constant 0 : i32
        %dma_wait3A_121 = tpu.memref_slice %arg6[%run_scoped3A_103, %dma_wait3A_119, %dma_wait3A_120] : memref<2x128x128xf32, #tpu.memory_space<vmem>> -> memref<1x48x128xf32, #tpu.memory_space<vmem>>
        %dma_wait3A_122 = tpu.memref_squeeze %dma_wait3A_121 : memref<1x48x128xf32, #tpu.memory_space<vmem>> -> memref<48x128xf32, #tpu.memory_space<vmem>>
        %dma_wait3A_123 = arith.constant 0 : i32
        %dma_wait3A_124 = tpu.memref_slice %arg4[%arg0, %add3A_102, %dma_wait3A_123] : memref<2x10000x128xf32, #tpu.memory_space<hbm>> -> memref<1x48x128xf32, #tpu.memory_space<hbm>>
        %dma_wait3A_125 = tpu.memref_squeeze %dma_wait3A_124 : memref<1x48x128xf32, #tpu.memory_space<hbm>> -> memref<48x128xf32, #tpu.memory_space<hbm>>
        %dma_wait3A_126 = arith.constant 0 : i32
        %dma_wait3A_127 = tpu.memref_slice %arg4[%arg0, %add3A_102, %dma_wait3A_126] : memref<2x10000x128xf32, #tpu.memory_space<hbm>> -> memref<1x48x128xf32, #tpu.memory_space<hbm>>
        %dma_wait3A_128 = tpu.memref_squeeze %dma_wait3A_127 : memref<1x48x128xf32, #tpu.memory_space<hbm>> -> memref<48x128xf32, #tpu.memory_space<hbm>>
        %dma_wait3A_129 = arith.constant 0 : i32
        %dma_wait3A_130 = arith.constant 0 : i32
        %dma_wait3A_131 = tpu.memref_slice %arg6[%run_scoped3A_103, %dma_wait3A_129, %dma_wait3A_130] : memref<2x128x128xf32, #tpu.memory_space<vmem>> -> memref<1x48x128xf32, #tpu.memory_space<vmem>>
        %dma_wait3A_132 = tpu.memref_squeeze %dma_wait3A_131 : memref<1x48x128xf32, #tpu.memory_space<vmem>> -> memref<48x128xf32, #tpu.memory_space<vmem>>
        tpu.wait_dma2 semaphore(%run_scoped3A_104 : memref<!tpu.dma_semaphore, #tpu.memory_space<semaphore_mem>>) src(%dma_wait3A_132 : memref<48x128xf32, #tpu.memory_space<vmem>>) dst(%dma_wait3A_128 : memref<48x128xf32, #tpu.memory_space<hbm>>)
        tpu.yield
      }) : () -> ()
    }
    %scan3A_93 = arith.constant 13 : i32
    %eq3A_94 = arith.constant 15 : i32
    %eq3A_95 = arith.cmpi eq, %arg1, %eq3A_94 : i32
    %convert_element_type3A_96 = arith.extui %eq3A_95 : i1 to i32
    %cond3A_97 = arith.constant 0 : i32
    %cond3A_98 = arith.cmpi ne, %convert_element_type3A_96, %cond3A_97 : i32
    scf.if %cond3A_98 {
      %run_scoped3A = arith.constant 0 : i32
      "tpu.region"() ({
        %run_scoped3A_100 = tpu.sem_alloc : memref<!tpu.dma_semaphore, #tpu.memory_space<semaphore_mem>>
        %dma_start3A_101 = arith.constant 0 : i32
        %dma_start3A_102 = arith.constant 0 : i32
        %dma_start3A_103 = tpu.memref_slice %arg6[%run_scoped3A, %dma_start3A_101, %dma_start3A_102] : memref<2x128x128xf32, #tpu.memory_space<vmem>> -> memref<1x16x128xf32, #tpu.memory_space<vmem>>
        %dma_start3A_104 = tpu.memref_squeeze %dma_start3A_103 : memref<1x16x128xf32, #tpu.memory_space<vmem>> -> memref<16x128xf32, #tpu.memory_space<vmem>>
        %dma_start3A_105 = arith.constant 9984 : i32
        %dma_start3A_106 = arith.constant 0 : i32
        %dma_start3A_107 = tpu.memref_slice %arg8[%dma_start3A_105, %dma_start3A_106] : memref<10008x128xf32, #tpu.memory_space<vmem_shared>> -> memref<16x128xf32, #tpu.memory_space<vmem_shared>>
        %dma_start3A_108 = arith.constant 0 : i32
        %dma_start3A_109 = arith.constant 0 : i32
        %dma_start3A_110 = tpu.memref_slice %arg6[%run_scoped3A, %dma_start3A_108, %dma_start3A_109] : memref<2x128x128xf32, #tpu.memory_space<vmem>> -> memref<1x16x128xf32, #tpu.memory_space<vmem>>
        %dma_start3A_111 = tpu.memref_squeeze %dma_start3A_110 : memref<1x16x128xf32, #tpu.memory_space<vmem>> -> memref<16x128xf32, #tpu.memory_space<vmem>>
        %dma_start3A_112 = arith.constant 9984 : i32
        %dma_start3A_113 = arith.constant 0 : i32
        %dma_start3A_114 = tpu.memref_slice %arg8[%dma_start3A_112, %dma_start3A_113] : memref<10008x128xf32, #tpu.memory_space<vmem_shared>> -> memref<16x128xf32, #tpu.memory_space<vmem_shared>>
        tpu.enqueue_dma source(%dma_start3A_114 : memref<16x128xf32, #tpu.memory_space<vmem_shared>>) target(%dma_start3A_111 : memref<16x128xf32, #tpu.memory_space<vmem>>) target_semaphore(%run_scoped3A_100 : memref<!tpu.dma_semaphore, #tpu.memory_space<semaphore_mem>>)
        %dma_wait3A_115 = arith.constant 0 : i32
        %dma_wait3A_116 = arith.constant 0 : i32
        %dma_wait3A_117 = tpu.memref_slice %arg6[%run_scoped3A, %dma_wait3A_115, %dma_wait3A_116] : memref<2x128x128xf32, #tpu.memory_space<vmem>> -> memref<1x16x128xf32, #tpu.memory_space<vmem>>
        %dma_wait3A_118 = tpu.memref_squeeze %dma_wait3A_117 : memref<1x16x128xf32, #tpu.memory_space<vmem>> -> memref<16x128xf32, #tpu.memory_space<vmem>>
        %dma_wait3A_119 = arith.constant 9984 : i32
        %dma_wait3A_120 = arith.constant 0 : i32
        %dma_wait3A_121 = tpu.memref_slice %arg8[%dma_wait3A_119, %dma_wait3A_120] : memref<10008x128xf32, #tpu.memory_space<vmem_shared>> -> memref<16x128xf32, #tpu.memory_space<vmem_shared>>
        %dma_wait3A_122 = arith.constant 0 : i32
        %dma_wait3A_123 = arith.constant 0 : i32
        %dma_wait3A_124 = tpu.memref_slice %arg6[%run_scoped3A, %dma_wait3A_122, %dma_wait3A_123] : memref<2x128x128xf32, #tpu.memory_space<vmem>> -> memref<1x16x128xf32, #tpu.memory_space<vmem>>
        %dma_wait3A_125 = tpu.memref_squeeze %dma_wait3A_124 : memref<1x16x128xf32, #tpu.memory_space<vmem>> -> memref<16x128xf32, #tpu.memory_space<vmem>>
        %dma_wait3A_126 = arith.constant 9984 : i32
        %dma_wait3A_127 = arith.constant 0 : i32
        %dma_wait3A_128 = tpu.memref_slice %arg8[%dma_wait3A_126, %dma_wait3A_127] : memref<10008x128xf32, #tpu.memory_space<vmem_shared>> -> memref<16x128xf32, #tpu.memory_space<vmem_shared>>
        tpu.wait_dma2 semaphore(%run_scoped3A_100 : memref<!tpu.dma_semaphore, #tpu.memory_space<semaphore_mem>>) src(%dma_wait3A_128 : memref<16x128xf32, #tpu.memory_space<vmem_shared>>) dst(%dma_wait3A_125 : memref<16x128xf32, #tpu.memory_space<vmem>>)
        tpu.yield
      }) : () -> ()
      %run_scoped3A_99 = arith.constant 0 : i32
      "tpu.region"() ({
        %run_scoped3A_100 = tpu.sem_alloc : memref<!tpu.dma_semaphore, #tpu.memory_space<semaphore_mem>>
        %dma_start3A_101 = arith.constant 0 : i32
        %dma_start3A_102 = arith.constant 0 : i32
        %dma_start3A_103 = tpu.memref_slice %arg6[%run_scoped3A_99, %dma_start3A_101, %dma_start3A_102] : memref<2x128x128xf32, #tpu.memory_space<vmem>> -> memref<1x16x128xf32, #tpu.memory_space<vmem>>
        %dma_start3A_104 = tpu.memref_squeeze %dma_start3A_103 : memref<1x16x128xf32, #tpu.memory_space<vmem>> -> memref<16x128xf32, #tpu.memory_space<vmem>>
        %dma_start3A_105 = arith.constant 9984 : i32
        %dma_start3A_106 = arith.constant 0 : i32
        %dma_start3A_107 = tpu.memref_slice %arg4[%arg0, %dma_start3A_105, %dma_start3A_106] : memref<2x10000x128xf32, #tpu.memory_space<hbm>> -> memref<1x16x128xf32, #tpu.memory_space<hbm>>
        %dma_start3A_108 = tpu.memref_squeeze %dma_start3A_107 : memref<1x16x128xf32, #tpu.memory_space<hbm>> -> memref<16x128xf32, #tpu.memory_space<hbm>>
        %dma_start3A_109 = arith.constant 9984 : i32
        %dma_start3A_110 = arith.constant 0 : i32
        %dma_start3A_111 = tpu.memref_slice %arg4[%arg0, %dma_start3A_109, %dma_start3A_110] : memref<2x10000x128xf32, #tpu.memory_space<hbm>> -> memref<1x16x128xf32, #tpu.memory_space<hbm>>
        %dma_start3A_112 = tpu.memref_squeeze %dma_start3A_111 : memref<1x16x128xf32, #tpu.memory_space<hbm>> -> memref<16x128xf32, #tpu.memory_space<hbm>>
        %dma_start3A_113 = arith.constant 0 : i32
        %dma_start3A_114 = arith.constant 0 : i32
        %dma_start3A_115 = tpu.memref_slice %arg6[%run_scoped3A_99, %dma_start3A_113, %dma_start3A_114] : memref<2x128x128xf32, #tpu.memory_space<vmem>> -> memref<1x16x128xf32, #tpu.memory_space<vmem>>
        %dma_start3A_116 = tpu.memref_squeeze %dma_start3A_115 : memref<1x16x128xf32, #tpu.memory_space<vmem>> -> memref<16x128xf32, #tpu.memory_space<vmem>>
        tpu.enqueue_dma source(%dma_start3A_116 : memref<16x128xf32, #tpu.memory_space<vmem>>) target(%dma_start3A_112 : memref<16x128xf32, #tpu.memory_space<hbm>>) target_semaphore(%run_scoped3A_100 : memref<!tpu.dma_semaphore, #tpu.memory_space<semaphore_mem>>)
        %dma_wait3A_117 = arith.constant 0 : i32
        %dma_wait3A_118 = arith.constant 0 : i32
        %dma_wait3A_119 = tpu.memref_slice %arg6[%run_scoped3A_99, %dma_wait3A_117, %dma_wait3A_118] : memref<2x128x128xf32, #tpu.memory_space<vmem>> -> memref<1x16x128xf32, #tpu.memory_space<vmem>>
        %dma_wait3A_120 = tpu.memref_squeeze %dma_wait3A_119 : memref<1x16x128xf32, #tpu.memory_space<vmem>> -> memref<16x128xf32, #tpu.memory_space<vmem>>
        %dma_wait3A_121 = arith.constant 9984 : i32
        %dma_wait3A_122 = arith.constant 0 : i32
        %dma_wait3A_123 = tpu.memref_slice %arg4[%arg0, %dma_wait3A_121, %dma_wait3A_122] : memref<2x10000x128xf32, #tpu.memory_space<hbm>> -> memref<1x16x128xf32, #tpu.memory_space<hbm>>
        %dma_wait3A_124 = tpu.memref_squeeze %dma_wait3A_123 : memref<1x16x128xf32, #tpu.memory_space<hbm>> -> memref<16x128xf32, #tpu.memory_space<hbm>>
        %dma_wait3A_125 = arith.constant 9984 : i32
        %dma_wait3A_126 = arith.constant 0 : i32
        %dma_wait3A_127 = tpu.memref_slice %arg4[%arg0, %dma_wait3A_125, %dma_wait3A_126] : memref<2x10000x128xf32, #tpu.memory_space<hbm>> -> memref<1x16x128xf32, #tpu.memory_space<hbm>>
        %dma_wait3A_128 = tpu.memref_squeeze %dma_wait3A_127 : memref<1x16x128xf32, #tpu.memory_space<hbm>> -> memref<16x128xf32, #tpu.memory_space<hbm>>
        %dma_wait3A_129 = arith.constant 0 : i32
        %dma_wait3A_130 = arith.constant 0 : i32
        %dma_wait3A_131 = tpu.memref_slice %arg6[%run_scoped3A_99, %dma_wait3A_129, %dma_wait3A_130] : memref<2x128x128xf32, #tpu.memory_space<vmem>> -> memref<1x16x128xf32, #tpu.memory_space<vmem>>
        %dma_wait3A_132 = tpu.memref_squeeze %dma_wait3A_131 : memref<1x16x128xf32, #tpu.memory_space<vmem>> -> memref<16x128xf32, #tpu.memory_space<vmem>>
        tpu.wait_dma2 semaphore(%run_scoped3A_100 : memref<!tpu.dma_semaphore, #tpu.memory_space<semaphore_mem>>) src(%dma_wait3A_132 : memref<16x128xf32, #tpu.memory_space<vmem>>) dst(%dma_wait3A_128 : memref<16x128xf32, #tpu.memory_space<hbm>>)
        tpu.yield
      }) : () -> ()
    } else {
    }
    return
  }
}

module attributes {stable_mosaic.version = 14 : i64} {
  func.func @_prep_body(%arg0: memref<10000x1xi32, #tpu.memory_space<vmem>>, %arg1: memref<16x128xf32, #tpu.memory_space<vmem>>, %arg2: memref<128x128xf32, #tpu.memory_space<vmem>>, %arg3: memref<10000x1xf32, #tpu.memory_space<vmem>>, %arg4: memref<10000x1xf32, #tpu.memory_space<vmem>>, %arg5: memref<10008x128xf32, #tpu.memory_space<vmem>>, %arg6: memref<10000x1xf32, #tpu.memory_space<vmem>>) attributes {dimension_semantics = [], scalar_prefetch = 0 : i64, scratch_operands = 0 : i64, tpu.core_type = #tpu.core_type<tc>} {
    %get3A = arith.constant 0 : index
    %get3A_0 = arith.constant 0 : index
    %get3A_1 = vector.load %arg3[%get3A, %get3A_0] : memref<10000x1xf32, #tpu.memory_space<vmem>>, vector<10000x1xf32>
    %get3A_2 = arith.constant 0 : index
    %get3A_3 = arith.constant 0 : index
    %get3A_4 = vector.load %arg4[%get3A_2, %get3A_3] : memref<10000x1xf32, #tpu.memory_space<vmem>>, vector<10000x1xf32>
    %add3A = arith.addf %get3A_1, %get3A_4 : vector<10000x1xf32>
    %add3A_5 = arith.constant 1.000000e+00 : f32
    %add3A_6 = vector.broadcast %add3A_5 : f32 to vector<10000x1xf32>
    %add3A_7 = arith.addf %add3A, %add3A_6 : vector<10000x1xf32>
    %rsqrt3A = math.rsqrt %add3A_7 : vector<10000x1xf32>
    %swap3A = arith.constant 0 : index
    %swap3A_8 = arith.constant 0 : index
    %swap3A_9 = vector.load %arg6[%swap3A, %swap3A_8] : memref<10000x1xf32, #tpu.memory_space<vmem>>, vector<10000x1xf32>
    tpu.vector_store %arg6[%swap3A, %swap3A_8], %rsqrt3A {strides = array<i32>} : memref<10000x1xf32, #tpu.memory_space<vmem>>, vector<10000x1xf32>,
    %get3A_10 = arith.constant 0 : index
    %get3A_11 = arith.constant 0 : index
    %get3A_12 = vector.load %arg1[%get3A_10, %get3A_11] : memref<16x128xf32, #tpu.memory_space<vmem>>, vector<16x128xf32>
    %get3A_13 = arith.constant 0 : index
    %get3A_14 = arith.constant 0 : index
    %get3A_15 = vector.load %arg2[%get3A_13, %get3A_14] : memref<128x128xf32, #tpu.memory_space<vmem>>, vector<128x128xf32>
    %dot_general3A = arith.constant dense<0.000000e+00> : vector<16x128xf32>
    %dot_general3A_16 = tpu.matmul %get3A_12, %get3A_15, %dot_general3A {dimension_numbers = #tpu.dot_dimension_numbers<[1], [0], [0], [1], [0, 0, 1, 1], [], []>, transpose_lhs_hint = false} : vector<16x128xf32>, vector<128x128xf32>, vector<16x128xf32> -> vector<16x128xf32>
    %iota3A = tpu.iota {dimensions = array<i32: 1>} : vector<10000x16xi32>
    %get3A_17 = arith.constant 0 : index
    %get3A_18 = arith.constant 0 : index
    %get3A_19 = vector.load %arg0[%get3A_17, %get3A_18] : memref<10000x1xi32, #tpu.memory_space<vmem>>, vector<10000x1xi32>
    %eq3A = vector.broadcast %get3A_19 : vector<10000x1xi32> to vector<10000x16xi32>
    %eq3A_20 = arith.cmpi eq, %eq3A, %iota3A : vector<10000x16xi32>
    %convert_element_type3A = arith.extui %eq3A_20 : vector<10000x16xi1> to vector<10000x16xi32>
    %convert_element_type3A_21 = arith.sitofp %convert_element_type3A : vector<10000x16xi32> to vector<10000x16xf32>
    %dot_general3A_22 = arith.constant dense<0.000000e+00> : vector<10000x128xf32>
    %dot_general3A_23 = tpu.matmul %convert_element_type3A_21, %dot_general3A_16, %dot_general3A_22 {dimension_numbers = #tpu.dot_dimension_numbers<[1], [0], [0], [1], [0, 0, 1, 1], [], []>, transpose_lhs_hint = false} : vector<10000x16xf32>, vector<16x128xf32>, vector<10000x128xf32> -> vector<10000x128xf32>
    %mul3A = vector.broadcast %rsqrt3A : vector<10000x1xf32> to vector<10000x128xf32>
    %mul3A_24 = arith.mulf %mul3A, %dot_general3A_23 : vector<10000x128xf32>
    %swap3A_25 = arith.constant 0 : index
    %swap3A_26 = arith.constant 0 : index
    %swap3A_27 = vector.load %arg5[%swap3A_25, %swap3A_26] : memref<10008x128xf32, #tpu.memory_space<vmem>>, vector<10000x128xf32>
    tpu.vector_store %arg5[%swap3A_25, %swap3A_26], %mul3A_24 {strides = array<i32>} : memref<10008x128xf32, #tpu.memory_space<vmem>>, vector<10000x128xf32>,
    %broadcast_in_dim3A = arith.constant 0.000000e+00 : f32
    %broadcast_in_dim3A_28 = vector.broadcast %broadcast_in_dim3A : f32 to vector<8x128xf32>
    %swap3A_29 = arith.constant 10000 : index
    %swap3A_30 = arith.constant 0 : index
    %swap3A_31 = vector.load %arg5[%swap3A_29, %swap3A_30] : memref<10008x128xf32, #tpu.memory_space<vmem>>, vector<8x128xf32>
    tpu.vector_store %arg5[%swap3A_29, %swap3A_30], %broadcast_in_dim3A_28 {strides = array<i32>} : memref<10008x128xf32, #tpu.memory_space<vmem>>, vector<8x128xf32>,
    return
  }
}

module attributes {stable_mosaic.version = 14 : i64} {
  func.func @_layer_body(%arg0: memref<2x10000x128xf32, #tpu.memory_space<vmem>>, %arg1: memref<10008x128xf32, #tpu.memory_space<vmem>>, %arg2: memref<10000x1xf32, #tpu.memory_space<vmem>>, %arg3: memref<1x128xf32, #tpu.memory_space<vmem>>, %arg4: memref<128x128xf32, #tpu.memory_space<vmem>>, %arg5: memref<10008x128xf32, #tpu.memory_space<vmem>>) attributes {dimension_semantics = [], scalar_prefetch = 0 : i64, scratch_operands = 0 : i64, tpu.core_type = #tpu.core_type<tc>} {
    %get3A = arith.constant 0 : index
    %get3A_0 = arith.constant 0 : index
    %get3A_1 = vector.load %arg2[%get3A, %get3A_0] : memref<10000x1xf32, #tpu.memory_space<vmem>>, vector<10000x1xf32>
    %get3A_2 = arith.constant 0 : index
    %get3A_3 = arith.constant 0 : index
    %get3A_4 = arith.constant 0 : index
    %get3A_5 = vector.load %arg0[%get3A_2, %get3A_3, %get3A_4] : memref<2x10000x128xf32, #tpu.memory_space<vmem>>, vector<1x10000x128xf32>
    %get3A_6 = vector.shape_cast %get3A_5 : vector<1x10000x128xf32> to vector<10000x128xf32>
    %get3A_7 = arith.constant 1 : index
    %get3A_8 = arith.constant 0 : index
    %get3A_9 = arith.constant 0 : index
    %get3A_10 = vector.load %arg0[%get3A_7, %get3A_8, %get3A_9] : memref<2x10000x128xf32, #tpu.memory_space<vmem>>, vector<1x10000x128xf32>
    %get3A_11 = vector.shape_cast %get3A_10 : vector<1x10000x128xf32> to vector<10000x128xf32>
    %add3A = arith.addf %get3A_6, %get3A_11 : vector<10000x128xf32>
    %get3A_12 = arith.constant 0 : index
    %get3A_13 = arith.constant 0 : index
    %get3A_14 = vector.load %arg1[%get3A_12, %get3A_13] : memref<10008x128xf32, #tpu.memory_space<vmem>>, vector<10000x128xf32>
    %add3A_15 = arith.addf %add3A, %get3A_14 : vector<10000x128xf32>
    %mul3A = vector.broadcast %get3A_1 : vector<10000x1xf32> to vector<10000x128xf32>
    %mul3A_16 = arith.mulf %mul3A, %add3A_15 : vector<10000x128xf32>
    %get3A_17 = arith.constant 0 : index
    %get3A_18 = arith.constant 0 : index
    %get3A_19 = vector.load %arg3[%get3A_17, %get3A_18] : memref<1x128xf32, #tpu.memory_space<vmem>>, vector<1x128xf32>
    %add3A_20 = vector.broadcast %get3A_19 : vector<1x128xf32> to vector<10000x128xf32>
    %add3A_21 = arith.addf %mul3A_16, %add3A_20 : vector<10000x128xf32>
    %max3A = arith.constant 0.000000e+00 : f32
    %max3A_22 = vector.broadcast %max3A : f32 to vector<10000x128xf32>
    %max3A_23 = arith.maximumf %add3A_21, %max3A_22 : vector<10000x128xf32>
    %get3A_24 = arith.constant 0 : index
    %get3A_25 = arith.constant 0 : index
    %get3A_26 = vector.load %arg4[%get3A_24, %get3A_25] : memref<128x128xf32, #tpu.memory_space<vmem>>, vector<128x128xf32>
    %dot_general3A = arith.constant dense<0.000000e+00> : vector<10000x128xf32>
    %dot_general3A_27 = tpu.matmul %max3A_23, %get3A_26, %dot_general3A {dimension_numbers = #tpu.dot_dimension_numbers<[1], [0], [0], [1], [0, 0, 1, 1], [], []>, transpose_lhs_hint = false} : vector<10000x128xf32>, vector<128x128xf32>, vector<10000x128xf32> -> vector<10000x128xf32>
    %mul3A_28 = vector.broadcast %get3A_1 : vector<10000x1xf32> to vector<10000x128xf32>
    %mul3A_29 = arith.mulf %mul3A_28, %dot_general3A_27 : vector<10000x128xf32>
    %swap3A = arith.constant 0 : index
    %swap3A_30 = arith.constant 0 : index
    %swap3A_31 = vector.load %arg5[%swap3A, %swap3A_30] : memref<10008x128xf32, #tpu.memory_space<vmem>>, vector<10000x128xf32>
    tpu.vector_store %arg5[%swap3A, %swap3A_30], %mul3A_29 {strides = array<i32>} : memref<10008x128xf32, #tpu.memory_space<vmem>>, vector<10000x128xf32>,
    %broadcast_in_dim3A = arith.constant 0.000000e+00 : f32
    %broadcast_in_dim3A_32 = vector.broadcast %broadcast_in_dim3A : f32 to vector<8x128xf32>
    %swap3A_33 = arith.constant 10000 : index
    %swap3A_34 = arith.constant 0 : index
    %swap3A_35 = vector.load %arg5[%swap3A_33, %swap3A_34] : memref<10008x128xf32, #tpu.memory_space<vmem>>, vector<8x128xf32>
    tpu.vector_store %arg5[%swap3A_33, %swap3A_34], %broadcast_in_dim3A_32 {strides = array<i32>} : memref<10008x128xf32, #tpu.memory_space<vmem>>, vector<8x128xf32>,
    return
  }
}

module attributes {stable_mosaic.version = 14 : i64} {
  func.func @_final_body(%arg0: memref<2x10000x128xf32, #tpu.memory_space<vmem>>, %arg1: memref<10008x128xf32, #tpu.memory_space<vmem>>, %arg2: memref<10000x1xf32, #tpu.memory_space<vmem>>, %arg3: memref<1x128xf32, #tpu.memory_space<vmem>>, %arg4: memref<10000x1xi32, #tpu.memory_space<vmem>>, %arg5: memref<128x128xf32, #tpu.memory_space<vmem>>, %arg6: memref<1x128xf32, #tpu.memory_space<vmem>>, %arg7: memref<64x128xf32, #tpu.memory_space<vmem>>) attributes {dimension_semantics = [], scalar_prefetch = 0 : i64, scratch_operands = 0 : i64, tpu.core_type = #tpu.core_type<tc>} {
    %get3A = arith.constant 0 : index
    %get3A_0 = arith.constant 0 : index
    %get3A_1 = vector.load %arg2[%get3A, %get3A_0] : memref<10000x1xf32, #tpu.memory_space<vmem>>, vector<10000x1xf32>
    %get3A_2 = arith.constant 0 : index
    %get3A_3 = arith.constant 0 : index
    %get3A_4 = arith.constant 0 : index
    %get3A_5 = vector.load %arg0[%get3A_2, %get3A_3, %get3A_4] : memref<2x10000x128xf32, #tpu.memory_space<vmem>>, vector<1x10000x128xf32>
    %get3A_6 = vector.shape_cast %get3A_5 : vector<1x10000x128xf32> to vector<10000x128xf32>
    %get3A_7 = arith.constant 1 : index
    %get3A_8 = arith.constant 0 : index
    %get3A_9 = arith.constant 0 : index
    %get3A_10 = vector.load %arg0[%get3A_7, %get3A_8, %get3A_9] : memref<2x10000x128xf32, #tpu.memory_space<vmem>>, vector<1x10000x128xf32>
    %get3A_11 = vector.shape_cast %get3A_10 : vector<1x10000x128xf32> to vector<10000x128xf32>
    %add3A = arith.addf %get3A_6, %get3A_11 : vector<10000x128xf32>
    %get3A_12 = arith.constant 0 : index
    %get3A_13 = arith.constant 0 : index
    %get3A_14 = vector.load %arg1[%get3A_12, %get3A_13] : memref<10008x128xf32, #tpu.memory_space<vmem>>, vector<10000x128xf32>
    %add3A_15 = arith.addf %add3A, %get3A_14 : vector<10000x128xf32>
    %mul3A = vector.broadcast %get3A_1 : vector<10000x1xf32> to vector<10000x128xf32>
    %mul3A_16 = arith.mulf %mul3A, %add3A_15 : vector<10000x128xf32>
    %get3A_17 = arith.constant 0 : index
    %get3A_18 = arith.constant 0 : index
    %get3A_19 = vector.load %arg3[%get3A_17, %get3A_18] : memref<1x128xf32, #tpu.memory_space<vmem>>, vector<1x128xf32>
    %add3A_20 = vector.broadcast %get3A_19 : vector<1x128xf32> to vector<10000x128xf32>
    %add3A_21 = arith.addf %mul3A_16, %add3A_20 : vector<10000x128xf32>
    %max3A = arith.constant 0.000000e+00 : f32
    %max3A_22 = vector.broadcast %max3A : f32 to vector<10000x128xf32>
    %max3A_23 = arith.maximumf %add3A_21, %max3A_22 : vector<10000x128xf32>
    %iota3A = tpu.iota {dimensions = array<i32: 1>} : vector<10000x64xi32>
    %get3A_24 = arith.constant 0 : index
    %get3A_25 = arith.constant 0 : index
    %get3A_26 = vector.load %arg4[%get3A_24, %get3A_25] : memref<10000x1xi32, #tpu.memory_space<vmem>>, vector<10000x1xi32>
    %eq3A = vector.broadcast %get3A_26 : vector<10000x1xi32> to vector<10000x64xi32>
    %eq3A_27 = arith.cmpi eq, %eq3A, %iota3A : vector<10000x64xi32>
    %convert_element_type3A = arith.extui %eq3A_27 : vector<10000x64xi1> to vector<10000x64xi32>
    %convert_element_type3A_28 = arith.sitofp %convert_element_type3A : vector<10000x64xi32> to vector<10000x64xf32>
    %broadcast_in_dim3A = arith.constant 1.000000e+00 : f32
    %broadcast_in_dim3A_29 = vector.broadcast %broadcast_in_dim3A : f32 to vector<10000x1xf32>
    %dot_general3A = arith.constant dense<0.000000e+00> : vector<64x1xf32>
    %dot_general3A_30 = tpu.matmul %convert_element_type3A_28, %broadcast_in_dim3A_29, %dot_general3A {dimension_numbers = #tpu.dot_dimension_numbers<[0], [0], [1], [1], [0, 1, 1, 1], [], []>, transpose_lhs_hint = false} : vector<10000x64xf32>, vector<10000x1xf32>, vector<64x1xf32> -> vector<64x1xf32>
    %dot_general3A_31 = arith.constant dense<0.000000e+00> : vector<64x128xf32>
    %dot_general3A_32 = tpu.matmul %convert_element_type3A_28, %max3A_23, %dot_general3A_31 {dimension_numbers = #tpu.dot_dimension_numbers<[0], [0], [1], [1], [0, 1, 1, 1], [], []>, transpose_lhs_hint = false} : vector<10000x64xf32>, vector<10000x128xf32>, vector<64x128xf32> -> vector<64x128xf32>
    %max3A_33 = arith.constant 1.000000e+00 : f32
    %max3A_34 = vector.broadcast %max3A_33 : f32 to vector<64x1xf32>
    %max3A_35 = arith.maximumf %dot_general3A_30, %max3A_34 : vector<64x1xf32>
    %div3A = vector.broadcast %max3A_35 : vector<64x1xf32> to vector<64x128xf32>
    %div3A_36 = arith.divf %dot_general3A_32, %div3A : vector<64x128xf32>
    %get3A_37 = arith.constant 0 : index
    %get3A_38 = arith.constant 0 : index
    %get3A_39 = vector.load %arg5[%get3A_37, %get3A_38] : memref<128x128xf32, #tpu.memory_space<vmem>>, vector<128x128xf32>
    %dot_general3A_40 = arith.constant dense<0.000000e+00> : vector<64x128xf32>
    %dot_general3A_41 = tpu.matmul %div3A_36, %get3A_39, %dot_general3A_40 {dimension_numbers = #tpu.dot_dimension_numbers<[1], [0], [0], [1], [0, 0, 1, 1], [], []>, transpose_lhs_hint = false} : vector<64x128xf32>, vector<128x128xf32>, vector<64x128xf32> -> vector<64x128xf32>
    %get3A_42 = arith.constant 0 : index
    %get3A_43 = arith.constant 0 : index
    %get3A_44 = vector.load %arg6[%get3A_42, %get3A_43] : memref<1x128xf32, #tpu.memory_space<vmem>>, vector<1x128xf32>
    %add3A_45 = vector.broadcast %get3A_44 : vector<1x128xf32> to vector<64x128xf32>
    %add3A_46 = arith.addf %dot_general3A_41, %add3A_45 : vector<64x128xf32>
    %swap3A = arith.constant 0 : index
    %swap3A_47 = arith.constant 0 : index
    %swap3A_48 = vector.load %arg7[%swap3A, %swap3A_47] : memref<64x128xf32, #tpu.memory_space<vmem>>, vector<64x128xf32>
    tpu.vector_store %arg7[%swap3A, %swap3A_47], %add3A_46 {strides = array<i32>} : memref<64x128xf32, #tpu.memory_space<vmem>>, vector<64x128xf32>,
    return
  }
}

</mosaic_0001>

<sc_bundles>
// kernel: kernel.10.cloned.1.call-start
scs
__scs_entry_jumppad:
0x0: {  	(pc) =	sbr.rel $0x88, $3  }
0x1: {  	(tag) =	ssettag $0x0;
	lr =	simm.s32 $0x1  }
0x2: {  	[smem:$0x3F95] =	sst lr;
	_ =	strace $0xD0000000  }
0x3: {  	_ = 	snop  }
0x4: {  	_ = 	snop  }
0x5: {  	_ = 	snop  }
0x6: {  	_ = 	snop  }
0x7: {  	_ = 	snop  }
__scs_overlays_trampoline_lowered:
0x8: {  	[smem:$0x3FA4] =	sst s0  }
0x9: {  	[smem:$0x3FA5] =	sst s1  }
0xa: {  	[smem:$0x3FA6] =	sst s2  }
0xb: {  	[smem:$0x3FA7] =	sst s3  }
0xc: {  	[smem:$0x3FA8] =	sst s4  }
0xd: {  	[smem:$0x3FA9] =	sst s5  }
0xe: {  	[smem:$0x3FAA] =	sst s6  }
0xf: {  	[smem:$0x3FAB] =	sst s7  }
0x10: {  	[smem:$0x3FAC] =	sst s8  }
0x11: {  	[smem:$0x3FAD] =	sst s9;
	s0 =	simm.s32 @!p0 $0x0  }
0x12: {  	s1 =	sld [smem:$0x3F93];
	s0 =	simm.s32 @p0 $0x1  }
0x13: {  	[smem:$0x3FAE] =	sst s0;
	s0 =	simm.s32 @!p1 $0x0  }
0x14: {  	s2 =	sld [smem:$0x3F92];
	s0 =	simm.s32 @p1 $0x1  }
0x15: {  	[smem:$0x3FAF] =	sst s0;
	s0 =	simm.s32 @!p2 $0x0  }
0x16: {  	s3 =	sld [smem:$0x3FDB];
	s0 =	simm.s32 @p2 $0x1  }
0x17: {  	s4 =	simm.s32 $0x1BF5;
	[smem:$0x3FB1] =	sst s0  }
0x18: {  	s0 =	sld [smem:$0x3F94];
	_ =	swait.ge [sflag:s4], $0x0  }
0x19: {  	s7 =	sld [smem:$0x3F95]  }
0x1a: {  	s8 =	sadd.s32 $0xFFFFE003, lr  }
0x1b: {  	s9 =	sadd.s32 $0xFFFFFEF7, lr;
	s5 =	simm.s32 $0xFFFFFFFF;
	p2 =	slt.u32 s8, $0xFFFFF086  }
0x1c: {  	p1 =	slt.u32 s9, $0xF7A;
	s5 =	simm.s32 @!p2 $0x0  }
0x1d: {  	s5 =	simm.s32 @p1 $0x1;
	p0 =	seq.s32 s7, s2  }
0x1e: {  	s7 =	smul.u32 @!p0 $0xF7A, s2;
	p2 =	seq.s32 @!p0 s5, $0x0  }
0x1f: {  	s9 =	smul.u32 $0xF7A, s1;
	s8 =	simm.s32 @!p0 $0x1BF5;
	p2 =	por !p2, p0  }
0x20: {  	[sflag:s8] =	ssyncset.s32 @!p0 $0xFFFFF086;
	s6 =	sadd.s32 @!p0 s3, s7;
	s7 =	simm.s32 @!p0 $0x108  }
0x21: {  	s3 =	sadd.s32 s3, s9;
	s6 =	sadd.s32 @!p0 $0x88, s6;
	s7 =	simm.s32 @p2 $0x1082  }
0x22: {  	[simem:s7], [sflag:s8] =	dma.local @!p0 [hbm:s6], $0xF7A  }
0x23: {  	s9 =	sor.u32 $0xD0000000, s2;
	s6 =	simm.s32 $0x108;
	_ =	swait.ge @!p0 [sflag:s8], $0x0  }
0x24: {  	s3 =	sadd.s32 $0x88, s3;
	s6 =	simm.s32 @!p1 $0x1082;
	[sflag:s4] =	ssyncset.s32 $0xFFFFF086  }
0x25: {  	[simem:s6], [sflag:s4] =	dma.local [hbm:s3], $0xF7A  }
0x26: {  	[smem:$0x3F95] =	sst s1;
	(tag) =	ssettag s2;
	_ =	strace s9  }
0x27: {  	s1 =	sld [smem:$0x3FA5]  }
0x28: {  	s2 =	sld [smem:$0x3FA6]  }
0x29: {  	s4 =	sld [smem:$0x3FA8]  }
0x2a: {  	p0 =	seq.s32 s5, $0x0;
	s5 =	sld [smem:$0x3FA9]  }
0x2b: {  	s6 =	sld [smem:$0x3FAA]  }
0x2c: {  	s7 =	sld [smem:$0x3FAB]  }
0x2d: {  	s3 =	simm.s32 $0x108;
	s8 =	sld [smem:$0x3FAC]  }
0x2e: {  	s3 =	simm.s32 @!p0 $0x1082;
	s9 =	sld [smem:$0x3FAD]  }
0x2f: {  	lr =	sadd.s32 s0, s3;
	s0 =	sld [smem:$0x3FA4]  }
0x30: {  	s3 =	sld [smem:$0x3FA7]  }
0x31: {  	[smem:$0x3FB0] =	sst s10  }
0x32: {  	s10 =	sld [smem:$0x3FAE];
	_ =	sdelay $0x3  }
0x33: {  	p0 =	seq.s32 s10, $0x1;
	s10 =	sld [smem:$0x3FB0];
	_ =	sdelay $0x3  }
0x34: {  	[smem:$0x3FB0] =	sst s10  }
0x35: {  	s10 =	sld [smem:$0x3FAF];
	_ =	sdelay $0x3  }
0x36: {  	p1 =	seq.s32 s10, $0x1;
	s10 =	sld [smem:$0x3FB0];
	_ =	sdelay $0x3  }
0x37: {  	[smem:$0x3FB0] =	sst s10  }
0x38: {  	s10 =	sld [smem:$0x3FB1]  }
0x39: {  	_ = 	snop;
	(pc) =	sbr.ind lr, $3  }
0x3a: {  	_ = 	snop  }
0x3b: {  	_ = 	snop  }
0x3c: {  	p2 =	seq.s32 s10, $0x1;
	s10 =	sld [smem:$0x3FB0]  }
0x3d: {  	_ =	shalt  }
0x3e: {  	_ =	shalt  }
0x3f: {  	_ =	shalt  }
0x40: {  	_ =	shalt  }
0x41: {  	_ =	shalt  }
0x42: {  	_ =	shalt  }
0x43: {  	_ =	shalt  }
0x44: {  	_ =	shalt  }
0x45: {  	_ =	shalt  }
0x46: {  	_ =	shalt  }
0x47: {  	_ =	shalt  }
0x48: {  	_ =	shalt  }
0x49: {  	_ =	shalt  }
0x4a: {  	_ =	shalt  }
0x4b: {  	_ =	shalt  }
0x4c: {  	_ =	shalt  }
0x4d: {  	_ =	shalt  }
0x4e: {  	_ =	shalt  }
0x4f: {  	_ =	shalt  }
0x50: {  	_ =	shalt  }
0x51: {  	_ =	shalt  }
0x52: {  	_ =	shalt  }
0x53: {  	_ =	shalt  }
0x54: {  	_ =	shalt  }
0x55: {  	_ =	shalt  }
0x56: {  	_ =	shalt  }
0x57: {  	_ =	shalt  }
0x58: {  	_ =	shalt  }
0x59: {  	_ =	shalt  }
0x5a: {  	_ =	shalt  }
0x5b: {  	_ =	shalt  }
0x5c: {  	_ =	shalt  }
0x5d: {  	_ =	shalt  }
0x5e: {  	_ =	shalt  }
0x5f: {  	_ =	shalt  }
0x60: {  	_ =	shalt  }
0x61: {  	_ =	shalt  }
0x62: {  	_ =	shalt  }
0x63: {  	_ =	shalt  }
0x64: {  	_ =	shalt  }
0x65: {  	_ =	shalt  }
0x66: {  	_ =	shalt  }
0x67: {  	_ =	shalt  }
0x68: {  	_ =	shalt  }
0x69: {  	_ =	shalt  }
0x6a: {  	_ =	shalt  }
0x6b: {  	_ =	shalt  }
0x6c: {  	_ =	shalt  }
0x6d: {  	_ =	shalt  }
0x6e: {  	_ =	shalt  }
0x6f: {  	_ =	shalt  }
0x70: {  	_ =	shalt  }
0x71: {  	_ =	shalt  }
0x72: {  	_ =	shalt  }
0x73: {  	_ =	shalt  }
0x74: {  	_ =	shalt  }
0x75: {  	_ =	shalt  }
0x76: {  	_ =	shalt  }
0x77: {  	_ =	shalt  }
0x78: {  	_ =	shalt  }
0x79: {  	_ =	shalt  }
0x7a: {  	_ =	shalt  }
0x7b: {  	_ =	shalt  }
0x7c: {  	_ =	shalt  }
0x7d: {  	_ =	shalt  }
0x7e: {  	_ =	shalt  }
0x7f: {  	_ =	shalt  }
0x80: {  	_ =	shalt  }
0x81: {  	_ =	shalt  }
0x82: {  	_ =	shalt  }
0x83: {  	_ =	shalt  }
0x84: {  	_ =	shalt  }
0x85: {  	_ =	shalt  }
0x86: {  	_ =	shalt  }
0x87: {  	_ =	shalt  }
.Lfunc_end0:
.L_simem_size_0:
called_computation_lowered:
.L_overlay_start_0:
0x88: {  	s2 =	sld [smem:$0x3FD9]  }
0x89: {  	s3 =	sld [smem:$0x3FFE];
	_ =	sdelay $0x1  }
0x8a: {  	s1 =	srdreg.scid  }
0x8b: {  	s0 =	sand.u32 $0x1, s1  }
0x8c: {  	s16 =	sshll.u32 s0, $0xA;
	s2 =	sadd.s32 s3, s2  }
0x8d: {  	s2 =	sadd.s32 s2, s16  }
0x8e: {  	[smem:$0x3FBC] =	sst s2  }
0x8f: {  	_ = 	snop  }
0x90: {  	(tm) =	ssettm $0x1  }
0x91: {  	s17 =	sld [smem:$0x3FFB];
	_ =	sdelay $0x3  }
0x92: {  	_ =	strace s17  }
0x93: {  	s2 =	sld [smem:$0x3FFC];
	_ =	sdelay $0x3  }
0x94: {  	_ =	strace s2  }
0x95: {  	s2 =	sld [smem:$0x3FFD];
	_ =	sdelay $0x3  }
0x96: {  	_ =	strace s2  }
0x97: {  	_ =	strace $0x8FFFFFFF  }
0x98: {  	s18 =	sld [smem:$0x3FDB];
	_ =	sdelay $0x1  }
0x99: {  	s19 =	simm.s32 $_scs_section_size  }
0x9a: {  	s4 =	simm.s32 $_size__tile_overlayer_lowered;
	s5 =	simm.s32 $_tile_overlayer_lowered  }
0x9b: {  	s22 =	simm.s32 $0x1BFF;
	s21 =	sshll.u32 s5, $0x1;
	s2 =	sadd.s32 s19, s18  }
0x9c: {  	s6 =	simm.s32 $0x0;
	s20 =	sshll.u32 s4, $0x1;
	s4 =	sadd.s32 s21, s2  }
0x9d: {  	[timem:s6], [sflag:s22] =	dma.local [hbm:s4], s20  }
0x9e: {  	_ =	swait.ge [sflag:s22], s20  }
0x9f: {  	s3 =	ssub.s32 $0x0, s20;
	[sflag:s22] =	ssyncset.done $0x0  }
0xa0: {  	[sflag:s22] =	ssyncadd.s32 s3;
	_ =	sdelay $0x1  }
0xa1: {  	s23 =	simm.s32 $0x1B8B  }
0xa2: {  	_ =	swait.ge [sflag:s23], $0x1  }
0xa3: {  	[sflag:s23] =	ssyncset.done $0x0  }
0xa4: {  	s25 =	simm.s32 $0x1B8E;
	s24 =	sld [smem:$0x3FFE];
	[sflag:s23] =	ssyncadd.s32 $0xFFFFFFFF  }
0xa5: {  	s26 =	simm.s32 $execute0_lowered;
	[smem:$0x3FD2] =	sst s25  }
0xa6: {  	s4 =	sshll.u32 s26, $0x1;
	_ =	strace $0x80000046;
	[dreg:$0x1] =	wrdreg $0xFFFFFFFF  }
0xa7: {  	s28 =	simm.s32 $_size_execute0_lowered;
	s2 =	sadd.s32 s2, s4;
	[dreg:$0x0] =	wrdreg $0x0  }
0xa8: {  	s4 =	sshll.u32 s28, $0x1;
	[dreg:$0x2] =	wrdreg s2  }
0xa9: {  	[dreg:$0x3] =	wrdreg s4  }
0xaa: {  	[dreg:$0x4] =	wrdreg $0xC0  }
0xab: {  	_ =	task [dreg:s6], $0x5FFFF  }
0xac: {  	[dreg:$0x1] =	wrdreg $0xFFFFFFFF  }
0xad: {  	[dreg:$0x0] =	wrdreg $0x60  }
0xae: {  	[dreg:$0x2] =	wrdreg s24  }
0xaf: {  	[dreg:$0x3] =	wrdreg $0x54800  }
0xb0: {  	[dreg:$0x4] =	wrdreg $0x9  }
0xb1: {  	_ =	task.clear_ibuf [dreg:s6], $0x5FFFF;
	_ =	strace $0x90000046  }
0xb2: {  	s29 =	simm.s32 $0x9;
	_ =	strace $0x80000048  }
0xb3: {  	_ =	swait.ge [sflag:s29], $0x1  }
0xb4: {  	[sflag:s29] =	ssyncadd.s32 $0xFFFFFFFF  }
0xb5: {  	_ =	strace $0x90000048  }
0xb6: {  	_ =	sfence  }
0xb7: {  	s30 =	sld [smem:$0x0];
	_ =	sdelay $0x2  }
0xb8: {  	s31 =	sshll.u32 s1, $0xD;
	s1 =	sshrl.u32 s1, $0x2  }
0xb9: {  	s3 =	sand.u32 $0x4000, s31;
	s1 =	sadd.s32 s1, s30  }
0xba: {  	s0 =	sor.u32 s3, s0;
	s1 =	sshll.u32 s1, $0x11  }
0xbb: {  	s0 =	sor.u32 s1, s0  }
0xbc: {  	s0 =	sadd.s32 $0x8F2B, s0  }
0xbd: {  	[sflag:s0] =	ssyncadd.remote.s32 $0x1  }
0xbe: {  	_ =	sfence.sel $0xFFFF  }
0xbf: {  	[dreg:$0x0] =	wrdreg $0xFFFFFFFF;
	(pc) =	sbr.abs _section_cstart, $3  }
0xc0: {  	[dreg:$0x1] =	wrdreg $0xFFFFFFFF  }
0xc1: {  	_ =	task.clear_ibuf [dreg:s6], $0x2FFFF;
	_ =	strace $0x9FFFFFFF  }
0xc2: {  	(tm) =	ssettm $0x7FFFFFFF  }
0xc3: {  	_ =	shalt  }
tec
execute0_lowered:
.L_overlay_start_1:
0x0: {  	(tag) =	ssettag $0x1  }
0x1: {  	s1 =	srdreg.scid;
	s8 =	rddreg [dreg:$0x0]  }
0x2: {  	s0 =	stileid.u32;
	s2 =	rddreg [dreg:$0x1]  }
0x3: {  	s3 =	simm.s32 $0x0;
	s11 =	simm.s32 $0x18600;
	s12 =	simm.s32 $0x0  }
0x4: {  	s5 =	sand.u32 $0x1, s1;
	s1 =	rddreg [dreg:$0x2];
	s7 =	smul.u32 $0xFA0, s0  }
0x5: {  	s26 =	sshll.u32 s0, $0x1;
	[smem:$0x7FF] =	sst s3;
	s30 =	smul.u32 $0x3E8, s0  }
0x6: {  	s4 =	sor.u32 s5, s26;
	s6 =	ssub.s32 $0x2, s5;
	_ =	strace $0x80000047  }
0x7: {  	p0 =	seq.s32 s5, $0x1;
	s4 =	smul.u32 $0xA00, s4;
	s28 =	sshrl.u32 s6, $0x1  }
0x8: {  	s29 =	sshrl.u32 s7, $0x2;
	s11 =	simm.s32 @!p0 $0x18000;
	s31 =	sshrl.u32 s30, $0x3  }
0x9: {  	p0 =	sgt.u32 s0, $0x9;
	s10 =	ssub.s32 s6, s28;
	s6 =	sadd.s32 s30, s2  }
0xa: {  	s9 =	sadd.s32 s4, s8;
	s4 =	sadd.s32 s29, s2;
	s7 =	smax.u32 s10, $0x1  }
0xb: {  	s8 =	sadd.s32 s11, s8;
	s10 =	simm.s32 $0x80;
	s11 =	simm.s32 $0x5000  }
0xc: {  	v0 =	vimm.f32 $1.000000000e+00;
	v1 =	vimm.f32 $0.0e+00;
	s5 =	sadd.s32 $0x4000, s9;
	s8 =	sadd.s32 s8, s31;
	s9 =	simm.s32 $0x1  }
.LBB2_1:
0xd: {  	[tilespmem:$0x5000] =	vst v0  }
0xe: {  	[tilespmem:$0x5010] =	vst v0  }
0xf: {  	[tilespmem:$0x5020] =	vst v0  }
0x10: {  	[tilespmem:$0x5030] =	vst v0  }
0x11: {  	[tilespmem:$0x5040] =	vst v0  }
0x12: {  	[tilespmem:$0x5050] =	vst v0  }
0x13: {  	[tilespmem:$0x5060] =	vst v0  }
0x14: {  	[tilespmem:$0x5070] =	vst v0;
	s13 =	simm.s32 $0x40;
	s14 =	simm.s32 $0x0  }
.LBB2_2:
0x15: {  	p1 =	sne.s32 s13, $0xFC0;
	[tilespmem:s14+$0x5080] =	vst v1;
	s14 =	smov.u32 s13;
	s13 =	sadd.s32 $0x40, s13  }
.Ltmp0:
0x16: {  	(pc) =	sbr.rel @p1 .LBB2_2-.Ltmp0, $2  }
0x17: {  	_ =	sdelay $0x2  }
0x18: {  	s14 =	sshra.s32 s14, $0x2  }
0x19: {  	[tilespmem:s14+$0x5080] =	vst v1;
	s13 =	simm.s32 @!p0 $0x5080  }
0x1a: {  	[spmem:s4] =	stream.linear.scatter @!p0 [tilespmem:s13], [sflag:$0x1], $0x3E8, $0x38;
	[tilespmem:$0x56F8] =	vst v63  }
0x1b: {  	s13 =	simm.s32 @!p0 $0x1  }
0x1c: {  	_ =	swait.ge @!p0 [sflag:s13], $0x3E8  }
0x1d: {  	[sflag:s13] =	ssyncset.done @!p0 $0x0  }
0x1e: {  	[sflag:s13] =	ssyncadd.s32 @!p0 $0xFFFFFC18  }
0x1f: {  	[tilespmem:s3], [sflag:$0x1] =	stream.linear.gather [hbm4b:s5+s3], $0x5000, $0x38;
	[tilespmem:$0x56F8] =	vst v63  }
0x20: {  	_ =	swait.ge [sflag:s9], $0x5000  }
0x21: {  	[sflag:s9] =	ssyncset.done $0x0  }
0x22: {  	[sflag:s9] =	ssyncadd.s32 $0xFFFFB000  }
0x23: {  	s31 =	simm.s32 $0x80;
	[bflag:$0x0] =	sbarrier.arrive $0xFFFF  }
0x24: {  	[spmem:s2] =	stream.indirect.scatter.add.f32 [tilespmem:s11], [sflag:$0x1], $0x1, s31, s10, $0xb8;
	[tilespmem:$0x56F8] =	vst v63  }
0x25: {  	_ =	swait.ge [sflag:s9], $0x80  }
0x26: {  	s13 =	simm.s32 $0x600;
	[sflag:s9] =	ssyncset.done $0x0  }
.LBB2_4:
0x27: {  	s14 =	sshra.s32 s13, $0x2;
	[sflag:s9] =	ssyncadd.s32 $0xFFFFFF80;
	p1 =	sne.s32 s13, $0x13E00  }
0x28: {  	[spmem:s2] =	stream.indirect.scatter.add.f32 [tilespmem:s11], [sflag:$0x1], $0x1, s14, s10, $0xb8;
	[tilespmem:$0x56F8] =	vst v63  }
.Ltmp1:
0x29: {  	_ = 	snop;
	(pc) =	sbr.rel @p1 .LBB2_4-.Ltmp1, $4  }
0x2a: {  	_ = 	snop  }
0x2b: {  	s13 =	sadd.s32 $0x400, s13  }
0x2c: {  	_ =	swait.ge [sflag:s9], $0x80  }
0x2d: {  	[sflag:s9] =	ssyncset.done $0x0  }
0x2e: {  	[sflag:s9] =	ssyncadd.s32 $0xFFFFFF80  }
0x2f: {  	s13 =	simm.s32 @!p0 $0x5080;
	s14 =	simm.s32 @!p0 $0x1;
	[bflag:$0x0] =	sbarrier.arrive $0xFFFF  }
0x30: {  	[tilespmem:s13], [sflag:$0x1] =	stream.linear.gather @!p0 [spmem:s6], $0x3E8, $0x38;
	[tilespmem:$0x56F8] =	vst v63  }
0x31: {  	s12 =	sadd.s32 $0x1, s12;
	_ =	swait.ge @!p0 [sflag:s14], $0x3E8  }
0x32: {  	p1 =	sne.s32 s12, s7;
	[sflag:s14] =	ssyncset.done @!p0 $0x0  }
.Ltmp2:
0x33: {  	s15 =	simm.s32 @!p0 $0x0;
	[sflag:s14] =	ssyncadd.s32 @!p0 $0xFFFFFC18;
	(pc) =	sbr.rel @p1 .LBB2_1-.Ltmp2, $4  }
0x34: {  	[hbm4b:s8+s15] =	stream.linear.scatter @!p0 [tilespmem:s13], [sflag:$0x1], $0x3E8, $0x38;
	[tilespmem:$0x56F8] =	vst v63  }
0x35: {  	_ =	swait.ge @!p0 [sflag:s14], $0x3E8  }
0x36: {  	[sflag:s14] =	ssyncset.done @!p0 $0x0  }
0x37: {  	[sflag:s14] =	ssyncadd.s32 @!p0 $0xFFFFFC18  }
0x38: {  	_ =	sfence.sel $0x180000  }
0x39: {  	[bflag:$0x0] =	sbarrier.arrive $0xFFFF  }
0x3a: {  	p0 =	sne.s32 s0, $0x0;
	_ =	strace $0x90000047  }
0x3b: {  	s0 =	sadd.s32 @!p0 $0x100000, s1;
	[bflag:$0x2] =	sbarrier.arrive $0xFFFF  }
0x3c: {  	[sflag:s0] =	ssyncadd.tile.s32 @!p0 $0x1;
	_ =	shalt  }
.Lfunc_end2:
_tile_overlayer_lowered:
.L_overlay_start_2:
0x3d: {  	(tag) =	ssettag $0x2  }
0x3e: {  	s0 =	rddreg [dreg:$0x0];
	s2 =	stileid.u32  }
0x3f: {  	s1 =	rddreg [dreg:$0x1];
	p0 =	sne.s32 s2, $0x0  }
0x40: {  	s3 =	rddreg [dreg:$0x2];
	[bflag:$0x3] =	sbarrier.arrive $0xFFFF;
	s2 =	simm.s32 @!p0 $0x1C01  }
0x41: {  	[timem:s3], [sflag:s2] =	dma.local @!p0 [hbm:s0], s1  }
0x42: {  	s0 =	simm.s32 @!p0 $0x1  }
0x43: {  	_ =	swait.ge @!p0 [sflag:s0], s1  }
0x44: {  	s1 =	ssub.s32 @!p0 $0x0, s1;
	[sflag:s0] =	ssyncset.done @!p0 $0x0  }
0x45: {  	[sflag:s0] =	ssyncadd.s32 @!p0 s1  }
0x46: {  	[bflag:$0x3] =	sbarrier.arrive $0xFFFF  }
0x47: {  	_ =	shalt  }

// kernel: kernel.13.cloned.1.call-start
scs
__scs_entry_jumppad:
0x0: {  	(pc) =	sbr.rel $0x88, $3  }
0x1: {  	(tag) =	ssettag $0x0;
	lr =	simm.s32 $0x1  }
0x2: {  	[smem:$0x3F95] =	sst lr;
	_ =	strace $0xD0000000  }
0x3: {  	_ = 	snop  }
0x4: {  	_ = 	snop  }
0x5: {  	_ = 	snop  }
0x6: {  	_ = 	snop  }
0x7: {  	_ = 	snop  }
__scs_overlays_trampoline_lowered:
0x8: {  	[smem:$0x3FA4] =	sst s0  }
0x9: {  	[smem:$0x3FA5] =	sst s1  }
0xa: {  	[smem:$0x3FA6] =	sst s2  }
0xb: {  	[smem:$0x3FA7] =	sst s3  }
0xc: {  	[smem:$0x3FA8] =	sst s4  }
0xd: {  	[smem:$0x3FA9] =	sst s5  }
0xe: {  	[smem:$0x3FAA] =	sst s6  }
0xf: {  	[smem:$0x3FAB] =	sst s7  }
0x10: {  	[smem:$0x3FAC] =	sst s8  }
0x11: {  	[smem:$0x3FAD] =	sst s9;
	s0 =	simm.s32 @!p0 $0x0  }
0x12: {  	s1 =	sld [smem:$0x3F93];
	s0 =	simm.s32 @p0 $0x1  }
0x13: {  	[smem:$0x3FAE] =	sst s0;
	s0 =	simm.s32 @!p1 $0x0  }
0x14: {  	s2 =	sld [smem:$0x3F92];
	s0 =	simm.s32 @p1 $0x1  }
0x15: {  	[smem:$0x3FAF] =	sst s0;
	s0 =	simm.s32 @!p2 $0x0  }
0x16: {  	s3 =	sld [smem:$0x3FDB];
	s0 =	simm.s32 @p2 $0x1  }
0x17: {  	s4 =	simm.s32 $0x1BF5;
	[smem:$0x3FB1] =	sst s0  }
0x18: {  	s0 =	sld [smem:$0x3F94];
	_ =	swait.ge [sflag:s4], $0x0  }
0x19: {  	s7 =	sld [smem:$0x3F95]  }
0x1a: {  	s8 =	sadd.s32 $0xFFFFE003, lr  }
0x1b: {  	s9 =	sadd.s32 $0xFFFFFEF7, lr;
	s5 =	simm.s32 $0xFFFFFFFF;
	p2 =	slt.u32 s8, $0xFFFFF086  }
0x1c: {  	p1 =	slt.u32 s9, $0xF7A;
	s5 =	simm.s32 @!p2 $0x0  }
0x1d: {  	s5 =	simm.s32 @p1 $0x1;
	p0 =	seq.s32 s7, s2  }
0x1e: {  	s7 =	smul.u32 @!p0 $0xF7A, s2;
	p2 =	seq.s32 @!p0 s5, $0x0  }
0x1f: {  	s9 =	smul.u32 $0xF7A, s1;
	s8 =	simm.s32 @!p0 $0x1BF5;
	p2 =	por !p2, p0  }
0x20: {  	[sflag:s8] =	ssyncset.s32 @!p0 $0xFFFFF086;
	s6 =	sadd.s32 @!p0 s3, s7;
	s7 =	simm.s32 @!p0 $0x108  }
0x21: {  	s3 =	sadd.s32 s3, s9;
	s6 =	sadd.s32 @!p0 $0x88, s6;
	s7 =	simm.s32 @p2 $0x1082  }
0x22: {  	[simem:s7], [sflag:s8] =	dma.local @!p0 [hbm:s6], $0xF7A  }
0x23: {  	s9 =	sor.u32 $0xD0000000, s2;
	s6 =	simm.s32 $0x108;
	_ =	swait.ge @!p0 [sflag:s8], $0x0  }
0x24: {  	s3 =	sadd.s32 $0x88, s3;
	s6 =	simm.s32 @!p1 $0x1082;
	[sflag:s4] =	ssyncset.s32 $0xFFFFF086  }
0x25: {  	[simem:s6], [sflag:s4] =	dma.local [hbm:s3], $0xF7A  }
0x26: {  	[smem:$0x3F95] =	sst s1;
	(tag) =	ssettag s2;
	_ =	strace s9  }
0x27: {  	s1 =	sld [smem:$0x3FA5]  }
0x28: {  	s2 =	sld [smem:$0x3FA6]  }
0x29: {  	s4 =	sld [smem:$0x3FA8]  }
0x2a: {  	p0 =	seq.s32 s5, $0x0;
	s5 =	sld [smem:$0x3FA9]  }
0x2b: {  	s6 =	sld [smem:$0x3FAA]  }
0x2c: {  	s7 =	sld [smem:$0x3FAB]  }
0x2d: {  	s3 =	simm.s32 $0x108;
	s8 =	sld [smem:$0x3FAC]  }
0x2e: {  	s3 =	simm.s32 @!p0 $0x1082;
	s9 =	sld [smem:$0x3FAD]  }
0x2f: {  	lr =	sadd.s32 s0, s3;
	s0 =	sld [smem:$0x3FA4]  }
0x30: {  	s3 =	sld [smem:$0x3FA7]  }
0x31: {  	[smem:$0x3FB0] =	sst s10  }
0x32: {  	s10 =	sld [smem:$0x3FAE];
	_ =	sdelay $0x3  }
0x33: {  	p0 =	seq.s32 s10, $0x1;
	s10 =	sld [smem:$0x3FB0];
	_ =	sdelay $0x3  }
0x34: {  	[smem:$0x3FB0] =	sst s10  }
0x35: {  	s10 =	sld [smem:$0x3FAF];
	_ =	sdelay $0x3  }
0x36: {  	p1 =	seq.s32 s10, $0x1;
	s10 =	sld [smem:$0x3FB0];
	_ =	sdelay $0x3  }
0x37: {  	[smem:$0x3FB0] =	sst s10  }
0x38: {  	s10 =	sld [smem:$0x3FB1]  }
0x39: {  	_ = 	snop;
	(pc) =	sbr.ind lr, $3  }
0x3a: {  	_ = 	snop  }
0x3b: {  	_ = 	snop  }
0x3c: {  	p2 =	seq.s32 s10, $0x1;
	s10 =	sld [smem:$0x3FB0]  }
0x3d: {  	_ =	shalt  }
0x3e: {  	_ =	shalt  }
0x3f: {  	_ =	shalt  }
0x40: {  	_ =	shalt  }
0x41: {  	_ =	shalt  }
0x42: {  	_ =	shalt  }
0x43: {  	_ =	shalt  }
0x44: {  	_ =	shalt  }
0x45: {  	_ =	shalt  }
0x46: {  	_ =	shalt  }
0x47: {  	_ =	shalt  }
0x48: {  	_ =	shalt  }
0x49: {  	_ =	shalt  }
0x4a: {  	_ =	shalt  }
0x4b: {  	_ =	shalt  }
0x4c: {  	_ =	shalt  }
0x4d: {  	_ =	shalt  }
0x4e: {  	_ =	shalt  }
0x4f: {  	_ =	shalt  }
0x50: {  	_ =	shalt  }
0x51: {  	_ =	shalt  }
0x52: {  	_ =	shalt  }
0x53: {  	_ =	shalt  }
0x54: {  	_ =	shalt  }
0x55: {  	_ =	shalt  }
0x56: {  	_ =	shalt  }
0x57: {  	_ =	shalt  }
0x58: {  	_ =	shalt  }
0x59: {  	_ =	shalt  }
0x5a: {  	_ =	shalt  }
0x5b: {  	_ =	shalt  }
0x5c: {  	_ =	shalt  }
0x5d: {  	_ =	shalt  }
0x5e: {  	_ =	shalt  }
0x5f: {  	_ =	shalt  }
0x60: {  	_ =	shalt  }
0x61: {  	_ =	shalt  }
0x62: {  	_ =	shalt  }
0x63: {  	_ =	shalt  }
0x64: {  	_ =	shalt  }
0x65: {  	_ =	shalt  }
0x66: {  	_ =	shalt  }
0x67: {  	_ =	shalt  }
0x68: {  	_ =	shalt  }
0x69: {  	_ =	shalt  }
0x6a: {  	_ =	shalt  }
0x6b: {  	_ =	shalt  }
0x6c: {  	_ =	shalt  }
0x6d: {  	_ =	shalt  }
0x6e: {  	_ =	shalt  }
0x6f: {  	_ =	shalt  }
0x70: {  	_ =	shalt  }
0x71: {  	_ =	shalt  }
0x72: {  	_ =	shalt  }
0x73: {  	_ =	shalt  }
0x74: {  	_ =	shalt  }
0x75: {  	_ =	shalt  }
0x76: {  	_ =	shalt  }
0x77: {  	_ =	shalt  }
0x78: {  	_ =	shalt  }
0x79: {  	_ =	shalt  }
0x7a: {  	_ =	shalt  }
0x7b: {  	_ =	shalt  }
0x7c: {  	_ =	shalt  }
0x7d: {  	_ =	shalt  }
0x7e: {  	_ =	shalt  }
0x7f: {  	_ =	shalt  }
0x80: {  	_ =	shalt  }
0x81: {  	_ =	shalt  }
0x82: {  	_ =	shalt  }
0x83: {  	_ =	shalt  }
0x84: {  	_ =	shalt  }
0x85: {  	_ =	shalt  }
0x86: {  	_ =	shalt  }
0x87: {  	_ =	shalt  }
.Lfunc_end0:
.L_simem_size_0:
called_computation.1_lowered:
.L_overlay_start_0:
0x88: {  	s2 =	sld [smem:$0x3FD9]  }
0x89: {  	s3 =	sld [smem:$0x3FFE];
	_ =	sdelay $0x1  }
0x8a: {  	s1 =	srdreg.scid  }
0x8b: {  	s0 =	sand.u32 $0x1, s1  }
0x8c: {  	s16 =	sshll.u32 s0, $0xA;
	s2 =	sadd.s32 s3, s2  }
0x8d: {  	s2 =	sadd.s32 s2, s16  }
0x8e: {  	[smem:$0x3FBC] =	sst s2  }
0x8f: {  	_ = 	snop  }
0x90: {  	(tm) =	ssettm $0x1  }
0x91: {  	s17 =	sld [smem:$0x3FFB];
	_ =	sdelay $0x3  }
0x92: {  	_ =	strace s17  }
0x93: {  	s2 =	sld [smem:$0x3FFC];
	_ =	sdelay $0x3  }
0x94: {  	_ =	strace s2  }
0x95: {  	s2 =	sld [smem:$0x3FFD];
	_ =	sdelay $0x3  }
0x96: {  	_ =	strace s2  }
0x97: {  	_ =	strace $0x8FFFFFFF  }
0x98: {  	s18 =	sld [smem:$0x3FDB];
	_ =	sdelay $0x1  }
0x99: {  	s19 =	simm.s32 $_scs_section_size  }
0x9a: {  	s4 =	simm.s32 $_size__tile_overlayer_lowered;
	s5 =	simm.s32 $_tile_overlayer_lowered  }
0x9b: {  	s22 =	simm.s32 $0x1BFF;
	s21 =	sshll.u32 s5, $0x1;
	s2 =	sadd.s32 s19, s18  }
0x9c: {  	s6 =	simm.s32 $0x0;
	s20 =	sshll.u32 s4, $0x1;
	s4 =	sadd.s32 s21, s2  }
0x9d: {  	[timem:s6], [sflag:s22] =	dma.local [hbm:s4], s20  }
0x9e: {  	_ =	swait.ge [sflag:s22], s20  }
0x9f: {  	s3 =	ssub.s32 $0x0, s20;
	[sflag:s22] =	ssyncset.done $0x0  }
0xa0: {  	[sflag:s22] =	ssyncadd.s32 s3;
	_ =	sdelay $0x1  }
0xa1: {  	s23 =	simm.s32 $0x1B8B  }
0xa2: {  	_ =	swait.ge [sflag:s23], $0x1  }
0xa3: {  	[sflag:s23] =	ssyncset.done $0x0  }
0xa4: {  	s25 =	simm.s32 $0x1B8E;
	s24 =	sld [smem:$0x3FFE];
	[sflag:s23] =	ssyncadd.s32 $0xFFFFFFFF  }
0xa5: {  	s26 =	simm.s32 $execute0_lowered;
	[smem:$0x3FD2] =	sst s25  }
0xa6: {  	s4 =	sshll.u32 s26, $0x1;
	_ =	strace $0x80000049;
	[dreg:$0x1] =	wrdreg $0xFFFFFFFF  }
0xa7: {  	s28 =	simm.s32 $_size_execute0_lowered;
	s2 =	sadd.s32 s2, s4;
	[dreg:$0x0] =	wrdreg $0x0  }
0xa8: {  	s4 =	sshll.u32 s28, $0x1;
	[dreg:$0x2] =	wrdreg s2  }
0xa9: {  	[dreg:$0x3] =	wrdreg s4  }
0xaa: {  	[dreg:$0x4] =	wrdreg $0xC0  }
0xab: {  	_ =	task [dreg:s6], $0x5FFFF  }
0xac: {  	[dreg:$0x1] =	wrdreg $0xFFFFFFFF  }
0xad: {  	[dreg:$0x0] =	wrdreg $0x60  }
0xae: {  	[dreg:$0x2] =	wrdreg s24  }
0xaf: {  	[dreg:$0x3] =	wrdreg $0x86000  }
0xb0: {  	[dreg:$0x4] =	wrdreg $0x9  }
0xb1: {  	_ =	task.clear_ibuf [dreg:s6], $0x5FFFF;
	_ =	strace $0x90000049  }
0xb2: {  	s29 =	simm.s32 $0x9;
	_ =	strace $0x8000004B  }
0xb3: {  	_ =	swait.ge [sflag:s29], $0x1  }
0xb4: {  	[sflag:s29] =	ssyncadd.s32 $0xFFFFFFFF  }
0xb5: {  	_ =	strace $0x9000004B  }
0xb6: {  	_ =	sfence  }
0xb7: {  	s30 =	sld [smem:$0x0];
	_ =	sdelay $0x2  }
0xb8: {  	s31 =	sshll.u32 s1, $0xD;
	s1 =	sshrl.u32 s1, $0x2  }
0xb9: {  	s3 =	sand.u32 $0x4000, s31;
	s1 =	sadd.s32 s1, s30  }
0xba: {  	s0 =	sor.u32 s3, s0;
	s1 =	sshll.u32 s1, $0x11  }
0xbb: {  	s0 =	sor.u32 s1, s0  }
0xbc: {  	s0 =	sadd.s32 $0x8F2B, s0  }
0xbd: {  	[sflag:s0] =	ssyncadd.remote.s32 $0x1  }
0xbe: {  	_ =	sfence.sel $0xFFFF  }
0xbf: {  	[dreg:$0x0] =	wrdreg $0xFFFFFFFF;
	(pc) =	sbr.abs _section_cstart, $3  }
0xc0: {  	[dreg:$0x1] =	wrdreg $0xFFFFFFFF  }
0xc1: {  	_ =	task.clear_ibuf [dreg:s6], $0x2FFFF;
	_ =	strace $0x9FFFFFFF  }
0xc2: {  	(tm) =	ssettm $0x7FFFFFFF  }
0xc3: {  	_ =	shalt  }
tec
execute0_lowered:
.L_overlay_start_1:
0x0: {  	(tag) =	ssettag $0x1  }
0x1: {  	s5 =	rddreg [dreg:$0x0]  }
0x2: {  	s1 =	rddreg [dreg:$0x1]  }
0x3: {  	s0 =	rddreg [dreg:$0x2]  }
0x4: {  	s2 =	simm.s32 $0x0;
	s6 =	srdreg.scid;
	s3 =	stileid.u32  }
0x5: {  	s18 =	simm.s32 $0x1;
	s19 =	simm.s32 $0x80;
	s20 =	simm.s32 $0x200  }
0x6: {  	s21 =	simm.s32 $0x2;
	s22 =	simm.s32 $0x4200;
	s23 =	simm.s32 $0x3  }
0x7: {  	s24 =	simm.s32 $0x4;
	[smem:$0x7FF] =	sst s2;
	s13 =	sadd.s32 $0x4000, s5  }
0x8: {  	s4 =	sadd.s32 $0x18000, s5;
	s8 =	sand.u32 $0x1, s6;
	s9 =	smul.u32 $0x4E000, s3  }
0x9: {  	s25 =	sshll.u32 s3, $0x1;
	s14 =	sadd.s32 $0x3F200, s5;
	s10 =	smul.u32 $0xA000, s3  }
0xa: {  	s17 =	smul.u32 $0x13800, s3;
	p0 =	sne.s32 s3, $0xF;
	_ =	strace $0x8000004A  }
0xb: {  	s7 =	ssub.s32 $0x2, s8;
	s6 =	sor.u32 s8, s25;
	s12 =	smul.u32 $0x138800, s8  }
0xc: {  	s15 =	smul.u32 $0x5000, s8;
	s8 =	sadd.s32 $0x138400, s1;
	s25 =	simm.s32 $0x180  }
0xd: {  	s26 =	sshrl.u32 s7, $0x1;
	s6 =	smul.u32 $0x5000, s6;
	s28 =	sshrl.u32 s9, $0x2  }
0xe: {  	s11 =	ssub.s32 s7, s26;
	s5 =	sadd.s32 s28, s1;
	s16 =	sshrl.u32 s12, $0x3  }
0xf: {  	s15 =	sadd.s32 s15, s10;
	s17 =	sadd.s32 s17, s12;
	s26 =	simm.s32 $0x0  }
0x10: {  	s29 =	sshrl.u32 s6, $0x3;
	s6 =	sadd.s32 $0x138000, s1;
	s16 =	sadd.s32 s14, s16  }
0x11: {  	s11 =	smax.u32 s11, $0x1;
	s30 =	sor.u32 $0x300, s15;
	s15 =	sor.u32 $0x200, s15  }
0x12: {  	s31 =	sshrl.u32 s17, $0x3;
	s17 =	simm.s32 $0x100;
	s7 =	sadd.s32 s13, s29  }
0x13: {  	s10 =	sadd.s32 $0x27000, s16;
	s16 =	sshrl.u32 s30, $0x3;
	s15 =	sshrl.u32 s15, $0x3  }
0x14: {  	s14 =	sadd.s32 s31, s14;
	s9 =	sadd.s32 $0x20, s7;
	s12 =	sadd.s32 s16, s13  }
0x15: {  	v0 =	vimm.f32 $0.0e+00;
	s13 =	sadd.s32 s15, s13;
	s15 =	simm.s32 $0x8200;
	s16 =	simm.s32 $0x5  }
.LBB2_1:
0x16: {  	[tilespmem:$0x8200] =	vst v0  }
0x17: {  	[tilespmem:$0x8210] =	vst v0  }
0x18: {  	[tilespmem:$0x8220] =	vst v0  }
0x19: {  	[tilespmem:$0x8230] =	vst v0  }
0x1a: {  	[tilespmem:$0x8240] =	vst v0  }
0x1b: {  	[tilespmem:$0x8250] =	vst v0  }
0x1c: {  	[tilespmem:$0x8260] =	vst v0  }
0x1d: {  	[tilespmem:$0x8270] =	vst v0  }
0x1e: {  	[tilespmem:$0x8280] =	vst v0  }
0x1f: {  	[tilespmem:$0x8290] =	vst v0  }
0x20: {  	[tilespmem:$0x82A0] =	vst v0  }
0x21: {  	[tilespmem:$0x82B0] =	vst v0  }
0x22: {  	[tilespmem:$0x82C0] =	vst v0  }
0x23: {  	[tilespmem:$0x82D0] =	vst v0  }
0x24: {  	[tilespmem:$0x82E0] =	vst v0  }
0x25: {  	[tilespmem:$0x82F0] =	vst v0  }
0x26: {  	[tilespmem:$0x8300] =	vst v0  }
0x27: {  	[tilespmem:$0x8310] =	vst v0  }
0x28: {  	[tilespmem:$0x8320] =	vst v0  }
0x29: {  	[tilespmem:$0x8330] =	vst v0  }
0x2a: {  	[tilespmem:$0x8340] =	vst v0  }
0x2b: {  	[tilespmem:$0x8350] =	vst v0  }
0x2c: {  	[tilespmem:$0x8360] =	vst v0  }
0x2d: {  	[tilespmem:$0x8370] =	vst v0  }
0x2e: {  	[tilespmem:$0x8380] =	vst v0  }
0x2f: {  	[tilespmem:$0x8390] =	vst v0  }
0x30: {  	[tilespmem:$0x83A0] =	vst v0  }
0x31: {  	[tilespmem:$0x83B0] =	vst v0  }
0x32: {  	[tilespmem:$0x83C0] =	vst v0  }
0x33: {  	[tilespmem:$0x83D0] =	vst v0  }
0x34: {  	[tilespmem:$0x83E0] =	vst v0  }
0x35: {  	[tilespmem:$0x83F0] =	vst v0  }
0x36: {  	[tilespmem:$0x8400] =	vst v0  }
0x37: {  	[tilespmem:$0x8410] =	vst v0  }
0x38: {  	[tilespmem:$0x8420] =	vst v0  }
0x39: {  	[tilespmem:$0x8430] =	vst v0  }
0x3a: {  	[tilespmem:$0x8440] =	vst v0  }
0x3b: {  	[tilespmem:$0x8450] =	vst v0  }
0x3c: {  	[tilespmem:$0x8460] =	vst v0  }
0x3d: {  	[tilespmem:$0x8470] =	vst v0  }
0x3e: {  	[tilespmem:$0x8480] =	vst v0  }
0x3f: {  	[tilespmem:$0x8490] =	vst v0  }
0x40: {  	[tilespmem:$0x84A0] =	vst v0  }
0x41: {  	[tilespmem:$0x84B0] =	vst v0  }
0x42: {  	[tilespmem:$0x84C0] =	vst v0  }
0x43: {  	[tilespmem:$0x84D0] =	vst v0  }
0x44: {  	[tilespmem:$0x84E0] =	vst v0  }
0x45: {  	[tilespmem:$0x84F0] =	vst v0  }
0x46: {  	[tilespmem:$0x8500] =	vst v0  }
0x47: {  	[tilespmem:$0x8510] =	vst v0  }
0x48: {  	[tilespmem:$0x8520] =	vst v0  }
0x49: {  	[tilespmem:$0x8530] =	vst v0  }
0x4a: {  	[tilespmem:$0x8540] =	vst v0  }
0x4b: {  	[tilespmem:$0x8550] =	vst v0  }
0x4c: {  	[tilespmem:$0x8560] =	vst v0  }
0x4d: {  	[tilespmem:$0x8570] =	vst v0  }
0x4e: {  	[tilespmem:$0x8580] =	vst v0  }
0x4f: {  	[tilespmem:$0x8590] =	vst v0  }
0x50: {  	[tilespmem:$0x85A0] =	vst v0  }
0x51: {  	[tilespmem:$0x85B0] =	vst v0  }
0x52: {  	[tilespmem:$0x85C0] =	vst v0  }
0x53: {  	[tilespmem:$0x85D0] =	vst v0  }
0x54: {  	[tilespmem:$0x85E0] =	vst v0  }
0x55: {  	[tilespmem:$0x85F0] =	vst v0;
	s28 =	sadd.s32 $0x0, s5  }
0x56: {  	[spmem:s28] =	stream.linear.scatter [tilespmem:s15], [sflag:$0x5], $0x400, $0x38;
	[tilespmem:$0x1BEC0] =	vst v63  }
0x57: {  	s28 =	simm.s32 $0x1000;
	_ =	swait.ge [sflag:s16], $0x400  }
.LBB2_2:
0x58: {  	s29 =	sshra.s32 s28, $0x2;
	[sflag:s16] =	ssyncset.done $0x0;
	p1 =	sne.s32 s28, $0x4D000  }
.Ltmp0:
0x59: {  	s29 =	sadd.s32 s29, s5;
	[sflag:s16] =	ssyncadd.s32 $0xFFFFFC00;
	(pc) =	sbr.rel @p1 .LBB2_2-.Ltmp0, $3  }
0x5a: {  	[spmem:s29] =	stream.linear.scatter [tilespmem:s15], [sflag:$0x5], $0x400, $0x38;
	[tilespmem:$0x1BEC0] =	vst v63  }
0x5b: {  	s28 =	sadd.s32 $0x1000, s28;
	_ =	sdelay $0x1  }
0x5c: {  	_ =	swait.ge [sflag:s16], $0x400  }
0x5d: {  	[sflag:s16] =	ssyncset.done $0x0  }
0x5e: {  	s28 =	simm.s32 @!p0 $0x8200;
	s29 =	simm.s32 @!p0 $0x5;
	[sflag:s16] =	ssyncadd.s32 $0xFFFFFC00  }
0x5f: {  	[spmem:s6] =	stream.linear.scatter @!p0 [tilespmem:s28], [sflag:$0x5], $0x400, $0x38;
	[tilespmem:$0x1BEC0] =	vst v63  }
0x60: {  	_ =	swait.ge @!p0 [sflag:s29], $0x400  }
0x61: {  	[sflag:s29] =	ssyncset.done @!p0 $0x0  }
0x62: {  	[sflag:s29] =	ssyncadd.s32 @!p0 $0xFFFFFC00  }
0x63: {  	[spmem:s8] =	stream.linear.scatter @!p0 [tilespmem:s28], [sflag:$0x5], $0x400, $0x38;
	[tilespmem:$0x1BEC0] =	vst v63  }
0x64: {  	_ =	swait.ge @!p0 [sflag:s29], $0x400  }
0x65: {  	[sflag:s29] =	ssyncset.done @!p0 $0x0  }
0x66: {  	[sflag:s29] =	ssyncadd.s32 @!p0 $0xFFFFFC00  }
0x67: {  	s28 =	simm.s32 $0x0;
	[bflag:$0x0] =	sbarrier.arrive $0xFFFF  }
0x68: {  	[tilespmem:s28], [sflag:$0x1] =	stream.linear.gather [hbm4b:s7+s28], $0x100, $0x38;
	[tilespmem:$0x1BEC0] =	vst v63  }
0x69: {  	_ = 	snop  }
0x6a: {  	[tilespmem:s17], [sflag:$0x2] =	stream.linear.gather [hbm4b:s9+s28], $0x100, $0x38;
	[tilespmem:$0x1BEC0] =	vst v63  }
0x6b: {  	_ =	swait.ge [sflag:s18], $0x100  }
0x6c: {  	[sflag:s18] =	ssyncset.done $0x0  }
0x6d: {  	[sflag:s18] =	ssyncadd.s32 $0xFFFFFF00  }
0x6e: {  	[tilespmem:s20], [sflag:$0x3] =	stream.indirect.gather [hbm4b:s4+s19], $0x80, s28, s19, $0xb8;
	[tilespmem:$0x1BEC0] =	vst v63  }
0x6f: {  	_ =	swait.ge [sflag:s21], $0x100  }
0x70: {  	[sflag:s21] =	ssyncset.done $0x0  }
0x71: {  	[sflag:s21] =	ssyncadd.s32 $0xFFFFFF00  }
0x72: {  	[tilespmem:s22], [sflag:$0x4] =	stream.indirect.gather [hbm4b:s4+s19], $0x80, s17, s19, $0xb8;
	[tilespmem:$0x1BEC0] =	vst v63  }
0x73: {  	_ =	swait.ge [sflag:s23], $0x4000  }
0x74: {  	[sflag:s23] =	ssyncset.done $0x0  }
0x75: {  	[sflag:s23] =	ssyncadd.s32 $0xFFFFC000  }
0x76: {  	[spmem:s1] =	stream.indirect.scatter.add.f32 [tilespmem:s20], [sflag:$0x5], $0x80, s19, s19, $0xb8;
	[tilespmem:$0x1BEC0] =	vst v63  }
0x77: {  	_ =	swait.ge [sflag:s16], $0x4000  }
0x78: {  	[sflag:s16] =	ssyncset.done $0x0  }
0x79: {  	s28 =	sadd.s32 $0x0, s13;
	[sflag:s16] =	ssyncadd.s32 $0xFFFFC000  }
0x7a: {  	[tilespmem:s2], [sflag:$0x1] =	stream.linear.gather [hbm4b:s28+s2], $0x100, $0x38;
	[tilespmem:$0x1BEC0] =	vst v63  }
0x7b: {  	_ =	swait.ge [sflag:s24], $0x4000  }
0x7c: {  	[sflag:s24] =	ssyncset.done $0x0  }
0x7d: {  	[sflag:s24] =	ssyncadd.s32 $0xFFFFC000  }
0x7e: {  	[spmem:s1] =	stream.indirect.scatter.add.f32 [tilespmem:s22], [sflag:$0x5], $0x80, s25, s19, $0xb8;
	[tilespmem:$0x1BEC0] =	vst v63  }
0x7f: {  	_ =	swait.ge [sflag:s16], $0x4000  }
0x80: {  	[sflag:s16] =	ssyncset.done $0x0  }
0x81: {  	s28 =	sadd.s32 $0x0, s12;
	[sflag:s16] =	ssyncadd.s32 $0xFFFFC000  }
0x82: {  	[tilespmem:s17], [sflag:$0x2] =	stream.linear.gather [hbm4b:s28+s2], $0x100, $0x38;
	[tilespmem:$0x1BEC0] =	vst v63  }
0x83: {  	_ =	swait.ge [sflag:s18], $0x100  }
0x84: {  	[sflag:s18] =	ssyncset.done $0x0  }
0x85: {  	s28 =	simm.s32 $0x40;
	[sflag:s18] =	ssyncadd.s32 $0xFFFFFF00  }
.LBB2_4:
0x86: {  	[tilespmem:s20], [sflag:$0x3] =	stream.indirect.gather [hbm4b:s4+s19], $0x80, s2, s19, $0xb8;
	[tilespmem:$0x1BEC0] =	vst v63  }
0x87: {  	s29 =	smov.u32 s28  }
0x88: {  	p1 =	sne.s32 s28, $0x980;
	s28 =	sadd.s32 $0x40, s28;
	_ =	swait.ge [sflag:s21], $0x100  }
0x89: {  	[sflag:s21] =	ssyncset.done $0x0  }
0x8a: {  	[sflag:s21] =	ssyncadd.s32 $0xFFFFFF00  }
0x8b: {  	[tilespmem:s22], [sflag:$0x4] =	stream.indirect.gather [hbm4b:s4+s19], $0x80, s17, s19, $0xb8;
	[tilespmem:$0x1BEC0] =	vst v63  }
0x8c: {  	_ =	swait.ge [sflag:s23], $0x4000  }
0x8d: {  	[sflag:s23] =	ssyncset.done $0x0  }
0x8e: {  	[sflag:s23] =	ssyncadd.s32 $0xFFFFC000  }
0x8f: {  	[spmem:s1] =	stream.indirect.scatter.add.f32 [tilespmem:s20], [sflag:$0x5], $0x80, s19, s19, $0xb8;
	[tilespmem:$0x1BEC0] =	vst v63  }
0x90: {  	_ =	swait.ge [sflag:s16], $0x4000  }
0x91: {  	[sflag:s16] =	ssyncset.done $0x0  }
0x92: {  	s30 =	sadd.s32 s29, s13;
	[sflag:s16] =	ssyncadd.s32 $0xFFFFC000  }
0x93: {  	[tilespmem:s2], [sflag:$0x1] =	stream.linear.gather [hbm4b:s30+s2], $0x100, $0x38;
	[tilespmem:$0x1BEC0] =	vst v63  }
0x94: {  	_ =	swait.ge [sflag:s24], $0x4000  }
0x95: {  	[sflag:s24] =	ssyncset.done $0x0  }
0x96: {  	[sflag:s24] =	ssyncadd.s32 $0xFFFFC000  }
0x97: {  	[spmem:s1] =	stream.indirect.scatter.add.f32 [tilespmem:s22], [sflag:$0x5], $0x80, s25, s19, $0xb8;
	[tilespmem:$0x1BEC0] =	vst v63  }
0x98: {  	_ =	swait.ge [sflag:s16], $0x4000  }
0x99: {  	[sflag:s16] =	ssyncset.done $0x0  }
.Ltmp1:
0x9a: {  	s29 =	sadd.s32 s29, s12;
	[sflag:s16] =	ssyncadd.s32 $0xFFFFC000;
	(pc) =	sbr.rel @p1 .LBB2_4-.Ltmp1, $4  }
0x9b: {  	[tilespmem:s17], [sflag:$0x2] =	stream.linear.gather [hbm4b:s29+s2], $0x100, $0x38;
	[tilespmem:$0x1BEC0] =	vst v63  }
0x9c: {  	_ =	swait.ge [sflag:s18], $0x100  }
0x9d: {  	[sflag:s18] =	ssyncset.done $0x0  }
0x9e: {  	[sflag:s18] =	ssyncadd.s32 $0xFFFFFF00  }
0x9f: {  	[tilespmem:s20], [sflag:$0x3] =	stream.indirect.gather [hbm4b:s4+s19], $0x80, s2, s19, $0xb8;
	[tilespmem:$0x1BEC0] =	vst v63  }
0xa0: {  	_ =	swait.ge [sflag:s21], $0x100  }
0xa1: {  	[sflag:s21] =	ssyncset.done $0x0  }
0xa2: {  	[sflag:s21] =	ssyncadd.s32 $0xFFFFFF00  }
0xa3: {  	[tilespmem:s22], [sflag:$0x4] =	stream.indirect.gather [hbm4b:s4+s19], $0x80, s17, s19, $0xb8;
	[tilespmem:$0x1BEC0] =	vst v63  }
0xa4: {  	_ =	swait.ge [sflag:s23], $0x4000  }
0xa5: {  	[sflag:s23] =	ssyncset.done $0x0  }
0xa6: {  	[sflag:s23] =	ssyncadd.s32 $0xFFFFC000  }
0xa7: {  	[spmem:s1] =	stream.indirect.scatter.add.f32 [tilespmem:s20], [sflag:$0x5], $0x80, s19, s19, $0xb8;
	[tilespmem:$0x1BEC0] =	vst v63  }
0xa8: {  	_ =	swait.ge [sflag:s16], $0x4000  }
0xa9: {  	[sflag:s16] =	ssyncset.done $0x0  }
0xaa: {  	[sflag:s16] =	ssyncadd.s32 $0xFFFFC000  }
0xab: {  	_ =	swait.ge [sflag:s24], $0x4000  }
0xac: {  	[sflag:s24] =	ssyncset.done $0x0  }
0xad: {  	[sflag:s24] =	ssyncadd.s32 $0xFFFFC000  }
0xae: {  	[spmem:s1] =	stream.indirect.scatter.add.f32 [tilespmem:s22], [sflag:$0x5], $0x80, s25, s19, $0xb8;
	[tilespmem:$0x1BEC0] =	vst v63  }
0xaf: {  	_ =	swait.ge [sflag:s16], $0x4000  }
0xb0: {  	[sflag:s16] =	ssyncset.done $0x0  }
0xb1: {  	[sflag:s16] =	ssyncadd.s32 $0xFFFFC000  }
0xb2: {  	[bflag:$0x0] =	sbarrier.arrive $0xFFFF  }
0xb3: {  	[tilespmem:s20], [sflag:$0x5] =	stream.linear.gather [spmem:s5], $0x1800, $0x38;
	[tilespmem:$0x1BEC0] =	vst v63  }
0xb4: {  	_ =	swait.ge [sflag:s16], $0x1800  }
0xb5: {  	[sflag:s16] =	ssyncset.done $0x0  }
0xb6: {  	s28 =	sadd.s32 $0x0, s14;
	[sflag:s16] =	ssyncadd.s32 $0xFFFFE800  }
0xb7: {  	[hbm4b:s28+s2] =	stream.linear.scatter [tilespmem:s20], [sflag:$0x5], $0x1800, $0x38;
	[tilespmem:$0x1BEC0] =	vst v63  }
0xb8: {  	_ =	swait.ge [sflag:s16], $0x1800  }
0xb9: {  	s29 =	smov.u32 s5;
	s28 =	simm.s32 $0x300;
	[sflag:s16] =	ssyncset.done $0x0  }
.LBB2_6:
0xba: {  	p1 =	sne.s32 s28, $0x2400;
	[sflag:s16] =	ssyncadd.s32 $0xFFFFE800;
	s29 =	sadd.s32 $0x1800, s29  }
0xbb: {  	[tilespmem:s20], [sflag:$0x5] =	stream.linear.gather [spmem:s29], $0x1800, $0x38;
	[tilespmem:$0x1BEC0] =	vst v63  }
0xbc: {  	s30 =	smov.u32 s28;
	s28 =	sadd.s32 $0x300, s28;
	_ =	swait.ge [sflag:s16], $0x1800  }
.Ltmp2:
0xbd: {  	[sflag:s16] =	ssyncset.done $0x0;
	(pc) =	sbr.rel @p1 .LBB2_6-.Ltmp2, $4  }
0xbe: {  	s30 =	sadd.s32 s30, s14;
	[sflag:s16] =	ssyncadd.s32 $0xFFFFE800  }
0xbf: {  	[hbm4b:s30+s2] =	stream.linear.scatter [tilespmem:s20], [sflag:$0x5], $0x1800, $0x38;
	[tilespmem:$0x1BEC0] =	vst v63  }
0xc0: {  	_ =	swait.ge [sflag:s16], $0x1800  }
0xc1: {  	[sflag:s16] =	ssyncset.done $0x0  }
0xc2: {  	[sflag:s16] =	ssyncadd.s32 $0xFFFFE800;
	s28 =	simm.s32 @!p0 $0x200;
	s29 =	simm.s32 @!p0 $0x5  }
0xc3: {  	[tilespmem:s28], [sflag:$0x5] =	stream.linear.gather @!p0 [spmem:s6], $0x800, $0x38;
	[tilespmem:$0x1BEC0] =	vst v63  }
0xc4: {  	s26 =	sadd.s32 $0x1, s26;
	_ =	swait.ge @!p0 [sflag:s29], $0x800  }
0xc5: {  	p1 =	sne.s32 s26, s11;
	[sflag:s29] =	ssyncset.done @!p0 $0x0  }
.Ltmp3:
0xc6: {  	s30 =	simm.s32 @!p0 $0x0;
	[sflag:s29] =	ssyncadd.s32 @!p0 $0xFFFFF800;
	(pc) =	sbr.rel @p1 .LBB2_1-.Ltmp3, $4  }
0xc7: {  	[hbm4b:s10+s30] =	stream.linear.scatter @!p0 [tilespmem:s28], [sflag:$0x5], $0x800, $0x38;
	[tilespmem:$0x1BEC0] =	vst v63  }
0xc8: {  	_ =	swait.ge @!p0 [sflag:s29], $0x800  }
0xc9: {  	[sflag:s29] =	ssyncset.done @!p0 $0x0  }
0xca: {  	[sflag:s29] =	ssyncadd.s32 @!p0 $0xFFFFF800  }
0xcb: {  	_ =	sfence.sel $0x180000  }
0xcc: {  	[bflag:$0x0] =	sbarrier.arrive $0xFFFF  }
0xcd: {  	p0 =	sne.s32 s3, $0x0;
	_ =	strace $0x9000004A  }
0xce: {  	s0 =	sadd.s32 @!p0 $0x100000, s0;
	[bflag:$0x2] =	sbarrier.arrive $0xFFFF  }
0xcf: {  	[sflag:s0] =	ssyncadd.tile.s32 @!p0 $0x1;
	_ =	shalt  }
.Lfunc_end2:
_tile_overlayer_lowered:
.L_overlay_start_2:
0xd0: {  	(tag) =	ssettag $0x2  }
0xd1: {  	s0 =	rddreg [dreg:$0x0];
	s2 =	stileid.u32  }
0xd2: {  	s1 =	rddreg [dreg:$0x1];
	p0 =	sne.s32 s2, $0x0  }
0xd3: {  	s3 =	rddreg [dreg:$0x2];
	[bflag:$0x3] =	sbarrier.arrive $0xFFFF;
	s2 =	simm.s32 @!p0 $0x1C05  }
0xd4: {  	[timem:s3], [sflag:s2] =	dma.local @!p0 [hbm:s0], s1  }
0xd5: {  	s0 =	simm.s32 @!p0 $0x5  }
0xd6: {  	_ =	swait.ge @!p0 [sflag:s0], s1  }
0xd7: {  	s1 =	ssub.s32 @!p0 $0x0, s1;
	[sflag:s0] =	ssyncset.done @!p0 $0x0  }
0xd8: {  	[sflag:s0] =	ssyncadd.s32 @!p0 s1  }
0xd9: {  	[bflag:$0x3] =	sbarrier.arrive $0xFFFF  }
0xda: {  	_ =	shalt  }

// kernel: kernel.16.cloned.1.call-start
scs
__scs_entry_jumppad:
0x0: {  	(pc) =	sbr.rel $0x88, $3  }
0x1: {  	(tag) =	ssettag $0x0;
	lr =	simm.s32 $0x1  }
0x2: {  	[smem:$0x3F95] =	sst lr;
	_ =	strace $0xD0000000  }
0x3: {  	_ = 	snop  }
0x4: {  	_ = 	snop  }
0x5: {  	_ = 	snop  }
0x6: {  	_ = 	snop  }
0x7: {  	_ = 	snop  }
__scs_overlays_trampoline_lowered:
0x8: {  	[smem:$0x3FA4] =	sst s0  }
0x9: {  	[smem:$0x3FA5] =	sst s1  }
0xa: {  	[smem:$0x3FA6] =	sst s2  }
0xb: {  	[smem:$0x3FA7] =	sst s3  }
0xc: {  	[smem:$0x3FA8] =	sst s4  }
0xd: {  	[smem:$0x3FA9] =	sst s5  }
0xe: {  	[smem:$0x3FAA] =	sst s6  }
0xf: {  	[smem:$0x3FAB] =	sst s7  }
0x10: {  	[smem:$0x3FAC] =	sst s8  }
0x11: {  	[smem:$0x3FAD] =	sst s9;
	s0 =	simm.s32 @!p0 $0x0  }
0x12: {  	s1 =	sld [smem:$0x3F93];
	s0 =	simm.s32 @p0 $0x1  }
0x13: {  	[smem:$0x3FAE] =	sst s0;
	s0 =	simm.s32 @!p1 $0x0  }
0x14: {  	s2 =	sld [smem:$0x3F92];
	s0 =	simm.s32 @p1 $0x1  }
0x15: {  	[smem:$0x3FAF] =	sst s0;
	s0 =	simm.s32 @!p2 $0x0  }
0x16: {  	s3 =	sld [smem:$0x3FDB];
	s0 =	simm.s32 @p2 $0x1  }
0x17: {  	s4 =	simm.s32 $0x1BF5;
	[smem:$0x3FB1] =	sst s0  }
0x18: {  	s0 =	sld [smem:$0x3F94];
	_ =	swait.ge [sflag:s4], $0x0  }
0x19: {  	s7 =	sld [smem:$0x3F95]  }
0x1a: {  	s8 =	sadd.s32 $0xFFFFE003, lr  }
0x1b: {  	s9 =	sadd.s32 $0xFFFFFEF7, lr;
	s5 =	simm.s32 $0xFFFFFFFF;
	p2 =	slt.u32 s8, $0xFFFFF086  }
0x1c: {  	p1 =	slt.u32 s9, $0xF7A;
	s5 =	simm.s32 @!p2 $0x0  }
0x1d: {  	s5 =	simm.s32 @p1 $0x1;
	p0 =	seq.s32 s7, s2  }
0x1e: {  	s7 =	smul.u32 @!p0 $0xF7A, s2;
	p2 =	seq.s32 @!p0 s5, $0x0  }
0x1f: {  	s9 =	smul.u32 $0xF7A, s1;
	s8 =	simm.s32 @!p0 $0x1BF5;
	p2 =	por !p2, p0  }
0x20: {  	[sflag:s8] =	ssyncset.s32 @!p0 $0xFFFFF086;
	s6 =	sadd.s32 @!p0 s3, s7;
	s7 =	simm.s32 @!p0 $0x108  }
0x21: {  	s3 =	sadd.s32 s3, s9;
	s6 =	sadd.s32 @!p0 $0x88, s6;
	s7 =	simm.s32 @p2 $0x1082  }
0x22: {  	[simem:s7], [sflag:s8] =	dma.local @!p0 [hbm:s6], $0xF7A  }
0x23: {  	s9 =	sor.u32 $0xD0000000, s2;
	s6 =	simm.s32 $0x108;
	_ =	swait.ge @!p0 [sflag:s8], $0x0  }
0x24: {  	s3 =	sadd.s32 $0x88, s3;
	s6 =	simm.s32 @!p1 $0x1082;
	[sflag:s4] =	ssyncset.s32 $0xFFFFF086  }
0x25: {  	[simem:s6], [sflag:s4] =	dma.local [hbm:s3], $0xF7A  }
0x26: {  	[smem:$0x3F95] =	sst s1;
	(tag) =	ssettag s2;
	_ =	strace s9  }
0x27: {  	s1 =	sld [smem:$0x3FA5]  }
0x28: {  	s2 =	sld [smem:$0x3FA6]  }
0x29: {  	s4 =	sld [smem:$0x3FA8]  }
0x2a: {  	p0 =	seq.s32 s5, $0x0;
	s5 =	sld [smem:$0x3FA9]  }
0x2b: {  	s6 =	sld [smem:$0x3FAA]  }
0x2c: {  	s7 =	sld [smem:$0x3FAB]  }
0x2d: {  	s3 =	simm.s32 $0x108;
	s8 =	sld [smem:$0x3FAC]  }
0x2e: {  	s3 =	simm.s32 @!p0 $0x1082;
	s9 =	sld [smem:$0x3FAD]  }
0x2f: {  	lr =	sadd.s32 s0, s3;
	s0 =	sld [smem:$0x3FA4]  }
0x30: {  	s3 =	sld [smem:$0x3FA7]  }
0x31: {  	[smem:$0x3FB0] =	sst s10  }
0x32: {  	s10 =	sld [smem:$0x3FAE];
	_ =	sdelay $0x3  }
0x33: {  	p0 =	seq.s32 s10, $0x1;
	s10 =	sld [smem:$0x3FB0];
	_ =	sdelay $0x3  }
0x34: {  	[smem:$0x3FB0] =	sst s10  }
0x35: {  	s10 =	sld [smem:$0x3FAF];
	_ =	sdelay $0x3  }
0x36: {  	p1 =	seq.s32 s10, $0x1;
	s10 =	sld [smem:$0x3FB0];
	_ =	sdelay $0x3  }
0x37: {  	[smem:$0x3FB0] =	sst s10  }
0x38: {  	s10 =	sld [smem:$0x3FB1]  }
0x39: {  	_ = 	snop;
	(pc) =	sbr.ind lr, $3  }
0x3a: {  	_ = 	snop  }
0x3b: {  	_ = 	snop  }
0x3c: {  	p2 =	seq.s32 s10, $0x1;
	s10 =	sld [smem:$0x3FB0]  }
0x3d: {  	_ =	shalt  }
0x3e: {  	_ =	shalt  }
0x3f: {  	_ =	shalt  }
0x40: {  	_ =	shalt  }
0x41: {  	_ =	shalt  }
0x42: {  	_ =	shalt  }
0x43: {  	_ =	shalt  }
0x44: {  	_ =	shalt  }
0x45: {  	_ =	shalt  }
0x46: {  	_ =	shalt  }
0x47: {  	_ =	shalt  }
0x48: {  	_ =	shalt  }
0x49: {  	_ =	shalt  }
0x4a: {  	_ =	shalt  }
0x4b: {  	_ =	shalt  }
0x4c: {  	_ =	shalt  }
0x4d: {  	_ =	shalt  }
0x4e: {  	_ =	shalt  }
0x4f: {  	_ =	shalt  }
0x50: {  	_ =	shalt  }
0x51: {  	_ =	shalt  }
0x52: {  	_ =	shalt  }
0x53: {  	_ =	shalt  }
0x54: {  	_ =	shalt  }
0x55: {  	_ =	shalt  }
0x56: {  	_ =	shalt  }
0x57: {  	_ =	shalt  }
0x58: {  	_ =	shalt  }
0x59: {  	_ =	shalt  }
0x5a: {  	_ =	shalt  }
0x5b: {  	_ =	shalt  }
0x5c: {  	_ =	shalt  }
0x5d: {  	_ =	shalt  }
0x5e: {  	_ =	shalt  }
0x5f: {  	_ =	shalt  }
0x60: {  	_ =	shalt  }
0x61: {  	_ =	shalt  }
0x62: {  	_ =	shalt  }
0x63: {  	_ =	shalt  }
0x64: {  	_ =	shalt  }
0x65: {  	_ =	shalt  }
0x66: {  	_ =	shalt  }
0x67: {  	_ =	shalt  }
0x68: {  	_ =	shalt  }
0x69: {  	_ =	shalt  }
0x6a: {  	_ =	shalt  }
0x6b: {  	_ =	shalt  }
0x6c: {  	_ =	shalt  }
0x6d: {  	_ =	shalt  }
0x6e: {  	_ =	shalt  }
0x6f: {  	_ =	shalt  }
0x70: {  	_ =	shalt  }
0x71: {  	_ =	shalt  }
0x72: {  	_ =	shalt  }
0x73: {  	_ =	shalt  }
0x74: {  	_ =	shalt  }
0x75: {  	_ =	shalt  }
0x76: {  	_ =	shalt  }
0x77: {  	_ =	shalt  }
0x78: {  	_ =	shalt  }
0x79: {  	_ =	shalt  }
0x7a: {  	_ =	shalt  }
0x7b: {  	_ =	shalt  }
0x7c: {  	_ =	shalt  }
0x7d: {  	_ =	shalt  }
0x7e: {  	_ =	shalt  }
0x7f: {  	_ =	shalt  }
0x80: {  	_ =	shalt  }
0x81: {  	_ =	shalt  }
0x82: {  	_ =	shalt  }
0x83: {  	_ =	shalt  }
0x84: {  	_ =	shalt  }
0x85: {  	_ =	shalt  }
0x86: {  	_ =	shalt  }
0x87: {  	_ =	shalt  }
.Lfunc_end0:
.L_simem_size_0:
called_computation.2_lowered:
.L_overlay_start_0:
0x88: {  	s2 =	sld [smem:$0x3FD9]  }
0x89: {  	s3 =	sld [smem:$0x3FFE];
	_ =	sdelay $0x1  }
0x8a: {  	s1 =	srdreg.scid  }
0x8b: {  	s0 =	sand.u32 $0x1, s1  }
0x8c: {  	s16 =	sshll.u32 s0, $0xA;
	s2 =	sadd.s32 s3, s2  }
0x8d: {  	s2 =	sadd.s32 s2, s16  }
0x8e: {  	[smem:$0x3FBC] =	sst s2  }
0x8f: {  	_ = 	snop  }
0x90: {  	(tm) =	ssettm $0x1  }
0x91: {  	s17 =	sld [smem:$0x3FFB];
	_ =	sdelay $0x3  }
0x92: {  	_ =	strace s17  }
0x93: {  	s2 =	sld [smem:$0x3FFC];
	_ =	sdelay $0x3  }
0x94: {  	_ =	strace s2  }
0x95: {  	s2 =	sld [smem:$0x3FFD];
	_ =	sdelay $0x3  }
0x96: {  	_ =	strace s2  }
0x97: {  	_ =	strace $0x8FFFFFFF  }
0x98: {  	s18 =	sld [smem:$0x3FDB];
	_ =	sdelay $0x1  }
0x99: {  	s19 =	simm.s32 $_scs_section_size  }
0x9a: {  	s4 =	simm.s32 $_size__tile_overlayer_lowered;
	s5 =	simm.s32 $_tile_overlayer_lowered  }
0x9b: {  	s22 =	simm.s32 $0x1BFF;
	s21 =	sshll.u32 s5, $0x1;
	s2 =	sadd.s32 s19, s18  }
0x9c: {  	s6 =	simm.s32 $0x0;
	s20 =	sshll.u32 s4, $0x1;
	s4 =	sadd.s32 s21, s2  }
0x9d: {  	[timem:s6], [sflag:s22] =	dma.local [hbm:s4], s20  }
0x9e: {  	_ =	swait.ge [sflag:s22], s20  }
0x9f: {  	s3 =	ssub.s32 $0x0, s20;
	[sflag:s22] =	ssyncset.done $0x0  }
0xa0: {  	[sflag:s22] =	ssyncadd.s32 s3;
	_ =	sdelay $0x1  }
0xa1: {  	s23 =	simm.s32 $0x1B8B  }
0xa2: {  	_ =	swait.ge [sflag:s23], $0x1  }
0xa3: {  	[sflag:s23] =	ssyncset.done $0x0  }
0xa4: {  	s25 =	simm.s32 $0x1B8E;
	s24 =	sld [smem:$0x3FFE];
	[sflag:s23] =	ssyncadd.s32 $0xFFFFFFFF  }
0xa5: {  	s26 =	simm.s32 $execute0_lowered;
	[smem:$0x3FD2] =	sst s25  }
0xa6: {  	s4 =	sshll.u32 s26, $0x1;
	_ =	strace $0x8000004C;
	[dreg:$0x1] =	wrdreg $0xFFFFFFFF  }
0xa7: {  	s28 =	simm.s32 $_size_execute0_lowered;
	s2 =	sadd.s32 s2, s4;
	[dreg:$0x0] =	wrdreg $0x0  }
0xa8: {  	s4 =	sshll.u32 s28, $0x1;
	[dreg:$0x2] =	wrdreg s2  }
0xa9: {  	[dreg:$0x3] =	wrdreg s4  }
0xaa: {  	[dreg:$0x4] =	wrdreg $0xC0  }
0xab: {  	_ =	task [dreg:s6], $0x5FFFF  }
0xac: {  	[dreg:$0x1] =	wrdreg $0xFFFFFFFF  }
0xad: {  	[dreg:$0x0] =	wrdreg $0x60  }
0xae: {  	[dreg:$0x2] =	wrdreg s24  }
0xaf: {  	[dreg:$0x3] =	wrdreg $0x86000  }
0xb0: {  	[dreg:$0x4] =	wrdreg $0x9  }
0xb1: {  	_ =	task.clear_ibuf [dreg:s6], $0x5FFFF;
	_ =	strace $0x9000004C  }
0xb2: {  	s29 =	simm.s32 $0x9;
	_ =	strace $0x8000004E  }
0xb3: {  	_ =	swait.ge [sflag:s29], $0x1  }
0xb4: {  	[sflag:s29] =	ssyncadd.s32 $0xFFFFFFFF  }
0xb5: {  	_ =	strace $0x9000004E  }
0xb6: {  	_ =	sfence  }
0xb7: {  	s30 =	sld [smem:$0x0];
	_ =	sdelay $0x2  }
0xb8: {  	s31 =	sshll.u32 s1, $0xD;
	s1 =	sshrl.u32 s1, $0x2  }
0xb9: {  	s3 =	sand.u32 $0x4000, s31;
	s1 =	sadd.s32 s1, s30  }
0xba: {  	s0 =	sor.u32 s3, s0;
	s1 =	sshll.u32 s1, $0x11  }
0xbb: {  	s0 =	sor.u32 s1, s0  }
0xbc: {  	s0 =	sadd.s32 $0x8F2B, s0  }
0xbd: {  	[sflag:s0] =	ssyncadd.remote.s32 $0x1  }
0xbe: {  	_ =	sfence.sel $0xFFFF  }
0xbf: {  	[dreg:$0x0] =	wrdreg $0xFFFFFFFF;
	(pc) =	sbr.abs _section_cstart, $3  }
0xc0: {  	[dreg:$0x1] =	wrdreg $0xFFFFFFFF  }
0xc1: {  	_ =	task.clear_ibuf [dreg:s6], $0x2FFFF;
	_ =	strace $0x9FFFFFFF  }
0xc2: {  	(tm) =	ssettm $0x7FFFFFFF  }
0xc3: {  	_ =	shalt  }
tec
execute0_lowered:
.L_overlay_start_1:
0x0: {  	(tag) =	ssettag $0x1  }
0x1: {  	s5 =	rddreg [dreg:$0x0]  }
0x2: {  	s1 =	rddreg [dreg:$0x1]  }
0x3: {  	s0 =	rddreg [dreg:$0x2]  }
0x4: {  	s2 =	simm.s32 $0x0;
	s6 =	srdreg.scid;
	s3 =	stileid.u32  }
0x5: {  	s18 =	simm.s32 $0x1;
	s19 =	simm.s32 $0x80;
	s20 =	simm.s32 $0x200  }
0x6: {  	s21 =	simm.s32 $0x2;
	s22 =	simm.s32 $0x4200;
	s23 =	simm.s32 $0x3  }
0x7: {  	s24 =	simm.s32 $0x4;
	[smem:$0x7FF] =	sst s2;
	s13 =	sadd.s32 $0x4000, s5  }
0x8: {  	s4 =	sadd.s32 $0x18000, s5;
	s8 =	sand.u32 $0x1, s6;
	s9 =	smul.u32 $0x4E000, s3  }
0x9: {  	s25 =	sshll.u32 s3, $0x1;
	s14 =	sadd.s32 $0x3F200, s5;
	s10 =	smul.u32 $0xA000, s3  }
0xa: {  	s17 =	smul.u32 $0x13800, s3;
	p0 =	sne.s32 s3, $0xF;
	_ =	strace $0x8000004D  }
0xb: {  	s7 =	ssub.s32 $0x2, s8;
	s6 =	sor.u32 s8, s25;
	s12 =	smul.u32 $0x138800, s8  }
0xc: {  	s15 =	smul.u32 $0x5000, s8;
	s8 =	sadd.s32 $0x138400, s1;
	s25 =	simm.s32 $0x180  }
0xd: {  	s26 =	sshrl.u32 s7, $0x1;
	s6 =	smul.u32 $0x5000, s6;
	s28 =	sshrl.u32 s9, $0x2  }
0xe: {  	s11 =	ssub.s32 s7, s26;
	s5 =	sadd.s32 s28, s1;
	s16 =	sshrl.u32 s12, $0x3  }
0xf: {  	s15 =	sadd.s32 s15, s10;
	s17 =	sadd.s32 s17, s12;
	s26 =	simm.s32 $0x0  }
0x10: {  	s29 =	sshrl.u32 s6, $0x3;
	s6 =	sadd.s32 $0x138000, s1;
	s16 =	sadd.s32 s14, s16  }
0x11: {  	s11 =	smax.u32 s11, $0x1;
	s30 =	sor.u32 $0x300, s15;
	s15 =	sor.u32 $0x200, s15  }
0x12: {  	s31 =	sshrl.u32 s17, $0x3;
	s17 =	simm.s32 $0x100;
	s7 =	sadd.s32 s13, s29  }
0x13: {  	s10 =	sadd.s32 $0x27000, s16;
	s16 =	sshrl.u32 s30, $0x3;
	s15 =	sshrl.u32 s15, $0x3  }
0x14: {  	s14 =	sadd.s32 s31, s14;
	s9 =	sadd.s32 $0x20, s7;
	s12 =	sadd.s32 s16, s13  }
0x15: {  	v0 =	vimm.f32 $0.0e+00;
	s13 =	sadd.s32 s15, s13;
	s15 =	simm.s32 $0x8200;
	s16 =	simm.s32 $0x5  }
.LBB2_1:
0x16: {  	[tilespmem:$0x8200] =	vst v0  }
0x17: {  	[tilespmem:$0x8210] =	vst v0  }
0x18: {  	[tilespmem:$0x8220] =	vst v0  }
0x19: {  	[tilespmem:$0x8230] =	vst v0  }
0x1a: {  	[tilespmem:$0x8240] =	vst v0  }
0x1b: {  	[tilespmem:$0x8250] =	vst v0  }
0x1c: {  	[tilespmem:$0x8260] =	vst v0  }
0x1d: {  	[tilespmem:$0x8270] =	vst v0  }
0x1e: {  	[tilespmem:$0x8280] =	vst v0  }
0x1f: {  	[tilespmem:$0x8290] =	vst v0  }
0x20: {  	[tilespmem:$0x82A0] =	vst v0  }
0x21: {  	[tilespmem:$0x82B0] =	vst v0  }
0x22: {  	[tilespmem:$0x82C0] =	vst v0  }
0x23: {  	[tilespmem:$0x82D0] =	vst v0  }
0x24: {  	[tilespmem:$0x82E0] =	vst v0  }
0x25: {  	[tilespmem:$0x82F0] =	vst v0  }
0x26: {  	[tilespmem:$0x8300] =	vst v0  }
0x27: {  	[tilespmem:$0x8310] =	vst v0  }
0x28: {  	[tilespmem:$0x8320] =	vst v0  }
0x29: {  	[tilespmem:$0x8330] =	vst v0  }
0x2a: {  	[tilespmem:$0x8340] =	vst v0  }
0x2b: {  	[tilespmem:$0x8350] =	vst v0  }
0x2c: {  	[tilespmem:$0x8360] =	vst v0  }
0x2d: {  	[tilespmem:$0x8370] =	vst v0  }
0x2e: {  	[tilespmem:$0x8380] =	vst v0  }
0x2f: {  	[tilespmem:$0x8390] =	vst v0  }
0x30: {  	[tilespmem:$0x83A0] =	vst v0  }
0x31: {  	[tilespmem:$0x83B0] =	vst v0  }
0x32: {  	[tilespmem:$0x83C0] =	vst v0  }
0x33: {  	[tilespmem:$0x83D0] =	vst v0  }
0x34: {  	[tilespmem:$0x83E0] =	vst v0  }
0x35: {  	[tilespmem:$0x83F0] =	vst v0  }
0x36: {  	[tilespmem:$0x8400] =	vst v0  }
0x37: {  	[tilespmem:$0x8410] =	vst v0  }
0x38: {  	[tilespmem:$0x8420] =	vst v0  }
0x39: {  	[tilespmem:$0x8430] =	vst v0  }
0x3a: {  	[tilespmem:$0x8440] =	vst v0  }
0x3b: {  	[tilespmem:$0x8450] =	vst v0  }
0x3c: {  	[tilespmem:$0x8460] =	vst v0  }
0x3d: {  	[tilespmem:$0x8470] =	vst v0  }
0x3e: {  	[tilespmem:$0x8480] =	vst v0  }
0x3f: {  	[tilespmem:$0x8490] =	vst v0  }
0x40: {  	[tilespmem:$0x84A0] =	vst v0  }
0x41: {  	[tilespmem:$0x84B0] =	vst v0  }
0x42: {  	[tilespmem:$0x84C0] =	vst v0  }
0x43: {  	[tilespmem:$0x84D0] =	vst v0  }
0x44: {  	[tilespmem:$0x84E0] =	vst v0  }
0x45: {  	[tilespmem:$0x84F0] =	vst v0  }
0x46: {  	[tilespmem:$0x8500] =	vst v0  }
0x47: {  	[tilespmem:$0x8510] =	vst v0  }
0x48: {  	[tilespmem:$0x8520] =	vst v0  }
0x49: {  	[tilespmem:$0x8530] =	vst v0  }
0x4a: {  	[tilespmem:$0x8540] =	vst v0  }
0x4b: {  	[tilespmem:$0x8550] =	vst v0  }
0x4c: {  	[tilespmem:$0x8560] =	vst v0  }
0x4d: {  	[tilespmem:$0x8570] =	vst v0  }
0x4e: {  	[tilespmem:$0x8580] =	vst v0  }
0x4f: {  	[tilespmem:$0x8590] =	vst v0  }
0x50: {  	[tilespmem:$0x85A0] =	vst v0  }
0x51: {  	[tilespmem:$0x85B0] =	vst v0  }
0x52: {  	[tilespmem:$0x85C0] =	vst v0  }
0x53: {  	[tilespmem:$0x85D0] =	vst v0  }
0x54: {  	[tilespmem:$0x85E0] =	vst v0  }
0x55: {  	[tilespmem:$0x85F0] =	vst v0;
	s28 =	sadd.s32 $0x0, s5  }
0x56: {  	[spmem:s28] =	stream.linear.scatter [tilespmem:s15], [sflag:$0x5], $0x400, $0x38;
	[tilespmem:$0x1BEC0] =	vst v63  }
0x57: {  	s28 =	simm.s32 $0x1000;
	_ =	swait.ge [sflag:s16], $0x400  }
.LBB2_2:
0x58: {  	s29 =	sshra.s32 s28, $0x2;
	[sflag:s16] =	ssyncset.done $0x0;
	p1 =	sne.s32 s28, $0x4D000  }
.Ltmp0:
0x59: {  	s29 =	sadd.s32 s29, s5;
	[sflag:s16] =	ssyncadd.s32 $0xFFFFFC00;
	(pc) =	sbr.rel @p1 .LBB2_2-.Ltmp0, $3  }
0x5a: {  	[spmem:s29] =	stream.linear.scatter [tilespmem:s15], [sflag:$0x5], $0x400, $0x38;
	[tilespmem:$0x1BEC0] =	vst v63  }
0x5b: {  	s28 =	sadd.s32 $0x1000, s28;
	_ =	sdelay $0x1  }
0x5c: {  	_ =	swait.ge [sflag:s16], $0x400  }
0x5d: {  	[sflag:s16] =	ssyncset.done $0x0  }
0x5e: {  	s28 =	simm.s32 @!p0 $0x8200;
	s29 =	simm.s32 @!p0 $0x5;
	[sflag:s16] =	ssyncadd.s32 $0xFFFFFC00  }
0x5f: {  	[spmem:s6] =	stream.linear.scatter @!p0 [tilespmem:s28], [sflag:$0x5], $0x400, $0x38;
	[tilespmem:$0x1BEC0] =	vst v63  }
0x60: {  	_ =	swait.ge @!p0 [sflag:s29], $0x400  }
0x61: {  	[sflag:s29] =	ssyncset.done @!p0 $0x0  }
0x62: {  	[sflag:s29] =	ssyncadd.s32 @!p0 $0xFFFFFC00  }
0x63: {  	[spmem:s8] =	stream.linear.scatter @!p0 [tilespmem:s28], [sflag:$0x5], $0x400, $0x38;
	[tilespmem:$0x1BEC0] =	vst v63  }
0x64: {  	_ =	swait.ge @!p0 [sflag:s29], $0x400  }
0x65: {  	[sflag:s29] =	ssyncset.done @!p0 $0x0  }
0x66: {  	[sflag:s29] =	ssyncadd.s32 @!p0 $0xFFFFFC00  }
0x67: {  	s28 =	simm.s32 $0x0;
	[bflag:$0x0] =	sbarrier.arrive $0xFFFF  }
0x68: {  	[tilespmem:s28], [sflag:$0x1] =	stream.linear.gather [hbm4b:s7+s28], $0x100, $0x38;
	[tilespmem:$0x1BEC0] =	vst v63  }
0x69: {  	_ = 	snop  }
0x6a: {  	[tilespmem:s17], [sflag:$0x2] =	stream.linear.gather [hbm4b:s9+s28], $0x100, $0x38;
	[tilespmem:$0x1BEC0] =	vst v63  }
0x6b: {  	_ =	swait.ge [sflag:s18], $0x100  }
0x6c: {  	[sflag:s18] =	ssyncset.done $0x0  }
0x6d: {  	[sflag:s18] =	ssyncadd.s32 $0xFFFFFF00  }
0x6e: {  	[tilespmem:s20], [sflag:$0x3] =	stream.indirect.gather [hbm4b:s4+s19], $0x80, s28, s19, $0xb8;
	[tilespmem:$0x1BEC0] =	vst v63  }
0x6f: {  	_ =	swait.ge [sflag:s21], $0x100  }
0x70: {  	[sflag:s21] =	ssyncset.done $0x0  }
0x71: {  	[sflag:s21] =	ssyncadd.s32 $0xFFFFFF00  }
0x72: {  	[tilespmem:s22], [sflag:$0x4] =	stream.indirect.gather [hbm4b:s4+s19], $0x80, s17, s19, $0xb8;
	[tilespmem:$0x1BEC0] =	vst v63  }
0x73: {  	_ =	swait.ge [sflag:s23], $0x4000  }
0x74: {  	[sflag:s23] =	ssyncset.done $0x0  }
0x75: {  	[sflag:s23] =	ssyncadd.s32 $0xFFFFC000  }
0x76: {  	[spmem:s1] =	stream.indirect.scatter.add.f32 [tilespmem:s20], [sflag:$0x5], $0x80, s19, s19, $0xb8;
	[tilespmem:$0x1BEC0] =	vst v63  }
0x77: {  	_ =	swait.ge [sflag:s16], $0x4000  }
0x78: {  	[sflag:s16] =	ssyncset.done $0x0  }
0x79: {  	s28 =	sadd.s32 $0x0, s13;
	[sflag:s16] =	ssyncadd.s32 $0xFFFFC000  }
0x7a: {  	[tilespmem:s2], [sflag:$0x1] =	stream.linear.gather [hbm4b:s28+s2], $0x100, $0x38;
	[tilespmem:$0x1BEC0] =	vst v63  }
0x7b: {  	_ =	swait.ge [sflag:s24], $0x4000  }
0x7c: {  	[sflag:s24] =	ssyncset.done $0x0  }
0x7d: {  	[sflag:s24] =	ssyncadd.s32 $0xFFFFC000  }
0x7e: {  	[spmem:s1] =	stream.indirect.scatter.add.f32 [tilespmem:s22], [sflag:$0x5], $0x80, s25, s19, $0xb8;
	[tilespmem:$0x1BEC0] =	vst v63  }
0x7f: {  	_ =	swait.ge [sflag:s16], $0x4000  }
0x80: {  	[sflag:s16] =	ssyncset.done $0x0  }
0x81: {  	s28 =	sadd.s32 $0x0, s12;
	[sflag:s16] =	ssyncadd.s32 $0xFFFFC000  }
0x82: {  	[tilespmem:s17], [sflag:$0x2] =	stream.linear.gather [hbm4b:s28+s2], $0x100, $0x38;
	[tilespmem:$0x1BEC0] =	vst v63  }
0x83: {  	_ =	swait.ge [sflag:s18], $0x100  }
0x84: {  	[sflag:s18] =	ssyncset.done $0x0  }
0x85: {  	s28 =	simm.s32 $0x40;
	[sflag:s18] =	ssyncadd.s32 $0xFFFFFF00  }
.LBB2_4:
0x86: {  	[tilespmem:s20], [sflag:$0x3] =	stream.indirect.gather [hbm4b:s4+s19], $0x80, s2, s19, $0xb8;
	[tilespmem:$0x1BEC0] =	vst v63  }
0x87: {  	s29 =	smov.u32 s28  }
0x88: {  	p1 =	sne.s32 s28, $0x980;
	s28 =	sadd.s32 $0x40, s28;
	_ =	swait.ge [sflag:s21], $0x100  }
0x89: {  	[sflag:s21] =	ssyncset.done $0x0  }
0x8a: {  	[sflag:s21] =	ssyncadd.s32 $0xFFFFFF00  }
0x8b: {  	[tilespmem:s22], [sflag:$0x4] =	stream.indirect.gather [hbm4b:s4+s19], $0x80, s17, s19, $0xb8;
	[tilespmem:$0x1BEC0] =	vst v63  }
0x8c: {  	_ =	swait.ge [sflag:s23], $0x4000  }
0x8d: {  	[sflag:s23] =	ssyncset.done $0x0  }
0x8e: {  	[sflag:s23] =	ssyncadd.s32 $0xFFFFC000  }
0x8f: {  	[spmem:s1] =	stream.indirect.scatter.add.f32 [tilespmem:s20], [sflag:$0x5], $0x80, s19, s19, $0xb8;
	[tilespmem:$0x1BEC0] =	vst v63  }
0x90: {  	_ =	swait.ge [sflag:s16], $0x4000  }
0x91: {  	[sflag:s16] =	ssyncset.done $0x0  }
0x92: {  	s30 =	sadd.s32 s29, s13;
	[sflag:s16] =	ssyncadd.s32 $0xFFFFC000  }
0x93: {  	[tilespmem:s2], [sflag:$0x1] =	stream.linear.gather [hbm4b:s30+s2], $0x100, $0x38;
	[tilespmem:$0x1BEC0] =	vst v63  }
0x94: {  	_ =	swait.ge [sflag:s24], $0x4000  }
0x95: {  	[sflag:s24] =	ssyncset.done $0x0  }
0x96: {  	[sflag:s24] =	ssyncadd.s32 $0xFFFFC000  }
0x97: {  	[spmem:s1] =	stream.indirect.scatter.add.f32 [tilespmem:s22], [sflag:$0x5], $0x80, s25, s19, $0xb8;
	[tilespmem:$0x1BEC0] =	vst v63  }
0x98: {  	_ =	swait.ge [sflag:s16], $0x4000  }
0x99: {  	[sflag:s16] =	ssyncset.done $0x0  }
.Ltmp1:
0x9a: {  	s29 =	sadd.s32 s29, s12;
	[sflag:s16] =	ssyncadd.s32 $0xFFFFC000;
	(pc) =	sbr.rel @p1 .LBB2_4-.Ltmp1, $4  }
0x9b: {  	[tilespmem:s17], [sflag:$0x2] =	stream.linear.gather [hbm4b:s29+s2], $0x100, $0x38;
	[tilespmem:$0x1BEC0] =	vst v63  }
0x9c: {  	_ =	swait.ge [sflag:s18], $0x100  }
0x9d: {  	[sflag:s18] =	ssyncset.done $0x0  }
0x9e: {  	[sflag:s18] =	ssyncadd.s32 $0xFFFFFF00  }
0x9f: {  	[tilespmem:s20], [sflag:$0x3] =	stream.indirect.gather [hbm4b:s4+s19], $0x80, s2, s19, $0xb8;
	[tilespmem:$0x1BEC0] =	vst v63  }
0xa0: {  	_ =	swait.ge [sflag:s21], $0x100  }
0xa1: {  	[sflag:s21] =	ssyncset.done $0x0  }
0xa2: {  	[sflag:s21] =	ssyncadd.s32 $0xFFFFFF00  }
0xa3: {  	[tilespmem:s22], [sflag:$0x4] =	stream.indirect.gather [hbm4b:s4+s19], $0x80, s17, s19, $0xb8;
	[tilespmem:$0x1BEC0] =	vst v63  }
0xa4: {  	_ =	swait.ge [sflag:s23], $0x4000  }
0xa5: {  	[sflag:s23] =	ssyncset.done $0x0  }
0xa6: {  	[sflag:s23] =	ssyncadd.s32 $0xFFFFC000  }
0xa7: {  	[spmem:s1] =	stream.indirect.scatter.add.f32 [tilespmem:s20], [sflag:$0x5], $0x80, s19, s19, $0xb8;
	[tilespmem:$0x1BEC0] =	vst v63  }
0xa8: {  	_ =	swait.ge [sflag:s16], $0x4000  }
0xa9: {  	[sflag:s16] =	ssyncset.done $0x0  }
0xaa: {  	[sflag:s16] =	ssyncadd.s32 $0xFFFFC000  }
0xab: {  	_ =	swait.ge [sflag:s24], $0x4000  }
0xac: {  	[sflag:s24] =	ssyncset.done $0x0  }
0xad: {  	[sflag:s24] =	ssyncadd.s32 $0xFFFFC000  }
0xae: {  	[spmem:s1] =	stream.indirect.scatter.add.f32 [tilespmem:s22], [sflag:$0x5], $0x80, s25, s19, $0xb8;
	[tilespmem:$0x1BEC0] =	vst v63  }
0xaf: {  	_ =	swait.ge [sflag:s16], $0x4000  }
0xb0: {  	[sflag:s16] =	ssyncset.done $0x0  }
0xb1: {  	[sflag:s16] =	ssyncadd.s32 $0xFFFFC000  }
0xb2: {  	[bflag:$0x0] =	sbarrier.arrive $0xFFFF  }
0xb3: {  	[tilespmem:s20], [sflag:$0x5] =	stream.linear.gather [spmem:s5], $0x1800, $0x38;
	[tilespmem:$0x1BEC0] =	vst v63  }
0xb4: {  	_ =	swait.ge [sflag:s16], $0x1800  }
0xb5: {  	[sflag:s16] =	ssyncset.done $0x0  }
0xb6: {  	s28 =	sadd.s32 $0x0, s14;
	[sflag:s16] =	ssyncadd.s32 $0xFFFFE800  }
0xb7: {  	[hbm4b:s28+s2] =	stream.linear.scatter [tilespmem:s20], [sflag:$0x5], $0x1800, $0x38;
	[tilespmem:$0x1BEC0] =	vst v63  }
0xb8: {  	_ =	swait.ge [sflag:s16], $0x1800  }
0xb9: {  	s29 =	smov.u32 s5;
	s28 =	simm.s32 $0x300;
	[sflag:s16] =	ssyncset.done $0x0  }
.LBB2_6:
0xba: {  	p1 =	sne.s32 s28, $0x2400;
	[sflag:s16] =	ssyncadd.s32 $0xFFFFE800;
	s29 =	sadd.s32 $0x1800, s29  }
0xbb: {  	[tilespmem:s20], [sflag:$0x5] =	stream.linear.gather [spmem:s29], $0x1800, $0x38;
	[tilespmem:$0x1BEC0] =	vst v63  }
0xbc: {  	s30 =	smov.u32 s28;
	s28 =	sadd.s32 $0x300, s28;
	_ =	swait.ge [sflag:s16], $0x1800  }
.Ltmp2:
0xbd: {  	[sflag:s16] =	ssyncset.done $0x0;
	(pc) =	sbr.rel @p1 .LBB2_6-.Ltmp2, $4  }
0xbe: {  	s30 =	sadd.s32 s30, s14;
	[sflag:s16] =	ssyncadd.s32 $0xFFFFE800  }
0xbf: {  	[hbm4b:s30+s2] =	stream.linear.scatter [tilespmem:s20], [sflag:$0x5], $0x1800, $0x38;
	[tilespmem:$0x1BEC0] =	vst v63  }
0xc0: {  	_ =	swait.ge [sflag:s16], $0x1800  }
0xc1: {  	[sflag:s16] =	ssyncset.done $0x0  }
0xc2: {  	[sflag:s16] =	ssyncadd.s32 $0xFFFFE800;
	s28 =	simm.s32 @!p0 $0x200;
	s29 =	simm.s32 @!p0 $0x5  }
0xc3: {  	[tilespmem:s28], [sflag:$0x5] =	stream.linear.gather @!p0 [spmem:s6], $0x800, $0x38;
	[tilespmem:$0x1BEC0] =	vst v63  }
0xc4: {  	s26 =	sadd.s32 $0x1, s26;
	_ =	swait.ge @!p0 [sflag:s29], $0x800  }
0xc5: {  	p1 =	sne.s32 s26, s11;
	[sflag:s29] =	ssyncset.done @!p0 $0x0  }
.Ltmp3:
0xc6: {  	s30 =	simm.s32 @!p0 $0x0;
	[sflag:s29] =	ssyncadd.s32 @!p0 $0xFFFFF800;
	(pc) =	sbr.rel @p1 .LBB2_1-.Ltmp3, $4  }
0xc7: {  	[hbm4b:s10+s30] =	stream.linear.scatter @!p0 [tilespmem:s28], [sflag:$0x5], $0x800, $0x38;
	[tilespmem:$0x1BEC0] =	vst v63  }
0xc8: {  	_ =	swait.ge @!p0 [sflag:s29], $0x800  }
0xc9: {  	[sflag:s29] =	ssyncset.done @!p0 $0x0  }
0xca: {  	[sflag:s29] =	ssyncadd.s32 @!p0 $0xFFFFF800  }
0xcb: {  	_ =	sfence.sel $0x180000  }
0xcc: {  	[bflag:$0x0] =	sbarrier.arrive $0xFFFF  }
0xcd: {  	p0 =	sne.s32 s3, $0x0;
	_ =	strace $0x9000004D  }
0xce: {  	s0 =	sadd.s32 @!p0 $0x100000, s0;
	[bflag:$0x2] =	sbarrier.arrive $0xFFFF  }
0xcf: {  	[sflag:s0] =	ssyncadd.tile.s32 @!p0 $0x1;
	_ =	shalt  }
.Lfunc_end2:
_tile_overlayer_lowered:
.L_overlay_start_2:
0xd0: {  	(tag) =	ssettag $0x2  }
0xd1: {  	s0 =	rddreg [dreg:$0x0];
	s2 =	stileid.u32  }
0xd2: {  	s1 =	rddreg [dreg:$0x1];
	p0 =	sne.s32 s2, $0x0  }
0xd3: {  	s3 =	rddreg [dreg:$0x2];
	[bflag:$0x3] =	sbarrier.arrive $0xFFFF;
	s2 =	simm.s32 @!p0 $0x1C05  }
0xd4: {  	[timem:s3], [sflag:s2] =	dma.local @!p0 [hbm:s0], s1  }
0xd5: {  	s0 =	simm.s32 @!p0 $0x5  }
0xd6: {  	_ =	swait.ge @!p0 [sflag:s0], s1  }
0xd7: {  	s1 =	ssub.s32 @!p0 $0x0, s1;
	[sflag:s0] =	ssyncset.done @!p0 $0x0  }
0xd8: {  	[sflag:s0] =	ssyncadd.s32 @!p0 s1  }
0xd9: {  	[bflag:$0x3] =	sbarrier.arrive $0xFFFF  }
0xda: {  	_ =	shalt  }

// kernel: kernel.19.cloned.1.call-start
scs
__scs_entry_jumppad:
0x0: {  	(pc) =	sbr.rel $0x88, $3  }
0x1: {  	(tag) =	ssettag $0x0;
	lr =	simm.s32 $0x1  }
0x2: {  	[smem:$0x3F95] =	sst lr;
	_ =	strace $0xD0000000  }
0x3: {  	_ = 	snop  }
0x4: {  	_ = 	snop  }
0x5: {  	_ = 	snop  }
0x6: {  	_ = 	snop  }
0x7: {  	_ = 	snop  }
__scs_overlays_trampoline_lowered:
0x8: {  	[smem:$0x3FA4] =	sst s0  }
0x9: {  	[smem:$0x3FA5] =	sst s1  }
0xa: {  	[smem:$0x3FA6] =	sst s2  }
0xb: {  	[smem:$0x3FA7] =	sst s3  }
0xc: {  	[smem:$0x3FA8] =	sst s4  }
0xd: {  	[smem:$0x3FA9] =	sst s5  }
0xe: {  	[smem:$0x3FAA] =	sst s6  }
0xf: {  	[smem:$0x3FAB] =	sst s7  }
0x10: {  	[smem:$0x3FAC] =	sst s8  }
0x11: {  	[smem:$0x3FAD] =	sst s9;
	s0 =	simm.s32 @!p0 $0x0  }
0x12: {  	s1 =	sld [smem:$0x3F93];
	s0 =	simm.s32 @p0 $0x1  }
0x13: {  	[smem:$0x3FAE] =	sst s0;
	s0 =	simm.s32 @!p1 $0x0  }
0x14: {  	s2 =	sld [smem:$0x3F92];
	s0 =	simm.s32 @p1 $0x1  }
0x15: {  	[smem:$0x3FAF] =	sst s0;
	s0 =	simm.s32 @!p2 $0x0  }
0x16: {  	s3 =	sld [smem:$0x3FDB];
	s0 =	simm.s32 @p2 $0x1  }
0x17: {  	s4 =	simm.s32 $0x1BF5;
	[smem:$0x3FB1] =	sst s0  }
0x18: {  	s0 =	sld [smem:$0x3F94];
	_ =	swait.ge [sflag:s4], $0x0  }
0x19: {  	s7 =	sld [smem:$0x3F95]  }
0x1a: {  	s8 =	sadd.s32 $0xFFFFE003, lr  }
0x1b: {  	s9 =	sadd.s32 $0xFFFFFEF7, lr;
	s5 =	simm.s32 $0xFFFFFFFF;
	p2 =	slt.u32 s8, $0xFFFFF086  }
0x1c: {  	p1 =	slt.u32 s9, $0xF7A;
	s5 =	simm.s32 @!p2 $0x0  }
0x1d: {  	s5 =	simm.s32 @p1 $0x1;
	p0 =	seq.s32 s7, s2  }
0x1e: {  	s7 =	smul.u32 @!p0 $0xF7A, s2;
	p2 =	seq.s32 @!p0 s5, $0x0  }
0x1f: {  	s9 =	smul.u32 $0xF7A, s1;
	s8 =	simm.s32 @!p0 $0x1BF5;
	p2 =	por !p2, p0  }
0x20: {  	[sflag:s8] =	ssyncset.s32 @!p0 $0xFFFFF086;
	s6 =	sadd.s32 @!p0 s3, s7;
	s7 =	simm.s32 @!p0 $0x108  }
0x21: {  	s3 =	sadd.s32 s3, s9;
	s6 =	sadd.s32 @!p0 $0x88, s6;
	s7 =	simm.s32 @p2 $0x1082  }
0x22: {  	[simem:s7], [sflag:s8] =	dma.local @!p0 [hbm:s6], $0xF7A  }
0x23: {  	s9 =	sor.u32 $0xD0000000, s2;
	s6 =	simm.s32 $0x108;
	_ =	swait.ge @!p0 [sflag:s8], $0x0  }
0x24: {  	s3 =	sadd.s32 $0x88, s3;
	s6 =	simm.s32 @!p1 $0x1082;
	[sflag:s4] =	ssyncset.s32 $0xFFFFF086  }
0x25: {  	[simem:s6], [sflag:s4] =	dma.local [hbm:s3], $0xF7A  }
0x26: {  	[smem:$0x3F95] =	sst s1;
	(tag) =	ssettag s2;
	_ =	strace s9  }
0x27: {  	s1 =	sld [smem:$0x3FA5]  }
0x28: {  	s2 =	sld [smem:$0x3FA6]  }
0x29: {  	s4 =	sld [smem:$0x3FA8]  }
0x2a: {  	p0 =	seq.s32 s5, $0x0;
	s5 =	sld [smem:$0x3FA9]  }
0x2b: {  	s6 =	sld [smem:$0x3FAA]  }
0x2c: {  	s7 =	sld [smem:$0x3FAB]  }
0x2d: {  	s3 =	simm.s32 $0x108;
	s8 =	sld [smem:$0x3FAC]  }
0x2e: {  	s3 =	simm.s32 @!p0 $0x1082;
	s9 =	sld [smem:$0x3FAD]  }
0x2f: {  	lr =	sadd.s32 s0, s3;
	s0 =	sld [smem:$0x3FA4]  }
0x30: {  	s3 =	sld [smem:$0x3FA7]  }
0x31: {  	[smem:$0x3FB0] =	sst s10  }
0x32: {  	s10 =	sld [smem:$0x3FAE];
	_ =	sdelay $0x3  }
0x33: {  	p0 =	seq.s32 s10, $0x1;
	s10 =	sld [smem:$0x3FB0];
	_ =	sdelay $0x3  }
0x34: {  	[smem:$0x3FB0] =	sst s10  }
0x35: {  	s10 =	sld [smem:$0x3FAF];
	_ =	sdelay $0x3  }
0x36: {  	p1 =	seq.s32 s10, $0x1;
	s10 =	sld [smem:$0x3FB0];
	_ =	sdelay $0x3  }
0x37: {  	[smem:$0x3FB0] =	sst s10  }
0x38: {  	s10 =	sld [smem:$0x3FB1]  }
0x39: {  	_ = 	snop;
	(pc) =	sbr.ind lr, $3  }
0x3a: {  	_ = 	snop  }
0x3b: {  	_ = 	snop  }
0x3c: {  	p2 =	seq.s32 s10, $0x1;
	s10 =	sld [smem:$0x3FB0]  }
0x3d: {  	_ =	shalt  }
0x3e: {  	_ =	shalt  }
0x3f: {  	_ =	shalt  }
0x40: {  	_ =	shalt  }
0x41: {  	_ =	shalt  }
0x42: {  	_ =	shalt  }
0x43: {  	_ =	shalt  }
0x44: {  	_ =	shalt  }
0x45: {  	_ =	shalt  }
0x46: {  	_ =	shalt  }
0x47: {  	_ =	shalt  }
0x48: {  	_ =	shalt  }
0x49: {  	_ =	shalt  }
0x4a: {  	_ =	shalt  }
0x4b: {  	_ =	shalt  }
0x4c: {  	_ =	shalt  }
0x4d: {  	_ =	shalt  }
0x4e: {  	_ =	shalt  }
0x4f: {  	_ =	shalt  }
0x50: {  	_ =	shalt  }
0x51: {  	_ =	shalt  }
0x52: {  	_ =	shalt  }
0x53: {  	_ =	shalt  }
0x54: {  	_ =	shalt  }
0x55: {  	_ =	shalt  }
0x56: {  	_ =	shalt  }
0x57: {  	_ =	shalt  }
0x58: {  	_ =	shalt  }
0x59: {  	_ =	shalt  }
0x5a: {  	_ =	shalt  }
0x5b: {  	_ =	shalt  }
0x5c: {  	_ =	shalt  }
0x5d: {  	_ =	shalt  }
0x5e: {  	_ =	shalt  }
0x5f: {  	_ =	shalt  }
0x60: {  	_ =	shalt  }
0x61: {  	_ =	shalt  }
0x62: {  	_ =	shalt  }
0x63: {  	_ =	shalt  }
0x64: {  	_ =	shalt  }
0x65: {  	_ =	shalt  }
0x66: {  	_ =	shalt  }
0x67: {  	_ =	shalt  }
0x68: {  	_ =	shalt  }
0x69: {  	_ =	shalt  }
0x6a: {  	_ =	shalt  }
0x6b: {  	_ =	shalt  }
0x6c: {  	_ =	shalt  }
0x6d: {  	_ =	shalt  }
0x6e: {  	_ =	shalt  }
0x6f: {  	_ =	shalt  }
0x70: {  	_ =	shalt  }
0x71: {  	_ =	shalt  }
0x72: {  	_ =	shalt  }
0x73: {  	_ =	shalt  }
0x74: {  	_ =	shalt  }
0x75: {  	_ =	shalt  }
0x76: {  	_ =	shalt  }
0x77: {  	_ =	shalt  }
0x78: {  	_ =	shalt  }
0x79: {  	_ =	shalt  }
0x7a: {  	_ =	shalt  }
0x7b: {  	_ =	shalt  }
0x7c: {  	_ =	shalt  }
0x7d: {  	_ =	shalt  }
0x7e: {  	_ =	shalt  }
0x7f: {  	_ =	shalt  }
0x80: {  	_ =	shalt  }
0x81: {  	_ =	shalt  }
0x82: {  	_ =	shalt  }
0x83: {  	_ =	shalt  }
0x84: {  	_ =	shalt  }
0x85: {  	_ =	shalt  }
0x86: {  	_ =	shalt  }
0x87: {  	_ =	shalt  }
.Lfunc_end0:
.L_simem_size_0:
called_computation.3_lowered:
.L_overlay_start_0:
0x88: {  	s2 =	sld [smem:$0x3FD9]  }
0x89: {  	s3 =	sld [smem:$0x3FFE];
	_ =	sdelay $0x1  }
0x8a: {  	s1 =	srdreg.scid  }
0x8b: {  	s0 =	sand.u32 $0x1, s1  }
0x8c: {  	s16 =	sshll.u32 s0, $0xA;
	s2 =	sadd.s32 s3, s2  }
0x8d: {  	s2 =	sadd.s32 s2, s16  }
0x8e: {  	[smem:$0x3FBC] =	sst s2  }
0x8f: {  	_ = 	snop  }
0x90: {  	(tm) =	ssettm $0x1  }
0x91: {  	s17 =	sld [smem:$0x3FFB];
	_ =	sdelay $0x3  }
0x92: {  	_ =	strace s17  }
0x93: {  	s2 =	sld [smem:$0x3FFC];
	_ =	sdelay $0x3  }
0x94: {  	_ =	strace s2  }
0x95: {  	s2 =	sld [smem:$0x3FFD];
	_ =	sdelay $0x3  }
0x96: {  	_ =	strace s2  }
0x97: {  	_ =	strace $0x8FFFFFFF  }
0x98: {  	s18 =	sld [smem:$0x3FDB];
	_ =	sdelay $0x1  }
0x99: {  	s19 =	simm.s32 $_scs_section_size  }
0x9a: {  	s4 =	simm.s32 $_size__tile_overlayer_lowered;
	s5 =	simm.s32 $_tile_overlayer_lowered  }
0x9b: {  	s22 =	simm.s32 $0x1BFF;
	s21 =	sshll.u32 s5, $0x1;
	s2 =	sadd.s32 s19, s18  }
0x9c: {  	s6 =	simm.s32 $0x0;
	s20 =	sshll.u32 s4, $0x1;
	s4 =	sadd.s32 s21, s2  }
0x9d: {  	[timem:s6], [sflag:s22] =	dma.local [hbm:s4], s20  }
0x9e: {  	_ =	swait.ge [sflag:s22], s20  }
0x9f: {  	s3 =	ssub.s32 $0x0, s20;
	[sflag:s22] =	ssyncset.done $0x0  }
0xa0: {  	[sflag:s22] =	ssyncadd.s32 s3;
	_ =	sdelay $0x1  }
0xa1: {  	s23 =	simm.s32 $0x1B8B  }
0xa2: {  	_ =	swait.ge [sflag:s23], $0x1  }
0xa3: {  	[sflag:s23] =	ssyncset.done $0x0  }
0xa4: {  	s25 =	simm.s32 $0x1B8E;
	s24 =	sld [smem:$0x3FFE];
	[sflag:s23] =	ssyncadd.s32 $0xFFFFFFFF  }
0xa5: {  	s26 =	simm.s32 $execute0_lowered;
	[smem:$0x3FD2] =	sst s25  }
0xa6: {  	s4 =	sshll.u32 s26, $0x1;
	_ =	strace $0x8000004F;
	[dreg:$0x1] =	wrdreg $0xFFFFFFFF  }
0xa7: {  	s28 =	simm.s32 $_size_execute0_lowered;
	s2 =	sadd.s32 s2, s4;
	[dreg:$0x0] =	wrdreg $0x0  }
0xa8: {  	s4 =	sshll.u32 s28, $0x1;
	[dreg:$0x2] =	wrdreg s2  }
0xa9: {  	[dreg:$0x3] =	wrdreg s4  }
0xaa: {  	[dreg:$0x4] =	wrdreg $0xC0  }
0xab: {  	_ =	task [dreg:s6], $0x5FFFF  }
0xac: {  	[dreg:$0x1] =	wrdreg $0xFFFFFFFF  }
0xad: {  	[dreg:$0x0] =	wrdreg $0x60  }
0xae: {  	[dreg:$0x2] =	wrdreg s24  }
0xaf: {  	[dreg:$0x3] =	wrdreg $0x86000  }
0xb0: {  	[dreg:$0x4] =	wrdreg $0x9  }
0xb1: {  	_ =	task.clear_ibuf [dreg:s6], $0x5FFFF;
	_ =	strace $0x9000004F  }
0xb2: {  	s29 =	simm.s32 $0x9;
	_ =	strace $0x80000051  }
0xb3: {  	_ =	swait.ge [sflag:s29], $0x1  }
0xb4: {  	[sflag:s29] =	ssyncadd.s32 $0xFFFFFFFF  }
0xb5: {  	_ =	strace $0x90000051  }
0xb6: {  	_ =	sfence  }
0xb7: {  	s30 =	sld [smem:$0x0];
	_ =	sdelay $0x2  }
0xb8: {  	s31 =	sshll.u32 s1, $0xD;
	s1 =	sshrl.u32 s1, $0x2  }
0xb9: {  	s3 =	sand.u32 $0x4000, s31;
	s1 =	sadd.s32 s1, s30  }
0xba: {  	s0 =	sor.u32 s3, s0;
	s1 =	sshll.u32 s1, $0x11  }
0xbb: {  	s0 =	sor.u32 s1, s0  }
0xbc: {  	s0 =	sadd.s32 $0x8F2B, s0  }
0xbd: {  	[sflag:s0] =	ssyncadd.remote.s32 $0x1  }
0xbe: {  	_ =	sfence.sel $0xFFFF  }
0xbf: {  	[dreg:$0x0] =	wrdreg $0xFFFFFFFF;
	(pc) =	sbr.abs _section_cstart, $3  }
0xc0: {  	[dreg:$0x1] =	wrdreg $0xFFFFFFFF  }
0xc1: {  	_ =	task.clear_ibuf [dreg:s6], $0x2FFFF;
	_ =	strace $0x9FFFFFFF  }
0xc2: {  	(tm) =	ssettm $0x7FFFFFFF  }
0xc3: {  	_ =	shalt  }
tec
execute0_lowered:
.L_overlay_start_1:
0x0: {  	(tag) =	ssettag $0x1  }
0x1: {  	s5 =	rddreg [dreg:$0x0]  }
0x2: {  	s1 =	rddreg [dreg:$0x1]  }
0x3: {  	s0 =	rddreg [dreg:$0x2]  }
0x4: {  	s2 =	simm.s32 $0x0;
	s6 =	srdreg.scid;
	s3 =	stileid.u32  }
0x5: {  	s18 =	simm.s32 $0x1;
	s19 =	simm.s32 $0x80;
	s20 =	simm.s32 $0x200  }
0x6: {  	s21 =	simm.s32 $0x2;
	s22 =	simm.s32 $0x4200;
	s23 =	simm.s32 $0x3  }
0x7: {  	s24 =	simm.s32 $0x4;
	[smem:$0x7FF] =	sst s2;
	s13 =	sadd.s32 $0x4000, s5  }
0x8: {  	s4 =	sadd.s32 $0x18000, s5;
	s8 =	sand.u32 $0x1, s6;
	s9 =	smul.u32 $0x4E000, s3  }
0x9: {  	s25 =	sshll.u32 s3, $0x1;
	s14 =	sadd.s32 $0x3F200, s5;
	s10 =	smul.u32 $0xA000, s3  }
0xa: {  	s17 =	smul.u32 $0x13800, s3;
	p0 =	sne.s32 s3, $0xF;
	_ =	strace $0x80000050  }
0xb: {  	s7 =	ssub.s32 $0x2, s8;
	s6 =	sor.u32 s8, s25;
	s12 =	smul.u32 $0x138800, s8  }
0xc: {  	s15 =	smul.u32 $0x5000, s8;
	s8 =	sadd.s32 $0x138400, s1;
	s25 =	simm.s32 $0x180  }
0xd: {  	s26 =	sshrl.u32 s7, $0x1;
	s6 =	smul.u32 $0x5000, s6;
	s28 =	sshrl.u32 s9, $0x2  }
0xe: {  	s11 =	ssub.s32 s7, s26;
	s5 =	sadd.s32 s28, s1;
	s16 =	sshrl.u32 s12, $0x3  }
0xf: {  	s15 =	sadd.s32 s15, s10;
	s17 =	sadd.s32 s17, s12;
	s26 =	simm.s32 $0x0  }
0x10: {  	s29 =	sshrl.u32 s6, $0x3;
	s6 =	sadd.s32 $0x138000, s1;
	s16 =	sadd.s32 s14, s16  }
0x11: {  	s11 =	smax.u32 s11, $0x1;
	s30 =	sor.u32 $0x300, s15;
	s15 =	sor.u32 $0x200, s15  }
0x12: {  	s31 =	sshrl.u32 s17, $0x3;
	s17 =	simm.s32 $0x100;
	s7 =	sadd.s32 s13, s29  }
0x13: {  	s10 =	sadd.s32 $0x27000, s16;
	s16 =	sshrl.u32 s30, $0x3;
	s15 =	sshrl.u32 s15, $0x3  }
0x14: {  	s14 =	sadd.s32 s31, s14;
	s9 =	sadd.s32 $0x20, s7;
	s12 =	sadd.s32 s16, s13  }
0x15: {  	v0 =	vimm.f32 $0.0e+00;
	s13 =	sadd.s32 s15, s13;
	s15 =	simm.s32 $0x8200;
	s16 =	simm.s32 $0x5  }
.LBB2_1:
0x16: {  	[tilespmem:$0x8200] =	vst v0  }
0x17: {  	[tilespmem:$0x8210] =	vst v0  }
0x18: {  	[tilespmem:$0x8220] =	vst v0  }
0x19: {  	[tilespmem:$0x8230] =	vst v0  }
0x1a: {  	[tilespmem:$0x8240] =	vst v0  }
0x1b: {  	[tilespmem:$0x8250] =	vst v0  }
0x1c: {  	[tilespmem:$0x8260] =	vst v0  }
0x1d: {  	[tilespmem:$0x8270] =	vst v0  }
0x1e: {  	[tilespmem:$0x8280] =	vst v0  }
0x1f: {  	[tilespmem:$0x8290] =	vst v0  }
0x20: {  	[tilespmem:$0x82A0] =	vst v0  }
0x21: {  	[tilespmem:$0x82B0] =	vst v0  }
0x22: {  	[tilespmem:$0x82C0] =	vst v0  }
0x23: {  	[tilespmem:$0x82D0] =	vst v0  }
0x24: {  	[tilespmem:$0x82E0] =	vst v0  }
0x25: {  	[tilespmem:$0x82F0] =	vst v0  }
0x26: {  	[tilespmem:$0x8300] =	vst v0  }
0x27: {  	[tilespmem:$0x8310] =	vst v0  }
0x28: {  	[tilespmem:$0x8320] =	vst v0  }
0x29: {  	[tilespmem:$0x8330] =	vst v0  }
0x2a: {  	[tilespmem:$0x8340] =	vst v0  }
0x2b: {  	[tilespmem:$0x8350] =	vst v0  }
0x2c: {  	[tilespmem:$0x8360] =	vst v0  }
0x2d: {  	[tilespmem:$0x8370] =	vst v0  }
0x2e: {  	[tilespmem:$0x8380] =	vst v0  }
0x2f: {  	[tilespmem:$0x8390] =	vst v0  }
0x30: {  	[tilespmem:$0x83A0] =	vst v0  }
0x31: {  	[tilespmem:$0x83B0] =	vst v0  }
0x32: {  	[tilespmem:$0x83C0] =	vst v0  }
0x33: {  	[tilespmem:$0x83D0] =	vst v0  }
0x34: {  	[tilespmem:$0x83E0] =	vst v0  }
0x35: {  	[tilespmem:$0x83F0] =	vst v0  }
0x36: {  	[tilespmem:$0x8400] =	vst v0  }
0x37: {  	[tilespmem:$0x8410] =	vst v0  }
0x38: {  	[tilespmem:$0x8420] =	vst v0  }
0x39: {  	[tilespmem:$0x8430] =	vst v0  }
0x3a: {  	[tilespmem:$0x8440] =	vst v0  }
0x3b: {  	[tilespmem:$0x8450] =	vst v0  }
0x3c: {  	[tilespmem:$0x8460] =	vst v0  }
0x3d: {  	[tilespmem:$0x8470] =	vst v0  }
0x3e: {  	[tilespmem:$0x8480] =	vst v0  }
0x3f: {  	[tilespmem:$0x8490] =	vst v0  }
0x40: {  	[tilespmem:$0x84A0] =	vst v0  }
0x41: {  	[tilespmem:$0x84B0] =	vst v0  }
0x42: {  	[tilespmem:$0x84C0] =	vst v0  }
0x43: {  	[tilespmem:$0x84D0] =	vst v0  }
0x44: {  	[tilespmem:$0x84E0] =	vst v0  }
0x45: {  	[tilespmem:$0x84F0] =	vst v0  }
0x46: {  	[tilespmem:$0x8500] =	vst v0  }
0x47: {  	[tilespmem:$0x8510] =	vst v0  }
0x48: {  	[tilespmem:$0x8520] =	vst v0  }
0x49: {  	[tilespmem:$0x8530] =	vst v0  }
0x4a: {  	[tilespmem:$0x8540] =	vst v0  }
0x4b: {  	[tilespmem:$0x8550] =	vst v0  }
0x4c: {  	[tilespmem:$0x8560] =	vst v0  }
0x4d: {  	[tilespmem:$0x8570] =	vst v0  }
0x4e: {  	[tilespmem:$0x8580] =	vst v0  }
0x4f: {  	[tilespmem:$0x8590] =	vst v0  }
0x50: {  	[tilespmem:$0x85A0] =	vst v0  }
0x51: {  	[tilespmem:$0x85B0] =	vst v0  }
0x52: {  	[tilespmem:$0x85C0] =	vst v0  }
0x53: {  	[tilespmem:$0x85D0] =	vst v0  }
0x54: {  	[tilespmem:$0x85E0] =	vst v0  }
0x55: {  	[tilespmem:$0x85F0] =	vst v0;
	s28 =	sadd.s32 $0x0, s5  }
0x56: {  	[spmem:s28] =	stream.linear.scatter [tilespmem:s15], [sflag:$0x5], $0x400, $0x38;
	[tilespmem:$0x1BEC0] =	vst v63  }
0x57: {  	s28 =	simm.s32 $0x1000;
	_ =	swait.ge [sflag:s16], $0x400  }
.LBB2_2:
0x58: {  	s29 =	sshra.s32 s28, $0x2;
	[sflag:s16] =	ssyncset.done $0x0;
	p1 =	sne.s32 s28, $0x4D000  }
.Ltmp0:
0x59: {  	s29 =	sadd.s32 s29, s5;
	[sflag:s16] =	ssyncadd.s32 $0xFFFFFC00;
	(pc) =	sbr.rel @p1 .LBB2_2-.Ltmp0, $3  }
0x5a: {  	[spmem:s29] =	stream.linear.scatter [tilespmem:s15], [sflag:$0x5], $0x400, $0x38;
	[tilespmem:$0x1BEC0] =	vst v63  }
0x5b: {  	s28 =	sadd.s32 $0x1000, s28;
	_ =	sdelay $0x1  }
0x5c: {  	_ =	swait.ge [sflag:s16], $0x400  }
0x5d: {  	[sflag:s16] =	ssyncset.done $0x0  }
0x5e: {  	s28 =	simm.s32 @!p0 $0x8200;
	s29 =	simm.s32 @!p0 $0x5;
	[sflag:s16] =	ssyncadd.s32 $0xFFFFFC00  }
0x5f: {  	[spmem:s6] =	stream.linear.scatter @!p0 [tilespmem:s28], [sflag:$0x5], $0x400, $0x38;
	[tilespmem:$0x1BEC0] =	vst v63  }
0x60: {  	_ =	swait.ge @!p0 [sflag:s29], $0x400  }
0x61: {  	[sflag:s29] =	ssyncset.done @!p0 $0x0  }
0x62: {  	[sflag:s29] =	ssyncadd.s32 @!p0 $0xFFFFFC00  }
0x63: {  	[spmem:s8] =	stream.linear.scatter @!p0 [tilespmem:s28], [sflag:$0x5], $0x400, $0x38;
	[tilespmem:$0x1BEC0] =	vst v63  }
0x64: {  	_ =	swait.ge @!p0 [sflag:s29], $0x400  }
0x65: {  	[sflag:s29] =	ssyncset.done @!p0 $0x0  }
0x66: {  	[sflag:s29] =	ssyncadd.s32 @!p0 $0xFFFFFC00  }
0x67: {  	s28 =	simm.s32 $0x0;
	[bflag:$0x0] =	sbarrier.arrive $0xFFFF  }
0x68: {  	[tilespmem:s28], [sflag:$0x1] =	stream.linear.gather [hbm4b:s7+s28], $0x100, $0x38;
	[tilespmem:$0x1BEC0] =	vst v63  }
0x69: {  	_ = 	snop  }
0x6a: {  	[tilespmem:s17], [sflag:$0x2] =	stream.linear.gather [hbm4b:s9+s28], $0x100, $0x38;
	[tilespmem:$0x1BEC0] =	vst v63  }
0x6b: {  	_ =	swait.ge [sflag:s18], $0x100  }
0x6c: {  	[sflag:s18] =	ssyncset.done $0x0  }
0x6d: {  	[sflag:s18] =	ssyncadd.s32 $0xFFFFFF00  }
0x6e: {  	[tilespmem:s20], [sflag:$0x3] =	stream.indirect.gather [hbm4b:s4+s19], $0x80, s28, s19, $0xb8;
	[tilespmem:$0x1BEC0] =	vst v63  }
0x6f: {  	_ =	swait.ge [sflag:s21], $0x100  }
0x70: {  	[sflag:s21] =	ssyncset.done $0x0  }
0x71: {  	[sflag:s21] =	ssyncadd.s32 $0xFFFFFF00  }
0x72: {  	[tilespmem:s22], [sflag:$0x4] =	stream.indirect.gather [hbm4b:s4+s19], $0x80, s17, s19, $0xb8;
	[tilespmem:$0x1BEC0] =	vst v63  }
0x73: {  	_ =	swait.ge [sflag:s23], $0x4000  }
0x74: {  	[sflag:s23] =	ssyncset.done $0x0  }
0x75: {  	[sflag:s23] =	ssyncadd.s32 $0xFFFFC000  }
0x76: {  	[spmem:s1] =	stream.indirect.scatter.add.f32 [tilespmem:s20], [sflag:$0x5], $0x80, s19, s19, $0xb8;
	[tilespmem:$0x1BEC0] =	vst v63  }
0x77: {  	_ =	swait.ge [sflag:s16], $0x4000  }
0x78: {  	[sflag:s16] =	ssyncset.done $0x0  }
0x79: {  	s28 =	sadd.s32 $0x0, s13;
	[sflag:s16] =	ssyncadd.s32 $0xFFFFC000  }
0x7a: {  	[tilespmem:s2], [sflag:$0x1] =	stream.linear.gather [hbm4b:s28+s2], $0x100, $0x38;
	[tilespmem:$0x1BEC0] =	vst v63  }
0x7b: {  	_ =	swait.ge [sflag:s24], $0x4000  }
0x7c: {  	[sflag:s24] =	ssyncset.done $0x0  }
0x7d: {  	[sflag:s24] =	ssyncadd.s32 $0xFFFFC000  }
0x7e: {  	[spmem:s1] =	stream.indirect.scatter.add.f32 [tilespmem:s22], [sflag:$0x5], $0x80, s25, s19, $0xb8;
	[tilespmem:$0x1BEC0] =	vst v63  }
0x7f: {  	_ =	swait.ge [sflag:s16], $0x4000  }
0x80: {  	[sflag:s16] =	ssyncset.done $0x0  }
0x81: {  	s28 =	sadd.s32 $0x0, s12;
	[sflag:s16] =	ssyncadd.s32 $0xFFFFC000  }
0x82: {  	[tilespmem:s17], [sflag:$0x2] =	stream.linear.gather [hbm4b:s28+s2], $0x100, $0x38;
	[tilespmem:$0x1BEC0] =	vst v63  }
0x83: {  	_ =	swait.ge [sflag:s18], $0x100  }
0x84: {  	[sflag:s18] =	ssyncset.done $0x0  }
0x85: {  	s28 =	simm.s32 $0x40;
	[sflag:s18] =	ssyncadd.s32 $0xFFFFFF00  }
.LBB2_4:
0x86: {  	[tilespmem:s20], [sflag:$0x3] =	stream.indirect.gather [hbm4b:s4+s19], $0x80, s2, s19, $0xb8;
	[tilespmem:$0x1BEC0] =	vst v63  }
0x87: {  	s29 =	smov.u32 s28  }
0x88: {  	p1 =	sne.s32 s28, $0x980;
	s28 =	sadd.s32 $0x40, s28;
	_ =	swait.ge [sflag:s21], $0x100  }
0x89: {  	[sflag:s21] =	ssyncset.done $0x0  }
0x8a: {  	[sflag:s21] =	ssyncadd.s32 $0xFFFFFF00  }
0x8b: {  	[tilespmem:s22], [sflag:$0x4] =	stream.indirect.gather [hbm4b:s4+s19], $0x80, s17, s19, $0xb8;
	[tilespmem:$0x1BEC0] =	vst v63  }
0x8c: {  	_ =	swait.ge [sflag:s23], $0x4000  }
0x8d: {  	[sflag:s23] =	ssyncset.done $0x0  }
0x8e: {  	[sflag:s23] =	ssyncadd.s32 $0xFFFFC000  }
0x8f: {  	[spmem:s1] =	stream.indirect.scatter.add.f32 [tilespmem:s20], [sflag:$0x5], $0x80, s19, s19, $0xb8;
	[tilespmem:$0x1BEC0] =	vst v63  }
0x90: {  	_ =	swait.ge [sflag:s16], $0x4000  }
0x91: {  	[sflag:s16] =	ssyncset.done $0x0  }
0x92: {  	s30 =	sadd.s32 s29, s13;
	[sflag:s16] =	ssyncadd.s32 $0xFFFFC000  }
0x93: {  	[tilespmem:s2], [sflag:$0x1] =	stream.linear.gather [hbm4b:s30+s2], $0x100, $0x38;
	[tilespmem:$0x1BEC0] =	vst v63  }
0x94: {  	_ =	swait.ge [sflag:s24], $0x4000  }
0x95: {  	[sflag:s24] =	ssyncset.done $0x0  }
0x96: {  	[sflag:s24] =	ssyncadd.s32 $0xFFFFC000  }
0x97: {  	[spmem:s1] =	stream.indirect.scatter.add.f32 [tilespmem:s22], [sflag:$0x5], $0x80, s25, s19, $0xb8;
	[tilespmem:$0x1BEC0] =	vst v63  }
0x98: {  	_ =	swait.ge [sflag:s16], $0x4000  }
0x99: {  	[sflag:s16] =	ssyncset.done $0x0  }
.Ltmp1:
0x9a: {  	s29 =	sadd.s32 s29, s12;
	[sflag:s16] =	ssyncadd.s32 $0xFFFFC000;
	(pc) =	sbr.rel @p1 .LBB2_4-.Ltmp1, $4  }
0x9b: {  	[tilespmem:s17], [sflag:$0x2] =	stream.linear.gather [hbm4b:s29+s2], $0x100, $0x38;
	[tilespmem:$0x1BEC0] =	vst v63  }
0x9c: {  	_ =	swait.ge [sflag:s18], $0x100  }
0x9d: {  	[sflag:s18] =	ssyncset.done $0x0  }
0x9e: {  	[sflag:s18] =	ssyncadd.s32 $0xFFFFFF00  }
0x9f: {  	[tilespmem:s20], [sflag:$0x3] =	stream.indirect.gather [hbm4b:s4+s19], $0x80, s2, s19, $0xb8;
	[tilespmem:$0x1BEC0] =	vst v63  }
0xa0: {  	_ =	swait.ge [sflag:s21], $0x100  }
0xa1: {  	[sflag:s21] =	ssyncset.done $0x0  }
0xa2: {  	[sflag:s21] =	ssyncadd.s32 $0xFFFFFF00  }
0xa3: {  	[tilespmem:s22], [sflag:$0x4] =	stream.indirect.gather [hbm4b:s4+s19], $0x80, s17, s19, $0xb8;
	[tilespmem:$0x1BEC0] =	vst v63  }
0xa4: {  	_ =	swait.ge [sflag:s23], $0x4000  }
0xa5: {  	[sflag:s23] =	ssyncset.done $0x0  }
0xa6: {  	[sflag:s23] =	ssyncadd.s32 $0xFFFFC000  }
0xa7: {  	[spmem:s1] =	stream.indirect.scatter.add.f32 [tilespmem:s20], [sflag:$0x5], $0x80, s19, s19, $0xb8;
	[tilespmem:$0x1BEC0] =	vst v63  }
0xa8: {  	_ =	swait.ge [sflag:s16], $0x4000  }
0xa9: {  	[sflag:s16] =	ssyncset.done $0x0  }
0xaa: {  	[sflag:s16] =	ssyncadd.s32 $0xFFFFC000  }
0xab: {  	_ =	swait.ge [sflag:s24], $0x4000  }
0xac: {  	[sflag:s24] =	ssyncset.done $0x0  }
0xad: {  	[sflag:s24] =	ssyncadd.s32 $0xFFFFC000  }
0xae: {  	[spmem:s1] =	stream.indirect.scatter.add.f32 [tilespmem:s22], [sflag:$0x5], $0x80, s25, s19, $0xb8;
	[tilespmem:$0x1BEC0] =	vst v63  }
0xaf: {  	_ =	swait.ge [sflag:s16], $0x4000  }
0xb0: {  	[sflag:s16] =	ssyncset.done $0x0  }
0xb1: {  	[sflag:s16] =	ssyncadd.s32 $0xFFFFC000  }
0xb2: {  	[bflag:$0x0] =	sbarrier.arrive $0xFFFF  }
0xb3: {  	[tilespmem:s20], [sflag:$0x5] =	stream.linear.gather [spmem:s5], $0x1800, $0x38;
	[tilespmem:$0x1BEC0] =	vst v63  }
0xb4: {  	_ =	swait.ge [sflag:s16], $0x1800  }
0xb5: {  	[sflag:s16] =	ssyncset.done $0x0  }
0xb6: {  	s28 =	sadd.s32 $0x0, s14;
	[sflag:s16] =	ssyncadd.s32 $0xFFFFE800  }
0xb7: {  	[hbm4b:s28+s2] =	stream.linear.scatter [tilespmem:s20], [sflag:$0x5], $0x1800, $0x38;
	[tilespmem:$0x1BEC0] =	vst v63  }
0xb8: {  	_ =	swait.ge [sflag:s16], $0x1800  }
0xb9: {  	s29 =	smov.u32 s5;
	s28 =	simm.s32 $0x300;
	[sflag:s16] =	ssyncset.done $0x0  }
.LBB2_6:
0xba: {  	p1 =	sne.s32 s28, $0x2400;
	[sflag:s16] =	ssyncadd.s32 $0xFFFFE800;
	s29 =	sadd.s32 $0x1800, s29  }
0xbb: {  	[tilespmem:s20], [sflag:$0x5] =	stream.linear.gather [spmem:s29], $0x1800, $0x38;
	[tilespmem:$0x1BEC0] =	vst v63  }
0xbc: {  	s30 =	smov.u32 s28;
	s28 =	sadd.s32 $0x300, s28;
	_ =	swait.ge [sflag:s16], $0x1800  }
.Ltmp2:
0xbd: {  	[sflag:s16] =	ssyncset.done $0x0;
	(pc) =	sbr.rel @p1 .LBB2_6-.Ltmp2, $4  }
0xbe: {  	s30 =	sadd.s32 s30, s14;
	[sflag:s16] =	ssyncadd.s32 $0xFFFFE800  }
0xbf: {  	[hbm4b:s30+s2] =	stream.linear.scatter [tilespmem:s20], [sflag:$0x5], $0x1800, $0x38;
	[tilespmem:$0x1BEC0] =	vst v63  }
0xc0: {  	_ =	swait.ge [sflag:s16], $0x1800  }
0xc1: {  	[sflag:s16] =	ssyncset.done $0x0  }
0xc2: {  	[sflag:s16] =	ssyncadd.s32 $0xFFFFE800;
	s28 =	simm.s32 @!p0 $0x200;
	s29 =	simm.s32 @!p0 $0x5  }
0xc3: {  	[tilespmem:s28], [sflag:$0x5] =	stream.linear.gather @!p0 [spmem:s6], $0x800, $0x38;
	[tilespmem:$0x1BEC0] =	vst v63  }
0xc4: {  	s26 =	sadd.s32 $0x1, s26;
	_ =	swait.ge @!p0 [sflag:s29], $0x800  }
0xc5: {  	p1 =	sne.s32 s26, s11;
	[sflag:s29] =	ssyncset.done @!p0 $0x0  }
.Ltmp3:
0xc6: {  	s30 =	simm.s32 @!p0 $0x0;
	[sflag:s29] =	ssyncadd.s32 @!p0 $0xFFFFF800;
	(pc) =	sbr.rel @p1 .LBB2_1-.Ltmp3, $4  }
0xc7: {  	[hbm4b:s10+s30] =	stream.linear.scatter @!p0 [tilespmem:s28], [sflag:$0x5], $0x800, $0x38;
	[tilespmem:$0x1BEC0] =	vst v63  }
0xc8: {  	_ =	swait.ge @!p0 [sflag:s29], $0x800  }
0xc9: {  	[sflag:s29] =	ssyncset.done @!p0 $0x0  }
0xca: {  	[sflag:s29] =	ssyncadd.s32 @!p0 $0xFFFFF800  }
0xcb: {  	_ =	sfence.sel $0x180000  }
0xcc: {  	[bflag:$0x0] =	sbarrier.arrive $0xFFFF  }
0xcd: {  	p0 =	sne.s32 s3, $0x0;
	_ =	strace $0x90000050  }
0xce: {  	s0 =	sadd.s32 @!p0 $0x100000, s0;
	[bflag:$0x2] =	sbarrier.arrive $0xFFFF  }
0xcf: {  	[sflag:s0] =	ssyncadd.tile.s32 @!p0 $0x1;
	_ =	shalt  }
.Lfunc_end2:
_tile_overlayer_lowered:
.L_overlay_start_2:
0xd0: {  	(tag) =	ssettag $0x2  }
0xd1: {  	s0 =	rddreg [dreg:$0x0];
	s2 =	stileid.u32  }
0xd2: {  	s1 =	rddreg [dreg:$0x1];
	p0 =	sne.s32 s2, $0x0  }
0xd3: {  	s3 =	rddreg [dreg:$0x2];
	[bflag:$0x3] =	sbarrier.arrive $0xFFFF;
	s2 =	simm.s32 @!p0 $0x1C05  }
0xd4: {  	[timem:s3], [sflag:s2] =	dma.local @!p0 [hbm:s0], s1  }
0xd5: {  	s0 =	simm.s32 @!p0 $0x5  }
0xd6: {  	_ =	swait.ge @!p0 [sflag:s0], s1  }
0xd7: {  	s1 =	ssub.s32 @!p0 $0x0, s1;
	[sflag:s0] =	ssyncset.done @!p0 $0x0  }
0xd8: {  	[sflag:s0] =	ssyncadd.s32 @!p0 s1  }
0xd9: {  	[bflag:$0x3] =	sbarrier.arrive $0xFFFF  }
0xda: {  	_ =	shalt  }

</sc_bundles>
